<compile_context>
chip_gen: v7x
topology: tpu7x:2x2x1
jax: 0.10.2.dev20260603
libtpu: 0.0.44.dev20260713+nightly
codegen_flags: <defaults>
</compile_context>

<pallas_src>
import functools

import jax
import jax.numpy as jnp
from jax import lax
from jax.experimental import pallas as pl
from jax.experimental.pallas import tpu as pltpu
from jax.experimental.pallas import tpu_sc as plsc

EMB_DIM = 32
NUM_WORKERS = 32

VBLK = 512
N_BLKS = 1000000 // VBLK
SB_ROWS = VBLK * EMB_DIM // 128
TAIL = 1000000 - N_BLKS * VBLK
TAIL_SB = TAIL * EMB_DIM // 128

UCHUNK = 128


def _detile(table_t, tail_rm):
    mesh = plsc.VectorSubcoreMesh(core_axis_name="c", subcore_axis_name="s")

    @functools.partial(
        pl.kernel,
        mesh=mesh,
        out_type=jax.ShapeDtypeStruct((N_BLKS * SB_ROWS + TAIL_SB, 128), jnp.float32),
        scratch_types=[
            pltpu.VMEM((2, EMB_DIM, VBLK + 1), jnp.float32),
            pltpu.VMEM((2, SB_ROWS, 128), jnp.float32),
            pltpu.VMEM((TAIL, EMB_DIM), jnp.float32),
            pltpu.SemaphoreType.DMA((2,)),
            pltpu.SemaphoreType.DMA((2,)),
        ],
        compiler_params=pltpu.CompilerParams(
            use_tc_tiling_on_sc=True, needs_layout_passes=False
        ),
    )
    def detile_kernel(tt_hbm, tail_hbm, s_hbm, in_v, sb_v, tail_v, isem, wsem):
        wid = lax.axis_index("s") * 2 + lax.axis_index("c")
        base_n = N_BLKS // NUM_WORKERS
        extra = N_BLKS % NUM_WORKERS
        start = wid * base_n + jnp.minimum(wid, extra)
        n_w = base_n + jnp.where(wid < extra, 1, 0)
        n_pairs = n_w // 2

        e_lo = lax.iota(jnp.int32, 16)
        e_hi = e_lo + 16
        k_const = [jnp.full((16,), kk, jnp.int32) for kk in range(16)]

        def in_copy(i, b):
            return pltpu.make_async_copy(
                tt_hbm.at[:, pl.ds((start + i) * VBLK, VBLK)],
                in_v.at[b].at[:, pl.ds(0, VBLK)],
                isem.at[b],
            )

        def out_copy(i, b):
            return pltpu.make_async_copy(
                sb_v.at[b],
                s_hbm.at[pl.ds((start + i) * SB_ROWS, SB_ROWS)],
                wsem.at[b],
            )

        def transpose_block(b):
            @plsc.parallel_loop(
                0, SB_ROWS, unroll=4, carry=jnp.zeros((16,), jnp.int32)
            )
            def _(s, c_vec):
                for m in range(8):
                    e_idx = e_lo if m % 2 == 0 else e_hi
                    v_idx = c_vec + k_const[m // 2]
                    val = plsc.load_gather(in_v.at[b], [e_idx, v_idx])
                    sb_v[b, s, pl.ds(16 * m, 16)] = val
                return c_vec + k_const[4]

        in_copy(0, 0).start()

        @pl.when(n_w > 1)
        def _():
            in_copy(1, 1).start()

        @pl.loop(0, n_pairs)
        def _(g):
            for b in range(2):
                i = 2 * g + b
                in_copy(i, b).wait()

                @pl.when(g > 0)
                def _():
                    out_copy(0, b).wait()

                transpose_block(b)
                out_copy(i, b).start()

                @pl.when(i + 2 < n_w)
                def _():
                    in_copy(i + 2, b).start()

        @pl.when(n_w % 2 == 1)
        def _():
            i = n_w - 1
            in_copy(i, 0).wait()

            @pl.when(n_pairs > 0)
            def _():
                out_copy(0, 0).wait()

            transpose_block(0)
            pltpu.sync_copy(
                sb_v.at[0], s_hbm.at[pl.ds((start + i) * SB_ROWS, SB_ROWS)]
            )

        @pl.when((n_w % 2 == 0) & (n_pairs > 0))
        def _():
            out_copy(0, 0).wait()

        @pl.when(n_pairs > 0)
        def _():
            out_copy(0, 1).wait()

        @pl.when(wid == NUM_WORKERS - 1)
        def _():
            pltpu.sync_copy(tail_hbm, tail_v)

            @pl.loop(0, TAIL_SB)
            def _(s):
                for m in range(8):
                    e_idx = e_lo if m % 2 == 0 else e_hi
                    v_idx = jnp.full((16,), 4 * s + m // 2, jnp.int32)
                    val = plsc.load_gather(tail_v, [v_idx, e_idx])
                    sb_v[0, s, pl.ds(16 * m, 16)] = val

            pltpu.sync_copy(
                sb_v.at[0].at[pl.ds(0, TAIL_SB)],
                s_hbm.at[pl.ds(N_BLKS * SB_ROWS, TAIL_SB)],
            )

    return detile_kernel(table_t, tail_rm)


def _gather(table_rm, idxt, batch, seq):
    n = idxt.shape[0]
    units = n // UCHUNK
    u_per_w = units // NUM_WORKERS
    i_per_w = n // NUM_WORKERS
    n_pairs = u_per_w // 2
    assert units % NUM_WORKERS == 0 and u_per_w % 2 == 0
    mesh = plsc.VectorSubcoreMesh(core_axis_name="c", subcore_axis_name="s")

    @functools.partial(
        pl.kernel,
        mesh=mesh,
        out_type=jax.ShapeDtypeStruct(
            (batch * seq * EMB_DIM // 128, 128), jnp.float32
        ),
        scratch_types=[
            pltpu.VMEM((i_per_w,), jnp.int32),
            pltpu.VMEM((2, UCHUNK, EMB_DIM), jnp.float32),
            pltpu.VMEM((2, EMB_DIM, 128), jnp.float32),
            pltpu.SemaphoreType.DMA((2,)),
            pltpu.SemaphoreType.DMA((2,)),
        ],
        compiler_params=pltpu.CompilerParams(
            use_tc_tiling_on_sc=False, needs_layout_passes=False
        ),
    )
    def gather_kernel(table_hbm, idx_hbm, out_hbm, idx_v, g_v, ob_v, gsem, wsem):
        wid = lax.axis_index("s") * 2 + lax.axis_index("c")
        pltpu.sync_copy(idx_hbm.at[pl.ds(wid * i_per_w, i_per_w)], idx_v)

        l_const = [lax.iota(jnp.int32, 16) + 16 * m for m in range(8)]
        one = jnp.full((16,), 1, jnp.int32)

        def start_gather(u, b):
            pltpu.async_copy(
                table_hbm.at[idx_v.at[pl.ds(u * UCHUNK, UCHUNK)]],
                g_v.at[b],
                gsem.at[b],
            )

        def wait_gather(b):
            pltpu.make_async_copy(
                table_hbm.at[idx_v.at[pl.ds(0, UCHUNK)]], g_v.at[b], gsem.at[b]
            ).wait()

        def out_stripe(u, a, b):
            ug = wid * u_per_w + u
            t = ug // 32
            d = ug - 32 * t
            rb = t * 1024 + a * 256 + d * 8
            return pltpu.make_async_copy(
                ob_v.at[b].at[pl.ds(8 * a, 8)],
                out_hbm.at[pl.ds(rb, 8)],
                wsem.at[b],
            )

        def transpose_unit(b):
            @plsc.parallel_loop(
                0, EMB_DIM, unroll=4, carry=jnp.zeros((16,), jnp.int32)
            )
            def _(e, esp):
                for m in range(8):
                    val = plsc.load_gather(g_v.at[b], [l_const[m], esp])
                    ob_v[b, e, pl.ds(16 * m, 16)] = val
                return esp + one

        start_gather(0, 0)
        start_gather(1, 1)

        @pl.loop(0, n_pairs)
        def _(g):
            for b in range(2):
                u = 2 * g + b
                wait_gather(b)

                @pl.when(g > 0)
                def _():
                    for a in range(4):
                        out_stripe(0, a, b).wait()

                transpose_unit(b)
                for a in range(4):
                    out_stripe(u, a, b).start()

                @pl.when(u + 2 < u_per_w)
                def _():
                    start_gather(u + 2, b)

        for b in range(2):
            for a in range(4):
                out_stripe(0, a, b).wait()

    return gather_kernel(table_rm, idxt)


def kernel(x, table):
    batch, seq = x.shape
    s = _detile(table.T, table[N_BLKS * VBLK:])
    table_rm = s.reshape(1000000, EMB_DIM)
    raw = _gather(table_rm, x.T.reshape(-1), batch, seq)
    r5 = raw.reshape(seq, 4, batch // 128, 8, 128)
    return r5.transpose(2, 4, 0, 1, 3).reshape(batch, seq, EMB_DIM)

# --- scband reference (transcript-rebuilt; emitter-appended) ---
"""Pipeline reference for scband-embedder-4587025072549 (READ-ONLY COPY).

The authoritative reference and input builder live on the scoring server;
editing this copy changes nothing except your own understanding.
"""

import jax, jax.numpy as jnp
import numpy as np

VOCAB = 1000000
EMB_DIM = 32
MASK_TOKEN = 0


def setup_inputs(seed: int = 0) -> dict:
    key = jax.random.key(seed)
    k1, k2 = jax.random.split(key)
    x = jax.random.randint(k1, (4096, 200), 0, VOCAB, dtype=jnp.int32)
    table = jax.random.normal(k2, (VOCAB, EMB_DIM), dtype=jnp.float32)
    # nn.Embedding with padding_idx initializes the padding row to zeros
    table = table.at[MASK_TOKEN].set(0.0)
    return {"x": x, "table": table}


def reference(x, table):
    # Faithful to nn.Embedding(input_size, emb_dim, padding_idx=mask_token):
    # the padding row is forced to zero and the lookup is a plain gather.
    emb = table.at[MASK_TOKEN].set(0.0)
    return jnp.take(emb, x, axis=0)

if __name__ == "__main__":
    import jax
    _d = setup_inputs()
    print(jax.jit(kernel)(*tuple(_d.values())))

</pallas_src>

<mosaic_0001>
#map = affine_map<(d0, d1) -> (0, 0)>
module attributes {stable_mosaic.version = 14 : i64} {
  func.func @detile_kernel(%arg0: i32, %arg1: i32, %arg2: memref<32x1000000xf32, #tpu.memory_space<hbm>>, %arg3: memref<64x32xf32, #tpu.memory_space<hbm>>, %arg4: memref<250000x128xf32, #tpu.memory_space<hbm>>, %arg5: memref<2x32x513xf32, #tpu.memory_space<vmem>>, %arg6: memref<2x128x128xf32, #tpu.memory_space<vmem>>, %arg7: memref<64x32xf32, #tpu.memory_space<vmem>>, %arg8: memref<2x!tpu.dma_semaphore, #tpu.memory_space<semaphore_mem>>, %arg9: memref<2x!tpu.dma_semaphore, #tpu.memory_space<semaphore_mem>>) attributes {dimension_semantics = [#tpu.dimension_semantics<core_parallel>, #tpu.dimension_semantics<subcore_parallel>], iteration_bounds = array<i64: 2, 16>, scalar_prefetch = 0 : i64, scratch_operands = 5 : i64, tpu.core_type = #tpu.core_type<sc_vector_subcore>, window_params = [{transform_indices = #map}, {transform_indices = #map}, {transform_indices = #map}]} {
    %mul3A = arith.constant 2 : i32
    %mul3A_0 = arith.muli %arg1, %mul3A : i32
    %add3A = arith.addi %mul3A_0, %arg0 : i32
    %mul3A_1 = arith.constant 61 : i32
    %mul3A_2 = arith.muli %add3A, %mul3A_1 : i32
    %min3A = arith.constant 1 : i32
    %min3A_3 = arith.minsi %add3A, %min3A : i32
    %add3A_4 = arith.addi %mul3A_2, %min3A_3 : i32
    %lt3A = arith.constant 1 : i32
    %lt3A_5 = arith.cmpi slt, %add3A, %lt3A : i32
    %jit3A = arith.constant 1 : i32
    %jit3A_6 = arith.constant 0 : i32
    %select_n3A = arith.select %lt3A_5, %jit3A, %jit3A_6 : i32
    %add3A_7 = arith.constant 61 : i32
    %add3A_8 = arith.addi %add3A_7, %select_n3A : i32
    %jit3A_9 = arith.constant 2 : i32
    %div3A = arith.divsi %add3A_8, %jit3A_9 : i32
    %sign3A = arith.constant 0 : i32
    %sign3A_10 = arith.cmpi sgt, %add3A_8, %sign3A : i32
    %sign3A_11 = arith.extui %sign3A_10 : i1 to i32
    %sign3A_12 = arith.constant 0 : i32
    %sign3A_13 = arith.cmpi slt, %add3A_8, %sign3A_12 : i32
    %sign3A_14 = arith.extui %sign3A_13 : i1 to i32
    %sign3A_15 = arith.subi %sign3A_11, %sign3A_14 : i32
    %sign3A_16 = arith.constant 0 : i32
    %sign3A_17 = arith.cmpi sgt, %jit3A_9, %sign3A_16 : i32
    %sign3A_18 = arith.extui %sign3A_17 : i1 to i32
    %sign3A_19 = arith.constant 0 : i32
    %sign3A_20 = arith.cmpi slt, %jit3A_9, %sign3A_19 : i32
    %sign3A_21 = arith.extui %sign3A_20 : i1 to i32
    %sign3A_22 = arith.subi %sign3A_18, %sign3A_21 : i32
    %ne3A = arith.cmpi ne, %sign3A_15, %sign3A_22 : i32
    %rem3A = arith.remsi %add3A_8, %jit3A_9 : i32
    %ne3A_23 = arith.constant 0 : i32
    %ne3A_24 = arith.cmpi ne, %rem3A, %ne3A_23 : i32
    %and3A = arith.andi %ne3A, %ne3A_24 : i1
    %sub3A = arith.constant 1 : i32
    %sub3A_25 = arith.subi %div3A, %sub3A : i32
    %select_n3A_26 = arith.select %and3A, %sub3A_25, %div3A : i32
    %iota3A = tpu.iota {dimensions = array<i32: 0>} : vector<16xi32>
    %add3A_27 = arith.constant 16 : i32
    %add3A_28 = vector.broadcast %add3A_27 : i32 to vector<16xi32>
    %add3A_29 = arith.addi %iota3A, %add3A_28 : vector<16xi32>
    %broadcast_in_dim3A = arith.constant 0 : i32
    %broadcast_in_dim3A_30 = vector.broadcast %broadcast_in_dim3A : i32 to vector<16xi32>
    %broadcast_in_dim3A_31 = arith.constant 1 : i32
    %broadcast_in_dim3A_32 = vector.broadcast %broadcast_in_dim3A_31 : i32 to vector<16xi32>
    %broadcast_in_dim3A_33 = arith.constant 2 : i32
    %broadcast_in_dim3A_34 = vector.broadcast %broadcast_in_dim3A_33 : i32 to vector<16xi32>
    %broadcast_in_dim3A_35 = arith.constant 3 : i32
    %broadcast_in_dim3A_36 = vector.broadcast %broadcast_in_dim3A_35 : i32 to vector<16xi32>
    %broadcast_in_dim3A_37 = arith.constant 4 : i32
    %broadcast_in_dim3A_38 = vector.broadcast %broadcast_in_dim3A_37 : i32 to vector<16xi32>
    %broadcast_in_dim3A_39 = arith.constant 5 : i32
    %broadcast_in_dim3A_40 = vector.broadcast %broadcast_in_dim3A_39 : i32 to vector<16xi32>
    %broadcast_in_dim3A_41 = arith.constant 6 : i32
    %broadcast_in_dim3A_42 = vector.broadcast %broadcast_in_dim3A_41 : i32 to vector<16xi32>
    %broadcast_in_dim3A_43 = arith.constant 7 : i32
    %broadcast_in_dim3A_44 = vector.broadcast %broadcast_in_dim3A_43 : i32 to vector<16xi32>
    %broadcast_in_dim3A_45 = arith.constant 8 : i32
    %broadcast_in_dim3A_46 = vector.broadcast %broadcast_in_dim3A_45 : i32 to vector<16xi32>
    %broadcast_in_dim3A_47 = arith.constant 9 : i32
    %broadcast_in_dim3A_48 = vector.broadcast %broadcast_in_dim3A_47 : i32 to vector<16xi32>
    %broadcast_in_dim3A_49 = arith.constant 10 : i32
    %broadcast_in_dim3A_50 = vector.broadcast %broadcast_in_dim3A_49 : i32 to vector<16xi32>
    %broadcast_in_dim3A_51 = arith.constant 11 : i32
    %broadcast_in_dim3A_52 = vector.broadcast %broadcast_in_dim3A_51 : i32 to vector<16xi32>
    %broadcast_in_dim3A_53 = arith.constant 12 : i32
    %broadcast_in_dim3A_54 = vector.broadcast %broadcast_in_dim3A_53 : i32 to vector<16xi32>
    %broadcast_in_dim3A_55 = arith.constant 13 : i32
    %broadcast_in_dim3A_56 = vector.broadcast %broadcast_in_dim3A_55 : i32 to vector<16xi32>
    %broadcast_in_dim3A_57 = arith.constant 14 : i32
    %broadcast_in_dim3A_58 = vector.broadcast %broadcast_in_dim3A_57 : i32 to vector<16xi32>
    %broadcast_in_dim3A_59 = arith.constant 15 : i32
    %broadcast_in_dim3A_60 = vector.broadcast %broadcast_in_dim3A_59 : i32 to vector<16xi32>
    %add3A_61 = arith.constant 0 : i32
    %add3A_62 = arith.addi %add3A_4, %add3A_61 : i32
    %mul3A_63 = arith.constant 512 : i32
    %mul3A_64 = arith.muli %add3A_62, %mul3A_63 : i32
    %dma_start3A = arith.constant 0 : i32
    %dma_start3A_65 = arith.constant 0 : i32
    %dma_start3A_66 = arith.constant 0 : i32
    %dma_start3A_67 = arith.constant 0 : i32
    %dma_start3A_68 = tpu.memref_slice %arg5[%dma_start3A, %dma_start3A_66, %dma_start3A_67] : memref<2x32x513xf32, #tpu.memory_space<vmem>> -> memref<1x32x513xf32, #tpu.memory_space<vmem>>
    %dma_start3A_69 = tpu.memref_squeeze %dma_start3A_68 : memref<1x32x513xf32, #tpu.memory_space<vmem>> -> memref<32x513xf32, #tpu.memory_space<vmem>>
    %dma_start3A_70 = arith.constant 0 : i32
    %dma_start3A_71 = arith.constant 0 : i32
    %dma_start3A_72 = tpu.memref_slice %dma_start3A_69[%dma_start3A_70, %dma_start3A_71] : memref<32x513xf32, #tpu.memory_space<vmem>> -> memref<32x512xf32, #tpu.memory_space<vmem>>
    %dma_start3A_73 = arith.constant 0 : i32
    %dma_start3A_74 = tpu.memref_slice %arg2[%dma_start3A_73, %mul3A_64] : memref<32x1000000xf32, #tpu.memory_space<hbm>> -> memref<32x512xf32, #tpu.memory_space<hbm>>
    %dma_start3A_75 = tpu.memref_slice %arg8[%dma_start3A_65] : memref<2x!tpu.dma_semaphore, #tpu.memory_space<semaphore_mem>> -> memref<1x!tpu.dma_semaphore, #tpu.memory_space<semaphore_mem>>
    %dma_start3A_76 = tpu.memref_squeeze %dma_start3A_75 : memref<1x!tpu.dma_semaphore, #tpu.memory_space<semaphore_mem>> -> memref<!tpu.dma_semaphore, #tpu.memory_space<semaphore_mem>>
    %dma_start3A_77 = arith.constant 0 : i32
    %dma_start3A_78 = arith.constant 0 : i32
    %dma_start3A_79 = tpu.memref_slice %arg5[%dma_start3A, %dma_start3A_77, %dma_start3A_78] : memref<2x32x513xf32, #tpu.memory_space<vmem>> -> memref<1x32x513xf32, #tpu.memory_space<vmem>>
    %dma_start3A_80 = tpu.memref_squeeze %dma_start3A_79 : memref<1x32x513xf32, #tpu.memory_space<vmem>> -> memref<32x513xf32, #tpu.memory_space<vmem>>
    %dma_start3A_81 = arith.constant 0 : i32
    %dma_start3A_82 = arith.constant 0 : i32
    %dma_start3A_83 = tpu.memref_slice %dma_start3A_80[%dma_start3A_81, %dma_start3A_82] : memref<32x513xf32, #tpu.memory_space<vmem>> -> memref<32x512xf32, #tpu.memory_space<vmem>>
    %dma_start3A_84 = arith.constant 0 : i32
    %dma_start3A_85 = tpu.memref_slice %arg2[%dma_start3A_84, %mul3A_64] : memref<32x1000000xf32, #tpu.memory_space<hbm>> -> memref<32x512xf32, #tpu.memory_space<hbm>>
    tpu.enqueue_dma source(%dma_start3A_85 : memref<32x512xf32, #tpu.memory_space<hbm>>) target(%dma_start3A_83 : memref<32x512xf32, #tpu.memory_space<vmem>>) target_semaphore(%dma_start3A_76 : memref<!tpu.dma_semaphore, #tpu.memory_space<semaphore_mem>>)
    %gt3A = arith.constant 1 : i32
    %gt3A_86 = arith.cmpi sgt, %add3A_8, %gt3A : i32
    %convert_element_type3A = arith.extui %gt3A_86 : i1 to i32
    %cond3A = arith.constant 0 : i32
    %cond3A_87 = arith.cmpi ne, %convert_element_type3A, %cond3A : i32
    scf.if %cond3A_87 {
      %add3A_160 = arith.constant 1 : i32
      %add3A_161 = arith.addi %add3A_4, %add3A_160 : i32
      %mul3A_162 = arith.constant 512 : i32
      %mul3A_163 = arith.muli %add3A_161, %mul3A_162 : i32
      %dma_start3A_164 = arith.constant 1 : i32
      %dma_start3A_165 = arith.constant 1 : i32
      %dma_start3A_166 = arith.constant 0 : i32
      %dma_start3A_167 = arith.constant 0 : i32
      %dma_start3A_168 = tpu.memref_slice %arg5[%dma_start3A_164, %dma_start3A_166, %dma_start3A_167] : memref<2x32x513xf32, #tpu.memory_space<vmem>> -> memref<1x32x513xf32, #tpu.memory_space<vmem>>
      %dma_start3A_169 = tpu.memref_squeeze %dma_start3A_168 : memref<1x32x513xf32, #tpu.memory_space<vmem>> -> memref<32x513xf32, #tpu.memory_space<vmem>>
      %dma_start3A_170 = arith.constant 0 : i32
      %dma_start3A_171 = arith.constant 0 : i32
      %dma_start3A_172 = tpu.memref_slice %dma_start3A_169[%dma_start3A_170, %dma_start3A_171] : memref<32x513xf32, #tpu.memory_space<vmem>> -> memref<32x512xf32, #tpu.memory_space<vmem>>
      %dma_start3A_173 = arith.constant 0 : i32
      %dma_start3A_174 = tpu.memref_slice %arg2[%dma_start3A_173, %mul3A_163] : memref<32x1000000xf32, #tpu.memory_space<hbm>> -> memref<32x512xf32, #tpu.memory_space<hbm>>
      %dma_start3A_175 = tpu.memref_slice %arg8[%dma_start3A_165] : memref<2x!tpu.dma_semaphore, #tpu.memory_space<semaphore_mem>> -> memref<1x!tpu.dma_semaphore, #tpu.memory_space<semaphore_mem>>
      %dma_start3A_176 = tpu.memref_squeeze %dma_start3A_175 : memref<1x!tpu.dma_semaphore, #tpu.memory_space<semaphore_mem>> -> memref<!tpu.dma_semaphore, #tpu.memory_space<semaphore_mem>>
      %dma_start3A_177 = arith.constant 0 : i32
      %dma_start3A_178 = arith.constant 0 : i32
      %dma_start3A_179 = tpu.memref_slice %arg5[%dma_start3A_164, %dma_start3A_177, %dma_start3A_178] : memref<2x32x513xf32, #tpu.memory_space<vmem>> -> memref<1x32x513xf32, #tpu.memory_space<vmem>>
      %dma_start3A_180 = tpu.memref_squeeze %dma_start3A_179 : memref<1x32x513xf32, #tpu.memory_space<vmem>> -> memref<32x513xf32, #tpu.memory_space<vmem>>
      %dma_start3A_181 = arith.constant 0 : i32
      %dma_start3A_182 = arith.constant 0 : i32
      %dma_start3A_183 = tpu.memref_slice %dma_start3A_180[%dma_start3A_181, %dma_start3A_182] : memref<32x513xf32, #tpu.memory_space<vmem>> -> memref<32x512xf32, #tpu.memory_space<vmem>>
      %dma_start3A_184 = arith.constant 0 : i32
      %dma_start3A_185 = tpu.memref_slice %arg2[%dma_start3A_184, %mul3A_163] : memref<32x1000000xf32, #tpu.memory_space<hbm>> -> memref<32x512xf32, #tpu.memory_space<hbm>>
      tpu.enqueue_dma source(%dma_start3A_185 : memref<32x512xf32, #tpu.memory_space<hbm>>) target(%dma_start3A_183 : memref<32x512xf32, #tpu.memory_space<vmem>>) target_semaphore(%dma_start3A_176 : memref<!tpu.dma_semaphore, #tpu.memory_space<semaphore_mem>>)
    } else {
    }
    %sub3A_88 = arith.constant 0 : i32
    %sub3A_89 = arith.subi %select_n3A_26, %sub3A_88 : i32
    %sub3A_90 = arith.constant 1 : i32
    %sub3A_91 = arith.constant 1 : i32
    %sub3A_92 = arith.subi %sub3A_90, %sub3A_91 : i32
    %add3A_93 = arith.addi %sub3A_89, %sub3A_92 : i32
    %div3A_94 = arith.constant 1 : i32
    %div3A_95 = arith.divsi %add3A_93, %div3A_94 : i32
    %while3A = arith.constant 1 : i32
    %while3A_96 = arith.constant 0 : i32
    %while3A_97 = arith.constant 0 : i32
    %while3A_98 = arith.subi %div3A_95, %while3A_97 : i32
    %while3A_99 = arith.addi %while3A_97, %while3A_98 : i32
    %while3A_100 = arith.constant 1 : i32
    %while3A_101 = arith.divsi %while3A_98, %while3A_100 : i32
    %while3A_102 = arith.muli %while3A_101, %while3A_100 : i32
    %while3A_103 = arith.addi %while3A_97, %while3A_102 : i32
    %while3A_104 = arith.constant 1 : i32
    scf.for %while3A_160 = %while3A_97 to %while3A_103 step %while3A_104  : i32 {
      %mul3A_161 = arith.muli %while3A_160, %while3A : i32
      %add3A_162 = arith.addi %while3A_96, %mul3A_161 : i32
      %mul3A_163 = arith.constant 2 : i32
      %mul3A_164 = arith.muli %mul3A_163, %add3A_162 : i32
      %add3A_165 = arith.constant 0 : i32
      %add3A_166 = arith.addi %mul3A_164, %add3A_165 : i32
      %add3A_167 = arith.addi %add3A_4, %add3A_166 : i32
      %mul3A_168 = arith.constant 512 : i32
      %mul3A_169 = arith.muli %add3A_167, %mul3A_168 : i32
      %dma_wait3A = arith.constant 0 : i32
      %dma_wait3A_170 = arith.constant 0 : i32
      %dma_wait3A_171 = arith.constant 0 : i32
      %dma_wait3A_172 = arith.constant 0 : i32
      %dma_wait3A_173 = tpu.memref_slice %arg5[%dma_wait3A, %dma_wait3A_171, %dma_wait3A_172] : memref<2x32x513xf32, #tpu.memory_space<vmem>> -> memref<1x32x513xf32, #tpu.memory_space<vmem>>
      %dma_wait3A_174 = tpu.memref_squeeze %dma_wait3A_173 : memref<1x32x513xf32, #tpu.memory_space<vmem>> -> memref<32x513xf32, #tpu.memory_space<vmem>>
      %dma_wait3A_175 = arith.constant 0 : i32
      %dma_wait3A_176 = arith.constant 0 : i32
      %dma_wait3A_177 = tpu.memref_slice %dma_wait3A_174[%dma_wait3A_175, %dma_wait3A_176] : memref<32x513xf32, #tpu.memory_space<vmem>> -> memref<32x512xf32, #tpu.memory_space<vmem>>
      %dma_wait3A_178 = arith.constant 0 : i32
      %dma_wait3A_179 = tpu.memref_slice %arg2[%dma_wait3A_178, %mul3A_169] : memref<32x1000000xf32, #tpu.memory_space<hbm>> -> memref<32x512xf32, #tpu.memory_space<hbm>>
      %dma_wait3A_180 = tpu.memref_slice %arg8[%dma_wait3A_170] : memref<2x!tpu.dma_semaphore, #tpu.memory_space<semaphore_mem>> -> memref<1x!tpu.dma_semaphore, #tpu.memory_space<semaphore_mem>>
      %dma_wait3A_181 = tpu.memref_squeeze %dma_wait3A_180 : memref<1x!tpu.dma_semaphore, #tpu.memory_space<semaphore_mem>> -> memref<!tpu.dma_semaphore, #tpu.memory_space<semaphore_mem>>
      %dma_wait3A_182 = arith.constant 0 : i32
      %dma_wait3A_183 = arith.constant 0 : i32
      %dma_wait3A_184 = tpu.memref_slice %arg5[%dma_wait3A, %dma_wait3A_182, %dma_wait3A_183] : memref<2x32x513xf32, #tpu.memory_space<vmem>> -> memref<1x32x513xf32, #tpu.memory_space<vmem>>
      %dma_wait3A_185 = tpu.memref_squeeze %dma_wait3A_184 : memref<1x32x513xf32, #tpu.memory_space<vmem>> -> memref<32x513xf32, #tpu.memory_space<vmem>>
      %dma_wait3A_186 = arith.constant 0 : i32
      %dma_wait3A_187 = arith.constant 0 : i32
      %dma_wait3A_188 = tpu.memref_slice %dma_wait3A_185[%dma_wait3A_186, %dma_wait3A_187] : memref<32x513xf32, #tpu.memory_space<vmem>> -> memref<32x512xf32, #tpu.memory_space<vmem>>
      %dma_wait3A_189 = arith.constant 0 : i32
      %dma_wait3A_190 = tpu.memref_slice %arg2[%dma_wait3A_189, %mul3A_169] : memref<32x1000000xf32, #tpu.memory_space<hbm>> -> memref<32x512xf32, #tpu.memory_space<hbm>>
      tpu.wait_dma2 semaphore(%dma_wait3A_181 : memref<!tpu.dma_semaphore, #tpu.memory_space<semaphore_mem>>) src(%dma_wait3A_190 : memref<32x512xf32, #tpu.memory_space<hbm>>) dst(%dma_wait3A_188 : memref<32x512xf32, #tpu.memory_space<vmem>>)
      %gt3A_191 = arith.constant 0 : i32
      %gt3A_192 = arith.cmpi sgt, %add3A_162, %gt3A_191 : i32
      %convert_element_type3A_193 = arith.extui %gt3A_192 : i1 to i32
      %cond3A_194 = arith.constant 0 : i32
      %cond3A_195 = arith.cmpi ne, %convert_element_type3A_193, %cond3A_194 : i32
      scf.if %cond3A_195 {
        %add3A_291 = arith.constant 0 : i32
        %add3A_292 = arith.addi %add3A_4, %add3A_291 : i32
        %mul3A_293 = arith.constant 128 : i32
        %mul3A_294 = arith.muli %add3A_292, %mul3A_293 : i32
        %dma_wait3A_295 = arith.constant 0 : i32
        %dma_wait3A_296 = arith.constant 0 : i32
        %dma_wait3A_297 = arith.constant 0 : i32
        %dma_wait3A_298 = arith.constant 0 : i32
        %dma_wait3A_299 = tpu.memref_slice %arg6[%dma_wait3A_295, %dma_wait3A_297, %dma_wait3A_298] : memref<2x128x128xf32, #tpu.memory_space<vmem>> -> memref<1x128x128xf32, #tpu.memory_space<vmem>>
        %dma_wait3A_300 = tpu.memref_squeeze %dma_wait3A_299 : memref<1x128x128xf32, #tpu.memory_space<vmem>> -> memref<128x128xf32, #tpu.memory_space<vmem>>
        %dma_wait3A_301 = arith.constant 0 : i32
        %dma_wait3A_302 = tpu.memref_slice %arg4[%mul3A_294, %dma_wait3A_301] : memref<250000x128xf32, #tpu.memory_space<hbm>> -> memref<128x128xf32, #tpu.memory_space<hbm>>
        %dma_wait3A_303 = tpu.memref_slice %arg9[%dma_wait3A_296] : memref<2x!tpu.dma_semaphore, #tpu.memory_space<semaphore_mem>> -> memref<1x!tpu.dma_semaphore, #tpu.memory_space<semaphore_mem>>
        %dma_wait3A_304 = tpu.memref_squeeze %dma_wait3A_303 : memref<1x!tpu.dma_semaphore, #tpu.memory_space<semaphore_mem>> -> memref<!tpu.dma_semaphore, #tpu.memory_space<semaphore_mem>>
        %dma_wait3A_305 = arith.constant 0 : i32
        %dma_wait3A_306 = tpu.memref_slice %arg4[%mul3A_294, %dma_wait3A_305] : memref<250000x128xf32, #tpu.memory_space<hbm>> -> memref<128x128xf32, #tpu.memory_space<hbm>>
        %dma_wait3A_307 = arith.constant 0 : i32
        %dma_wait3A_308 = arith.constant 0 : i32
        %dma_wait3A_309 = tpu.memref_slice %arg6[%dma_wait3A_295, %dma_wait3A_307, %dma_wait3A_308] : memref<2x128x128xf32, #tpu.memory_space<vmem>> -> memref<1x128x128xf32, #tpu.memory_space<vmem>>
        %dma_wait3A_310 = tpu.memref_squeeze %dma_wait3A_309 : memref<1x128x128xf32, #tpu.memory_space<vmem>> -> memref<128x128xf32, #tpu.memory_space<vmem>>
        tpu.wait_dma2 semaphore(%dma_wait3A_304 : memref<!tpu.dma_semaphore, #tpu.memory_space<semaphore_mem>>) src(%dma_wait3A_310 : memref<128x128xf32, #tpu.memory_space<vmem>>) dst(%dma_wait3A_306 : memref<128x128xf32, #tpu.memory_space<hbm>>)
      } else {
      }
      %broadcast_in_dim3A_196 = arith.constant 0 : i32
      %broadcast_in_dim3A_197 = vector.broadcast %broadcast_in_dim3A_196 : i32 to vector<16xi32>
      %parallel_loop3A = arith.constant 0 : i32
      %parallel_loop3A_198 = arith.constant 128 : i32
      %parallel_loop3A_199 = arith.constant 1 : i32
      %parallel_loop3A_200 = scf.for %parallel_loop3A_291 = %parallel_loop3A to %parallel_loop3A_198 step %parallel_loop3A_199 iter_args(%parallel_loop3A_292 = %broadcast_in_dim3A_197) -> (vector<16xi32>)  : i32 {
        %parallel_loop3A_293 = arith.addi %parallel_loop3A_292, %broadcast_in_dim3A_30 : vector<16xi32>
        %parallel_loop3A_294 = arith.constant 0 : i32
        %parallel_loop3A_295 = arith.constant 0 : i32
        %parallel_loop3A_296 = arith.constant 0 : i32
        %parallel_loop3A_297 = tpu.memref_slice %arg5[%parallel_loop3A_294, %parallel_loop3A_295, %parallel_loop3A_296] : memref<2x32x513xf32, #tpu.memory_space<vmem>> -> memref<1x32x513xf32, #tpu.memory_space<vmem>>
        %parallel_loop3A_298 = tpu.memref_squeeze %parallel_loop3A_297 : memref<1x32x513xf32, #tpu.memory_space<vmem>> -> memref<32x513xf32, #tpu.memory_space<vmem>>
        %parallel_loop3A_299 = tpu.vector_load_idx %parallel_loop3A_298[%iota3A, %parallel_loop3A_293] : memref<32x513xf32, #tpu.memory_space<vmem>>[vector<16xi32>, vector<16xi32>], vector<16xf32>,
        %parallel_loop3A_300 = arith.constant 0 : i32
        %parallel_loop3A_301 = arith.index_cast %parallel_loop3A_300 : i32 to index
        %parallel_loop3A_302 = arith.index_cast %parallel_loop3A_291 : i32 to index
        %parallel_loop3A_303 = arith.constant 0 : index
        %parallel_loop3A_304 = tpu.vector_load %arg6[%parallel_loop3A_301, %parallel_loop3A_302, %parallel_loop3A_303] {strides = array<i32>} : memref<2x128x128xf32, #tpu.memory_space<vmem>>, vector<16xf32>,
        tpu.vector_store %arg6[%parallel_loop3A_301, %parallel_loop3A_302, %parallel_loop3A_303], %parallel_loop3A_299 {strides = array<i32>} : memref<2x128x128xf32, #tpu.memory_space<vmem>>, vector<16xf32>,
        %parallel_loop3A_305 = arith.addi %parallel_loop3A_292, %broadcast_in_dim3A_30 : vector<16xi32>
        %parallel_loop3A_306 = arith.constant 0 : i32
        %parallel_loop3A_307 = arith.constant 0 : i32
        %parallel_loop3A_308 = arith.constant 0 : i32
        %parallel_loop3A_309 = tpu.memref_slice %arg5[%parallel_loop3A_306, %parallel_loop3A_307, %parallel_loop3A_308] : memref<2x32x513xf32, #tpu.memory_space<vmem>> -> memref<1x32x513xf32, #tpu.memory_space<vmem>>
        %parallel_loop3A_310 = tpu.memref_squeeze %parallel_loop3A_309 : memref<1x32x513xf32, #tpu.memory_space<vmem>> -> memref<32x513xf32, #tpu.memory_space<vmem>>
        %parallel_loop3A_311 = tpu.vector_load_idx %parallel_loop3A_310[%add3A_29, %parallel_loop3A_305] : memref<32x513xf32, #tpu.memory_space<vmem>>[vector<16xi32>, vector<16xi32>], vector<16xf32>,
        %parallel_loop3A_312 = arith.constant 0 : i32
        %parallel_loop3A_313 = arith.index_cast %parallel_loop3A_312 : i32 to index
        %parallel_loop3A_314 = arith.index_cast %parallel_loop3A_291 : i32 to index
        %parallel_loop3A_315 = arith.constant 16 : index
        %parallel_loop3A_316 = tpu.vector_load %arg6[%parallel_loop3A_313, %parallel_loop3A_314, %parallel_loop3A_315] {strides = array<i32>} : memref<2x128x128xf32, #tpu.memory_space<vmem>>, vector<16xf32>,
        tpu.vector_store %arg6[%parallel_loop3A_313, %parallel_loop3A_314, %parallel_loop3A_315], %parallel_loop3A_311 {strides = array<i32>} : memref<2x128x128xf32, #tpu.memory_space<vmem>>, vector<16xf32>,
        %parallel_loop3A_317 = arith.addi %parallel_loop3A_292, %broadcast_in_dim3A_32 : vector<16xi32>
        %parallel_loop3A_318 = arith.constant 0 : i32
        %parallel_loop3A_319 = arith.constant 0 : i32
        %parallel_loop3A_320 = arith.constant 0 : i32
        %parallel_loop3A_321 = tpu.memref_slice %arg5[%parallel_loop3A_318, %parallel_loop3A_319, %parallel_loop3A_320] : memref<2x32x513xf32, #tpu.memory_space<vmem>> -> memref<1x32x513xf32, #tpu.memory_space<vmem>>
        %parallel_loop3A_322 = tpu.memref_squeeze %parallel_loop3A_321 : memref<1x32x513xf32, #tpu.memory_space<vmem>> -> memref<32x513xf32, #tpu.memory_space<vmem>>
        %parallel_loop3A_323 = tpu.vector_load_idx %parallel_loop3A_322[%iota3A, %parallel_loop3A_317] : memref<32x513xf32, #tpu.memory_space<vmem>>[vector<16xi32>, vector<16xi32>], vector<16xf32>,
        %parallel_loop3A_324 = arith.constant 0 : i32
        %parallel_loop3A_325 = arith.index_cast %parallel_loop3A_324 : i32 to index
        %parallel_loop3A_326 = arith.index_cast %parallel_loop3A_291 : i32 to index
        %parallel_loop3A_327 = arith.constant 32 : index
        %parallel_loop3A_328 = tpu.vector_load %arg6[%parallel_loop3A_325, %parallel_loop3A_326, %parallel_loop3A_327] {strides = array<i32>} : memref<2x128x128xf32, #tpu.memory_space<vmem>>, vector<16xf32>,
        tpu.vector_store %arg6[%parallel_loop3A_325, %parallel_loop3A_326, %parallel_loop3A_327], %parallel_loop3A_323 {strides = array<i32>} : memref<2x128x128xf32, #tpu.memory_space<vmem>>, vector<16xf32>,
        %parallel_loop3A_329 = arith.addi %parallel_loop3A_292, %broadcast_in_dim3A_32 : vector<16xi32>
        %parallel_loop3A_330 = arith.constant 0 : i32
        %parallel_loop3A_331 = arith.constant 0 : i32
        %parallel_loop3A_332 = arith.constant 0 : i32
        %parallel_loop3A_333 = tpu.memref_slice %arg5[%parallel_loop3A_330, %parallel_loop3A_331, %parallel_loop3A_332] : memref<2x32x513xf32, #tpu.memory_space<vmem>> -> memref<1x32x513xf32, #tpu.memory_space<vmem>>
        %parallel_loop3A_334 = tpu.memref_squeeze %parallel_loop3A_333 : memref<1x32x513xf32, #tpu.memory_space<vmem>> -> memref<32x513xf32, #tpu.memory_space<vmem>>
        %parallel_loop3A_335 = tpu.vector_load_idx %parallel_loop3A_334[%add3A_29, %parallel_loop3A_329] : memref<32x513xf32, #tpu.memory_space<vmem>>[vector<16xi32>, vector<16xi32>], vector<16xf32>,
        %parallel_loop3A_336 = arith.constant 0 : i32
        %parallel_loop3A_337 = arith.index_cast %parallel_loop3A_336 : i32 to index
        %parallel_loop3A_338 = arith.index_cast %parallel_loop3A_291 : i32 to index
        %parallel_loop3A_339 = arith.constant 48 : index
        %parallel_loop3A_340 = tpu.vector_load %arg6[%parallel_loop3A_337, %parallel_loop3A_338, %parallel_loop3A_339] {strides = array<i32>} : memref<2x128x128xf32, #tpu.memory_space<vmem>>, vector<16xf32>,
        tpu.vector_store %arg6[%parallel_loop3A_337, %parallel_loop3A_338, %parallel_loop3A_339], %parallel_loop3A_335 {strides = array<i32>} : memref<2x128x128xf32, #tpu.memory_space<vmem>>, vector<16xf32>,
        %parallel_loop3A_341 = arith.addi %parallel_loop3A_292, %broadcast_in_dim3A_34 : vector<16xi32>
        %parallel_loop3A_342 = arith.constant 0 : i32
        %parallel_loop3A_343 = arith.constant 0 : i32
        %parallel_loop3A_344 = arith.constant 0 : i32
        %parallel_loop3A_345 = tpu.memref_slice %arg5[%parallel_loop3A_342, %parallel_loop3A_343, %parallel_loop3A_344] : memref<2x32x513xf32, #tpu.memory_space<vmem>> -> memref<1x32x513xf32, #tpu.memory_space<vmem>>
        %parallel_loop3A_346 = tpu.memref_squeeze %parallel_loop3A_345 : memref<1x32x513xf32, #tpu.memory_space<vmem>> -> memref<32x513xf32, #tpu.memory_space<vmem>>
        %parallel_loop3A_347 = tpu.vector_load_idx %parallel_loop3A_346[%iota3A, %parallel_loop3A_341] : memref<32x513xf32, #tpu.memory_space<vmem>>[vector<16xi32>, vector<16xi32>], vector<16xf32>,
        %parallel_loop3A_348 = arith.constant 0 : i32
        %parallel_loop3A_349 = arith.index_cast %parallel_loop3A_348 : i32 to index
        %parallel_loop3A_350 = arith.index_cast %parallel_loop3A_291 : i32 to index
        %parallel_loop3A_351 = arith.constant 64 : index
        %parallel_loop3A_352 = tpu.vector_load %arg6[%parallel_loop3A_349, %parallel_loop3A_350, %parallel_loop3A_351] {strides = array<i32>} : memref<2x128x128xf32, #tpu.memory_space<vmem>>, vector<16xf32>,
        tpu.vector_store %arg6[%parallel_loop3A_349, %parallel_loop3A_350, %parallel_loop3A_351], %parallel_loop3A_347 {strides = array<i32>} : memref<2x128x128xf32, #tpu.memory_space<vmem>>, vector<16xf32>,
        %parallel_loop3A_353 = arith.addi %parallel_loop3A_292, %broadcast_in_dim3A_34 : vector<16xi32>
        %parallel_loop3A_354 = arith.constant 0 : i32
        %parallel_loop3A_355 = arith.constant 0 : i32
        %parallel_loop3A_356 = arith.constant 0 : i32
        %parallel_loop3A_357 = tpu.memref_slice %arg5[%parallel_loop3A_354, %parallel_loop3A_355, %parallel_loop3A_356] : memref<2x32x513xf32, #tpu.memory_space<vmem>> -> memref<1x32x513xf32, #tpu.memory_space<vmem>>
        %parallel_loop3A_358 = tpu.memref_squeeze %parallel_loop3A_357 : memref<1x32x513xf32, #tpu.memory_space<vmem>> -> memref<32x513xf32, #tpu.memory_space<vmem>>
        %parallel_loop3A_359 = tpu.vector_load_idx %parallel_loop3A_358[%add3A_29, %parallel_loop3A_353] : memref<32x513xf32, #tpu.memory_space<vmem>>[vector<16xi32>, vector<16xi32>], vector<16xf32>,
        %parallel_loop3A_360 = arith.constant 0 : i32
        %parallel_loop3A_361 = arith.index_cast %parallel_loop3A_360 : i32 to index
        %parallel_loop3A_362 = arith.index_cast %parallel_loop3A_291 : i32 to index
        %parallel_loop3A_363 = arith.constant 80 : index
        %parallel_loop3A_364 = tpu.vector_load %arg6[%parallel_loop3A_361, %parallel_loop3A_362, %parallel_loop3A_363] {strides = array<i32>} : memref<2x128x128xf32, #tpu.memory_space<vmem>>, vector<16xf32>,
        tpu.vector_store %arg6[%parallel_loop3A_361, %parallel_loop3A_362, %parallel_loop3A_363], %parallel_loop3A_359 {strides = array<i32>} : memref<2x128x128xf32, #tpu.memory_space<vmem>>, vector<16xf32>,
        %parallel_loop3A_365 = arith.addi %parallel_loop3A_292, %broadcast_in_dim3A_36 : vector<16xi32>
        %parallel_loop3A_366 = arith.constant 0 : i32
        %parallel_loop3A_367 = arith.constant 0 : i32
        %parallel_loop3A_368 = arith.constant 0 : i32
        %parallel_loop3A_369 = tpu.memref_slice %arg5[%parallel_loop3A_366, %parallel_loop3A_367, %parallel_loop3A_368] : memref<2x32x513xf32, #tpu.memory_space<vmem>> -> memref<1x32x513xf32, #tpu.memory_space<vmem>>
        %parallel_loop3A_370 = tpu.memref_squeeze %parallel_loop3A_369 : memref<1x32x513xf32, #tpu.memory_space<vmem>> -> memref<32x513xf32, #tpu.memory_space<vmem>>
        %parallel_loop3A_371 = tpu.vector_load_idx %parallel_loop3A_370[%iota3A, %parallel_loop3A_365] : memref<32x513xf32, #tpu.memory_space<vmem>>[vector<16xi32>, vector<16xi32>], vector<16xf32>,
        %parallel_loop3A_372 = arith.constant 0 : i32
        %parallel_loop3A_373 = arith.index_cast %parallel_loop3A_372 : i32 to index
        %parallel_loop3A_374 = arith.index_cast %parallel_loop3A_291 : i32 to index
        %parallel_loop3A_375 = arith.constant 96 : index
        %parallel_loop3A_376 = tpu.vector_load %arg6[%parallel_loop3A_373, %parallel_loop3A_374, %parallel_loop3A_375] {strides = array<i32>} : memref<2x128x128xf32, #tpu.memory_space<vmem>>, vector<16xf32>,
        tpu.vector_store %arg6[%parallel_loop3A_373, %parallel_loop3A_374, %parallel_loop3A_375], %parallel_loop3A_371 {strides = array<i32>} : memref<2x128x128xf32, #tpu.memory_space<vmem>>, vector<16xf32>,
        %parallel_loop3A_377 = arith.addi %parallel_loop3A_292, %broadcast_in_dim3A_36 : vector<16xi32>
        %parallel_loop3A_378 = arith.constant 0 : i32
        %parallel_loop3A_379 = arith.constant 0 : i32
        %parallel_loop3A_380 = arith.constant 0 : i32
        %parallel_loop3A_381 = tpu.memref_slice %arg5[%parallel_loop3A_378, %parallel_loop3A_379, %parallel_loop3A_380] : memref<2x32x513xf32, #tpu.memory_space<vmem>> -> memref<1x32x513xf32, #tpu.memory_space<vmem>>
        %parallel_loop3A_382 = tpu.memref_squeeze %parallel_loop3A_381 : memref<1x32x513xf32, #tpu.memory_space<vmem>> -> memref<32x513xf32, #tpu.memory_space<vmem>>
        %parallel_loop3A_383 = tpu.vector_load_idx %parallel_loop3A_382[%add3A_29, %parallel_loop3A_377] : memref<32x513xf32, #tpu.memory_space<vmem>>[vector<16xi32>, vector<16xi32>], vector<16xf32>,
        %parallel_loop3A_384 = arith.constant 0 : i32
        %parallel_loop3A_385 = arith.index_cast %parallel_loop3A_384 : i32 to index
        %parallel_loop3A_386 = arith.index_cast %parallel_loop3A_291 : i32 to index
        %parallel_loop3A_387 = arith.constant 112 : index
        %parallel_loop3A_388 = tpu.vector_load %arg6[%parallel_loop3A_385, %parallel_loop3A_386, %parallel_loop3A_387] {strides = array<i32>} : memref<2x128x128xf32, #tpu.memory_space<vmem>>, vector<16xf32>,
        tpu.vector_store %arg6[%parallel_loop3A_385, %parallel_loop3A_386, %parallel_loop3A_387], %parallel_loop3A_383 {strides = array<i32>} : memref<2x128x128xf32, #tpu.memory_space<vmem>>, vector<16xf32>,
        %parallel_loop3A_389 = arith.addi %parallel_loop3A_292, %broadcast_in_dim3A_38 : vector<16xi32>
        scf.yield %parallel_loop3A_389 : vector<16xi32>
      } {sc.loop_unroll_factor = 4 : i64, sc.parallel_access}
      %add3A_201 = arith.addi %add3A_4, %add3A_166 : i32
      %mul3A_202 = arith.constant 128 : i32
      %mul3A_203 = arith.muli %add3A_201, %mul3A_202 : i32
      %dma_start3A_204 = arith.constant 0 : i32
      %dma_start3A_205 = arith.constant 0 : i32
      %dma_start3A_206 = arith.constant 0 : i32
      %dma_start3A_207 = arith.constant 0 : i32
      %dma_start3A_208 = tpu.memref_slice %arg6[%dma_start3A_204, %dma_start3A_206, %dma_start3A_207] : memref<2x128x128xf32, #tpu.memory_space<vmem>> -> memref<1x128x128xf32, #tpu.memory_space<vmem>>
      %dma_start3A_209 = tpu.memref_squeeze %dma_start3A_208 : memref<1x128x128xf32, #tpu.memory_space<vmem>> -> memref<128x128xf32, #tpu.memory_space<vmem>>
      %dma_start3A_210 = arith.constant 0 : i32
      %dma_start3A_211 = tpu.memref_slice %arg4[%mul3A_203, %dma_start3A_210] : memref<250000x128xf32, #tpu.memory_space<hbm>> -> memref<128x128xf32, #tpu.memory_space<hbm>>
      %dma_start3A_212 = tpu.memref_slice %arg9[%dma_start3A_205] : memref<2x!tpu.dma_semaphore, #tpu.memory_space<semaphore_mem>> -> memref<1x!tpu.dma_semaphore, #tpu.memory_space<semaphore_mem>>
      %dma_start3A_213 = tpu.memref_squeeze %dma_start3A_212 : memref<1x!tpu.dma_semaphore, #tpu.memory_space<semaphore_mem>> -> memref<!tpu.dma_semaphore, #tpu.memory_space<semaphore_mem>>
      %dma_start3A_214 = arith.constant 0 : i32
      %dma_start3A_215 = tpu.memref_slice %arg4[%mul3A_203, %dma_start3A_214] : memref<250000x128xf32, #tpu.memory_space<hbm>> -> memref<128x128xf32, #tpu.memory_space<hbm>>
      %dma_start3A_216 = arith.constant 0 : i32
      %dma_start3A_217 = arith.constant 0 : i32
      %dma_start3A_218 = tpu.memref_slice %arg6[%dma_start3A_204, %dma_start3A_216, %dma_start3A_217] : memref<2x128x128xf32, #tpu.memory_space<vmem>> -> memref<1x128x128xf32, #tpu.memory_space<vmem>>
      %dma_start3A_219 = tpu.memref_squeeze %dma_start3A_218 : memref<1x128x128xf32, #tpu.memory_space<vmem>> -> memref<128x128xf32, #tpu.memory_space<vmem>>
      tpu.enqueue_dma source(%dma_start3A_219 : memref<128x128xf32, #tpu.memory_space<vmem>>) target(%dma_start3A_215 : memref<128x128xf32, #tpu.memory_space<hbm>>) target_semaphore(%dma_start3A_213 : memref<!tpu.dma_semaphore, #tpu.memory_space<semaphore_mem>>)
      %add3A_220 = arith.constant 2 : i32
      %add3A_221 = arith.addi %add3A_166, %add3A_220 : i32
      %lt3A_222 = arith.cmpi slt, %add3A_221, %add3A_8 : i32
      %convert_element_type3A_223 = arith.extui %lt3A_222 : i1 to i32
      %cond3A_224 = arith.constant 0 : i32
      %cond3A_225 = arith.cmpi ne, %convert_element_type3A_223, %cond3A_224 : i32
      scf.if %cond3A_225 {
        %add3A_291 = arith.constant 2 : i32
        %add3A_292 = arith.addi %add3A_166, %add3A_291 : i32
        %add3A_293 = arith.addi %add3A_4, %add3A_292 : i32
        %mul3A_294 = arith.constant 512 : i32
        %mul3A_295 = arith.muli %add3A_293, %mul3A_294 : i32
        %dma_start3A_296 = arith.constant 0 : i32
        %dma_start3A_297 = arith.constant 0 : i32
        %dma_start3A_298 = arith.constant 0 : i32
        %dma_start3A_299 = arith.constant 0 : i32
        %dma_start3A_300 = tpu.memref_slice %arg5[%dma_start3A_296, %dma_start3A_298, %dma_start3A_299] : memref<2x32x513xf32, #tpu.memory_space<vmem>> -> memref<1x32x513xf32, #tpu.memory_space<vmem>>
        %dma_start3A_301 = tpu.memref_squeeze %dma_start3A_300 : memref<1x32x513xf32, #tpu.memory_space<vmem>> -> memref<32x513xf32, #tpu.memory_space<vmem>>
        %dma_start3A_302 = arith.constant 0 : i32
        %dma_start3A_303 = arith.constant 0 : i32
        %dma_start3A_304 = tpu.memref_slice %dma_start3A_301[%dma_start3A_302, %dma_start3A_303] : memref<32x513xf32, #tpu.memory_space<vmem>> -> memref<32x512xf32, #tpu.memory_space<vmem>>
        %dma_start3A_305 = arith.constant 0 : i32
        %dma_start3A_306 = tpu.memref_slice %arg2[%dma_start3A_305, %mul3A_295] : memref<32x1000000xf32, #tpu.memory_space<hbm>> -> memref<32x512xf32, #tpu.memory_space<hbm>>
        %dma_start3A_307 = tpu.memref_slice %arg8[%dma_start3A_297] : memref<2x!tpu.dma_semaphore, #tpu.memory_space<semaphore_mem>> -> memref<1x!tpu.dma_semaphore, #tpu.memory_space<semaphore_mem>>
        %dma_start3A_308 = tpu.memref_squeeze %dma_start3A_307 : memref<1x!tpu.dma_semaphore, #tpu.memory_space<semaphore_mem>> -> memref<!tpu.dma_semaphore, #tpu.memory_space<semaphore_mem>>
        %dma_start3A_309 = arith.constant 0 : i32
        %dma_start3A_310 = arith.constant 0 : i32
        %dma_start3A_311 = tpu.memref_slice %arg5[%dma_start3A_296, %dma_start3A_309, %dma_start3A_310] : memref<2x32x513xf32, #tpu.memory_space<vmem>> -> memref<1x32x513xf32, #tpu.memory_space<vmem>>
        %dma_start3A_312 = tpu.memref_squeeze %dma_start3A_311 : memref<1x32x513xf32, #tpu.memory_space<vmem>> -> memref<32x513xf32, #tpu.memory_space<vmem>>
        %dma_start3A_313 = arith.constant 0 : i32
        %dma_start3A_314 = arith.constant 0 : i32
        %dma_start3A_315 = tpu.memref_slice %dma_start3A_312[%dma_start3A_313, %dma_start3A_314] : memref<32x513xf32, #tpu.memory_space<vmem>> -> memref<32x512xf32, #tpu.memory_space<vmem>>
        %dma_start3A_316 = arith.constant 0 : i32
        %dma_start3A_317 = tpu.memref_slice %arg2[%dma_start3A_316, %mul3A_295] : memref<32x1000000xf32, #tpu.memory_space<hbm>> -> memref<32x512xf32, #tpu.memory_space<hbm>>
        tpu.enqueue_dma source(%dma_start3A_317 : memref<32x512xf32, #tpu.memory_space<hbm>>) target(%dma_start3A_315 : memref<32x512xf32, #tpu.memory_space<vmem>>) target_semaphore(%dma_start3A_308 : memref<!tpu.dma_semaphore, #tpu.memory_space<semaphore_mem>>)
      } else {
      }
      %mul3A_226 = arith.constant 2 : i32
      %mul3A_227 = arith.muli %mul3A_226, %add3A_162 : i32
      %add3A_228 = arith.constant 1 : i32
      %add3A_229 = arith.addi %mul3A_227, %add3A_228 : i32
      %add3A_230 = arith.addi %add3A_4, %add3A_229 : i32
      %mul3A_231 = arith.constant 512 : i32
      %mul3A_232 = arith.muli %add3A_230, %mul3A_231 : i32
      %dma_wait3A_233 = arith.constant 1 : i32
      %dma_wait3A_234 = arith.constant 1 : i32
      %dma_wait3A_235 = arith.constant 0 : i32
      %dma_wait3A_236 = arith.constant 0 : i32
      %dma_wait3A_237 = tpu.memref_slice %arg5[%dma_wait3A_233, %dma_wait3A_235, %dma_wait3A_236] : memref<2x32x513xf32, #tpu.memory_space<vmem>> -> memref<1x32x513xf32, #tpu.memory_space<vmem>>
      %dma_wait3A_238 = tpu.memref_squeeze %dma_wait3A_237 : memref<1x32x513xf32, #tpu.memory_space<vmem>> -> memref<32x513xf32, #tpu.memory_space<vmem>>
      %dma_wait3A_239 = arith.constant 0 : i32
      %dma_wait3A_240 = arith.constant 0 : i32
      %dma_wait3A_241 = tpu.memref_slice %dma_wait3A_238[%dma_wait3A_239, %dma_wait3A_240] : memref<32x513xf32, #tpu.memory_space<vmem>> -> memref<32x512xf32, #tpu.memory_space<vmem>>
      %dma_wait3A_242 = arith.constant 0 : i32
      %dma_wait3A_243 = tpu.memref_slice %arg2[%dma_wait3A_242, %mul3A_232] : memref<32x1000000xf32, #tpu.memory_space<hbm>> -> memref<32x512xf32, #tpu.memory_space<hbm>>
      %dma_wait3A_244 = tpu.memref_slice %arg8[%dma_wait3A_234] : memref<2x!tpu.dma_semaphore, #tpu.memory_space<semaphore_mem>> -> memref<1x!tpu.dma_semaphore, #tpu.memory_space<semaphore_mem>>
      %dma_wait3A_245 = tpu.memref_squeeze %dma_wait3A_244 : memref<1x!tpu.dma_semaphore, #tpu.memory_space<semaphore_mem>> -> memref<!tpu.dma_semaphore, #tpu.memory_space<semaphore_mem>>
      %dma_wait3A_246 = arith.constant 0 : i32
      %dma_wait3A_247 = arith.constant 0 : i32
      %dma_wait3A_248 = tpu.memref_slice %arg5[%dma_wait3A_233, %dma_wait3A_246, %dma_wait3A_247] : memref<2x32x513xf32, #tpu.memory_space<vmem>> -> memref<1x32x513xf32, #tpu.memory_space<vmem>>
      %dma_wait3A_249 = tpu.memref_squeeze %dma_wait3A_248 : memref<1x32x513xf32, #tpu.memory_space<vmem>> -> memref<32x513xf32, #tpu.memory_space<vmem>>
      %dma_wait3A_250 = arith.constant 0 : i32
      %dma_wait3A_251 = arith.constant 0 : i32
      %dma_wait3A_252 = tpu.memref_slice %dma_wait3A_249[%dma_wait3A_250, %dma_wait3A_251] : memref<32x513xf32, #tpu.memory_space<vmem>> -> memref<32x512xf32, #tpu.memory_space<vmem>>
      %dma_wait3A_253 = arith.constant 0 : i32
      %dma_wait3A_254 = tpu.memref_slice %arg2[%dma_wait3A_253, %mul3A_232] : memref<32x1000000xf32, #tpu.memory_space<hbm>> -> memref<32x512xf32, #tpu.memory_space<hbm>>
      tpu.wait_dma2 semaphore(%dma_wait3A_245 : memref<!tpu.dma_semaphore, #tpu.memory_space<semaphore_mem>>) src(%dma_wait3A_254 : memref<32x512xf32, #tpu.memory_space<hbm>>) dst(%dma_wait3A_252 : memref<32x512xf32, #tpu.memory_space<vmem>>)
      %gt3A_255 = arith.constant 0 : i32
      %gt3A_256 = arith.cmpi sgt, %add3A_162, %gt3A_255 : i32
      %convert_element_type3A_257 = arith.extui %gt3A_256 : i1 to i32
      %cond3A_258 = arith.constant 0 : i32
      %cond3A_259 = arith.cmpi ne, %convert_element_type3A_257, %cond3A_258 : i32
      scf.if %cond3A_259 {
        %add3A_291 = arith.constant 0 : i32
        %add3A_292 = arith.addi %add3A_4, %add3A_291 : i32
        %mul3A_293 = arith.constant 128 : i32
        %mul3A_294 = arith.muli %add3A_292, %mul3A_293 : i32
        %dma_wait3A_295 = arith.constant 1 : i32
        %dma_wait3A_296 = arith.constant 1 : i32
        %dma_wait3A_297 = arith.constant 0 : i32
        %dma_wait3A_298 = arith.constant 0 : i32
        %dma_wait3A_299 = tpu.memref_slice %arg6[%dma_wait3A_295, %dma_wait3A_297, %dma_wait3A_298] : memref<2x128x128xf32, #tpu.memory_space<vmem>> -> memref<1x128x128xf32, #tpu.memory_space<vmem>>
        %dma_wait3A_300 = tpu.memref_squeeze %dma_wait3A_299 : memref<1x128x128xf32, #tpu.memory_space<vmem>> -> memref<128x128xf32, #tpu.memory_space<vmem>>
        %dma_wait3A_301 = arith.constant 0 : i32
        %dma_wait3A_302 = tpu.memref_slice %arg4[%mul3A_294, %dma_wait3A_301] : memref<250000x128xf32, #tpu.memory_space<hbm>> -> memref<128x128xf32, #tpu.memory_space<hbm>>
        %dma_wait3A_303 = tpu.memref_slice %arg9[%dma_wait3A_296] : memref<2x!tpu.dma_semaphore, #tpu.memory_space<semaphore_mem>> -> memref<1x!tpu.dma_semaphore, #tpu.memory_space<semaphore_mem>>
        %dma_wait3A_304 = tpu.memref_squeeze %dma_wait3A_303 : memref<1x!tpu.dma_semaphore, #tpu.memory_space<semaphore_mem>> -> memref<!tpu.dma_semaphore, #tpu.memory_space<semaphore_mem>>
        %dma_wait3A_305 = arith.constant 0 : i32
        %dma_wait3A_306 = tpu.memref_slice %arg4[%mul3A_294, %dma_wait3A_305] : memref<250000x128xf32, #tpu.memory_space<hbm>> -> memref<128x128xf32, #tpu.memory_space<hbm>>
        %dma_wait3A_307 = arith.constant 0 : i32
        %dma_wait3A_308 = arith.constant 0 : i32
        %dma_wait3A_309 = tpu.memref_slice %arg6[%dma_wait3A_295, %dma_wait3A_307, %dma_wait3A_308] : memref<2x128x128xf32, #tpu.memory_space<vmem>> -> memref<1x128x128xf32, #tpu.memory_space<vmem>>
        %dma_wait3A_310 = tpu.memref_squeeze %dma_wait3A_309 : memref<1x128x128xf32, #tpu.memory_space<vmem>> -> memref<128x128xf32, #tpu.memory_space<vmem>>
        tpu.wait_dma2 semaphore(%dma_wait3A_304 : memref<!tpu.dma_semaphore, #tpu.memory_space<semaphore_mem>>) src(%dma_wait3A_310 : memref<128x128xf32, #tpu.memory_space<vmem>>) dst(%dma_wait3A_306 : memref<128x128xf32, #tpu.memory_space<hbm>>)
      } else {
      }
      %broadcast_in_dim3A_260 = arith.constant 0 : i32
      %broadcast_in_dim3A_261 = vector.broadcast %broadcast_in_dim3A_260 : i32 to vector<16xi32>
      %parallel_loop3A_262 = arith.constant 0 : i32
      %parallel_loop3A_263 = arith.constant 128 : i32
      %parallel_loop3A_264 = arith.constant 1 : i32
      %parallel_loop3A_265 = scf.for %parallel_loop3A_291 = %parallel_loop3A_262 to %parallel_loop3A_263 step %parallel_loop3A_264 iter_args(%parallel_loop3A_292 = %broadcast_in_dim3A_261) -> (vector<16xi32>)  : i32 {
        %parallel_loop3A_293 = arith.addi %parallel_loop3A_292, %broadcast_in_dim3A_30 : vector<16xi32>
        %parallel_loop3A_294 = arith.constant 1 : i32
        %parallel_loop3A_295 = arith.constant 0 : i32
        %parallel_loop3A_296 = arith.constant 0 : i32
        %parallel_loop3A_297 = tpu.memref_slice %arg5[%parallel_loop3A_294, %parallel_loop3A_295, %parallel_loop3A_296] : memref<2x32x513xf32, #tpu.memory_space<vmem>> -> memref<1x32x513xf32, #tpu.memory_space<vmem>>
        %parallel_loop3A_298 = tpu.memref_squeeze %parallel_loop3A_297 : memref<1x32x513xf32, #tpu.memory_space<vmem>> -> memref<32x513xf32, #tpu.memory_space<vmem>>
        %parallel_loop3A_299 = tpu.vector_load_idx %parallel_loop3A_298[%iota3A, %parallel_loop3A_293] : memref<32x513xf32, #tpu.memory_space<vmem>>[vector<16xi32>, vector<16xi32>], vector<16xf32>,
        %parallel_loop3A_300 = arith.constant 1 : i32
        %parallel_loop3A_301 = arith.index_cast %parallel_loop3A_300 : i32 to index
        %parallel_loop3A_302 = arith.index_cast %parallel_loop3A_291 : i32 to index
        %parallel_loop3A_303 = arith.constant 0 : index
        %parallel_loop3A_304 = tpu.vector_load %arg6[%parallel_loop3A_301, %parallel_loop3A_302, %parallel_loop3A_303] {strides = array<i32>} : memref<2x128x128xf32, #tpu.memory_space<vmem>>, vector<16xf32>,
        tpu.vector_store %arg6[%parallel_loop3A_301, %parallel_loop3A_302, %parallel_loop3A_303], %parallel_loop3A_299 {strides = array<i32>} : memref<2x128x128xf32, #tpu.memory_space<vmem>>, vector<16xf32>,
        %parallel_loop3A_305 = arith.addi %parallel_loop3A_292, %broadcast_in_dim3A_30 : vector<16xi32>
        %parallel_loop3A_306 = arith.constant 1 : i32
        %parallel_loop3A_307 = arith.constant 0 : i32
        %parallel_loop3A_308 = arith.constant 0 : i32
        %parallel_loop3A_309 = tpu.memref_slice %arg5[%parallel_loop3A_306, %parallel_loop3A_307, %parallel_loop3A_308] : memref<2x32x513xf32, #tpu.memory_space<vmem>> -> memref<1x32x513xf32, #tpu.memory_space<vmem>>
        %parallel_loop3A_310 = tpu.memref_squeeze %parallel_loop3A_309 : memref<1x32x513xf32, #tpu.memory_space<vmem>> -> memref<32x513xf32, #tpu.memory_space<vmem>>
        %parallel_loop3A_311 = tpu.vector_load_idx %parallel_loop3A_310[%add3A_29, %parallel_loop3A_305] : memref<32x513xf32, #tpu.memory_space<vmem>>[vector<16xi32>, vector<16xi32>], vector<16xf32>,
        %parallel_loop3A_312 = arith.constant 1 : i32
        %parallel_loop3A_313 = arith.index_cast %parallel_loop3A_312 : i32 to index
        %parallel_loop3A_314 = arith.index_cast %parallel_loop3A_291 : i32 to index
        %parallel_loop3A_315 = arith.constant 16 : index
        %parallel_loop3A_316 = tpu.vector_load %arg6[%parallel_loop3A_313, %parallel_loop3A_314, %parallel_loop3A_315] {strides = array<i32>} : memref<2x128x128xf32, #tpu.memory_space<vmem>>, vector<16xf32>,
        tpu.vector_store %arg6[%parallel_loop3A_313, %parallel_loop3A_314, %parallel_loop3A_315], %parallel_loop3A_311 {strides = array<i32>} : memref<2x128x128xf32, #tpu.memory_space<vmem>>, vector<16xf32>,
        %parallel_loop3A_317 = arith.addi %parallel_loop3A_292, %broadcast_in_dim3A_32 : vector<16xi32>
        %parallel_loop3A_318 = arith.constant 1 : i32
        %parallel_loop3A_319 = arith.constant 0 : i32
        %parallel_loop3A_320 = arith.constant 0 : i32
        %parallel_loop3A_321 = tpu.memref_slice %arg5[%parallel_loop3A_318, %parallel_loop3A_319, %parallel_loop3A_320] : memref<2x32x513xf32, #tpu.memory_space<vmem>> -> memref<1x32x513xf32, #tpu.memory_space<vmem>>
        %parallel_loop3A_322 = tpu.memref_squeeze %parallel_loop3A_321 : memref<1x32x513xf32, #tpu.memory_space<vmem>> -> memref<32x513xf32, #tpu.memory_space<vmem>>
        %parallel_loop3A_323 = tpu.vector_load_idx %parallel_loop3A_322[%iota3A, %parallel_loop3A_317] : memref<32x513xf32, #tpu.memory_space<vmem>>[vector<16xi32>, vector<16xi32>], vector<16xf32>,
        %parallel_loop3A_324 = arith.constant 1 : i32
        %parallel_loop3A_325 = arith.index_cast %parallel_loop3A_324 : i32 to index
        %parallel_loop3A_326 = arith.index_cast %parallel_loop3A_291 : i32 to index
        %parallel_loop3A_327 = arith.constant 32 : index
        %parallel_loop3A_328 = tpu.vector_load %arg6[%parallel_loop3A_325, %parallel_loop3A_326, %parallel_loop3A_327] {strides = array<i32>} : memref<2x128x128xf32, #tpu.memory_space<vmem>>, vector<16xf32>,
        tpu.vector_store %arg6[%parallel_loop3A_325, %parallel_loop3A_326, %parallel_loop3A_327], %parallel_loop3A_323 {strides = array<i32>} : memref<2x128x128xf32, #tpu.memory_space<vmem>>, vector<16xf32>,
        %parallel_loop3A_329 = arith.addi %parallel_loop3A_292, %broadcast_in_dim3A_32 : vector<16xi32>
        %parallel_loop3A_330 = arith.constant 1 : i32
        %parallel_loop3A_331 = arith.constant 0 : i32
        %parallel_loop3A_332 = arith.constant 0 : i32
        %parallel_loop3A_333 = tpu.memref_slice %arg5[%parallel_loop3A_330, %parallel_loop3A_331, %parallel_loop3A_332] : memref<2x32x513xf32, #tpu.memory_space<vmem>> -> memref<1x32x513xf32, #tpu.memory_space<vmem>>
        %parallel_loop3A_334 = tpu.memref_squeeze %parallel_loop3A_333 : memref<1x32x513xf32, #tpu.memory_space<vmem>> -> memref<32x513xf32, #tpu.memory_space<vmem>>
        %parallel_loop3A_335 = tpu.vector_load_idx %parallel_loop3A_334[%add3A_29, %parallel_loop3A_329] : memref<32x513xf32, #tpu.memory_space<vmem>>[vector<16xi32>, vector<16xi32>], vector<16xf32>,
        %parallel_loop3A_336 = arith.constant 1 : i32
        %parallel_loop3A_337 = arith.index_cast %parallel_loop3A_336 : i32 to index
        %parallel_loop3A_338 = arith.index_cast %parallel_loop3A_291 : i32 to index
        %parallel_loop3A_339 = arith.constant 48 : index
        %parallel_loop3A_340 = tpu.vector_load %arg6[%parallel_loop3A_337, %parallel_loop3A_338, %parallel_loop3A_339] {strides = array<i32>} : memref<2x128x128xf32, #tpu.memory_space<vmem>>, vector<16xf32>,
        tpu.vector_store %arg6[%parallel_loop3A_337, %parallel_loop3A_338, %parallel_loop3A_339], %parallel_loop3A_335 {strides = array<i32>} : memref<2x128x128xf32, #tpu.memory_space<vmem>>, vector<16xf32>,
        %parallel_loop3A_341 = arith.addi %parallel_loop3A_292, %broadcast_in_dim3A_34 : vector<16xi32>
        %parallel_loop3A_342 = arith.constant 1 : i32
        %parallel_loop3A_343 = arith.constant 0 : i32
        %parallel_loop3A_344 = arith.constant 0 : i32
        %parallel_loop3A_345 = tpu.memref_slice %arg5[%parallel_loop3A_342, %parallel_loop3A_343, %parallel_loop3A_344] : memref<2x32x513xf32, #tpu.memory_space<vmem>> -> memref<1x32x513xf32, #tpu.memory_space<vmem>>
        %parallel_loop3A_346 = tpu.memref_squeeze %parallel_loop3A_345 : memref<1x32x513xf32, #tpu.memory_space<vmem>> -> memref<32x513xf32, #tpu.memory_space<vmem>>
        %parallel_loop3A_347 = tpu.vector_load_idx %parallel_loop3A_346[%iota3A, %parallel_loop3A_341] : memref<32x513xf32, #tpu.memory_space<vmem>>[vector<16xi32>, vector<16xi32>], vector<16xf32>,
        %parallel_loop3A_348 = arith.constant 1 : i32
        %parallel_loop3A_349 = arith.index_cast %parallel_loop3A_348 : i32 to index
        %parallel_loop3A_350 = arith.index_cast %parallel_loop3A_291 : i32 to index
        %parallel_loop3A_351 = arith.constant 64 : index
        %parallel_loop3A_352 = tpu.vector_load %arg6[%parallel_loop3A_349, %parallel_loop3A_350, %parallel_loop3A_351] {strides = array<i32>} : memref<2x128x128xf32, #tpu.memory_space<vmem>>, vector<16xf32>,
        tpu.vector_store %arg6[%parallel_loop3A_349, %parallel_loop3A_350, %parallel_loop3A_351], %parallel_loop3A_347 {strides = array<i32>} : memref<2x128x128xf32, #tpu.memory_space<vmem>>, vector<16xf32>,
        %parallel_loop3A_353 = arith.addi %parallel_loop3A_292, %broadcast_in_dim3A_34 : vector<16xi32>
        %parallel_loop3A_354 = arith.constant 1 : i32
        %parallel_loop3A_355 = arith.constant 0 : i32
        %parallel_loop3A_356 = arith.constant 0 : i32
        %parallel_loop3A_357 = tpu.memref_slice %arg5[%parallel_loop3A_354, %parallel_loop3A_355, %parallel_loop3A_356] : memref<2x32x513xf32, #tpu.memory_space<vmem>> -> memref<1x32x513xf32, #tpu.memory_space<vmem>>
        %parallel_loop3A_358 = tpu.memref_squeeze %parallel_loop3A_357 : memref<1x32x513xf32, #tpu.memory_space<vmem>> -> memref<32x513xf32, #tpu.memory_space<vmem>>
        %parallel_loop3A_359 = tpu.vector_load_idx %parallel_loop3A_358[%add3A_29, %parallel_loop3A_353] : memref<32x513xf32, #tpu.memory_space<vmem>>[vector<16xi32>, vector<16xi32>], vector<16xf32>,
        %parallel_loop3A_360 = arith.constant 1 : i32
        %parallel_loop3A_361 = arith.index_cast %parallel_loop3A_360 : i32 to index
        %parallel_loop3A_362 = arith.index_cast %parallel_loop3A_291 : i32 to index
        %parallel_loop3A_363 = arith.constant 80 : index
        %parallel_loop3A_364 = tpu.vector_load %arg6[%parallel_loop3A_361, %parallel_loop3A_362, %parallel_loop3A_363] {strides = array<i32>} : memref<2x128x128xf32, #tpu.memory_space<vmem>>, vector<16xf32>,
        tpu.vector_store %arg6[%parallel_loop3A_361, %parallel_loop3A_362, %parallel_loop3A_363], %parallel_loop3A_359 {strides = array<i32>} : memref<2x128x128xf32, #tpu.memory_space<vmem>>, vector<16xf32>,
        %parallel_loop3A_365 = arith.addi %parallel_loop3A_292, %broadcast_in_dim3A_36 : vector<16xi32>
        %parallel_loop3A_366 = arith.constant 1 : i32
        %parallel_loop3A_367 = arith.constant 0 : i32
        %parallel_loop3A_368 = arith.constant 0 : i32
        %parallel_loop3A_369 = tpu.memref_slice %arg5[%parallel_loop3A_366, %parallel_loop3A_367, %parallel_loop3A_368] : memref<2x32x513xf32, #tpu.memory_space<vmem>> -> memref<1x32x513xf32, #tpu.memory_space<vmem>>
        %parallel_loop3A_370 = tpu.memref_squeeze %parallel_loop3A_369 : memref<1x32x513xf32, #tpu.memory_space<vmem>> -> memref<32x513xf32, #tpu.memory_space<vmem>>
        %parallel_loop3A_371 = tpu.vector_load_idx %parallel_loop3A_370[%iota3A, %parallel_loop3A_365] : memref<32x513xf32, #tpu.memory_space<vmem>>[vector<16xi32>, vector<16xi32>], vector<16xf32>,
        %parallel_loop3A_372 = arith.constant 1 : i32
        %parallel_loop3A_373 = arith.index_cast %parallel_loop3A_372 : i32 to index
        %parallel_loop3A_374 = arith.index_cast %parallel_loop3A_291 : i32 to index
        %parallel_loop3A_375 = arith.constant 96 : index
        %parallel_loop3A_376 = tpu.vector_load %arg6[%parallel_loop3A_373, %parallel_loop3A_374, %parallel_loop3A_375] {strides = array<i32>} : memref<2x128x128xf32, #tpu.memory_space<vmem>>, vector<16xf32>,
        tpu.vector_store %arg6[%parallel_loop3A_373, %parallel_loop3A_374, %parallel_loop3A_375], %parallel_loop3A_371 {strides = array<i32>} : memref<2x128x128xf32, #tpu.memory_space<vmem>>, vector<16xf32>,
        %parallel_loop3A_377 = arith.addi %parallel_loop3A_292, %broadcast_in_dim3A_36 : vector<16xi32>
        %parallel_loop3A_378 = arith.constant 1 : i32
        %parallel_loop3A_379 = arith.constant 0 : i32
        %parallel_loop3A_380 = arith.constant 0 : i32
        %parallel_loop3A_381 = tpu.memref_slice %arg5[%parallel_loop3A_378, %parallel_loop3A_379, %parallel_loop3A_380] : memref<2x32x513xf32, #tpu.memory_space<vmem>> -> memref<1x32x513xf32, #tpu.memory_space<vmem>>
        %parallel_loop3A_382 = tpu.memref_squeeze %parallel_loop3A_381 : memref<1x32x513xf32, #tpu.memory_space<vmem>> -> memref<32x513xf32, #tpu.memory_space<vmem>>
        %parallel_loop3A_383 = tpu.vector_load_idx %parallel_loop3A_382[%add3A_29, %parallel_loop3A_377] : memref<32x513xf32, #tpu.memory_space<vmem>>[vector<16xi32>, vector<16xi32>], vector<16xf32>,
        %parallel_loop3A_384 = arith.constant 1 : i32
        %parallel_loop3A_385 = arith.index_cast %parallel_loop3A_384 : i32 to index
        %parallel_loop3A_386 = arith.index_cast %parallel_loop3A_291 : i32 to index
        %parallel_loop3A_387 = arith.constant 112 : index
        %parallel_loop3A_388 = tpu.vector_load %arg6[%parallel_loop3A_385, %parallel_loop3A_386, %parallel_loop3A_387] {strides = array<i32>} : memref<2x128x128xf32, #tpu.memory_space<vmem>>, vector<16xf32>,
        tpu.vector_store %arg6[%parallel_loop3A_385, %parallel_loop3A_386, %parallel_loop3A_387], %parallel_loop3A_383 {strides = array<i32>} : memref<2x128x128xf32, #tpu.memory_space<vmem>>, vector<16xf32>,
        %parallel_loop3A_389 = arith.addi %parallel_loop3A_292, %broadcast_in_dim3A_38 : vector<16xi32>
        scf.yield %parallel_loop3A_389 : vector<16xi32>
      } {sc.loop_unroll_factor = 4 : i64, sc.parallel_access}
      %add3A_266 = arith.addi %add3A_4, %add3A_229 : i32
      %mul3A_267 = arith.constant 128 : i32
      %mul3A_268 = arith.muli %add3A_266, %mul3A_267 : i32
      %dma_start3A_269 = arith.constant 1 : i32
      %dma_start3A_270 = arith.constant 1 : i32
      %dma_start3A_271 = arith.constant 0 : i32
      %dma_start3A_272 = arith.constant 0 : i32
      %dma_start3A_273 = tpu.memref_slice %arg6[%dma_start3A_269, %dma_start3A_271, %dma_start3A_272] : memref<2x128x128xf32, #tpu.memory_space<vmem>> -> memref<1x128x128xf32, #tpu.memory_space<vmem>>
      %dma_start3A_274 = tpu.memref_squeeze %dma_start3A_273 : memref<1x128x128xf32, #tpu.memory_space<vmem>> -> memref<128x128xf32, #tpu.memory_space<vmem>>
      %dma_start3A_275 = arith.constant 0 : i32
      %dma_start3A_276 = tpu.memref_slice %arg4[%mul3A_268, %dma_start3A_275] : memref<250000x128xf32, #tpu.memory_space<hbm>> -> memref<128x128xf32, #tpu.memory_space<hbm>>
      %dma_start3A_277 = tpu.memref_slice %arg9[%dma_start3A_270] : memref<2x!tpu.dma_semaphore, #tpu.memory_space<semaphore_mem>> -> memref<1x!tpu.dma_semaphore, #tpu.memory_space<semaphore_mem>>
      %dma_start3A_278 = tpu.memref_squeeze %dma_start3A_277 : memref<1x!tpu.dma_semaphore, #tpu.memory_space<semaphore_mem>> -> memref<!tpu.dma_semaphore, #tpu.memory_space<semaphore_mem>>
      %dma_start3A_279 = arith.constant 0 : i32
      %dma_start3A_280 = tpu.memref_slice %arg4[%mul3A_268, %dma_start3A_279] : memref<250000x128xf32, #tpu.memory_space<hbm>> -> memref<128x128xf32, #tpu.memory_space<hbm>>
      %dma_start3A_281 = arith.constant 0 : i32
      %dma_start3A_282 = arith.constant 0 : i32
      %dma_start3A_283 = tpu.memref_slice %arg6[%dma_start3A_269, %dma_start3A_281, %dma_start3A_282] : memref<2x128x128xf32, #tpu.memory_space<vmem>> -> memref<1x128x128xf32, #tpu.memory_space<vmem>>
      %dma_start3A_284 = tpu.memref_squeeze %dma_start3A_283 : memref<1x128x128xf32, #tpu.memory_space<vmem>> -> memref<128x128xf32, #tpu.memory_space<vmem>>
      tpu.enqueue_dma source(%dma_start3A_284 : memref<128x128xf32, #tpu.memory_space<vmem>>) target(%dma_start3A_280 : memref<128x128xf32, #tpu.memory_space<hbm>>) target_semaphore(%dma_start3A_278 : memref<!tpu.dma_semaphore, #tpu.memory_space<semaphore_mem>>)
      %add3A_285 = arith.constant 2 : i32
      %add3A_286 = arith.addi %add3A_229, %add3A_285 : i32
      %lt3A_287 = arith.cmpi slt, %add3A_286, %add3A_8 : i32
      %convert_element_type3A_288 = arith.extui %lt3A_287 : i1 to i32
      %cond3A_289 = arith.constant 0 : i32
      %cond3A_290 = arith.cmpi ne, %convert_element_type3A_288, %cond3A_289 : i32
      scf.if %cond3A_290 {
        %add3A_291 = arith.constant 2 : i32
        %add3A_292 = arith.addi %add3A_229, %add3A_291 : i32
        %add3A_293 = arith.addi %add3A_4, %add3A_292 : i32
        %mul3A_294 = arith.constant 512 : i32
        %mul3A_295 = arith.muli %add3A_293, %mul3A_294 : i32
        %dma_start3A_296 = arith.constant 1 : i32
        %dma_start3A_297 = arith.constant 1 : i32
        %dma_start3A_298 = arith.constant 0 : i32
        %dma_start3A_299 = arith.constant 0 : i32
        %dma_start3A_300 = tpu.memref_slice %arg5[%dma_start3A_296, %dma_start3A_298, %dma_start3A_299] : memref<2x32x513xf32, #tpu.memory_space<vmem>> -> memref<1x32x513xf32, #tpu.memory_space<vmem>>
        %dma_start3A_301 = tpu.memref_squeeze %dma_start3A_300 : memref<1x32x513xf32, #tpu.memory_space<vmem>> -> memref<32x513xf32, #tpu.memory_space<vmem>>
        %dma_start3A_302 = arith.constant 0 : i32
        %dma_start3A_303 = arith.constant 0 : i32
        %dma_start3A_304 = tpu.memref_slice %dma_start3A_301[%dma_start3A_302, %dma_start3A_303] : memref<32x513xf32, #tpu.memory_space<vmem>> -> memref<32x512xf32, #tpu.memory_space<vmem>>
        %dma_start3A_305 = arith.constant 0 : i32
        %dma_start3A_306 = tpu.memref_slice %arg2[%dma_start3A_305, %mul3A_295] : memref<32x1000000xf32, #tpu.memory_space<hbm>> -> memref<32x512xf32, #tpu.memory_space<hbm>>
        %dma_start3A_307 = tpu.memref_slice %arg8[%dma_start3A_297] : memref<2x!tpu.dma_semaphore, #tpu.memory_space<semaphore_mem>> -> memref<1x!tpu.dma_semaphore, #tpu.memory_space<semaphore_mem>>
        %dma_start3A_308 = tpu.memref_squeeze %dma_start3A_307 : memref<1x!tpu.dma_semaphore, #tpu.memory_space<semaphore_mem>> -> memref<!tpu.dma_semaphore, #tpu.memory_space<semaphore_mem>>
        %dma_start3A_309 = arith.constant 0 : i32
        %dma_start3A_310 = arith.constant 0 : i32
        %dma_start3A_311 = tpu.memref_slice %arg5[%dma_start3A_296, %dma_start3A_309, %dma_start3A_310] : memref<2x32x513xf32, #tpu.memory_space<vmem>> -> memref<1x32x513xf32, #tpu.memory_space<vmem>>
        %dma_start3A_312 = tpu.memref_squeeze %dma_start3A_311 : memref<1x32x513xf32, #tpu.memory_space<vmem>> -> memref<32x513xf32, #tpu.memory_space<vmem>>
        %dma_start3A_313 = arith.constant 0 : i32
        %dma_start3A_314 = arith.constant 0 : i32
        %dma_start3A_315 = tpu.memref_slice %dma_start3A_312[%dma_start3A_313, %dma_start3A_314] : memref<32x513xf32, #tpu.memory_space<vmem>> -> memref<32x512xf32, #tpu.memory_space<vmem>>
        %dma_start3A_316 = arith.constant 0 : i32
        %dma_start3A_317 = tpu.memref_slice %arg2[%dma_start3A_316, %mul3A_295] : memref<32x1000000xf32, #tpu.memory_space<hbm>> -> memref<32x512xf32, #tpu.memory_space<hbm>>
        tpu.enqueue_dma source(%dma_start3A_317 : memref<32x512xf32, #tpu.memory_space<hbm>>) target(%dma_start3A_315 : memref<32x512xf32, #tpu.memory_space<vmem>>) target_semaphore(%dma_start3A_308 : memref<!tpu.dma_semaphore, #tpu.memory_space<semaphore_mem>>)
      } else {
      }
    }
    %while3A_105 = arith.constant 1 : i32
    scf.for %while3A_160 = %while3A_103 to %while3A_99 step %while3A_105  : i32 {
      %mul3A_161 = arith.muli %while3A_160, %while3A : i32
      %add3A_162 = arith.addi %while3A_96, %mul3A_161 : i32
      %mul3A_163 = arith.constant 2 : i32
      %mul3A_164 = arith.muli %mul3A_163, %add3A_162 : i32
      %add3A_165 = arith.constant 0 : i32
      %add3A_166 = arith.addi %mul3A_164, %add3A_165 : i32
      %add3A_167 = arith.addi %add3A_4, %add3A_166 : i32
      %mul3A_168 = arith.constant 512 : i32
      %mul3A_169 = arith.muli %add3A_167, %mul3A_168 : i32
      %dma_wait3A = arith.constant 0 : i32
      %dma_wait3A_170 = arith.constant 0 : i32
      %dma_wait3A_171 = arith.constant 0 : i32
      %dma_wait3A_172 = arith.constant 0 : i32
      %dma_wait3A_173 = tpu.memref_slice %arg5[%dma_wait3A, %dma_wait3A_171, %dma_wait3A_172] : memref<2x32x513xf32, #tpu.memory_space<vmem>> -> memref<1x32x513xf32, #tpu.memory_space<vmem>>
      %dma_wait3A_174 = tpu.memref_squeeze %dma_wait3A_173 : memref<1x32x513xf32, #tpu.memory_space<vmem>> -> memref<32x513xf32, #tpu.memory_space<vmem>>
      %dma_wait3A_175 = arith.constant 0 : i32
      %dma_wait3A_176 = arith.constant 0 : i32
      %dma_wait3A_177 = tpu.memref_slice %dma_wait3A_174[%dma_wait3A_175, %dma_wait3A_176] : memref<32x513xf32, #tpu.memory_space<vmem>> -> memref<32x512xf32, #tpu.memory_space<vmem>>
      %dma_wait3A_178 = arith.constant 0 : i32
      %dma_wait3A_179 = tpu.memref_slice %arg2[%dma_wait3A_178, %mul3A_169] : memref<32x1000000xf32, #tpu.memory_space<hbm>> -> memref<32x512xf32, #tpu.memory_space<hbm>>
      %dma_wait3A_180 = tpu.memref_slice %arg8[%dma_wait3A_170] : memref<2x!tpu.dma_semaphore, #tpu.memory_space<semaphore_mem>> -> memref<1x!tpu.dma_semaphore, #tpu.memory_space<semaphore_mem>>
      %dma_wait3A_181 = tpu.memref_squeeze %dma_wait3A_180 : memref<1x!tpu.dma_semaphore, #tpu.memory_space<semaphore_mem>> -> memref<!tpu.dma_semaphore, #tpu.memory_space<semaphore_mem>>
      %dma_wait3A_182 = arith.constant 0 : i32
      %dma_wait3A_183 = arith.constant 0 : i32
      %dma_wait3A_184 = tpu.memref_slice %arg5[%dma_wait3A, %dma_wait3A_182, %dma_wait3A_183] : memref<2x32x513xf32, #tpu.memory_space<vmem>> -> memref<1x32x513xf32, #tpu.memory_space<vmem>>
      %dma_wait3A_185 = tpu.memref_squeeze %dma_wait3A_184 : memref<1x32x513xf32, #tpu.memory_space<vmem>> -> memref<32x513xf32, #tpu.memory_space<vmem>>
      %dma_wait3A_186 = arith.constant 0 : i32
      %dma_wait3A_187 = arith.constant 0 : i32
      %dma_wait3A_188 = tpu.memref_slice %dma_wait3A_185[%dma_wait3A_186, %dma_wait3A_187] : memref<32x513xf32, #tpu.memory_space<vmem>> -> memref<32x512xf32, #tpu.memory_space<vmem>>
      %dma_wait3A_189 = arith.constant 0 : i32
      %dma_wait3A_190 = tpu.memref_slice %arg2[%dma_wait3A_189, %mul3A_169] : memref<32x1000000xf32, #tpu.memory_space<hbm>> -> memref<32x512xf32, #tpu.memory_space<hbm>>
      tpu.wait_dma2 semaphore(%dma_wait3A_181 : memref<!tpu.dma_semaphore, #tpu.memory_space<semaphore_mem>>) src(%dma_wait3A_190 : memref<32x512xf32, #tpu.memory_space<hbm>>) dst(%dma_wait3A_188 : memref<32x512xf32, #tpu.memory_space<vmem>>)
      %gt3A_191 = arith.constant 0 : i32
      %gt3A_192 = arith.cmpi sgt, %add3A_162, %gt3A_191 : i32
      %convert_element_type3A_193 = arith.extui %gt3A_192 : i1 to i32
      %cond3A_194 = arith.constant 0 : i32
      %cond3A_195 = arith.cmpi ne, %convert_element_type3A_193, %cond3A_194 : i32
      scf.if %cond3A_195 {
        %add3A_291 = arith.constant 0 : i32
        %add3A_292 = arith.addi %add3A_4, %add3A_291 : i32
        %mul3A_293 = arith.constant 128 : i32
        %mul3A_294 = arith.muli %add3A_292, %mul3A_293 : i32
        %dma_wait3A_295 = arith.constant 0 : i32
        %dma_wait3A_296 = arith.constant 0 : i32
        %dma_wait3A_297 = arith.constant 0 : i32
        %dma_wait3A_298 = arith.constant 0 : i32
        %dma_wait3A_299 = tpu.memref_slice %arg6[%dma_wait3A_295, %dma_wait3A_297, %dma_wait3A_298] : memref<2x128x128xf32, #tpu.memory_space<vmem>> -> memref<1x128x128xf32, #tpu.memory_space<vmem>>
        %dma_wait3A_300 = tpu.memref_squeeze %dma_wait3A_299 : memref<1x128x128xf32, #tpu.memory_space<vmem>> -> memref<128x128xf32, #tpu.memory_space<vmem>>
        %dma_wait3A_301 = arith.constant 0 : i32
        %dma_wait3A_302 = tpu.memref_slice %arg4[%mul3A_294, %dma_wait3A_301] : memref<250000x128xf32, #tpu.memory_space<hbm>> -> memref<128x128xf32, #tpu.memory_space<hbm>>
        %dma_wait3A_303 = tpu.memref_slice %arg9[%dma_wait3A_296] : memref<2x!tpu.dma_semaphore, #tpu.memory_space<semaphore_mem>> -> memref<1x!tpu.dma_semaphore, #tpu.memory_space<semaphore_mem>>
        %dma_wait3A_304 = tpu.memref_squeeze %dma_wait3A_303 : memref<1x!tpu.dma_semaphore, #tpu.memory_space<semaphore_mem>> -> memref<!tpu.dma_semaphore, #tpu.memory_space<semaphore_mem>>
        %dma_wait3A_305 = arith.constant 0 : i32
        %dma_wait3A_306 = tpu.memref_slice %arg4[%mul3A_294, %dma_wait3A_305] : memref<250000x128xf32, #tpu.memory_space<hbm>> -> memref<128x128xf32, #tpu.memory_space<hbm>>
        %dma_wait3A_307 = arith.constant 0 : i32
        %dma_wait3A_308 = arith.constant 0 : i32
        %dma_wait3A_309 = tpu.memref_slice %arg6[%dma_wait3A_295, %dma_wait3A_307, %dma_wait3A_308] : memref<2x128x128xf32, #tpu.memory_space<vmem>> -> memref<1x128x128xf32, #tpu.memory_space<vmem>>
        %dma_wait3A_310 = tpu.memref_squeeze %dma_wait3A_309 : memref<1x128x128xf32, #tpu.memory_space<vmem>> -> memref<128x128xf32, #tpu.memory_space<vmem>>
        tpu.wait_dma2 semaphore(%dma_wait3A_304 : memref<!tpu.dma_semaphore, #tpu.memory_space<semaphore_mem>>) src(%dma_wait3A_310 : memref<128x128xf32, #tpu.memory_space<vmem>>) dst(%dma_wait3A_306 : memref<128x128xf32, #tpu.memory_space<hbm>>)
      } else {
      }
      %broadcast_in_dim3A_196 = arith.constant 0 : i32
      %broadcast_in_dim3A_197 = vector.broadcast %broadcast_in_dim3A_196 : i32 to vector<16xi32>
      %parallel_loop3A = arith.constant 0 : i32
      %parallel_loop3A_198 = arith.constant 128 : i32
      %parallel_loop3A_199 = arith.constant 1 : i32
      %parallel_loop3A_200 = scf.for %parallel_loop3A_291 = %parallel_loop3A to %parallel_loop3A_198 step %parallel_loop3A_199 iter_args(%parallel_loop3A_292 = %broadcast_in_dim3A_197) -> (vector<16xi32>)  : i32 {
        %parallel_loop3A_293 = arith.addi %parallel_loop3A_292, %broadcast_in_dim3A_30 : vector<16xi32>
        %parallel_loop3A_294 = arith.constant 0 : i32
        %parallel_loop3A_295 = arith.constant 0 : i32
        %parallel_loop3A_296 = arith.constant 0 : i32
        %parallel_loop3A_297 = tpu.memref_slice %arg5[%parallel_loop3A_294, %parallel_loop3A_295, %parallel_loop3A_296] : memref<2x32x513xf32, #tpu.memory_space<vmem>> -> memref<1x32x513xf32, #tpu.memory_space<vmem>>
        %parallel_loop3A_298 = tpu.memref_squeeze %parallel_loop3A_297 : memref<1x32x513xf32, #tpu.memory_space<vmem>> -> memref<32x513xf32, #tpu.memory_space<vmem>>
        %parallel_loop3A_299 = tpu.vector_load_idx %parallel_loop3A_298[%iota3A, %parallel_loop3A_293] : memref<32x513xf32, #tpu.memory_space<vmem>>[vector<16xi32>, vector<16xi32>], vector<16xf32>,
        %parallel_loop3A_300 = arith.constant 0 : i32
        %parallel_loop3A_301 = arith.index_cast %parallel_loop3A_300 : i32 to index
        %parallel_loop3A_302 = arith.index_cast %parallel_loop3A_291 : i32 to index
        %parallel_loop3A_303 = arith.constant 0 : index
        %parallel_loop3A_304 = tpu.vector_load %arg6[%parallel_loop3A_301, %parallel_loop3A_302, %parallel_loop3A_303] {strides = array<i32>} : memref<2x128x128xf32, #tpu.memory_space<vmem>>, vector<16xf32>,
        tpu.vector_store %arg6[%parallel_loop3A_301, %parallel_loop3A_302, %parallel_loop3A_303], %parallel_loop3A_299 {strides = array<i32>} : memref<2x128x128xf32, #tpu.memory_space<vmem>>, vector<16xf32>,
        %parallel_loop3A_305 = arith.addi %parallel_loop3A_292, %broadcast_in_dim3A_30 : vector<16xi32>
        %parallel_loop3A_306 = arith.constant 0 : i32
        %parallel_loop3A_307 = arith.constant 0 : i32
        %parallel_loop3A_308 = arith.constant 0 : i32
        %parallel_loop3A_309 = tpu.memref_slice %arg5[%parallel_loop3A_306, %parallel_loop3A_307, %parallel_loop3A_308] : memref<2x32x513xf32, #tpu.memory_space<vmem>> -> memref<1x32x513xf32, #tpu.memory_space<vmem>>
        %parallel_loop3A_310 = tpu.memref_squeeze %parallel_loop3A_309 : memref<1x32x513xf32, #tpu.memory_space<vmem>> -> memref<32x513xf32, #tpu.memory_space<vmem>>
        %parallel_loop3A_311 = tpu.vector_load_idx %parallel_loop3A_310[%add3A_29, %parallel_loop3A_305] : memref<32x513xf32, #tpu.memory_space<vmem>>[vector<16xi32>, vector<16xi32>], vector<16xf32>,
        %parallel_loop3A_312 = arith.constant 0 : i32
        %parallel_loop3A_313 = arith.index_cast %parallel_loop3A_312 : i32 to index
        %parallel_loop3A_314 = arith.index_cast %parallel_loop3A_291 : i32 to index
        %parallel_loop3A_315 = arith.constant 16 : index
        %parallel_loop3A_316 = tpu.vector_load %arg6[%parallel_loop3A_313, %parallel_loop3A_314, %parallel_loop3A_315] {strides = array<i32>} : memref<2x128x128xf32, #tpu.memory_space<vmem>>, vector<16xf32>,
        tpu.vector_store %arg6[%parallel_loop3A_313, %parallel_loop3A_314, %parallel_loop3A_315], %parallel_loop3A_311 {strides = array<i32>} : memref<2x128x128xf32, #tpu.memory_space<vmem>>, vector<16xf32>,
        %parallel_loop3A_317 = arith.addi %parallel_loop3A_292, %broadcast_in_dim3A_32 : vector<16xi32>
        %parallel_loop3A_318 = arith.constant 0 : i32
        %parallel_loop3A_319 = arith.constant 0 : i32
        %parallel_loop3A_320 = arith.constant 0 : i32
        %parallel_loop3A_321 = tpu.memref_slice %arg5[%parallel_loop3A_318, %parallel_loop3A_319, %parallel_loop3A_320] : memref<2x32x513xf32, #tpu.memory_space<vmem>> -> memref<1x32x513xf32, #tpu.memory_space<vmem>>
        %parallel_loop3A_322 = tpu.memref_squeeze %parallel_loop3A_321 : memref<1x32x513xf32, #tpu.memory_space<vmem>> -> memref<32x513xf32, #tpu.memory_space<vmem>>
        %parallel_loop3A_323 = tpu.vector_load_idx %parallel_loop3A_322[%iota3A, %parallel_loop3A_317] : memref<32x513xf32, #tpu.memory_space<vmem>>[vector<16xi32>, vector<16xi32>], vector<16xf32>,
        %parallel_loop3A_324 = arith.constant 0 : i32
        %parallel_loop3A_325 = arith.index_cast %parallel_loop3A_324 : i32 to index
        %parallel_loop3A_326 = arith.index_cast %parallel_loop3A_291 : i32 to index
        %parallel_loop3A_327 = arith.constant 32 : index
        %parallel_loop3A_328 = tpu.vector_load %arg6[%parallel_loop3A_325, %parallel_loop3A_326, %parallel_loop3A_327] {strides = array<i32>} : memref<2x128x128xf32, #tpu.memory_space<vmem>>, vector<16xf32>,
        tpu.vector_store %arg6[%parallel_loop3A_325, %parallel_loop3A_326, %parallel_loop3A_327], %parallel_loop3A_323 {strides = array<i32>} : memref<2x128x128xf32, #tpu.memory_space<vmem>>, vector<16xf32>,
        %parallel_loop3A_329 = arith.addi %parallel_loop3A_292, %broadcast_in_dim3A_32 : vector<16xi32>
        %parallel_loop3A_330 = arith.constant 0 : i32
        %parallel_loop3A_331 = arith.constant 0 : i32
        %parallel_loop3A_332 = arith.constant 0 : i32
        %parallel_loop3A_333 = tpu.memref_slice %arg5[%parallel_loop3A_330, %parallel_loop3A_331, %parallel_loop3A_332] : memref<2x32x513xf32, #tpu.memory_space<vmem>> -> memref<1x32x513xf32, #tpu.memory_space<vmem>>
        %parallel_loop3A_334 = tpu.memref_squeeze %parallel_loop3A_333 : memref<1x32x513xf32, #tpu.memory_space<vmem>> -> memref<32x513xf32, #tpu.memory_space<vmem>>
        %parallel_loop3A_335 = tpu.vector_load_idx %parallel_loop3A_334[%add3A_29, %parallel_loop3A_329] : memref<32x513xf32, #tpu.memory_space<vmem>>[vector<16xi32>, vector<16xi32>], vector<16xf32>,
        %parallel_loop3A_336 = arith.constant 0 : i32
        %parallel_loop3A_337 = arith.index_cast %parallel_loop3A_336 : i32 to index
        %parallel_loop3A_338 = arith.index_cast %parallel_loop3A_291 : i32 to index
        %parallel_loop3A_339 = arith.constant 48 : index
        %parallel_loop3A_340 = tpu.vector_load %arg6[%parallel_loop3A_337, %parallel_loop3A_338, %parallel_loop3A_339] {strides = array<i32>} : memref<2x128x128xf32, #tpu.memory_space<vmem>>, vector<16xf32>,
        tpu.vector_store %arg6[%parallel_loop3A_337, %parallel_loop3A_338, %parallel_loop3A_339], %parallel_loop3A_335 {strides = array<i32>} : memref<2x128x128xf32, #tpu.memory_space<vmem>>, vector<16xf32>,
        %parallel_loop3A_341 = arith.addi %parallel_loop3A_292, %broadcast_in_dim3A_34 : vector<16xi32>
        %parallel_loop3A_342 = arith.constant 0 : i32
        %parallel_loop3A_343 = arith.constant 0 : i32
        %parallel_loop3A_344 = arith.constant 0 : i32
        %parallel_loop3A_345 = tpu.memref_slice %arg5[%parallel_loop3A_342, %parallel_loop3A_343, %parallel_loop3A_344] : memref<2x32x513xf32, #tpu.memory_space<vmem>> -> memref<1x32x513xf32, #tpu.memory_space<vmem>>
        %parallel_loop3A_346 = tpu.memref_squeeze %parallel_loop3A_345 : memref<1x32x513xf32, #tpu.memory_space<vmem>> -> memref<32x513xf32, #tpu.memory_space<vmem>>
        %parallel_loop3A_347 = tpu.vector_load_idx %parallel_loop3A_346[%iota3A, %parallel_loop3A_341] : memref<32x513xf32, #tpu.memory_space<vmem>>[vector<16xi32>, vector<16xi32>], vector<16xf32>,
        %parallel_loop3A_348 = arith.constant 0 : i32
        %parallel_loop3A_349 = arith.index_cast %parallel_loop3A_348 : i32 to index
        %parallel_loop3A_350 = arith.index_cast %parallel_loop3A_291 : i32 to index
        %parallel_loop3A_351 = arith.constant 64 : index
        %parallel_loop3A_352 = tpu.vector_load %arg6[%parallel_loop3A_349, %parallel_loop3A_350, %parallel_loop3A_351] {strides = array<i32>} : memref<2x128x128xf32, #tpu.memory_space<vmem>>, vector<16xf32>,
        tpu.vector_store %arg6[%parallel_loop3A_349, %parallel_loop3A_350, %parallel_loop3A_351], %parallel_loop3A_347 {strides = array<i32>} : memref<2x128x128xf32, #tpu.memory_space<vmem>>, vector<16xf32>,
        %parallel_loop3A_353 = arith.addi %parallel_loop3A_292, %broadcast_in_dim3A_34 : vector<16xi32>
        %parallel_loop3A_354 = arith.constant 0 : i32
        %parallel_loop3A_355 = arith.constant 0 : i32
        %parallel_loop3A_356 = arith.constant 0 : i32
        %parallel_loop3A_357 = tpu.memref_slice %arg5[%parallel_loop3A_354, %parallel_loop3A_355, %parallel_loop3A_356] : memref<2x32x513xf32, #tpu.memory_space<vmem>> -> memref<1x32x513xf32, #tpu.memory_space<vmem>>
        %parallel_loop3A_358 = tpu.memref_squeeze %parallel_loop3A_357 : memref<1x32x513xf32, #tpu.memory_space<vmem>> -> memref<32x513xf32, #tpu.memory_space<vmem>>
        %parallel_loop3A_359 = tpu.vector_load_idx %parallel_loop3A_358[%add3A_29, %parallel_loop3A_353] : memref<32x513xf32, #tpu.memory_space<vmem>>[vector<16xi32>, vector<16xi32>], vector<16xf32>,
        %parallel_loop3A_360 = arith.constant 0 : i32
        %parallel_loop3A_361 = arith.index_cast %parallel_loop3A_360 : i32 to index
        %parallel_loop3A_362 = arith.index_cast %parallel_loop3A_291 : i32 to index
        %parallel_loop3A_363 = arith.constant 80 : index
        %parallel_loop3A_364 = tpu.vector_load %arg6[%parallel_loop3A_361, %parallel_loop3A_362, %parallel_loop3A_363] {strides = array<i32>} : memref<2x128x128xf32, #tpu.memory_space<vmem>>, vector<16xf32>,
        tpu.vector_store %arg6[%parallel_loop3A_361, %parallel_loop3A_362, %parallel_loop3A_363], %parallel_loop3A_359 {strides = array<i32>} : memref<2x128x128xf32, #tpu.memory_space<vmem>>, vector<16xf32>,
        %parallel_loop3A_365 = arith.addi %parallel_loop3A_292, %broadcast_in_dim3A_36 : vector<16xi32>
        %parallel_loop3A_366 = arith.constant 0 : i32
        %parallel_loop3A_367 = arith.constant 0 : i32
        %parallel_loop3A_368 = arith.constant 0 : i32
        %parallel_loop3A_369 = tpu.memref_slice %arg5[%parallel_loop3A_366, %parallel_loop3A_367, %parallel_loop3A_368] : memref<2x32x513xf32, #tpu.memory_space<vmem>> -> memref<1x32x513xf32, #tpu.memory_space<vmem>>
        %parallel_loop3A_370 = tpu.memref_squeeze %parallel_loop3A_369 : memref<1x32x513xf32, #tpu.memory_space<vmem>> -> memref<32x513xf32, #tpu.memory_space<vmem>>
        %parallel_loop3A_371 = tpu.vector_load_idx %parallel_loop3A_370[%iota3A, %parallel_loop3A_365] : memref<32x513xf32, #tpu.memory_space<vmem>>[vector<16xi32>, vector<16xi32>], vector<16xf32>,
        %parallel_loop3A_372 = arith.constant 0 : i32
        %parallel_loop3A_373 = arith.index_cast %parallel_loop3A_372 : i32 to index
        %parallel_loop3A_374 = arith.index_cast %parallel_loop3A_291 : i32 to index
        %parallel_loop3A_375 = arith.constant 96 : index
        %parallel_loop3A_376 = tpu.vector_load %arg6[%parallel_loop3A_373, %parallel_loop3A_374, %parallel_loop3A_375] {strides = array<i32>} : memref<2x128x128xf32, #tpu.memory_space<vmem>>, vector<16xf32>,
        tpu.vector_store %arg6[%parallel_loop3A_373, %parallel_loop3A_374, %parallel_loop3A_375], %parallel_loop3A_371 {strides = array<i32>} : memref<2x128x128xf32, #tpu.memory_space<vmem>>, vector<16xf32>,
        %parallel_loop3A_377 = arith.addi %parallel_loop3A_292, %broadcast_in_dim3A_36 : vector<16xi32>
        %parallel_loop3A_378 = arith.constant 0 : i32
        %parallel_loop3A_379 = arith.constant 0 : i32
        %parallel_loop3A_380 = arith.constant 0 : i32
        %parallel_loop3A_381 = tpu.memref_slice %arg5[%parallel_loop3A_378, %parallel_loop3A_379, %parallel_loop3A_380] : memref<2x32x513xf32, #tpu.memory_space<vmem>> -> memref<1x32x513xf32, #tpu.memory_space<vmem>>
        %parallel_loop3A_382 = tpu.memref_squeeze %parallel_loop3A_381 : memref<1x32x513xf32, #tpu.memory_space<vmem>> -> memref<32x513xf32, #tpu.memory_space<vmem>>
        %parallel_loop3A_383 = tpu.vector_load_idx %parallel_loop3A_382[%add3A_29, %parallel_loop3A_377] : memref<32x513xf32, #tpu.memory_space<vmem>>[vector<16xi32>, vector<16xi32>], vector<16xf32>,
        %parallel_loop3A_384 = arith.constant 0 : i32
        %parallel_loop3A_385 = arith.index_cast %parallel_loop3A_384 : i32 to index
        %parallel_loop3A_386 = arith.index_cast %parallel_loop3A_291 : i32 to index
        %parallel_loop3A_387 = arith.constant 112 : index
        %parallel_loop3A_388 = tpu.vector_load %arg6[%parallel_loop3A_385, %parallel_loop3A_386, %parallel_loop3A_387] {strides = array<i32>} : memref<2x128x128xf32, #tpu.memory_space<vmem>>, vector<16xf32>,
        tpu.vector_store %arg6[%parallel_loop3A_385, %parallel_loop3A_386, %parallel_loop3A_387], %parallel_loop3A_383 {strides = array<i32>} : memref<2x128x128xf32, #tpu.memory_space<vmem>>, vector<16xf32>,
        %parallel_loop3A_389 = arith.addi %parallel_loop3A_292, %broadcast_in_dim3A_38 : vector<16xi32>
        scf.yield %parallel_loop3A_389 : vector<16xi32>
      } {sc.loop_unroll_factor = 4 : i64, sc.parallel_access}
      %add3A_201 = arith.addi %add3A_4, %add3A_166 : i32
      %mul3A_202 = arith.constant 128 : i32
      %mul3A_203 = arith.muli %add3A_201, %mul3A_202 : i32
      %dma_start3A_204 = arith.constant 0 : i32
      %dma_start3A_205 = arith.constant 0 : i32
      %dma_start3A_206 = arith.constant 0 : i32
      %dma_start3A_207 = arith.constant 0 : i32
      %dma_start3A_208 = tpu.memref_slice %arg6[%dma_start3A_204, %dma_start3A_206, %dma_start3A_207] : memref<2x128x128xf32, #tpu.memory_space<vmem>> -> memref<1x128x128xf32, #tpu.memory_space<vmem>>
      %dma_start3A_209 = tpu.memref_squeeze %dma_start3A_208 : memref<1x128x128xf32, #tpu.memory_space<vmem>> -> memref<128x128xf32, #tpu.memory_space<vmem>>
      %dma_start3A_210 = arith.constant 0 : i32
      %dma_start3A_211 = tpu.memref_slice %arg4[%mul3A_203, %dma_start3A_210] : memref<250000x128xf32, #tpu.memory_space<hbm>> -> memref<128x128xf32, #tpu.memory_space<hbm>>
      %dma_start3A_212 = tpu.memref_slice %arg9[%dma_start3A_205] : memref<2x!tpu.dma_semaphore, #tpu.memory_space<semaphore_mem>> -> memref<1x!tpu.dma_semaphore, #tpu.memory_space<semaphore_mem>>
      %dma_start3A_213 = tpu.memref_squeeze %dma_start3A_212 : memref<1x!tpu.dma_semaphore, #tpu.memory_space<semaphore_mem>> -> memref<!tpu.dma_semaphore, #tpu.memory_space<semaphore_mem>>
      %dma_start3A_214 = arith.constant 0 : i32
      %dma_start3A_215 = tpu.memref_slice %arg4[%mul3A_203, %dma_start3A_214] : memref<250000x128xf32, #tpu.memory_space<hbm>> -> memref<128x128xf32, #tpu.memory_space<hbm>>
      %dma_start3A_216 = arith.constant 0 : i32
      %dma_start3A_217 = arith.constant 0 : i32
      %dma_start3A_218 = tpu.memref_slice %arg6[%dma_start3A_204, %dma_start3A_216, %dma_start3A_217] : memref<2x128x128xf32, #tpu.memory_space<vmem>> -> memref<1x128x128xf32, #tpu.memory_space<vmem>>
      %dma_start3A_219 = tpu.memref_squeeze %dma_start3A_218 : memref<1x128x128xf32, #tpu.memory_space<vmem>> -> memref<128x128xf32, #tpu.memory_space<vmem>>
      tpu.enqueue_dma source(%dma_start3A_219 : memref<128x128xf32, #tpu.memory_space<vmem>>) target(%dma_start3A_215 : memref<128x128xf32, #tpu.memory_space<hbm>>) target_semaphore(%dma_start3A_213 : memref<!tpu.dma_semaphore, #tpu.memory_space<semaphore_mem>>)
      %add3A_220 = arith.constant 2 : i32
      %add3A_221 = arith.addi %add3A_166, %add3A_220 : i32
      %lt3A_222 = arith.cmpi slt, %add3A_221, %add3A_8 : i32
      %convert_element_type3A_223 = arith.extui %lt3A_222 : i1 to i32
      %cond3A_224 = arith.constant 0 : i32
      %cond3A_225 = arith.cmpi ne, %convert_element_type3A_223, %cond3A_224 : i32
      scf.if %cond3A_225 {
        %add3A_291 = arith.constant 2 : i32
        %add3A_292 = arith.addi %add3A_166, %add3A_291 : i32
        %add3A_293 = arith.addi %add3A_4, %add3A_292 : i32
        %mul3A_294 = arith.constant 512 : i32
        %mul3A_295 = arith.muli %add3A_293, %mul3A_294 : i32
        %dma_start3A_296 = arith.constant 0 : i32
        %dma_start3A_297 = arith.constant 0 : i32
        %dma_start3A_298 = arith.constant 0 : i32
        %dma_start3A_299 = arith.constant 0 : i32
        %dma_start3A_300 = tpu.memref_slice %arg5[%dma_start3A_296, %dma_start3A_298, %dma_start3A_299] : memref<2x32x513xf32, #tpu.memory_space<vmem>> -> memref<1x32x513xf32, #tpu.memory_space<vmem>>
        %dma_start3A_301 = tpu.memref_squeeze %dma_start3A_300 : memref<1x32x513xf32, #tpu.memory_space<vmem>> -> memref<32x513xf32, #tpu.memory_space<vmem>>
        %dma_start3A_302 = arith.constant 0 : i32
        %dma_start3A_303 = arith.constant 0 : i32
        %dma_start3A_304 = tpu.memref_slice %dma_start3A_301[%dma_start3A_302, %dma_start3A_303] : memref<32x513xf32, #tpu.memory_space<vmem>> -> memref<32x512xf32, #tpu.memory_space<vmem>>
        %dma_start3A_305 = arith.constant 0 : i32
        %dma_start3A_306 = tpu.memref_slice %arg2[%dma_start3A_305, %mul3A_295] : memref<32x1000000xf32, #tpu.memory_space<hbm>> -> memref<32x512xf32, #tpu.memory_space<hbm>>
        %dma_start3A_307 = tpu.memref_slice %arg8[%dma_start3A_297] : memref<2x!tpu.dma_semaphore, #tpu.memory_space<semaphore_mem>> -> memref<1x!tpu.dma_semaphore, #tpu.memory_space<semaphore_mem>>
        %dma_start3A_308 = tpu.memref_squeeze %dma_start3A_307 : memref<1x!tpu.dma_semaphore, #tpu.memory_space<semaphore_mem>> -> memref<!tpu.dma_semaphore, #tpu.memory_space<semaphore_mem>>
        %dma_start3A_309 = arith.constant 0 : i32
        %dma_start3A_310 = arith.constant 0 : i32
        %dma_start3A_311 = tpu.memref_slice %arg5[%dma_start3A_296, %dma_start3A_309, %dma_start3A_310] : memref<2x32x513xf32, #tpu.memory_space<vmem>> -> memref<1x32x513xf32, #tpu.memory_space<vmem>>
        %dma_start3A_312 = tpu.memref_squeeze %dma_start3A_311 : memref<1x32x513xf32, #tpu.memory_space<vmem>> -> memref<32x513xf32, #tpu.memory_space<vmem>>
        %dma_start3A_313 = arith.constant 0 : i32
        %dma_start3A_314 = arith.constant 0 : i32
        %dma_start3A_315 = tpu.memref_slice %dma_start3A_312[%dma_start3A_313, %dma_start3A_314] : memref<32x513xf32, #tpu.memory_space<vmem>> -> memref<32x512xf32, #tpu.memory_space<vmem>>
        %dma_start3A_316 = arith.constant 0 : i32
        %dma_start3A_317 = tpu.memref_slice %arg2[%dma_start3A_316, %mul3A_295] : memref<32x1000000xf32, #tpu.memory_space<hbm>> -> memref<32x512xf32, #tpu.memory_space<hbm>>
        tpu.enqueue_dma source(%dma_start3A_317 : memref<32x512xf32, #tpu.memory_space<hbm>>) target(%dma_start3A_315 : memref<32x512xf32, #tpu.memory_space<vmem>>) target_semaphore(%dma_start3A_308 : memref<!tpu.dma_semaphore, #tpu.memory_space<semaphore_mem>>)
      } else {
      }
      %mul3A_226 = arith.constant 2 : i32
      %mul3A_227 = arith.muli %mul3A_226, %add3A_162 : i32
      %add3A_228 = arith.constant 1 : i32
      %add3A_229 = arith.addi %mul3A_227, %add3A_228 : i32
      %add3A_230 = arith.addi %add3A_4, %add3A_229 : i32
      %mul3A_231 = arith.constant 512 : i32
      %mul3A_232 = arith.muli %add3A_230, %mul3A_231 : i32
      %dma_wait3A_233 = arith.constant 1 : i32
      %dma_wait3A_234 = arith.constant 1 : i32
      %dma_wait3A_235 = arith.constant 0 : i32
      %dma_wait3A_236 = arith.constant 0 : i32
      %dma_wait3A_237 = tpu.memref_slice %arg5[%dma_wait3A_233, %dma_wait3A_235, %dma_wait3A_236] : memref<2x32x513xf32, #tpu.memory_space<vmem>> -> memref<1x32x513xf32, #tpu.memory_space<vmem>>
      %dma_wait3A_238 = tpu.memref_squeeze %dma_wait3A_237 : memref<1x32x513xf32, #tpu.memory_space<vmem>> -> memref<32x513xf32, #tpu.memory_space<vmem>>
      %dma_wait3A_239 = arith.constant 0 : i32
      %dma_wait3A_240 = arith.constant 0 : i32
      %dma_wait3A_241 = tpu.memref_slice %dma_wait3A_238[%dma_wait3A_239, %dma_wait3A_240] : memref<32x513xf32, #tpu.memory_space<vmem>> -> memref<32x512xf32, #tpu.memory_space<vmem>>
      %dma_wait3A_242 = arith.constant 0 : i32
      %dma_wait3A_243 = tpu.memref_slice %arg2[%dma_wait3A_242, %mul3A_232] : memref<32x1000000xf32, #tpu.memory_space<hbm>> -> memref<32x512xf32, #tpu.memory_space<hbm>>
      %dma_wait3A_244 = tpu.memref_slice %arg8[%dma_wait3A_234] : memref<2x!tpu.dma_semaphore, #tpu.memory_space<semaphore_mem>> -> memref<1x!tpu.dma_semaphore, #tpu.memory_space<semaphore_mem>>
      %dma_wait3A_245 = tpu.memref_squeeze %dma_wait3A_244 : memref<1x!tpu.dma_semaphore, #tpu.memory_space<semaphore_mem>> -> memref<!tpu.dma_semaphore, #tpu.memory_space<semaphore_mem>>
      %dma_wait3A_246 = arith.constant 0 : i32
      %dma_wait3A_247 = arith.constant 0 : i32
      %dma_wait3A_248 = tpu.memref_slice %arg5[%dma_wait3A_233, %dma_wait3A_246, %dma_wait3A_247] : memref<2x32x513xf32, #tpu.memory_space<vmem>> -> memref<1x32x513xf32, #tpu.memory_space<vmem>>
      %dma_wait3A_249 = tpu.memref_squeeze %dma_wait3A_248 : memref<1x32x513xf32, #tpu.memory_space<vmem>> -> memref<32x513xf32, #tpu.memory_space<vmem>>
      %dma_wait3A_250 = arith.constant 0 : i32
      %dma_wait3A_251 = arith.constant 0 : i32
      %dma_wait3A_252 = tpu.memref_slice %dma_wait3A_249[%dma_wait3A_250, %dma_wait3A_251] : memref<32x513xf32, #tpu.memory_space<vmem>> -> memref<32x512xf32, #tpu.memory_space<vmem>>
      %dma_wait3A_253 = arith.constant 0 : i32
      %dma_wait3A_254 = tpu.memref_slice %arg2[%dma_wait3A_253, %mul3A_232] : memref<32x1000000xf32, #tpu.memory_space<hbm>> -> memref<32x512xf32, #tpu.memory_space<hbm>>
      tpu.wait_dma2 semaphore(%dma_wait3A_245 : memref<!tpu.dma_semaphore, #tpu.memory_space<semaphore_mem>>) src(%dma_wait3A_254 : memref<32x512xf32, #tpu.memory_space<hbm>>) dst(%dma_wait3A_252 : memref<32x512xf32, #tpu.memory_space<vmem>>)
      %gt3A_255 = arith.constant 0 : i32
      %gt3A_256 = arith.cmpi sgt, %add3A_162, %gt3A_255 : i32
      %convert_element_type3A_257 = arith.extui %gt3A_256 : i1 to i32
      %cond3A_258 = arith.constant 0 : i32
      %cond3A_259 = arith.cmpi ne, %convert_element_type3A_257, %cond3A_258 : i32
      scf.if %cond3A_259 {
        %add3A_291 = arith.constant 0 : i32
        %add3A_292 = arith.addi %add3A_4, %add3A_291 : i32
        %mul3A_293 = arith.constant 128 : i32
        %mul3A_294 = arith.muli %add3A_292, %mul3A_293 : i32
        %dma_wait3A_295 = arith.constant 1 : i32
        %dma_wait3A_296 = arith.constant 1 : i32
        %dma_wait3A_297 = arith.constant 0 : i32
        %dma_wait3A_298 = arith.constant 0 : i32
        %dma_wait3A_299 = tpu.memref_slice %arg6[%dma_wait3A_295, %dma_wait3A_297, %dma_wait3A_298] : memref<2x128x128xf32, #tpu.memory_space<vmem>> -> memref<1x128x128xf32, #tpu.memory_space<vmem>>
        %dma_wait3A_300 = tpu.memref_squeeze %dma_wait3A_299 : memref<1x128x128xf32, #tpu.memory_space<vmem>> -> memref<128x128xf32, #tpu.memory_space<vmem>>
        %dma_wait3A_301 = arith.constant 0 : i32
        %dma_wait3A_302 = tpu.memref_slice %arg4[%mul3A_294, %dma_wait3A_301] : memref<250000x128xf32, #tpu.memory_space<hbm>> -> memref<128x128xf32, #tpu.memory_space<hbm>>
        %dma_wait3A_303 = tpu.memref_slice %arg9[%dma_wait3A_296] : memref<2x!tpu.dma_semaphore, #tpu.memory_space<semaphore_mem>> -> memref<1x!tpu.dma_semaphore, #tpu.memory_space<semaphore_mem>>
        %dma_wait3A_304 = tpu.memref_squeeze %dma_wait3A_303 : memref<1x!tpu.dma_semaphore, #tpu.memory_space<semaphore_mem>> -> memref<!tpu.dma_semaphore, #tpu.memory_space<semaphore_mem>>
        %dma_wait3A_305 = arith.constant 0 : i32
        %dma_wait3A_306 = tpu.memref_slice %arg4[%mul3A_294, %dma_wait3A_305] : memref<250000x128xf32, #tpu.memory_space<hbm>> -> memref<128x128xf32, #tpu.memory_space<hbm>>
        %dma_wait3A_307 = arith.constant 0 : i32
        %dma_wait3A_308 = arith.constant 0 : i32
        %dma_wait3A_309 = tpu.memref_slice %arg6[%dma_wait3A_295, %dma_wait3A_307, %dma_wait3A_308] : memref<2x128x128xf32, #tpu.memory_space<vmem>> -> memref<1x128x128xf32, #tpu.memory_space<vmem>>
        %dma_wait3A_310 = tpu.memref_squeeze %dma_wait3A_309 : memref<1x128x128xf32, #tpu.memory_space<vmem>> -> memref<128x128xf32, #tpu.memory_space<vmem>>
        tpu.wait_dma2 semaphore(%dma_wait3A_304 : memref<!tpu.dma_semaphore, #tpu.memory_space<semaphore_mem>>) src(%dma_wait3A_310 : memref<128x128xf32, #tpu.memory_space<vmem>>) dst(%dma_wait3A_306 : memref<128x128xf32, #tpu.memory_space<hbm>>)
      } else {
      }
      %broadcast_in_dim3A_260 = arith.constant 0 : i32
      %broadcast_in_dim3A_261 = vector.broadcast %broadcast_in_dim3A_260 : i32 to vector<16xi32>
      %parallel_loop3A_262 = arith.constant 0 : i32
      %parallel_loop3A_263 = arith.constant 128 : i32
      %parallel_loop3A_264 = arith.constant 1 : i32
      %parallel_loop3A_265 = scf.for %parallel_loop3A_291 = %parallel_loop3A_262 to %parallel_loop3A_263 step %parallel_loop3A_264 iter_args(%parallel_loop3A_292 = %broadcast_in_dim3A_261) -> (vector<16xi32>)  : i32 {
        %parallel_loop3A_293 = arith.addi %parallel_loop3A_292, %broadcast_in_dim3A_30 : vector<16xi32>
        %parallel_loop3A_294 = arith.constant 1 : i32
        %parallel_loop3A_295 = arith.constant 0 : i32
        %parallel_loop3A_296 = arith.constant 0 : i32
        %parallel_loop3A_297 = tpu.memref_slice %arg5[%parallel_loop3A_294, %parallel_loop3A_295, %parallel_loop3A_296] : memref<2x32x513xf32, #tpu.memory_space<vmem>> -> memref<1x32x513xf32, #tpu.memory_space<vmem>>
        %parallel_loop3A_298 = tpu.memref_squeeze %parallel_loop3A_297 : memref<1x32x513xf32, #tpu.memory_space<vmem>> -> memref<32x513xf32, #tpu.memory_space<vmem>>
        %parallel_loop3A_299 = tpu.vector_load_idx %parallel_loop3A_298[%iota3A, %parallel_loop3A_293] : memref<32x513xf32, #tpu.memory_space<vmem>>[vector<16xi32>, vector<16xi32>], vector<16xf32>,
        %parallel_loop3A_300 = arith.constant 1 : i32
        %parallel_loop3A_301 = arith.index_cast %parallel_loop3A_300 : i32 to index
        %parallel_loop3A_302 = arith.index_cast %parallel_loop3A_291 : i32 to index
        %parallel_loop3A_303 = arith.constant 0 : index
        %parallel_loop3A_304 = tpu.vector_load %arg6[%parallel_loop3A_301, %parallel_loop3A_302, %parallel_loop3A_303] {strides = array<i32>} : memref<2x128x128xf32, #tpu.memory_space<vmem>>, vector<16xf32>,
        tpu.vector_store %arg6[%parallel_loop3A_301, %parallel_loop3A_302, %parallel_loop3A_303], %parallel_loop3A_299 {strides = array<i32>} : memref<2x128x128xf32, #tpu.memory_space<vmem>>, vector<16xf32>,
        %parallel_loop3A_305 = arith.addi %parallel_loop3A_292, %broadcast_in_dim3A_30 : vector<16xi32>
        %parallel_loop3A_306 = arith.constant 1 : i32
        %parallel_loop3A_307 = arith.constant 0 : i32
        %parallel_loop3A_308 = arith.constant 0 : i32
        %parallel_loop3A_309 = tpu.memref_slice %arg5[%parallel_loop3A_306, %parallel_loop3A_307, %parallel_loop3A_308] : memref<2x32x513xf32, #tpu.memory_space<vmem>> -> memref<1x32x513xf32, #tpu.memory_space<vmem>>
        %parallel_loop3A_310 = tpu.memref_squeeze %parallel_loop3A_309 : memref<1x32x513xf32, #tpu.memory_space<vmem>> -> memref<32x513xf32, #tpu.memory_space<vmem>>
        %parallel_loop3A_311 = tpu.vector_load_idx %parallel_loop3A_310[%add3A_29, %parallel_loop3A_305] : memref<32x513xf32, #tpu.memory_space<vmem>>[vector<16xi32>, vector<16xi32>], vector<16xf32>,
        %parallel_loop3A_312 = arith.constant 1 : i32
        %parallel_loop3A_313 = arith.index_cast %parallel_loop3A_312 : i32 to index
        %parallel_loop3A_314 = arith.index_cast %parallel_loop3A_291 : i32 to index
        %parallel_loop3A_315 = arith.constant 16 : index
        %parallel_loop3A_316 = tpu.vector_load %arg6[%parallel_loop3A_313, %parallel_loop3A_314, %parallel_loop3A_315] {strides = array<i32>} : memref<2x128x128xf32, #tpu.memory_space<vmem>>, vector<16xf32>,
        tpu.vector_store %arg6[%parallel_loop3A_313, %parallel_loop3A_314, %parallel_loop3A_315], %parallel_loop3A_311 {strides = array<i32>} : memref<2x128x128xf32, #tpu.memory_space<vmem>>, vector<16xf32>,
        %parallel_loop3A_317 = arith.addi %parallel_loop3A_292, %broadcast_in_dim3A_32 : vector<16xi32>
        %parallel_loop3A_318 = arith.constant 1 : i32
        %parallel_loop3A_319 = arith.constant 0 : i32
        %parallel_loop3A_320 = arith.constant 0 : i32
        %parallel_loop3A_321 = tpu.memref_slice %arg5[%parallel_loop3A_318, %parallel_loop3A_319, %parallel_loop3A_320] : memref<2x32x513xf32, #tpu.memory_space<vmem>> -> memref<1x32x513xf32, #tpu.memory_space<vmem>>
        %parallel_loop3A_322 = tpu.memref_squeeze %parallel_loop3A_321 : memref<1x32x513xf32, #tpu.memory_space<vmem>> -> memref<32x513xf32, #tpu.memory_space<vmem>>
        %parallel_loop3A_323 = tpu.vector_load_idx %parallel_loop3A_322[%iota3A, %parallel_loop3A_317] : memref<32x513xf32, #tpu.memory_space<vmem>>[vector<16xi32>, vector<16xi32>], vector<16xf32>,
        %parallel_loop3A_324 = arith.constant 1 : i32
        %parallel_loop3A_325 = arith.index_cast %parallel_loop3A_324 : i32 to index
        %parallel_loop3A_326 = arith.index_cast %parallel_loop3A_291 : i32 to index
        %parallel_loop3A_327 = arith.constant 32 : index
        %parallel_loop3A_328 = tpu.vector_load %arg6[%parallel_loop3A_325, %parallel_loop3A_326, %parallel_loop3A_327] {strides = array<i32>} : memref<2x128x128xf32, #tpu.memory_space<vmem>>, vector<16xf32>,
        tpu.vector_store %arg6[%parallel_loop3A_325, %parallel_loop3A_326, %parallel_loop3A_327], %parallel_loop3A_323 {strides = array<i32>} : memref<2x128x128xf32, #tpu.memory_space<vmem>>, vector<16xf32>,
        %parallel_loop3A_329 = arith.addi %parallel_loop3A_292, %broadcast_in_dim3A_32 : vector<16xi32>
        %parallel_loop3A_330 = arith.constant 1 : i32
        %parallel_loop3A_331 = arith.constant 0 : i32
        %parallel_loop3A_332 = arith.constant 0 : i32
        %parallel_loop3A_333 = tpu.memref_slice %arg5[%parallel_loop3A_330, %parallel_loop3A_331, %parallel_loop3A_332] : memref<2x32x513xf32, #tpu.memory_space<vmem>> -> memref<1x32x513xf32, #tpu.memory_space<vmem>>
        %parallel_loop3A_334 = tpu.memref_squeeze %parallel_loop3A_333 : memref<1x32x513xf32, #tpu.memory_space<vmem>> -> memref<32x513xf32, #tpu.memory_space<vmem>>
        %parallel_loop3A_335 = tpu.vector_load_idx %parallel_loop3A_334[%add3A_29, %parallel_loop3A_329] : memref<32x513xf32, #tpu.memory_space<vmem>>[vector<16xi32>, vector<16xi32>], vector<16xf32>,
        %parallel_loop3A_336 = arith.constant 1 : i32
        %parallel_loop3A_337 = arith.index_cast %parallel_loop3A_336 : i32 to index
        %parallel_loop3A_338 = arith.index_cast %parallel_loop3A_291 : i32 to index
        %parallel_loop3A_339 = arith.constant 48 : index
        %parallel_loop3A_340 = tpu.vector_load %arg6[%parallel_loop3A_337, %parallel_loop3A_338, %parallel_loop3A_339] {strides = array<i32>} : memref<2x128x128xf32, #tpu.memory_space<vmem>>, vector<16xf32>,
        tpu.vector_store %arg6[%parallel_loop3A_337, %parallel_loop3A_338, %parallel_loop3A_339], %parallel_loop3A_335 {strides = array<i32>} : memref<2x128x128xf32, #tpu.memory_space<vmem>>, vector<16xf32>,
        %parallel_loop3A_341 = arith.addi %parallel_loop3A_292, %broadcast_in_dim3A_34 : vector<16xi32>
        %parallel_loop3A_342 = arith.constant 1 : i32
        %parallel_loop3A_343 = arith.constant 0 : i32
        %parallel_loop3A_344 = arith.constant 0 : i32
        %parallel_loop3A_345 = tpu.memref_slice %arg5[%parallel_loop3A_342, %parallel_loop3A_343, %parallel_loop3A_344] : memref<2x32x513xf32, #tpu.memory_space<vmem>> -> memref<1x32x513xf32, #tpu.memory_space<vmem>>
        %parallel_loop3A_346 = tpu.memref_squeeze %parallel_loop3A_345 : memref<1x32x513xf32, #tpu.memory_space<vmem>> -> memref<32x513xf32, #tpu.memory_space<vmem>>
        %parallel_loop3A_347 = tpu.vector_load_idx %parallel_loop3A_346[%iota3A, %parallel_loop3A_341] : memref<32x513xf32, #tpu.memory_space<vmem>>[vector<16xi32>, vector<16xi32>], vector<16xf32>,
        %parallel_loop3A_348 = arith.constant 1 : i32
        %parallel_loop3A_349 = arith.index_cast %parallel_loop3A_348 : i32 to index
        %parallel_loop3A_350 = arith.index_cast %parallel_loop3A_291 : i32 to index
        %parallel_loop3A_351 = arith.constant 64 : index
        %parallel_loop3A_352 = tpu.vector_load %arg6[%parallel_loop3A_349, %parallel_loop3A_350, %parallel_loop3A_351] {strides = array<i32>} : memref<2x128x128xf32, #tpu.memory_space<vmem>>, vector<16xf32>,
        tpu.vector_store %arg6[%parallel_loop3A_349, %parallel_loop3A_350, %parallel_loop3A_351], %parallel_loop3A_347 {strides = array<i32>} : memref<2x128x128xf32, #tpu.memory_space<vmem>>, vector<16xf32>,
        %parallel_loop3A_353 = arith.addi %parallel_loop3A_292, %broadcast_in_dim3A_34 : vector<16xi32>
        %parallel_loop3A_354 = arith.constant 1 : i32
        %parallel_loop3A_355 = arith.constant 0 : i32
        %parallel_loop3A_356 = arith.constant 0 : i32
        %parallel_loop3A_357 = tpu.memref_slice %arg5[%parallel_loop3A_354, %parallel_loop3A_355, %parallel_loop3A_356] : memref<2x32x513xf32, #tpu.memory_space<vmem>> -> memref<1x32x513xf32, #tpu.memory_space<vmem>>
        %parallel_loop3A_358 = tpu.memref_squeeze %parallel_loop3A_357 : memref<1x32x513xf32, #tpu.memory_space<vmem>> -> memref<32x513xf32, #tpu.memory_space<vmem>>
        %parallel_loop3A_359 = tpu.vector_load_idx %parallel_loop3A_358[%add3A_29, %parallel_loop3A_353] : memref<32x513xf32, #tpu.memory_space<vmem>>[vector<16xi32>, vector<16xi32>], vector<16xf32>,
        %parallel_loop3A_360 = arith.constant 1 : i32
        %parallel_loop3A_361 = arith.index_cast %parallel_loop3A_360 : i32 to index
        %parallel_loop3A_362 = arith.index_cast %parallel_loop3A_291 : i32 to index
        %parallel_loop3A_363 = arith.constant 80 : index
        %parallel_loop3A_364 = tpu.vector_load %arg6[%parallel_loop3A_361, %parallel_loop3A_362, %parallel_loop3A_363] {strides = array<i32>} : memref<2x128x128xf32, #tpu.memory_space<vmem>>, vector<16xf32>,
        tpu.vector_store %arg6[%parallel_loop3A_361, %parallel_loop3A_362, %parallel_loop3A_363], %parallel_loop3A_359 {strides = array<i32>} : memref<2x128x128xf32, #tpu.memory_space<vmem>>, vector<16xf32>,
        %parallel_loop3A_365 = arith.addi %parallel_loop3A_292, %broadcast_in_dim3A_36 : vector<16xi32>
        %parallel_loop3A_366 = arith.constant 1 : i32
        %parallel_loop3A_367 = arith.constant 0 : i32
        %parallel_loop3A_368 = arith.constant 0 : i32
        %parallel_loop3A_369 = tpu.memref_slice %arg5[%parallel_loop3A_366, %parallel_loop3A_367, %parallel_loop3A_368] : memref<2x32x513xf32, #tpu.memory_space<vmem>> -> memref<1x32x513xf32, #tpu.memory_space<vmem>>
        %parallel_loop3A_370 = tpu.memref_squeeze %parallel_loop3A_369 : memref<1x32x513xf32, #tpu.memory_space<vmem>> -> memref<32x513xf32, #tpu.memory_space<vmem>>
        %parallel_loop3A_371 = tpu.vector_load_idx %parallel_loop3A_370[%iota3A, %parallel_loop3A_365] : memref<32x513xf32, #tpu.memory_space<vmem>>[vector<16xi32>, vector<16xi32>], vector<16xf32>,
        %parallel_loop3A_372 = arith.constant 1 : i32
        %parallel_loop3A_373 = arith.index_cast %parallel_loop3A_372 : i32 to index
        %parallel_loop3A_374 = arith.index_cast %parallel_loop3A_291 : i32 to index
        %parallel_loop3A_375 = arith.constant 96 : index
        %parallel_loop3A_376 = tpu.vector_load %arg6[%parallel_loop3A_373, %parallel_loop3A_374, %parallel_loop3A_375] {strides = array<i32>} : memref<2x128x128xf32, #tpu.memory_space<vmem>>, vector<16xf32>,
        tpu.vector_store %arg6[%parallel_loop3A_373, %parallel_loop3A_374, %parallel_loop3A_375], %parallel_loop3A_371 {strides = array<i32>} : memref<2x128x128xf32, #tpu.memory_space<vmem>>, vector<16xf32>,
        %parallel_loop3A_377 = arith.addi %parallel_loop3A_292, %broadcast_in_dim3A_36 : vector<16xi32>
        %parallel_loop3A_378 = arith.constant 1 : i32
        %parallel_loop3A_379 = arith.constant 0 : i32
        %parallel_loop3A_380 = arith.constant 0 : i32
        %parallel_loop3A_381 = tpu.memref_slice %arg5[%parallel_loop3A_378, %parallel_loop3A_379, %parallel_loop3A_380] : memref<2x32x513xf32, #tpu.memory_space<vmem>> -> memref<1x32x513xf32, #tpu.memory_space<vmem>>
        %parallel_loop3A_382 = tpu.memref_squeeze %parallel_loop3A_381 : memref<1x32x513xf32, #tpu.memory_space<vmem>> -> memref<32x513xf32, #tpu.memory_space<vmem>>
        %parallel_loop3A_383 = tpu.vector_load_idx %parallel_loop3A_382[%add3A_29, %parallel_loop3A_377] : memref<32x513xf32, #tpu.memory_space<vmem>>[vector<16xi32>, vector<16xi32>], vector<16xf32>,
        %parallel_loop3A_384 = arith.constant 1 : i32
        %parallel_loop3A_385 = arith.index_cast %parallel_loop3A_384 : i32 to index
        %parallel_loop3A_386 = arith.index_cast %parallel_loop3A_291 : i32 to index
        %parallel_loop3A_387 = arith.constant 112 : index
        %parallel_loop3A_388 = tpu.vector_load %arg6[%parallel_loop3A_385, %parallel_loop3A_386, %parallel_loop3A_387] {strides = array<i32>} : memref<2x128x128xf32, #tpu.memory_space<vmem>>, vector<16xf32>,
        tpu.vector_store %arg6[%parallel_loop3A_385, %parallel_loop3A_386, %parallel_loop3A_387], %parallel_loop3A_383 {strides = array<i32>} : memref<2x128x128xf32, #tpu.memory_space<vmem>>, vector<16xf32>,
        %parallel_loop3A_389 = arith.addi %parallel_loop3A_292, %broadcast_in_dim3A_38 : vector<16xi32>
        scf.yield %parallel_loop3A_389 : vector<16xi32>
      } {sc.loop_unroll_factor = 4 : i64, sc.parallel_access}
      %add3A_266 = arith.addi %add3A_4, %add3A_229 : i32
      %mul3A_267 = arith.constant 128 : i32
      %mul3A_268 = arith.muli %add3A_266, %mul3A_267 : i32
      %dma_start3A_269 = arith.constant 1 : i32
      %dma_start3A_270 = arith.constant 1 : i32
      %dma_start3A_271 = arith.constant 0 : i32
      %dma_start3A_272 = arith.constant 0 : i32
      %dma_start3A_273 = tpu.memref_slice %arg6[%dma_start3A_269, %dma_start3A_271, %dma_start3A_272] : memref<2x128x128xf32, #tpu.memory_space<vmem>> -> memref<1x128x128xf32, #tpu.memory_space<vmem>>
      %dma_start3A_274 = tpu.memref_squeeze %dma_start3A_273 : memref<1x128x128xf32, #tpu.memory_space<vmem>> -> memref<128x128xf32, #tpu.memory_space<vmem>>
      %dma_start3A_275 = arith.constant 0 : i32
      %dma_start3A_276 = tpu.memref_slice %arg4[%mul3A_268, %dma_start3A_275] : memref<250000x128xf32, #tpu.memory_space<hbm>> -> memref<128x128xf32, #tpu.memory_space<hbm>>
      %dma_start3A_277 = tpu.memref_slice %arg9[%dma_start3A_270] : memref<2x!tpu.dma_semaphore, #tpu.memory_space<semaphore_mem>> -> memref<1x!tpu.dma_semaphore, #tpu.memory_space<semaphore_mem>>
      %dma_start3A_278 = tpu.memref_squeeze %dma_start3A_277 : memref<1x!tpu.dma_semaphore, #tpu.memory_space<semaphore_mem>> -> memref<!tpu.dma_semaphore, #tpu.memory_space<semaphore_mem>>
      %dma_start3A_279 = arith.constant 0 : i32
      %dma_start3A_280 = tpu.memref_slice %arg4[%mul3A_268, %dma_start3A_279] : memref<250000x128xf32, #tpu.memory_space<hbm>> -> memref<128x128xf32, #tpu.memory_space<hbm>>
      %dma_start3A_281 = arith.constant 0 : i32
      %dma_start3A_282 = arith.constant 0 : i32
      %dma_start3A_283 = tpu.memref_slice %arg6[%dma_start3A_269, %dma_start3A_281, %dma_start3A_282] : memref<2x128x128xf32, #tpu.memory_space<vmem>> -> memref<1x128x128xf32, #tpu.memory_space<vmem>>
      %dma_start3A_284 = tpu.memref_squeeze %dma_start3A_283 : memref<1x128x128xf32, #tpu.memory_space<vmem>> -> memref<128x128xf32, #tpu.memory_space<vmem>>
      tpu.enqueue_dma source(%dma_start3A_284 : memref<128x128xf32, #tpu.memory_space<vmem>>) target(%dma_start3A_280 : memref<128x128xf32, #tpu.memory_space<hbm>>) target_semaphore(%dma_start3A_278 : memref<!tpu.dma_semaphore, #tpu.memory_space<semaphore_mem>>)
      %add3A_285 = arith.constant 2 : i32
      %add3A_286 = arith.addi %add3A_229, %add3A_285 : i32
      %lt3A_287 = arith.cmpi slt, %add3A_286, %add3A_8 : i32
      %convert_element_type3A_288 = arith.extui %lt3A_287 : i1 to i32
      %cond3A_289 = arith.constant 0 : i32
      %cond3A_290 = arith.cmpi ne, %convert_element_type3A_288, %cond3A_289 : i32
      scf.if %cond3A_290 {
        %add3A_291 = arith.constant 2 : i32
        %add3A_292 = arith.addi %add3A_229, %add3A_291 : i32
        %add3A_293 = arith.addi %add3A_4, %add3A_292 : i32
        %mul3A_294 = arith.constant 512 : i32
        %mul3A_295 = arith.muli %add3A_293, %mul3A_294 : i32
        %dma_start3A_296 = arith.constant 1 : i32
        %dma_start3A_297 = arith.constant 1 : i32
        %dma_start3A_298 = arith.constant 0 : i32
        %dma_start3A_299 = arith.constant 0 : i32
        %dma_start3A_300 = tpu.memref_slice %arg5[%dma_start3A_296, %dma_start3A_298, %dma_start3A_299] : memref<2x32x513xf32, #tpu.memory_space<vmem>> -> memref<1x32x513xf32, #tpu.memory_space<vmem>>
        %dma_start3A_301 = tpu.memref_squeeze %dma_start3A_300 : memref<1x32x513xf32, #tpu.memory_space<vmem>> -> memref<32x513xf32, #tpu.memory_space<vmem>>
        %dma_start3A_302 = arith.constant 0 : i32
        %dma_start3A_303 = arith.constant 0 : i32
        %dma_start3A_304 = tpu.memref_slice %dma_start3A_301[%dma_start3A_302, %dma_start3A_303] : memref<32x513xf32, #tpu.memory_space<vmem>> -> memref<32x512xf32, #tpu.memory_space<vmem>>
        %dma_start3A_305 = arith.constant 0 : i32
        %dma_start3A_306 = tpu.memref_slice %arg2[%dma_start3A_305, %mul3A_295] : memref<32x1000000xf32, #tpu.memory_space<hbm>> -> memref<32x512xf32, #tpu.memory_space<hbm>>
        %dma_start3A_307 = tpu.memref_slice %arg8[%dma_start3A_297] : memref<2x!tpu.dma_semaphore, #tpu.memory_space<semaphore_mem>> -> memref<1x!tpu.dma_semaphore, #tpu.memory_space<semaphore_mem>>
        %dma_start3A_308 = tpu.memref_squeeze %dma_start3A_307 : memref<1x!tpu.dma_semaphore, #tpu.memory_space<semaphore_mem>> -> memref<!tpu.dma_semaphore, #tpu.memory_space<semaphore_mem>>
        %dma_start3A_309 = arith.constant 0 : i32
        %dma_start3A_310 = arith.constant 0 : i32
        %dma_start3A_311 = tpu.memref_slice %arg5[%dma_start3A_296, %dma_start3A_309, %dma_start3A_310] : memref<2x32x513xf32, #tpu.memory_space<vmem>> -> memref<1x32x513xf32, #tpu.memory_space<vmem>>
        %dma_start3A_312 = tpu.memref_squeeze %dma_start3A_311 : memref<1x32x513xf32, #tpu.memory_space<vmem>> -> memref<32x513xf32, #tpu.memory_space<vmem>>
        %dma_start3A_313 = arith.constant 0 : i32
        %dma_start3A_314 = arith.constant 0 : i32
        %dma_start3A_315 = tpu.memref_slice %dma_start3A_312[%dma_start3A_313, %dma_start3A_314] : memref<32x513xf32, #tpu.memory_space<vmem>> -> memref<32x512xf32, #tpu.memory_space<vmem>>
        %dma_start3A_316 = arith.constant 0 : i32
        %dma_start3A_317 = tpu.memref_slice %arg2[%dma_start3A_316, %mul3A_295] : memref<32x1000000xf32, #tpu.memory_space<hbm>> -> memref<32x512xf32, #tpu.memory_space<hbm>>
        tpu.enqueue_dma source(%dma_start3A_317 : memref<32x512xf32, #tpu.memory_space<hbm>>) target(%dma_start3A_315 : memref<32x512xf32, #tpu.memory_space<vmem>>) target_semaphore(%dma_start3A_308 : memref<!tpu.dma_semaphore, #tpu.memory_space<semaphore_mem>>)
      } else {
      }
    }
    %jit3A_106 = arith.constant 2 : i32
    %eq3A = arith.constant 0 : i32
    %eq3A_107 = arith.cmpi eq, %jit3A_106, %eq3A : i32
    %jit3A_108 = arith.constant 1 : i32
    %select_n3A_109 = arith.select %eq3A_107, %jit3A_108, %jit3A_106 : i32
    %rem3A_110 = arith.remsi %add3A_8, %select_n3A_109 : i32
    %ne3A_111 = arith.constant 0 : i32
    %ne3A_112 = arith.cmpi ne, %rem3A_110, %ne3A_111 : i32
    %lt3A_113 = arith.constant 0 : i32
    %lt3A_114 = arith.cmpi slt, %rem3A_110, %lt3A_113 : i32
    %lt3A_115 = arith.constant 0 : i32
    %lt3A_116 = arith.cmpi slt, %select_n3A_109, %lt3A_115 : i32
    %ne3A_117 = arith.xori %lt3A_114, %lt3A_116 : i1
    %and3A_118 = arith.andi %ne3A_117, %ne3A_112 : i1
    %add3A_119 = arith.addi %rem3A_110, %select_n3A_109 : i32
    %select_n3A_120 = arith.select %and3A_118, %add3A_119, %rem3A_110 : i32
    %eq3A_121 = arith.constant 1 : i32
    %eq3A_122 = arith.cmpi eq, %select_n3A_120, %eq3A_121 : i32
    %convert_element_type3A_123 = arith.extui %eq3A_122 : i1 to i32
    %cond3A_124 = arith.constant 0 : i32
    %cond3A_125 = arith.cmpi ne, %convert_element_type3A_123, %cond3A_124 : i32
    scf.if %cond3A_125 {
      %sub3A_160 = arith.constant 1 : i32
      %sub3A_161 = arith.subi %add3A_8, %sub3A_160 : i32
      %add3A_162 = arith.addi %add3A_4, %sub3A_161 : i32
      %mul3A_163 = arith.constant 512 : i32
      %mul3A_164 = arith.muli %add3A_162, %mul3A_163 : i32
      %dma_wait3A = arith.constant 0 : i32
      %dma_wait3A_165 = arith.constant 0 : i32
      %dma_wait3A_166 = arith.constant 0 : i32
      %dma_wait3A_167 = arith.constant 0 : i32
      %dma_wait3A_168 = tpu.memref_slice %arg5[%dma_wait3A, %dma_wait3A_166, %dma_wait3A_167] : memref<2x32x513xf32, #tpu.memory_space<vmem>> -> memref<1x32x513xf32, #tpu.memory_space<vmem>>
      %dma_wait3A_169 = tpu.memref_squeeze %dma_wait3A_168 : memref<1x32x513xf32, #tpu.memory_space<vmem>> -> memref<32x513xf32, #tpu.memory_space<vmem>>
      %dma_wait3A_170 = arith.constant 0 : i32
      %dma_wait3A_171 = arith.constant 0 : i32
      %dma_wait3A_172 = tpu.memref_slice %dma_wait3A_169[%dma_wait3A_170, %dma_wait3A_171] : memref<32x513xf32, #tpu.memory_space<vmem>> -> memref<32x512xf32, #tpu.memory_space<vmem>>
      %dma_wait3A_173 = arith.constant 0 : i32
      %dma_wait3A_174 = tpu.memref_slice %arg2[%dma_wait3A_173, %mul3A_164] : memref<32x1000000xf32, #tpu.memory_space<hbm>> -> memref<32x512xf32, #tpu.memory_space<hbm>>
      %dma_wait3A_175 = tpu.memref_slice %arg8[%dma_wait3A_165] : memref<2x!tpu.dma_semaphore, #tpu.memory_space<semaphore_mem>> -> memref<1x!tpu.dma_semaphore, #tpu.memory_space<semaphore_mem>>
      %dma_wait3A_176 = tpu.memref_squeeze %dma_wait3A_175 : memref<1x!tpu.dma_semaphore, #tpu.memory_space<semaphore_mem>> -> memref<!tpu.dma_semaphore, #tpu.memory_space<semaphore_mem>>
      %dma_wait3A_177 = arith.constant 0 : i32
      %dma_wait3A_178 = arith.constant 0 : i32
      %dma_wait3A_179 = tpu.memref_slice %arg5[%dma_wait3A, %dma_wait3A_177, %dma_wait3A_178] : memref<2x32x513xf32, #tpu.memory_space<vmem>> -> memref<1x32x513xf32, #tpu.memory_space<vmem>>
      %dma_wait3A_180 = tpu.memref_squeeze %dma_wait3A_179 : memref<1x32x513xf32, #tpu.memory_space<vmem>> -> memref<32x513xf32, #tpu.memory_space<vmem>>
      %dma_wait3A_181 = arith.constant 0 : i32
      %dma_wait3A_182 = arith.constant 0 : i32
      %dma_wait3A_183 = tpu.memref_slice %dma_wait3A_180[%dma_wait3A_181, %dma_wait3A_182] : memref<32x513xf32, #tpu.memory_space<vmem>> -> memref<32x512xf32, #tpu.memory_space<vmem>>
      %dma_wait3A_184 = arith.constant 0 : i32
      %dma_wait3A_185 = tpu.memref_slice %arg2[%dma_wait3A_184, %mul3A_164] : memref<32x1000000xf32, #tpu.memory_space<hbm>> -> memref<32x512xf32, #tpu.memory_space<hbm>>
      tpu.wait_dma2 semaphore(%dma_wait3A_176 : memref<!tpu.dma_semaphore, #tpu.memory_space<semaphore_mem>>) src(%dma_wait3A_185 : memref<32x512xf32, #tpu.memory_space<hbm>>) dst(%dma_wait3A_183 : memref<32x512xf32, #tpu.memory_space<vmem>>)
      %gt3A_186 = arith.constant 0 : i32
      %gt3A_187 = arith.cmpi sgt, %select_n3A_26, %gt3A_186 : i32
      %convert_element_type3A_188 = arith.extui %gt3A_187 : i1 to i32
      %cond3A_189 = arith.constant 0 : i32
      %cond3A_190 = arith.cmpi ne, %convert_element_type3A_188, %cond3A_189 : i32
      scf.if %cond3A_190 {
        %add3A_199 = arith.constant 0 : i32
        %add3A_200 = arith.addi %add3A_4, %add3A_199 : i32
        %mul3A_201 = arith.constant 128 : i32
        %mul3A_202 = arith.muli %add3A_200, %mul3A_201 : i32
        %dma_wait3A_203 = arith.constant 0 : i32
        %dma_wait3A_204 = arith.constant 0 : i32
        %dma_wait3A_205 = arith.constant 0 : i32
        %dma_wait3A_206 = arith.constant 0 : i32
        %dma_wait3A_207 = tpu.memref_slice %arg6[%dma_wait3A_203, %dma_wait3A_205, %dma_wait3A_206] : memref<2x128x128xf32, #tpu.memory_space<vmem>> -> memref<1x128x128xf32, #tpu.memory_space<vmem>>
        %dma_wait3A_208 = tpu.memref_squeeze %dma_wait3A_207 : memref<1x128x128xf32, #tpu.memory_space<vmem>> -> memref<128x128xf32, #tpu.memory_space<vmem>>
        %dma_wait3A_209 = arith.constant 0 : i32
        %dma_wait3A_210 = tpu.memref_slice %arg4[%mul3A_202, %dma_wait3A_209] : memref<250000x128xf32, #tpu.memory_space<hbm>> -> memref<128x128xf32, #tpu.memory_space<hbm>>
        %dma_wait3A_211 = tpu.memref_slice %arg9[%dma_wait3A_204] : memref<2x!tpu.dma_semaphore, #tpu.memory_space<semaphore_mem>> -> memref<1x!tpu.dma_semaphore, #tpu.memory_space<semaphore_mem>>
        %dma_wait3A_212 = tpu.memref_squeeze %dma_wait3A_211 : memref<1x!tpu.dma_semaphore, #tpu.memory_space<semaphore_mem>> -> memref<!tpu.dma_semaphore, #tpu.memory_space<semaphore_mem>>
        %dma_wait3A_213 = arith.constant 0 : i32
        %dma_wait3A_214 = tpu.memref_slice %arg4[%mul3A_202, %dma_wait3A_213] : memref<250000x128xf32, #tpu.memory_space<hbm>> -> memref<128x128xf32, #tpu.memory_space<hbm>>
        %dma_wait3A_215 = arith.constant 0 : i32
        %dma_wait3A_216 = arith.constant 0 : i32
        %dma_wait3A_217 = tpu.memref_slice %arg6[%dma_wait3A_203, %dma_wait3A_215, %dma_wait3A_216] : memref<2x128x128xf32, #tpu.memory_space<vmem>> -> memref<1x128x128xf32, #tpu.memory_space<vmem>>
        %dma_wait3A_218 = tpu.memref_squeeze %dma_wait3A_217 : memref<1x128x128xf32, #tpu.memory_space<vmem>> -> memref<128x128xf32, #tpu.memory_space<vmem>>
        tpu.wait_dma2 semaphore(%dma_wait3A_212 : memref<!tpu.dma_semaphore, #tpu.memory_space<semaphore_mem>>) src(%dma_wait3A_218 : memref<128x128xf32, #tpu.memory_space<vmem>>) dst(%dma_wait3A_214 : memref<128x128xf32, #tpu.memory_space<hbm>>)
      } else {
      }
      %broadcast_in_dim3A_191 = arith.constant 0 : i32
      %broadcast_in_dim3A_192 = vector.broadcast %broadcast_in_dim3A_191 : i32 to vector<16xi32>
      %parallel_loop3A = arith.constant 0 : i32
      %parallel_loop3A_193 = arith.constant 128 : i32
      %parallel_loop3A_194 = arith.constant 1 : i32
      %parallel_loop3A_195 = scf.for %parallel_loop3A_199 = %parallel_loop3A to %parallel_loop3A_193 step %parallel_loop3A_194 iter_args(%parallel_loop3A_200 = %broadcast_in_dim3A_192) -> (vector<16xi32>)  : i32 {
        %parallel_loop3A_201 = arith.addi %parallel_loop3A_200, %broadcast_in_dim3A_30 : vector<16xi32>
        %parallel_loop3A_202 = arith.constant 0 : i32
        %parallel_loop3A_203 = arith.constant 0 : i32
        %parallel_loop3A_204 = arith.constant 0 : i32
        %parallel_loop3A_205 = tpu.memref_slice %arg5[%parallel_loop3A_202, %parallel_loop3A_203, %parallel_loop3A_204] : memref<2x32x513xf32, #tpu.memory_space<vmem>> -> memref<1x32x513xf32, #tpu.memory_space<vmem>>
        %parallel_loop3A_206 = tpu.memref_squeeze %parallel_loop3A_205 : memref<1x32x513xf32, #tpu.memory_space<vmem>> -> memref<32x513xf32, #tpu.memory_space<vmem>>
        %parallel_loop3A_207 = tpu.vector_load_idx %parallel_loop3A_206[%iota3A, %parallel_loop3A_201] : memref<32x513xf32, #tpu.memory_space<vmem>>[vector<16xi32>, vector<16xi32>], vector<16xf32>,
        %parallel_loop3A_208 = arith.constant 0 : i32
        %parallel_loop3A_209 = arith.index_cast %parallel_loop3A_208 : i32 to index
        %parallel_loop3A_210 = arith.index_cast %parallel_loop3A_199 : i32 to index
        %parallel_loop3A_211 = arith.constant 0 : index
        %parallel_loop3A_212 = tpu.vector_load %arg6[%parallel_loop3A_209, %parallel_loop3A_210, %parallel_loop3A_211] {strides = array<i32>} : memref<2x128x128xf32, #tpu.memory_space<vmem>>, vector<16xf32>,
        tpu.vector_store %arg6[%parallel_loop3A_209, %parallel_loop3A_210, %parallel_loop3A_211], %parallel_loop3A_207 {strides = array<i32>} : memref<2x128x128xf32, #tpu.memory_space<vmem>>, vector<16xf32>,
        %parallel_loop3A_213 = arith.addi %parallel_loop3A_200, %broadcast_in_dim3A_30 : vector<16xi32>
        %parallel_loop3A_214 = arith.constant 0 : i32
        %parallel_loop3A_215 = arith.constant 0 : i32
        %parallel_loop3A_216 = arith.constant 0 : i32
        %parallel_loop3A_217 = tpu.memref_slice %arg5[%parallel_loop3A_214, %parallel_loop3A_215, %parallel_loop3A_216] : memref<2x32x513xf32, #tpu.memory_space<vmem>> -> memref<1x32x513xf32, #tpu.memory_space<vmem>>
        %parallel_loop3A_218 = tpu.memref_squeeze %parallel_loop3A_217 : memref<1x32x513xf32, #tpu.memory_space<vmem>> -> memref<32x513xf32, #tpu.memory_space<vmem>>
        %parallel_loop3A_219 = tpu.vector_load_idx %parallel_loop3A_218[%add3A_29, %parallel_loop3A_213] : memref<32x513xf32, #tpu.memory_space<vmem>>[vector<16xi32>, vector<16xi32>], vector<16xf32>,
        %parallel_loop3A_220 = arith.constant 0 : i32
        %parallel_loop3A_221 = arith.index_cast %parallel_loop3A_220 : i32 to index
        %parallel_loop3A_222 = arith.index_cast %parallel_loop3A_199 : i32 to index
        %parallel_loop3A_223 = arith.constant 16 : index
        %parallel_loop3A_224 = tpu.vector_load %arg6[%parallel_loop3A_221, %parallel_loop3A_222, %parallel_loop3A_223] {strides = array<i32>} : memref<2x128x128xf32, #tpu.memory_space<vmem>>, vector<16xf32>,
        tpu.vector_store %arg6[%parallel_loop3A_221, %parallel_loop3A_222, %parallel_loop3A_223], %parallel_loop3A_219 {strides = array<i32>} : memref<2x128x128xf32, #tpu.memory_space<vmem>>, vector<16xf32>,
        %parallel_loop3A_225 = arith.addi %parallel_loop3A_200, %broadcast_in_dim3A_32 : vector<16xi32>
        %parallel_loop3A_226 = arith.constant 0 : i32
        %parallel_loop3A_227 = arith.constant 0 : i32
        %parallel_loop3A_228 = arith.constant 0 : i32
        %parallel_loop3A_229 = tpu.memref_slice %arg5[%parallel_loop3A_226, %parallel_loop3A_227, %parallel_loop3A_228] : memref<2x32x513xf32, #tpu.memory_space<vmem>> -> memref<1x32x513xf32, #tpu.memory_space<vmem>>
        %parallel_loop3A_230 = tpu.memref_squeeze %parallel_loop3A_229 : memref<1x32x513xf32, #tpu.memory_space<vmem>> -> memref<32x513xf32, #tpu.memory_space<vmem>>
        %parallel_loop3A_231 = tpu.vector_load_idx %parallel_loop3A_230[%iota3A, %parallel_loop3A_225] : memref<32x513xf32, #tpu.memory_space<vmem>>[vector<16xi32>, vector<16xi32>], vector<16xf32>,
        %parallel_loop3A_232 = arith.constant 0 : i32
        %parallel_loop3A_233 = arith.index_cast %parallel_loop3A_232 : i32 to index
        %parallel_loop3A_234 = arith.index_cast %parallel_loop3A_199 : i32 to index
        %parallel_loop3A_235 = arith.constant 32 : index
        %parallel_loop3A_236 = tpu.vector_load %arg6[%parallel_loop3A_233, %parallel_loop3A_234, %parallel_loop3A_235] {strides = array<i32>} : memref<2x128x128xf32, #tpu.memory_space<vmem>>, vector<16xf32>,
        tpu.vector_store %arg6[%parallel_loop3A_233, %parallel_loop3A_234, %parallel_loop3A_235], %parallel_loop3A_231 {strides = array<i32>} : memref<2x128x128xf32, #tpu.memory_space<vmem>>, vector<16xf32>,
        %parallel_loop3A_237 = arith.addi %parallel_loop3A_200, %broadcast_in_dim3A_32 : vector<16xi32>
        %parallel_loop3A_238 = arith.constant 0 : i32
        %parallel_loop3A_239 = arith.constant 0 : i32
        %parallel_loop3A_240 = arith.constant 0 : i32
        %parallel_loop3A_241 = tpu.memref_slice %arg5[%parallel_loop3A_238, %parallel_loop3A_239, %parallel_loop3A_240] : memref<2x32x513xf32, #tpu.memory_space<vmem>> -> memref<1x32x513xf32, #tpu.memory_space<vmem>>
        %parallel_loop3A_242 = tpu.memref_squeeze %parallel_loop3A_241 : memref<1x32x513xf32, #tpu.memory_space<vmem>> -> memref<32x513xf32, #tpu.memory_space<vmem>>
        %parallel_loop3A_243 = tpu.vector_load_idx %parallel_loop3A_242[%add3A_29, %parallel_loop3A_237] : memref<32x513xf32, #tpu.memory_space<vmem>>[vector<16xi32>, vector<16xi32>], vector<16xf32>,
        %parallel_loop3A_244 = arith.constant 0 : i32
        %parallel_loop3A_245 = arith.index_cast %parallel_loop3A_244 : i32 to index
        %parallel_loop3A_246 = arith.index_cast %parallel_loop3A_199 : i32 to index
        %parallel_loop3A_247 = arith.constant 48 : index
        %parallel_loop3A_248 = tpu.vector_load %arg6[%parallel_loop3A_245, %parallel_loop3A_246, %parallel_loop3A_247] {strides = array<i32>} : memref<2x128x128xf32, #tpu.memory_space<vmem>>, vector<16xf32>,
        tpu.vector_store %arg6[%parallel_loop3A_245, %parallel_loop3A_246, %parallel_loop3A_247], %parallel_loop3A_243 {strides = array<i32>} : memref<2x128x128xf32, #tpu.memory_space<vmem>>, vector<16xf32>,
        %parallel_loop3A_249 = arith.addi %parallel_loop3A_200, %broadcast_in_dim3A_34 : vector<16xi32>
        %parallel_loop3A_250 = arith.constant 0 : i32
        %parallel_loop3A_251 = arith.constant 0 : i32
        %parallel_loop3A_252 = arith.constant 0 : i32
        %parallel_loop3A_253 = tpu.memref_slice %arg5[%parallel_loop3A_250, %parallel_loop3A_251, %parallel_loop3A_252] : memref<2x32x513xf32, #tpu.memory_space<vmem>> -> memref<1x32x513xf32, #tpu.memory_space<vmem>>
        %parallel_loop3A_254 = tpu.memref_squeeze %parallel_loop3A_253 : memref<1x32x513xf32, #tpu.memory_space<vmem>> -> memref<32x513xf32, #tpu.memory_space<vmem>>
        %parallel_loop3A_255 = tpu.vector_load_idx %parallel_loop3A_254[%iota3A, %parallel_loop3A_249] : memref<32x513xf32, #tpu.memory_space<vmem>>[vector<16xi32>, vector<16xi32>], vector<16xf32>,
        %parallel_loop3A_256 = arith.constant 0 : i32
        %parallel_loop3A_257 = arith.index_cast %parallel_loop3A_256 : i32 to index
        %parallel_loop3A_258 = arith.index_cast %parallel_loop3A_199 : i32 to index
        %parallel_loop3A_259 = arith.constant 64 : index
        %parallel_loop3A_260 = tpu.vector_load %arg6[%parallel_loop3A_257, %parallel_loop3A_258, %parallel_loop3A_259] {strides = array<i32>} : memref<2x128x128xf32, #tpu.memory_space<vmem>>, vector<16xf32>,
        tpu.vector_store %arg6[%parallel_loop3A_257, %parallel_loop3A_258, %parallel_loop3A_259], %parallel_loop3A_255 {strides = array<i32>} : memref<2x128x128xf32, #tpu.memory_space<vmem>>, vector<16xf32>,
        %parallel_loop3A_261 = arith.addi %parallel_loop3A_200, %broadcast_in_dim3A_34 : vector<16xi32>
        %parallel_loop3A_262 = arith.constant 0 : i32
        %parallel_loop3A_263 = arith.constant 0 : i32
        %parallel_loop3A_264 = arith.constant 0 : i32
        %parallel_loop3A_265 = tpu.memref_slice %arg5[%parallel_loop3A_262, %parallel_loop3A_263, %parallel_loop3A_264] : memref<2x32x513xf32, #tpu.memory_space<vmem>> -> memref<1x32x513xf32, #tpu.memory_space<vmem>>
        %parallel_loop3A_266 = tpu.memref_squeeze %parallel_loop3A_265 : memref<1x32x513xf32, #tpu.memory_space<vmem>> -> memref<32x513xf32, #tpu.memory_space<vmem>>
        %parallel_loop3A_267 = tpu.vector_load_idx %parallel_loop3A_266[%add3A_29, %parallel_loop3A_261] : memref<32x513xf32, #tpu.memory_space<vmem>>[vector<16xi32>, vector<16xi32>], vector<16xf32>,
        %parallel_loop3A_268 = arith.constant 0 : i32
        %parallel_loop3A_269 = arith.index_cast %parallel_loop3A_268 : i32 to index
        %parallel_loop3A_270 = arith.index_cast %parallel_loop3A_199 : i32 to index
        %parallel_loop3A_271 = arith.constant 80 : index
        %parallel_loop3A_272 = tpu.vector_load %arg6[%parallel_loop3A_269, %parallel_loop3A_270, %parallel_loop3A_271] {strides = array<i32>} : memref<2x128x128xf32, #tpu.memory_space<vmem>>, vector<16xf32>,
        tpu.vector_store %arg6[%parallel_loop3A_269, %parallel_loop3A_270, %parallel_loop3A_271], %parallel_loop3A_267 {strides = array<i32>} : memref<2x128x128xf32, #tpu.memory_space<vmem>>, vector<16xf32>,
        %parallel_loop3A_273 = arith.addi %parallel_loop3A_200, %broadcast_in_dim3A_36 : vector<16xi32>
        %parallel_loop3A_274 = arith.constant 0 : i32
        %parallel_loop3A_275 = arith.constant 0 : i32
        %parallel_loop3A_276 = arith.constant 0 : i32
        %parallel_loop3A_277 = tpu.memref_slice %arg5[%parallel_loop3A_274, %parallel_loop3A_275, %parallel_loop3A_276] : memref<2x32x513xf32, #tpu.memory_space<vmem>> -> memref<1x32x513xf32, #tpu.memory_space<vmem>>
        %parallel_loop3A_278 = tpu.memref_squeeze %parallel_loop3A_277 : memref<1x32x513xf32, #tpu.memory_space<vmem>> -> memref<32x513xf32, #tpu.memory_space<vmem>>
        %parallel_loop3A_279 = tpu.vector_load_idx %parallel_loop3A_278[%iota3A, %parallel_loop3A_273] : memref<32x513xf32, #tpu.memory_space<vmem>>[vector<16xi32>, vector<16xi32>], vector<16xf32>,
        %parallel_loop3A_280 = arith.constant 0 : i32
        %parallel_loop3A_281 = arith.index_cast %parallel_loop3A_280 : i32 to index
        %parallel_loop3A_282 = arith.index_cast %parallel_loop3A_199 : i32 to index
        %parallel_loop3A_283 = arith.constant 96 : index
        %parallel_loop3A_284 = tpu.vector_load %arg6[%parallel_loop3A_281, %parallel_loop3A_282, %parallel_loop3A_283] {strides = array<i32>} : memref<2x128x128xf32, #tpu.memory_space<vmem>>, vector<16xf32>,
        tpu.vector_store %arg6[%parallel_loop3A_281, %parallel_loop3A_282, %parallel_loop3A_283], %parallel_loop3A_279 {strides = array<i32>} : memref<2x128x128xf32, #tpu.memory_space<vmem>>, vector<16xf32>,
        %parallel_loop3A_285 = arith.addi %parallel_loop3A_200, %broadcast_in_dim3A_36 : vector<16xi32>
        %parallel_loop3A_286 = arith.constant 0 : i32
        %parallel_loop3A_287 = arith.constant 0 : i32
        %parallel_loop3A_288 = arith.constant 0 : i32
        %parallel_loop3A_289 = tpu.memref_slice %arg5[%parallel_loop3A_286, %parallel_loop3A_287, %parallel_loop3A_288] : memref<2x32x513xf32, #tpu.memory_space<vmem>> -> memref<1x32x513xf32, #tpu.memory_space<vmem>>
        %parallel_loop3A_290 = tpu.memref_squeeze %parallel_loop3A_289 : memref<1x32x513xf32, #tpu.memory_space<vmem>> -> memref<32x513xf32, #tpu.memory_space<vmem>>
        %parallel_loop3A_291 = tpu.vector_load_idx %parallel_loop3A_290[%add3A_29, %parallel_loop3A_285] : memref<32x513xf32, #tpu.memory_space<vmem>>[vector<16xi32>, vector<16xi32>], vector<16xf32>,
        %parallel_loop3A_292 = arith.constant 0 : i32
        %parallel_loop3A_293 = arith.index_cast %parallel_loop3A_292 : i32 to index
        %parallel_loop3A_294 = arith.index_cast %parallel_loop3A_199 : i32 to index
        %parallel_loop3A_295 = arith.constant 112 : index
        %parallel_loop3A_296 = tpu.vector_load %arg6[%parallel_loop3A_293, %parallel_loop3A_294, %parallel_loop3A_295] {strides = array<i32>} : memref<2x128x128xf32, #tpu.memory_space<vmem>>, vector<16xf32>,
        tpu.vector_store %arg6[%parallel_loop3A_293, %parallel_loop3A_294, %parallel_loop3A_295], %parallel_loop3A_291 {strides = array<i32>} : memref<2x128x128xf32, #tpu.memory_space<vmem>>, vector<16xf32>,
        %parallel_loop3A_297 = arith.addi %parallel_loop3A_200, %broadcast_in_dim3A_38 : vector<16xi32>
        scf.yield %parallel_loop3A_297 : vector<16xi32>
      } {sc.loop_unroll_factor = 4 : i64, sc.parallel_access}
      %add3A_196 = arith.addi %add3A_4, %sub3A_161 : i32
      %mul3A_197 = arith.constant 128 : i32
      %mul3A_198 = arith.muli %add3A_196, %mul3A_197 : i32
      %run_scoped3A = arith.constant 0 : i32
      "tpu.region"() ({
        %run_scoped3A_199 = tpu.sem_alloc : memref<!tpu.dma_semaphore, #tpu.memory_space<semaphore_mem>>
        %dma_start3A_200 = arith.constant 0 : i32
        %dma_start3A_201 = arith.constant 0 : i32
        %dma_start3A_202 = tpu.memref_slice %arg6[%run_scoped3A, %dma_start3A_200, %dma_start3A_201] : memref<2x128x128xf32, #tpu.memory_space<vmem>> -> memref<1x128x128xf32, #tpu.memory_space<vmem>>
        %dma_start3A_203 = tpu.memref_squeeze %dma_start3A_202 : memref<1x128x128xf32, #tpu.memory_space<vmem>> -> memref<128x128xf32, #tpu.memory_space<vmem>>
        %dma_start3A_204 = arith.constant 0 : i32
        %dma_start3A_205 = tpu.memref_slice %arg4[%mul3A_198, %dma_start3A_204] : memref<250000x128xf32, #tpu.memory_space<hbm>> -> memref<128x128xf32, #tpu.memory_space<hbm>>
        %dma_start3A_206 = arith.constant 0 : i32
        %dma_start3A_207 = tpu.memref_slice %arg4[%mul3A_198, %dma_start3A_206] : memref<250000x128xf32, #tpu.memory_space<hbm>> -> memref<128x128xf32, #tpu.memory_space<hbm>>
        %dma_start3A_208 = arith.constant 0 : i32
        %dma_start3A_209 = arith.constant 0 : i32
        %dma_start3A_210 = tpu.memref_slice %arg6[%run_scoped3A, %dma_start3A_208, %dma_start3A_209] : memref<2x128x128xf32, #tpu.memory_space<vmem>> -> memref<1x128x128xf32, #tpu.memory_space<vmem>>
        %dma_start3A_211 = tpu.memref_squeeze %dma_start3A_210 : memref<1x128x128xf32, #tpu.memory_space<vmem>> -> memref<128x128xf32, #tpu.memory_space<vmem>>
        tpu.enqueue_dma source(%dma_start3A_211 : memref<128x128xf32, #tpu.memory_space<vmem>>) target(%dma_start3A_207 : memref<128x128xf32, #tpu.memory_space<hbm>>) target_semaphore(%run_scoped3A_199 : memref<!tpu.dma_semaphore, #tpu.memory_space<semaphore_mem>>)
        %dma_wait3A_212 = arith.constant 0 : i32
        %dma_wait3A_213 = arith.constant 0 : i32
        %dma_wait3A_214 = tpu.memref_slice %arg6[%run_scoped3A, %dma_wait3A_212, %dma_wait3A_213] : memref<2x128x128xf32, #tpu.memory_space<vmem>> -> memref<1x128x128xf32, #tpu.memory_space<vmem>>
        %dma_wait3A_215 = tpu.memref_squeeze %dma_wait3A_214 : memref<1x128x128xf32, #tpu.memory_space<vmem>> -> memref<128x128xf32, #tpu.memory_space<vmem>>
        %dma_wait3A_216 = arith.constant 0 : i32
        %dma_wait3A_217 = tpu.memref_slice %arg4[%mul3A_198, %dma_wait3A_216] : memref<250000x128xf32, #tpu.memory_space<hbm>> -> memref<128x128xf32, #tpu.memory_space<hbm>>
        %dma_wait3A_218 = arith.constant 0 : i32
        %dma_wait3A_219 = tpu.memref_slice %arg4[%mul3A_198, %dma_wait3A_218] : memref<250000x128xf32, #tpu.memory_space<hbm>> -> memref<128x128xf32, #tpu.memory_space<hbm>>
        %dma_wait3A_220 = arith.constant 0 : i32
        %dma_wait3A_221 = arith.constant 0 : i32
        %dma_wait3A_222 = tpu.memref_slice %arg6[%run_scoped3A, %dma_wait3A_220, %dma_wait3A_221] : memref<2x128x128xf32, #tpu.memory_space<vmem>> -> memref<1x128x128xf32, #tpu.memory_space<vmem>>
        %dma_wait3A_223 = tpu.memref_squeeze %dma_wait3A_222 : memref<1x128x128xf32, #tpu.memory_space<vmem>> -> memref<128x128xf32, #tpu.memory_space<vmem>>
        tpu.wait_dma2 semaphore(%run_scoped3A_199 : memref<!tpu.dma_semaphore, #tpu.memory_space<semaphore_mem>>) src(%dma_wait3A_223 : memref<128x128xf32, #tpu.memory_space<vmem>>) dst(%dma_wait3A_219 : memref<128x128xf32, #tpu.memory_space<hbm>>)
        tpu.yield
      }) : () -> ()
    } else {
    }
    %jit3A_126 = arith.constant 2 : i32
    %eq3A_127 = arith.constant 0 : i32
    %eq3A_128 = arith.cmpi eq, %jit3A_126, %eq3A_127 : i32
    %jit3A_129 = arith.constant 1 : i32
    %select_n3A_130 = arith.select %eq3A_128, %jit3A_129, %jit3A_126 : i32
    %rem3A_131 = arith.remsi %add3A_8, %select_n3A_130 : i32
    %ne3A_132 = arith.constant 0 : i32
    %ne3A_133 = arith.cmpi ne, %rem3A_131, %ne3A_132 : i32
    %lt3A_134 = arith.constant 0 : i32
    %lt3A_135 = arith.cmpi slt, %rem3A_131, %lt3A_134 : i32
    %lt3A_136 = arith.constant 0 : i32
    %lt3A_137 = arith.cmpi slt, %select_n3A_130, %lt3A_136 : i32
    %ne3A_138 = arith.xori %lt3A_135, %lt3A_137 : i1
    %and3A_139 = arith.andi %ne3A_138, %ne3A_133 : i1
    %add3A_140 = arith.addi %rem3A_131, %select_n3A_130 : i32
    %select_n3A_141 = arith.select %and3A_139, %add3A_140, %rem3A_131 : i32
    %eq3A_142 = arith.constant 0 : i32
    %eq3A_143 = arith.cmpi eq, %select_n3A_141, %eq3A_142 : i32
    %gt3A_144 = arith.constant 0 : i32
    %gt3A_145 = arith.cmpi sgt, %select_n3A_26, %gt3A_144 : i32
    %and3A_146 = arith.andi %eq3A_143, %gt3A_145 : i1
    %convert_element_type3A_147 = arith.extui %and3A_146 : i1 to i32
    %cond3A_148 = arith.constant 0 : i32
    %cond3A_149 = arith.cmpi ne, %convert_element_type3A_147, %cond3A_148 : i32
    scf.if %cond3A_149 {
      %add3A_160 = arith.constant 0 : i32
      %add3A_161 = arith.addi %add3A_4, %add3A_160 : i32
      %mul3A_162 = arith.constant 128 : i32
      %mul3A_163 = arith.muli %add3A_161, %mul3A_162 : i32
      %dma_wait3A = arith.constant 0 : i32
      %dma_wait3A_164 = arith.constant 0 : i32
      %dma_wait3A_165 = arith.constant 0 : i32
      %dma_wait3A_166 = arith.constant 0 : i32
      %dma_wait3A_167 = tpu.memref_slice %arg6[%dma_wait3A, %dma_wait3A_165, %dma_wait3A_166] : memref<2x128x128xf32, #tpu.memory_space<vmem>> -> memref<1x128x128xf32, #tpu.memory_space<vmem>>
      %dma_wait3A_168 = tpu.memref_squeeze %dma_wait3A_167 : memref<1x128x128xf32, #tpu.memory_space<vmem>> -> memref<128x128xf32, #tpu.memory_space<vmem>>
      %dma_wait3A_169 = arith.constant 0 : i32
      %dma_wait3A_170 = tpu.memref_slice %arg4[%mul3A_163, %dma_wait3A_169] : memref<250000x128xf32, #tpu.memory_space<hbm>> -> memref<128x128xf32, #tpu.memory_space<hbm>>
      %dma_wait3A_171 = tpu.memref_slice %arg9[%dma_wait3A_164] : memref<2x!tpu.dma_semaphore, #tpu.memory_space<semaphore_mem>> -> memref<1x!tpu.dma_semaphore, #tpu.memory_space<semaphore_mem>>
      %dma_wait3A_172 = tpu.memref_squeeze %dma_wait3A_171 : memref<1x!tpu.dma_semaphore, #tpu.memory_space<semaphore_mem>> -> memref<!tpu.dma_semaphore, #tpu.memory_space<semaphore_mem>>
      %dma_wait3A_173 = arith.constant 0 : i32
      %dma_wait3A_174 = tpu.memref_slice %arg4[%mul3A_163, %dma_wait3A_173] : memref<250000x128xf32, #tpu.memory_space<hbm>> -> memref<128x128xf32, #tpu.memory_space<hbm>>
      %dma_wait3A_175 = arith.constant 0 : i32
      %dma_wait3A_176 = arith.constant 0 : i32
      %dma_wait3A_177 = tpu.memref_slice %arg6[%dma_wait3A, %dma_wait3A_175, %dma_wait3A_176] : memref<2x128x128xf32, #tpu.memory_space<vmem>> -> memref<1x128x128xf32, #tpu.memory_space<vmem>>
      %dma_wait3A_178 = tpu.memref_squeeze %dma_wait3A_177 : memref<1x128x128xf32, #tpu.memory_space<vmem>> -> memref<128x128xf32, #tpu.memory_space<vmem>>
      tpu.wait_dma2 semaphore(%dma_wait3A_172 : memref<!tpu.dma_semaphore, #tpu.memory_space<semaphore_mem>>) src(%dma_wait3A_178 : memref<128x128xf32, #tpu.memory_space<vmem>>) dst(%dma_wait3A_174 : memref<128x128xf32, #tpu.memory_space<hbm>>)
    } else {
    }
    %gt3A_150 = arith.constant 0 : i32
    %gt3A_151 = arith.cmpi sgt, %select_n3A_26, %gt3A_150 : i32
    %convert_element_type3A_152 = arith.extui %gt3A_151 : i1 to i32
    %cond3A_153 = arith.constant 0 : i32
    %cond3A_154 = arith.cmpi ne, %convert_element_type3A_152, %cond3A_153 : i32
    scf.if %cond3A_154 {
      %add3A_160 = arith.constant 0 : i32
      %add3A_161 = arith.addi %add3A_4, %add3A_160 : i32
      %mul3A_162 = arith.constant 128 : i32
      %mul3A_163 = arith.muli %add3A_161, %mul3A_162 : i32
      %dma_wait3A = arith.constant 1 : i32
      %dma_wait3A_164 = arith.constant 1 : i32
      %dma_wait3A_165 = arith.constant 0 : i32
      %dma_wait3A_166 = arith.constant 0 : i32
      %dma_wait3A_167 = tpu.memref_slice %arg6[%dma_wait3A, %dma_wait3A_165, %dma_wait3A_166] : memref<2x128x128xf32, #tpu.memory_space<vmem>> -> memref<1x128x128xf32, #tpu.memory_space<vmem>>
      %dma_wait3A_168 = tpu.memref_squeeze %dma_wait3A_167 : memref<1x128x128xf32, #tpu.memory_space<vmem>> -> memref<128x128xf32, #tpu.memory_space<vmem>>
      %dma_wait3A_169 = arith.constant 0 : i32
      %dma_wait3A_170 = tpu.memref_slice %arg4[%mul3A_163, %dma_wait3A_169] : memref<250000x128xf32, #tpu.memory_space<hbm>> -> memref<128x128xf32, #tpu.memory_space<hbm>>
      %dma_wait3A_171 = tpu.memref_slice %arg9[%dma_wait3A_164] : memref<2x!tpu.dma_semaphore, #tpu.memory_space<semaphore_mem>> -> memref<1x!tpu.dma_semaphore, #tpu.memory_space<semaphore_mem>>
      %dma_wait3A_172 = tpu.memref_squeeze %dma_wait3A_171 : memref<1x!tpu.dma_semaphore, #tpu.memory_space<semaphore_mem>> -> memref<!tpu.dma_semaphore, #tpu.memory_space<semaphore_mem>>
      %dma_wait3A_173 = arith.constant 0 : i32
      %dma_wait3A_174 = tpu.memref_slice %arg4[%mul3A_163, %dma_wait3A_173] : memref<250000x128xf32, #tpu.memory_space<hbm>> -> memref<128x128xf32, #tpu.memory_space<hbm>>
      %dma_wait3A_175 = arith.constant 0 : i32
      %dma_wait3A_176 = arith.constant 0 : i32
      %dma_wait3A_177 = tpu.memref_slice %arg6[%dma_wait3A, %dma_wait3A_175, %dma_wait3A_176] : memref<2x128x128xf32, #tpu.memory_space<vmem>> -> memref<1x128x128xf32, #tpu.memory_space<vmem>>
      %dma_wait3A_178 = tpu.memref_squeeze %dma_wait3A_177 : memref<1x128x128xf32, #tpu.memory_space<vmem>> -> memref<128x128xf32, #tpu.memory_space<vmem>>
      tpu.wait_dma2 semaphore(%dma_wait3A_172 : memref<!tpu.dma_semaphore, #tpu.memory_space<semaphore_mem>>) src(%dma_wait3A_178 : memref<128x128xf32, #tpu.memory_space<vmem>>) dst(%dma_wait3A_174 : memref<128x128xf32, #tpu.memory_space<hbm>>)
    } else {
    }
    %eq3A_155 = arith.constant 31 : i32
    %eq3A_156 = arith.cmpi eq, %add3A, %eq3A_155 : i32
    %convert_element_type3A_157 = arith.extui %eq3A_156 : i1 to i32
    %cond3A_158 = arith.constant 0 : i32
    %cond3A_159 = arith.cmpi ne, %convert_element_type3A_157, %cond3A_158 : i32
    scf.if %cond3A_159 {
      "tpu.region"() ({
        %run_scoped3A_164 = tpu.sem_alloc : memref<!tpu.dma_semaphore, #tpu.memory_space<semaphore_mem>>
        tpu.enqueue_dma source(%arg3 : memref<64x32xf32, #tpu.memory_space<hbm>>) target(%arg7 : memref<64x32xf32, #tpu.memory_space<vmem>>) target_semaphore(%run_scoped3A_164 : memref<!tpu.dma_semaphore, #tpu.memory_space<semaphore_mem>>)
        tpu.wait_dma2 semaphore(%run_scoped3A_164 : memref<!tpu.dma_semaphore, #tpu.memory_space<semaphore_mem>>) src(%arg3 : memref<64x32xf32, #tpu.memory_space<hbm>>) dst(%arg7 : memref<64x32xf32, #tpu.memory_space<vmem>>)
        tpu.yield
      }) : () -> ()
      %scan3A = arith.constant 0 : i32
      %scan3A_160 = arith.constant 16 : i32
      %scan3A_161 = arith.addi %scan3A, %scan3A_160 : i32
      %scan3A_162 = arith.constant 1 : i32
      scf.for %scan3A_164 = %scan3A to %scan3A_161 step %scan3A_162  : i32 {
        %mul3A_165 = arith.constant 1 : i32
        %mul3A_166 = arith.muli %scan3A_164, %mul3A_165 : i32
        %add3A_167 = arith.constant 0 : i32
        %add3A_168 = arith.addi %add3A_167, %mul3A_166 : i32
        %mul3A_169 = arith.constant 4 : i32
        %mul3A_170 = arith.muli %mul3A_169, %add3A_168 : i32
        %add3A_171 = arith.constant 0 : i32
        %add3A_172 = arith.addi %mul3A_170, %add3A_171 : i32
        %broadcast_in_dim3A_173 = vector.broadcast %add3A_172 : i32 to vector<16xi32>
        %gather3A = tpu.vector_load_idx %arg7[%broadcast_in_dim3A_173, %iota3A] : memref<64x32xf32, #tpu.memory_space<vmem>>[vector<16xi32>, vector<16xi32>], vector<16xf32>,
        %swap3A = arith.constant 0 : i32
        %swap3A_174 = arith.index_cast %swap3A : i32 to index
        %swap3A_175 = arith.index_cast %add3A_168 : i32 to index
        %swap3A_176 = arith.constant 0 : index
        %swap3A_177 = tpu.vector_load %arg6[%swap3A_174, %swap3A_175, %swap3A_176] {strides = array<i32>} : memref<2x128x128xf32, #tpu.memory_space<vmem>>, vector<16xf32>,
        tpu.vector_store %arg6[%swap3A_174, %swap3A_175, %swap3A_176], %gather3A {strides = array<i32>} : memref<2x128x128xf32, #tpu.memory_space<vmem>>, vector<16xf32>,
        %mul3A_178 = arith.constant 4 : i32
        %mul3A_179 = arith.muli %mul3A_178, %add3A_168 : i32
        %add3A_180 = arith.constant 0 : i32
        %add3A_181 = arith.addi %mul3A_179, %add3A_180 : i32
        %broadcast_in_dim3A_182 = vector.broadcast %add3A_181 : i32 to vector<16xi32>
        %gather3A_183 = tpu.vector_load_idx %arg7[%broadcast_in_dim3A_182, %add3A_29] : memref<64x32xf32, #tpu.memory_space<vmem>>[vector<16xi32>, vector<16xi32>], vector<16xf32>,
        %swap3A_184 = arith.constant 0 : i32
        %swap3A_185 = arith.index_cast %swap3A_184 : i32 to index
        %swap3A_186 = arith.index_cast %add3A_168 : i32 to index
        %swap3A_187 = arith.constant 16 : index
        %swap3A_188 = tpu.vector_load %arg6[%swap3A_185, %swap3A_186, %swap3A_187] {strides = array<i32>} : memref<2x128x128xf32, #tpu.memory_space<vmem>>, vector<16xf32>,
        tpu.vector_store %arg6[%swap3A_185, %swap3A_186, %swap3A_187], %gather3A_183 {strides = array<i32>} : memref<2x128x128xf32, #tpu.memory_space<vmem>>, vector<16xf32>,
        %mul3A_189 = arith.constant 4 : i32
        %mul3A_190 = arith.muli %mul3A_189, %add3A_168 : i32
        %add3A_191 = arith.constant 1 : i32
        %add3A_192 = arith.addi %mul3A_190, %add3A_191 : i32
        %broadcast_in_dim3A_193 = vector.broadcast %add3A_192 : i32 to vector<16xi32>
        %gather3A_194 = tpu.vector_load_idx %arg7[%broadcast_in_dim3A_193, %iota3A] : memref<64x32xf32, #tpu.memory_space<vmem>>[vector<16xi32>, vector<16xi32>], vector<16xf32>,
        %swap3A_195 = arith.constant 0 : i32
        %swap3A_196 = arith.index_cast %swap3A_195 : i32 to index
        %swap3A_197 = arith.index_cast %add3A_168 : i32 to index
        %swap3A_198 = arith.constant 32 : index
        %swap3A_199 = tpu.vector_load %arg6[%swap3A_196, %swap3A_197, %swap3A_198] {strides = array<i32>} : memref<2x128x128xf32, #tpu.memory_space<vmem>>, vector<16xf32>,
        tpu.vector_store %arg6[%swap3A_196, %swap3A_197, %swap3A_198], %gather3A_194 {strides = array<i32>} : memref<2x128x128xf32, #tpu.memory_space<vmem>>, vector<16xf32>,
        %mul3A_200 = arith.constant 4 : i32
        %mul3A_201 = arith.muli %mul3A_200, %add3A_168 : i32
        %add3A_202 = arith.constant 1 : i32
        %add3A_203 = arith.addi %mul3A_201, %add3A_202 : i32
        %broadcast_in_dim3A_204 = vector.broadcast %add3A_203 : i32 to vector<16xi32>
        %gather3A_205 = tpu.vector_load_idx %arg7[%broadcast_in_dim3A_204, %add3A_29] : memref<64x32xf32, #tpu.memory_space<vmem>>[vector<16xi32>, vector<16xi32>], vector<16xf32>,
        %swap3A_206 = arith.constant 0 : i32
        %swap3A_207 = arith.index_cast %swap3A_206 : i32 to index
        %swap3A_208 = arith.index_cast %add3A_168 : i32 to index
        %swap3A_209 = arith.constant 48 : index
        %swap3A_210 = tpu.vector_load %arg6[%swap3A_207, %swap3A_208, %swap3A_209] {strides = array<i32>} : memref<2x128x128xf32, #tpu.memory_space<vmem>>, vector<16xf32>,
        tpu.vector_store %arg6[%swap3A_207, %swap3A_208, %swap3A_209], %gather3A_205 {strides = array<i32>} : memref<2x128x128xf32, #tpu.memory_space<vmem>>, vector<16xf32>,
        %mul3A_211 = arith.constant 4 : i32
        %mul3A_212 = arith.muli %mul3A_211, %add3A_168 : i32
        %add3A_213 = arith.constant 2 : i32
        %add3A_214 = arith.addi %mul3A_212, %add3A_213 : i32
        %broadcast_in_dim3A_215 = vector.broadcast %add3A_214 : i32 to vector<16xi32>
        %gather3A_216 = tpu.vector_load_idx %arg7[%broadcast_in_dim3A_215, %iota3A] : memref<64x32xf32, #tpu.memory_space<vmem>>[vector<16xi32>, vector<16xi32>], vector<16xf32>,
        %swap3A_217 = arith.constant 0 : i32
        %swap3A_218 = arith.index_cast %swap3A_217 : i32 to index
        %swap3A_219 = arith.index_cast %add3A_168 : i32 to index
        %swap3A_220 = arith.constant 64 : index
        %swap3A_221 = tpu.vector_load %arg6[%swap3A_218, %swap3A_219, %swap3A_220] {strides = array<i32>} : memref<2x128x128xf32, #tpu.memory_space<vmem>>, vector<16xf32>,
        tpu.vector_store %arg6[%swap3A_218, %swap3A_219, %swap3A_220], %gather3A_216 {strides = array<i32>} : memref<2x128x128xf32, #tpu.memory_space<vmem>>, vector<16xf32>,
        %mul3A_222 = arith.constant 4 : i32
        %mul3A_223 = arith.muli %mul3A_222, %add3A_168 : i32
        %add3A_224 = arith.constant 2 : i32
        %add3A_225 = arith.addi %mul3A_223, %add3A_224 : i32
        %broadcast_in_dim3A_226 = vector.broadcast %add3A_225 : i32 to vector<16xi32>
        %gather3A_227 = tpu.vector_load_idx %arg7[%broadcast_in_dim3A_226, %add3A_29] : memref<64x32xf32, #tpu.memory_space<vmem>>[vector<16xi32>, vector<16xi32>], vector<16xf32>,
        %swap3A_228 = arith.constant 0 : i32
        %swap3A_229 = arith.index_cast %swap3A_228 : i32 to index
        %swap3A_230 = arith.index_cast %add3A_168 : i32 to index
        %swap3A_231 = arith.constant 80 : index
        %swap3A_232 = tpu.vector_load %arg6[%swap3A_229, %swap3A_230, %swap3A_231] {strides = array<i32>} : memref<2x128x128xf32, #tpu.memory_space<vmem>>, vector<16xf32>,
        tpu.vector_store %arg6[%swap3A_229, %swap3A_230, %swap3A_231], %gather3A_227 {strides = array<i32>} : memref<2x128x128xf32, #tpu.memory_space<vmem>>, vector<16xf32>,
        %mul3A_233 = arith.constant 4 : i32
        %mul3A_234 = arith.muli %mul3A_233, %add3A_168 : i32
        %add3A_235 = arith.constant 3 : i32
        %add3A_236 = arith.addi %mul3A_234, %add3A_235 : i32
        %broadcast_in_dim3A_237 = vector.broadcast %add3A_236 : i32 to vector<16xi32>
        %gather3A_238 = tpu.vector_load_idx %arg7[%broadcast_in_dim3A_237, %iota3A] : memref<64x32xf32, #tpu.memory_space<vmem>>[vector<16xi32>, vector<16xi32>], vector<16xf32>,
        %swap3A_239 = arith.constant 0 : i32
        %swap3A_240 = arith.index_cast %swap3A_239 : i32 to index
        %swap3A_241 = arith.index_cast %add3A_168 : i32 to index
        %swap3A_242 = arith.constant 96 : index
        %swap3A_243 = tpu.vector_load %arg6[%swap3A_240, %swap3A_241, %swap3A_242] {strides = array<i32>} : memref<2x128x128xf32, #tpu.memory_space<vmem>>, vector<16xf32>,
        tpu.vector_store %arg6[%swap3A_240, %swap3A_241, %swap3A_242], %gather3A_238 {strides = array<i32>} : memref<2x128x128xf32, #tpu.memory_space<vmem>>, vector<16xf32>,
        %mul3A_244 = arith.constant 4 : i32
        %mul3A_245 = arith.muli %mul3A_244, %add3A_168 : i32
        %add3A_246 = arith.constant 3 : i32
        %add3A_247 = arith.addi %mul3A_245, %add3A_246 : i32
        %broadcast_in_dim3A_248 = vector.broadcast %add3A_247 : i32 to vector<16xi32>
        %gather3A_249 = tpu.vector_load_idx %arg7[%broadcast_in_dim3A_248, %add3A_29] : memref<64x32xf32, #tpu.memory_space<vmem>>[vector<16xi32>, vector<16xi32>], vector<16xf32>,
        %swap3A_250 = arith.constant 0 : i32
        %swap3A_251 = arith.index_cast %swap3A_250 : i32 to index
        %swap3A_252 = arith.index_cast %add3A_168 : i32 to index
        %swap3A_253 = arith.constant 112 : index
        %swap3A_254 = tpu.vector_load %arg6[%swap3A_251, %swap3A_252, %swap3A_253] {strides = array<i32>} : memref<2x128x128xf32, #tpu.memory_space<vmem>>, vector<16xf32>,
        tpu.vector_store %arg6[%swap3A_251, %swap3A_252, %swap3A_253], %gather3A_249 {strides = array<i32>} : memref<2x128x128xf32, #tpu.memory_space<vmem>>, vector<16xf32>,
      }
      %scan3A_163 = arith.constant 16 : i32
      %run_scoped3A = arith.constant 0 : i32
      "tpu.region"() ({
        %run_scoped3A_164 = tpu.sem_alloc : memref<!tpu.dma_semaphore, #tpu.memory_space<semaphore_mem>>
        %dma_start3A_165 = arith.constant 0 : i32
        %dma_start3A_166 = arith.constant 0 : i32
        %dma_start3A_167 = tpu.memref_slice %arg6[%run_scoped3A, %dma_start3A_165, %dma_start3A_166] : memref<2x128x128xf32, #tpu.memory_space<vmem>> -> memref<1x128x128xf32, #tpu.memory_space<vmem>>
        %dma_start3A_168 = tpu.memref_squeeze %dma_start3A_167 : memref<1x128x128xf32, #tpu.memory_space<vmem>> -> memref<128x128xf32, #tpu.memory_space<vmem>>
        %dma_start3A_169 = arith.constant 0 : i32
        %dma_start3A_170 = arith.constant 0 : i32
        %dma_start3A_171 = tpu.memref_slice %dma_start3A_168[%dma_start3A_169, %dma_start3A_170] : memref<128x128xf32, #tpu.memory_space<vmem>> -> memref<16x128xf32, #tpu.memory_space<vmem>>
        %dma_start3A_172 = arith.constant 249984 : i32
        %dma_start3A_173 = arith.constant 0 : i32
        %dma_start3A_174 = tpu.memref_slice %arg4[%dma_start3A_172, %dma_start3A_173] : memref<250000x128xf32, #tpu.memory_space<hbm>> -> memref<16x128xf32, #tpu.memory_space<hbm>>
        %dma_start3A_175 = arith.constant 249984 : i32
        %dma_start3A_176 = arith.constant 0 : i32
        %dma_start3A_177 = tpu.memref_slice %arg4[%dma_start3A_175, %dma_start3A_176] : memref<250000x128xf32, #tpu.memory_space<hbm>> -> memref<16x128xf32, #tpu.memory_space<hbm>>
        %dma_start3A_178 = arith.constant 0 : i32
        %dma_start3A_179 = arith.constant 0 : i32
        %dma_start3A_180 = tpu.memref_slice %arg6[%run_scoped3A, %dma_start3A_178, %dma_start3A_179] : memref<2x128x128xf32, #tpu.memory_space<vmem>> -> memref<1x128x128xf32, #tpu.memory_space<vmem>>
        %dma_start3A_181 = tpu.memref_squeeze %dma_start3A_180 : memref<1x128x128xf32, #tpu.memory_space<vmem>> -> memref<128x128xf32, #tpu.memory_space<vmem>>
        %dma_start3A_182 = arith.constant 0 : i32
        %dma_start3A_183 = arith.constant 0 : i32
        %dma_start3A_184 = tpu.memref_slice %dma_start3A_181[%dma_start3A_182, %dma_start3A_183] : memref<128x128xf32, #tpu.memory_space<vmem>> -> memref<16x128xf32, #tpu.memory_space<vmem>>
        tpu.enqueue_dma source(%dma_start3A_184 : memref<16x128xf32, #tpu.memory_space<vmem>>) target(%dma_start3A_177 : memref<16x128xf32, #tpu.memory_space<hbm>>) target_semaphore(%run_scoped3A_164 : memref<!tpu.dma_semaphore, #tpu.memory_space<semaphore_mem>>)
        %dma_wait3A = arith.constant 0 : i32
        %dma_wait3A_185 = arith.constant 0 : i32
        %dma_wait3A_186 = tpu.memref_slice %arg6[%run_scoped3A, %dma_wait3A, %dma_wait3A_185] : memref<2x128x128xf32, #tpu.memory_space<vmem>> -> memref<1x128x128xf32, #tpu.memory_space<vmem>>
        %dma_wait3A_187 = tpu.memref_squeeze %dma_wait3A_186 : memref<1x128x128xf32, #tpu.memory_space<vmem>> -> memref<128x128xf32, #tpu.memory_space<vmem>>
        %dma_wait3A_188 = arith.constant 0 : i32
        %dma_wait3A_189 = arith.constant 0 : i32
        %dma_wait3A_190 = tpu.memref_slice %dma_wait3A_187[%dma_wait3A_188, %dma_wait3A_189] : memref<128x128xf32, #tpu.memory_space<vmem>> -> memref<16x128xf32, #tpu.memory_space<vmem>>
        %dma_wait3A_191 = arith.constant 249984 : i32
        %dma_wait3A_192 = arith.constant 0 : i32
        %dma_wait3A_193 = tpu.memref_slice %arg4[%dma_wait3A_191, %dma_wait3A_192] : memref<250000x128xf32, #tpu.memory_space<hbm>> -> memref<16x128xf32, #tpu.memory_space<hbm>>
        %dma_wait3A_194 = arith.constant 249984 : i32
        %dma_wait3A_195 = arith.constant 0 : i32
        %dma_wait3A_196 = tpu.memref_slice %arg4[%dma_wait3A_194, %dma_wait3A_195] : memref<250000x128xf32, #tpu.memory_space<hbm>> -> memref<16x128xf32, #tpu.memory_space<hbm>>
        %dma_wait3A_197 = arith.constant 0 : i32
        %dma_wait3A_198 = arith.constant 0 : i32
        %dma_wait3A_199 = tpu.memref_slice %arg6[%run_scoped3A, %dma_wait3A_197, %dma_wait3A_198] : memref<2x128x128xf32, #tpu.memory_space<vmem>> -> memref<1x128x128xf32, #tpu.memory_space<vmem>>
        %dma_wait3A_200 = tpu.memref_squeeze %dma_wait3A_199 : memref<1x128x128xf32, #tpu.memory_space<vmem>> -> memref<128x128xf32, #tpu.memory_space<vmem>>
        %dma_wait3A_201 = arith.constant 0 : i32
        %dma_wait3A_202 = arith.constant 0 : i32
        %dma_wait3A_203 = tpu.memref_slice %dma_wait3A_200[%dma_wait3A_201, %dma_wait3A_202] : memref<128x128xf32, #tpu.memory_space<vmem>> -> memref<16x128xf32, #tpu.memory_space<vmem>>
        tpu.wait_dma2 semaphore(%run_scoped3A_164 : memref<!tpu.dma_semaphore, #tpu.memory_space<semaphore_mem>>) src(%dma_wait3A_203 : memref<16x128xf32, #tpu.memory_space<vmem>>) dst(%dma_wait3A_196 : memref<16x128xf32, #tpu.memory_space<hbm>>)
        tpu.yield
      }) : () -> ()
    } else {
    }
    return
  }
}

#map = affine_map<(d0, d1) -> (0, 0)>
#map1 = affine_map<(d0, d1) -> (0)>
module attributes {stable_mosaic.version = 14 : i64} {
  func.func @gather_kernel(%arg0: i32, %arg1: i32, %arg2: memref<1000000x32xf32, #tpu.memory_space<hbm>>, %arg3: memref<819200xi32, #tpu.memory_space<hbm>>, %arg4: memref<204800x128xf32, #tpu.memory_space<hbm>>, %arg5: memref<25600xi32, #tpu.memory_space<vmem>>, %arg6: memref<2x128x32xf32, #tpu.memory_space<vmem>>, %arg7: memref<2x32x128xf32, #tpu.memory_space<vmem>>, %arg8: memref<2x!tpu.dma_semaphore, #tpu.memory_space<semaphore_mem>>, %arg9: memref<2x!tpu.dma_semaphore, #tpu.memory_space<semaphore_mem>>) attributes {dimension_semantics = [#tpu.dimension_semantics<core_parallel>, #tpu.dimension_semantics<subcore_parallel>], iteration_bounds = array<i64: 2, 16>, scalar_prefetch = 0 : i64, scratch_operands = 5 : i64, tpu.core_type = #tpu.core_type<sc_vector_subcore>, window_params = [{transform_indices = #map}, {transform_indices = #map1}, {transform_indices = #map}]} {
    %mul3A = arith.constant 2 : i32
    %mul3A_0 = arith.muli %arg1, %mul3A : i32
    %add3A = arith.addi %mul3A_0, %arg0 : i32
    %mul3A_1 = arith.constant 25600 : i32
    %mul3A_2 = arith.muli %add3A, %mul3A_1 : i32
    "tpu.region"() ({
      %run_scoped3A = tpu.sem_alloc : memref<!tpu.dma_semaphore, #tpu.memory_space<semaphore_mem>>
      %dma_start3A_535 = tpu.memref_slice %arg3[%mul3A_2] : memref<819200xi32, #tpu.memory_space<hbm>> -> memref<25600xi32, #tpu.memory_space<hbm>>
      %dma_start3A_536 = tpu.memref_slice %arg3[%mul3A_2] : memref<819200xi32, #tpu.memory_space<hbm>> -> memref<25600xi32, #tpu.memory_space<hbm>>
      tpu.enqueue_dma source(%dma_start3A_536 : memref<25600xi32, #tpu.memory_space<hbm>>) target(%arg5 : memref<25600xi32, #tpu.memory_space<vmem>>) target_semaphore(%run_scoped3A : memref<!tpu.dma_semaphore, #tpu.memory_space<semaphore_mem>>)
      %dma_wait3A_537 = tpu.memref_slice %arg3[%mul3A_2] : memref<819200xi32, #tpu.memory_space<hbm>> -> memref<25600xi32, #tpu.memory_space<hbm>>
      %dma_wait3A_538 = tpu.memref_slice %arg3[%mul3A_2] : memref<819200xi32, #tpu.memory_space<hbm>> -> memref<25600xi32, #tpu.memory_space<hbm>>
      tpu.wait_dma2 semaphore(%run_scoped3A : memref<!tpu.dma_semaphore, #tpu.memory_space<semaphore_mem>>) src(%dma_wait3A_538 : memref<25600xi32, #tpu.memory_space<hbm>>) dst(%arg5 : memref<25600xi32, #tpu.memory_space<vmem>>)
      tpu.yield
    }) : () -> ()
    %iota3A = tpu.iota {dimensions = array<i32: 0>} : vector<16xi32>
    %add3A_3 = arith.constant 0 : i32
    %add3A_4 = vector.broadcast %add3A_3 : i32 to vector<16xi32>
    %add3A_5 = arith.addi %iota3A, %add3A_4 : vector<16xi32>
    %iota3A_6 = tpu.iota {dimensions = array<i32: 0>} : vector<16xi32>
    %add3A_7 = arith.constant 16 : i32
    %add3A_8 = vector.broadcast %add3A_7 : i32 to vector<16xi32>
    %add3A_9 = arith.addi %iota3A_6, %add3A_8 : vector<16xi32>
    %iota3A_10 = tpu.iota {dimensions = array<i32: 0>} : vector<16xi32>
    %add3A_11 = arith.constant 32 : i32
    %add3A_12 = vector.broadcast %add3A_11 : i32 to vector<16xi32>
    %add3A_13 = arith.addi %iota3A_10, %add3A_12 : vector<16xi32>
    %iota3A_14 = tpu.iota {dimensions = array<i32: 0>} : vector<16xi32>
    %add3A_15 = arith.constant 48 : i32
    %add3A_16 = vector.broadcast %add3A_15 : i32 to vector<16xi32>
    %add3A_17 = arith.addi %iota3A_14, %add3A_16 : vector<16xi32>
    %iota3A_18 = tpu.iota {dimensions = array<i32: 0>} : vector<16xi32>
    %add3A_19 = arith.constant 64 : i32
    %add3A_20 = vector.broadcast %add3A_19 : i32 to vector<16xi32>
    %add3A_21 = arith.addi %iota3A_18, %add3A_20 : vector<16xi32>
    %iota3A_22 = tpu.iota {dimensions = array<i32: 0>} : vector<16xi32>
    %add3A_23 = arith.constant 80 : i32
    %add3A_24 = vector.broadcast %add3A_23 : i32 to vector<16xi32>
    %add3A_25 = arith.addi %iota3A_22, %add3A_24 : vector<16xi32>
    %iota3A_26 = tpu.iota {dimensions = array<i32: 0>} : vector<16xi32>
    %add3A_27 = arith.constant 96 : i32
    %add3A_28 = vector.broadcast %add3A_27 : i32 to vector<16xi32>
    %add3A_29 = arith.addi %iota3A_26, %add3A_28 : vector<16xi32>
    %iota3A_30 = tpu.iota {dimensions = array<i32: 0>} : vector<16xi32>
    %add3A_31 = arith.constant 112 : i32
    %add3A_32 = vector.broadcast %add3A_31 : i32 to vector<16xi32>
    %add3A_33 = arith.addi %iota3A_30, %add3A_32 : vector<16xi32>
    %broadcast_in_dim3A = arith.constant 1 : i32
    %broadcast_in_dim3A_34 = vector.broadcast %broadcast_in_dim3A : i32 to vector<16xi32>
    %dma_start3A = arith.constant 0 : i32
    %dma_start3A_35 = arith.constant 0 : i32
    %dma_start3A_36 = arith.constant 0 : i32
    %dma_start3A_37 = arith.constant 0 : i32
    %dma_start3A_38 = tpu.memref_slice %arg6[%dma_start3A, %dma_start3A_36, %dma_start3A_37] : memref<2x128x32xf32, #tpu.memory_space<vmem>> -> memref<1x128x32xf32, #tpu.memory_space<vmem>>
    %dma_start3A_39 = tpu.memref_squeeze %dma_start3A_38 : memref<1x128x32xf32, #tpu.memory_space<vmem>> -> memref<128x32xf32, #tpu.memory_space<vmem>>
    %dma_start3A_40 = arith.constant 0 : i32
    %dma_start3A_41 = tpu.memref_slice %arg5[%dma_start3A_40] : memref<25600xi32, #tpu.memory_space<vmem>> -> memref<128xi32, #tpu.memory_space<vmem>>
    %dma_start3A_42 = arith.constant 0 : i32
    %dma_start3A_43 = arith.constant 0 : i32
    %dma_start3A_44 = tpu.memref_slice %arg2[%dma_start3A_42, %dma_start3A_43] : memref<1000000x32xf32, #tpu.memory_space<hbm>> -> memref<1000000x32xf32, #tpu.memory_space<hbm>>
    %dma_start3A_45 = tpu.memref_slice %arg8[%dma_start3A_35] : memref<2x!tpu.dma_semaphore, #tpu.memory_space<semaphore_mem>> -> memref<1x!tpu.dma_semaphore, #tpu.memory_space<semaphore_mem>>
    %dma_start3A_46 = tpu.memref_squeeze %dma_start3A_45 : memref<1x!tpu.dma_semaphore, #tpu.memory_space<semaphore_mem>> -> memref<!tpu.dma_semaphore, #tpu.memory_space<semaphore_mem>>
    tpu.enqueue_indirect_dma source(%dma_start3A_44 : memref<1000000x32xf32, #tpu.memory_space<hbm>>) target(%dma_start3A_39 : memref<128x32xf32, #tpu.memory_space<vmem>>) offsets(%dma_start3A_41 : memref<128xi32, #tpu.memory_space<vmem>>) semaphore(%dma_start3A_46 : memref<!tpu.dma_semaphore, #tpu.memory_space<semaphore_mem>>)
    %dma_start3A_47 = arith.constant 1 : i32
    %dma_start3A_48 = arith.constant 1 : i32
    %dma_start3A_49 = arith.constant 0 : i32
    %dma_start3A_50 = arith.constant 0 : i32
    %dma_start3A_51 = tpu.memref_slice %arg6[%dma_start3A_47, %dma_start3A_49, %dma_start3A_50] : memref<2x128x32xf32, #tpu.memory_space<vmem>> -> memref<1x128x32xf32, #tpu.memory_space<vmem>>
    %dma_start3A_52 = tpu.memref_squeeze %dma_start3A_51 : memref<1x128x32xf32, #tpu.memory_space<vmem>> -> memref<128x32xf32, #tpu.memory_space<vmem>>
    %dma_start3A_53 = arith.constant 128 : i32
    %dma_start3A_54 = tpu.memref_slice %arg5[%dma_start3A_53] : memref<25600xi32, #tpu.memory_space<vmem>> -> memref<128xi32, #tpu.memory_space<vmem>>
    %dma_start3A_55 = arith.constant 0 : i32
    %dma_start3A_56 = arith.constant 0 : i32
    %dma_start3A_57 = tpu.memref_slice %arg2[%dma_start3A_55, %dma_start3A_56] : memref<1000000x32xf32, #tpu.memory_space<hbm>> -> memref<1000000x32xf32, #tpu.memory_space<hbm>>
    %dma_start3A_58 = tpu.memref_slice %arg8[%dma_start3A_48] : memref<2x!tpu.dma_semaphore, #tpu.memory_space<semaphore_mem>> -> memref<1x!tpu.dma_semaphore, #tpu.memory_space<semaphore_mem>>
    %dma_start3A_59 = tpu.memref_squeeze %dma_start3A_58 : memref<1x!tpu.dma_semaphore, #tpu.memory_space<semaphore_mem>> -> memref<!tpu.dma_semaphore, #tpu.memory_space<semaphore_mem>>
    tpu.enqueue_indirect_dma source(%dma_start3A_57 : memref<1000000x32xf32, #tpu.memory_space<hbm>>) target(%dma_start3A_52 : memref<128x32xf32, #tpu.memory_space<vmem>>) offsets(%dma_start3A_54 : memref<128xi32, #tpu.memory_space<vmem>>) semaphore(%dma_start3A_59 : memref<!tpu.dma_semaphore, #tpu.memory_space<semaphore_mem>>)
    %scan3A = arith.constant 0 : i32
    %scan3A_60 = arith.constant 100 : i32
    %scan3A_61 = arith.addi %scan3A, %scan3A_60 : i32
    %scan3A_62 = arith.constant 1 : i32
    scf.for %scan3A_535 = %scan3A to %scan3A_61 step %scan3A_62  : i32 {
      %mul3A_536 = arith.constant 1 : i32
      %mul3A_537 = arith.muli %scan3A_535, %mul3A_536 : i32
      %add3A_538 = arith.constant 0 : i32
      %add3A_539 = arith.addi %add3A_538, %mul3A_537 : i32
      %mul3A_540 = arith.constant 2 : i32
      %mul3A_541 = arith.muli %mul3A_540, %add3A_539 : i32
      %add3A_542 = arith.constant 0 : i32
      %add3A_543 = arith.addi %mul3A_541, %add3A_542 : i32
      %dma_wait3A_544 = arith.constant 0 : i32
      %dma_wait3A_545 = arith.constant 0 : i32
      %dma_wait3A_546 = arith.constant 0 : i32
      %dma_wait3A_547 = arith.constant 0 : i32
      %dma_wait3A_548 = tpu.memref_slice %arg6[%dma_wait3A_544, %dma_wait3A_546, %dma_wait3A_547] : memref<2x128x32xf32, #tpu.memory_space<vmem>> -> memref<1x128x32xf32, #tpu.memory_space<vmem>>
      %dma_wait3A_549 = tpu.memref_squeeze %dma_wait3A_548 : memref<1x128x32xf32, #tpu.memory_space<vmem>> -> memref<128x32xf32, #tpu.memory_space<vmem>>
      %dma_wait3A_550 = arith.constant 0 : i32
      %dma_wait3A_551 = tpu.memref_slice %arg5[%dma_wait3A_550] : memref<25600xi32, #tpu.memory_space<vmem>> -> memref<128xi32, #tpu.memory_space<vmem>>
      %dma_wait3A_552 = arith.constant 0 : i32
      %dma_wait3A_553 = arith.constant 0 : i32
      %dma_wait3A_554 = tpu.memref_slice %arg2[%dma_wait3A_552, %dma_wait3A_553] : memref<1000000x32xf32, #tpu.memory_space<hbm>> -> memref<1000000x32xf32, #tpu.memory_space<hbm>>
      %dma_wait3A_555 = tpu.memref_slice %arg8[%dma_wait3A_545] : memref<2x!tpu.dma_semaphore, #tpu.memory_space<semaphore_mem>> -> memref<1x!tpu.dma_semaphore, #tpu.memory_space<semaphore_mem>>
      %dma_wait3A_556 = tpu.memref_squeeze %dma_wait3A_555 : memref<1x!tpu.dma_semaphore, #tpu.memory_space<semaphore_mem>> -> memref<!tpu.dma_semaphore, #tpu.memory_space<semaphore_mem>>
      tpu.wait_indirect_dma semaphore(%dma_wait3A_556 : memref<!tpu.dma_semaphore, #tpu.memory_space<semaphore_mem>>) src(%dma_wait3A_554 : memref<1000000x32xf32, #tpu.memory_space<hbm>>) dst(%dma_wait3A_549 : memref<128x32xf32, #tpu.memory_space<vmem>>)
      %gt3A = arith.constant 0 : i32
      %gt3A_557 = arith.cmpi sgt, %add3A_539, %gt3A : i32
      %convert_element_type3A = arith.extui %gt3A_557 : i1 to i32
      %cond3A = arith.constant 0 : i32
      %cond3A_558 = arith.cmpi ne, %convert_element_type3A, %cond3A : i32
      scf.if %cond3A_558 {
        %mul3A_1077 = arith.constant 200 : i32
        %mul3A_1078 = arith.muli %add3A, %mul3A_1077 : i32
        %add3A_1079 = arith.constant 0 : i32
        %add3A_1080 = arith.addi %mul3A_1078, %add3A_1079 : i32
        %jit3A_1081 = arith.constant 32 : i32
        %div3A_1082 = arith.divsi %add3A_1080, %jit3A_1081 : i32
        %sign3A_1083 = arith.constant 0 : i32
        %sign3A_1084 = arith.cmpi sgt, %add3A_1080, %sign3A_1083 : i32
        %sign3A_1085 = arith.extui %sign3A_1084 : i1 to i32
        %sign3A_1086 = arith.constant 0 : i32
        %sign3A_1087 = arith.cmpi slt, %add3A_1080, %sign3A_1086 : i32
        %sign3A_1088 = arith.extui %sign3A_1087 : i1 to i32
        %sign3A_1089 = arith.subi %sign3A_1085, %sign3A_1088 : i32
        %sign3A_1090 = arith.constant 0 : i32
        %sign3A_1091 = arith.cmpi sgt, %jit3A_1081, %sign3A_1090 : i32
        %sign3A_1092 = arith.extui %sign3A_1091 : i1 to i32
        %sign3A_1093 = arith.constant 0 : i32
        %sign3A_1094 = arith.cmpi slt, %jit3A_1081, %sign3A_1093 : i32
        %sign3A_1095 = arith.extui %sign3A_1094 : i1 to i32
        %sign3A_1096 = arith.subi %sign3A_1092, %sign3A_1095 : i32
        %ne3A_1097 = arith.cmpi ne, %sign3A_1089, %sign3A_1096 : i32
        %rem3A_1098 = arith.remsi %add3A_1080, %jit3A_1081 : i32
        %ne3A_1099 = arith.constant 0 : i32
        %ne3A_1100 = arith.cmpi ne, %rem3A_1098, %ne3A_1099 : i32
        %and3A_1101 = arith.andi %ne3A_1097, %ne3A_1100 : i1
        %sub3A_1102 = arith.constant 1 : i32
        %sub3A_1103 = arith.subi %div3A_1082, %sub3A_1102 : i32
        %select_n3A_1104 = arith.select %and3A_1101, %sub3A_1103, %div3A_1082 : i32
        %mul3A_1105 = arith.constant 32 : i32
        %mul3A_1106 = arith.muli %mul3A_1105, %select_n3A_1104 : i32
        %sub3A_1107 = arith.subi %add3A_1080, %mul3A_1106 : i32
        %mul3A_1108 = arith.constant 1024 : i32
        %mul3A_1109 = arith.muli %select_n3A_1104, %mul3A_1108 : i32
        %add3A_1110 = arith.constant 0 : i32
        %add3A_1111 = arith.addi %mul3A_1109, %add3A_1110 : i32
        %mul3A_1112 = arith.constant 8 : i32
        %mul3A_1113 = arith.muli %sub3A_1107, %mul3A_1112 : i32
        %add3A_1114 = arith.addi %add3A_1111, %mul3A_1113 : i32
        %dma_wait3A_1115 = arith.constant 0 : i32
        %dma_wait3A_1116 = arith.constant 0 : i32
        %dma_wait3A_1117 = arith.constant 0 : i32
        %dma_wait3A_1118 = arith.constant 0 : i32
        %dma_wait3A_1119 = tpu.memref_slice %arg7[%dma_wait3A_1115, %dma_wait3A_1117, %dma_wait3A_1118] : memref<2x32x128xf32, #tpu.memory_space<vmem>> -> memref<1x32x128xf32, #tpu.memory_space<vmem>>
        %dma_wait3A_1120 = tpu.memref_squeeze %dma_wait3A_1119 : memref<1x32x128xf32, #tpu.memory_space<vmem>> -> memref<32x128xf32, #tpu.memory_space<vmem>>
        %dma_wait3A_1121 = arith.constant 0 : i32
        %dma_wait3A_1122 = arith.constant 0 : i32
        %dma_wait3A_1123 = tpu.memref_slice %dma_wait3A_1120[%dma_wait3A_1121, %dma_wait3A_1122] : memref<32x128xf32, #tpu.memory_space<vmem>> -> memref<8x128xf32, #tpu.memory_space<vmem>>
        %dma_wait3A_1124 = arith.constant 0 : i32
        %dma_wait3A_1125 = tpu.memref_slice %arg4[%add3A_1114, %dma_wait3A_1124] : memref<204800x128xf32, #tpu.memory_space<hbm>> -> memref<8x128xf32, #tpu.memory_space<hbm>>
        %dma_wait3A_1126 = tpu.memref_slice %arg9[%dma_wait3A_1116] : memref<2x!tpu.dma_semaphore, #tpu.memory_space<semaphore_mem>> -> memref<1x!tpu.dma_semaphore, #tpu.memory_space<semaphore_mem>>
        %dma_wait3A_1127 = tpu.memref_squeeze %dma_wait3A_1126 : memref<1x!tpu.dma_semaphore, #tpu.memory_space<semaphore_mem>> -> memref<!tpu.dma_semaphore, #tpu.memory_space<semaphore_mem>>
        %dma_wait3A_1128 = arith.constant 0 : i32
        %dma_wait3A_1129 = tpu.memref_slice %arg4[%add3A_1114, %dma_wait3A_1128] : memref<204800x128xf32, #tpu.memory_space<hbm>> -> memref<8x128xf32, #tpu.memory_space<hbm>>
        %dma_wait3A_1130 = arith.constant 0 : i32
        %dma_wait3A_1131 = arith.constant 0 : i32
        %dma_wait3A_1132 = tpu.memref_slice %arg7[%dma_wait3A_1115, %dma_wait3A_1130, %dma_wait3A_1131] : memref<2x32x128xf32, #tpu.memory_space<vmem>> -> memref<1x32x128xf32, #tpu.memory_space<vmem>>
        %dma_wait3A_1133 = tpu.memref_squeeze %dma_wait3A_1132 : memref<1x32x128xf32, #tpu.memory_space<vmem>> -> memref<32x128xf32, #tpu.memory_space<vmem>>
        %dma_wait3A_1134 = arith.constant 0 : i32
        %dma_wait3A_1135 = arith.constant 0 : i32
        %dma_wait3A_1136 = tpu.memref_slice %dma_wait3A_1133[%dma_wait3A_1134, %dma_wait3A_1135] : memref<32x128xf32, #tpu.memory_space<vmem>> -> memref<8x128xf32, #tpu.memory_space<vmem>>
        tpu.wait_dma2 semaphore(%dma_wait3A_1127 : memref<!tpu.dma_semaphore, #tpu.memory_space<semaphore_mem>>) src(%dma_wait3A_1136 : memref<8x128xf32, #tpu.memory_space<vmem>>) dst(%dma_wait3A_1129 : memref<8x128xf32, #tpu.memory_space<hbm>>)
        %mul3A_1137 = arith.constant 200 : i32
        %mul3A_1138 = arith.muli %add3A, %mul3A_1137 : i32
        %add3A_1139 = arith.constant 0 : i32
        %add3A_1140 = arith.addi %mul3A_1138, %add3A_1139 : i32
        %jit3A_1141 = arith.constant 32 : i32
        %div3A_1142 = arith.divsi %add3A_1140, %jit3A_1141 : i32
        %sign3A_1143 = arith.constant 0 : i32
        %sign3A_1144 = arith.cmpi sgt, %add3A_1140, %sign3A_1143 : i32
        %sign3A_1145 = arith.extui %sign3A_1144 : i1 to i32
        %sign3A_1146 = arith.constant 0 : i32
        %sign3A_1147 = arith.cmpi slt, %add3A_1140, %sign3A_1146 : i32
        %sign3A_1148 = arith.extui %sign3A_1147 : i1 to i32
        %sign3A_1149 = arith.subi %sign3A_1145, %sign3A_1148 : i32
        %sign3A_1150 = arith.constant 0 : i32
        %sign3A_1151 = arith.cmpi sgt, %jit3A_1141, %sign3A_1150 : i32
        %sign3A_1152 = arith.extui %sign3A_1151 : i1 to i32
        %sign3A_1153 = arith.constant 0 : i32
        %sign3A_1154 = arith.cmpi slt, %jit3A_1141, %sign3A_1153 : i32
        %sign3A_1155 = arith.extui %sign3A_1154 : i1 to i32
        %sign3A_1156 = arith.subi %sign3A_1152, %sign3A_1155 : i32
        %ne3A_1157 = arith.cmpi ne, %sign3A_1149, %sign3A_1156 : i32
        %rem3A_1158 = arith.remsi %add3A_1140, %jit3A_1141 : i32
        %ne3A_1159 = arith.constant 0 : i32
        %ne3A_1160 = arith.cmpi ne, %rem3A_1158, %ne3A_1159 : i32
        %and3A_1161 = arith.andi %ne3A_1157, %ne3A_1160 : i1
        %sub3A_1162 = arith.constant 1 : i32
        %sub3A_1163 = arith.subi %div3A_1142, %sub3A_1162 : i32
        %select_n3A_1164 = arith.select %and3A_1161, %sub3A_1163, %div3A_1142 : i32
        %mul3A_1165 = arith.constant 32 : i32
        %mul3A_1166 = arith.muli %mul3A_1165, %select_n3A_1164 : i32
        %sub3A_1167 = arith.subi %add3A_1140, %mul3A_1166 : i32
        %mul3A_1168 = arith.constant 1024 : i32
        %mul3A_1169 = arith.muli %select_n3A_1164, %mul3A_1168 : i32
        %add3A_1170 = arith.constant 256 : i32
        %add3A_1171 = arith.addi %mul3A_1169, %add3A_1170 : i32
        %mul3A_1172 = arith.constant 8 : i32
        %mul3A_1173 = arith.muli %sub3A_1167, %mul3A_1172 : i32
        %add3A_1174 = arith.addi %add3A_1171, %mul3A_1173 : i32
        %dma_wait3A_1175 = arith.constant 0 : i32
        %dma_wait3A_1176 = arith.constant 0 : i32
        %dma_wait3A_1177 = arith.constant 0 : i32
        %dma_wait3A_1178 = arith.constant 0 : i32
        %dma_wait3A_1179 = tpu.memref_slice %arg7[%dma_wait3A_1175, %dma_wait3A_1177, %dma_wait3A_1178] : memref<2x32x128xf32, #tpu.memory_space<vmem>> -> memref<1x32x128xf32, #tpu.memory_space<vmem>>
        %dma_wait3A_1180 = tpu.memref_squeeze %dma_wait3A_1179 : memref<1x32x128xf32, #tpu.memory_space<vmem>> -> memref<32x128xf32, #tpu.memory_space<vmem>>
        %dma_wait3A_1181 = arith.constant 8 : i32
        %dma_wait3A_1182 = arith.constant 0 : i32
        %dma_wait3A_1183 = tpu.memref_slice %dma_wait3A_1180[%dma_wait3A_1181, %dma_wait3A_1182] : memref<32x128xf32, #tpu.memory_space<vmem>> -> memref<8x128xf32, #tpu.memory_space<vmem>>
        %dma_wait3A_1184 = arith.constant 0 : i32
        %dma_wait3A_1185 = tpu.memref_slice %arg4[%add3A_1174, %dma_wait3A_1184] : memref<204800x128xf32, #tpu.memory_space<hbm>> -> memref<8x128xf32, #tpu.memory_space<hbm>>
        %dma_wait3A_1186 = tpu.memref_slice %arg9[%dma_wait3A_1176] : memref<2x!tpu.dma_semaphore, #tpu.memory_space<semaphore_mem>> -> memref<1x!tpu.dma_semaphore, #tpu.memory_space<semaphore_mem>>
        %dma_wait3A_1187 = tpu.memref_squeeze %dma_wait3A_1186 : memref<1x!tpu.dma_semaphore, #tpu.memory_space<semaphore_mem>> -> memref<!tpu.dma_semaphore, #tpu.memory_space<semaphore_mem>>
        %dma_wait3A_1188 = arith.constant 0 : i32
        %dma_wait3A_1189 = tpu.memref_slice %arg4[%add3A_1174, %dma_wait3A_1188] : memref<204800x128xf32, #tpu.memory_space<hbm>> -> memref<8x128xf32, #tpu.memory_space<hbm>>
        %dma_wait3A_1190 = arith.constant 0 : i32
        %dma_wait3A_1191 = arith.constant 0 : i32
        %dma_wait3A_1192 = tpu.memref_slice %arg7[%dma_wait3A_1175, %dma_wait3A_1190, %dma_wait3A_1191] : memref<2x32x128xf32, #tpu.memory_space<vmem>> -> memref<1x32x128xf32, #tpu.memory_space<vmem>>
        %dma_wait3A_1193 = tpu.memref_squeeze %dma_wait3A_1192 : memref<1x32x128xf32, #tpu.memory_space<vmem>> -> memref<32x128xf32, #tpu.memory_space<vmem>>
        %dma_wait3A_1194 = arith.constant 8 : i32
        %dma_wait3A_1195 = arith.constant 0 : i32
        %dma_wait3A_1196 = tpu.memref_slice %dma_wait3A_1193[%dma_wait3A_1194, %dma_wait3A_1195] : memref<32x128xf32, #tpu.memory_space<vmem>> -> memref<8x128xf32, #tpu.memory_space<vmem>>
        tpu.wait_dma2 semaphore(%dma_wait3A_1187 : memref<!tpu.dma_semaphore, #tpu.memory_space<semaphore_mem>>) src(%dma_wait3A_1196 : memref<8x128xf32, #tpu.memory_space<vmem>>) dst(%dma_wait3A_1189 : memref<8x128xf32, #tpu.memory_space<hbm>>)
        %mul3A_1197 = arith.constant 200 : i32
        %mul3A_1198 = arith.muli %add3A, %mul3A_1197 : i32
        %add3A_1199 = arith.constant 0 : i32
        %add3A_1200 = arith.addi %mul3A_1198, %add3A_1199 : i32
        %jit3A_1201 = arith.constant 32 : i32
        %div3A_1202 = arith.divsi %add3A_1200, %jit3A_1201 : i32
        %sign3A_1203 = arith.constant 0 : i32
        %sign3A_1204 = arith.cmpi sgt, %add3A_1200, %sign3A_1203 : i32
        %sign3A_1205 = arith.extui %sign3A_1204 : i1 to i32
        %sign3A_1206 = arith.constant 0 : i32
        %sign3A_1207 = arith.cmpi slt, %add3A_1200, %sign3A_1206 : i32
        %sign3A_1208 = arith.extui %sign3A_1207 : i1 to i32
        %sign3A_1209 = arith.subi %sign3A_1205, %sign3A_1208 : i32
        %sign3A_1210 = arith.constant 0 : i32
        %sign3A_1211 = arith.cmpi sgt, %jit3A_1201, %sign3A_1210 : i32
        %sign3A_1212 = arith.extui %sign3A_1211 : i1 to i32
        %sign3A_1213 = arith.constant 0 : i32
        %sign3A_1214 = arith.cmpi slt, %jit3A_1201, %sign3A_1213 : i32
        %sign3A_1215 = arith.extui %sign3A_1214 : i1 to i32
        %sign3A_1216 = arith.subi %sign3A_1212, %sign3A_1215 : i32
        %ne3A_1217 = arith.cmpi ne, %sign3A_1209, %sign3A_1216 : i32
        %rem3A_1218 = arith.remsi %add3A_1200, %jit3A_1201 : i32
        %ne3A_1219 = arith.constant 0 : i32
        %ne3A_1220 = arith.cmpi ne, %rem3A_1218, %ne3A_1219 : i32
        %and3A_1221 = arith.andi %ne3A_1217, %ne3A_1220 : i1
        %sub3A_1222 = arith.constant 1 : i32
        %sub3A_1223 = arith.subi %div3A_1202, %sub3A_1222 : i32
        %select_n3A_1224 = arith.select %and3A_1221, %sub3A_1223, %div3A_1202 : i32
        %mul3A_1225 = arith.constant 32 : i32
        %mul3A_1226 = arith.muli %mul3A_1225, %select_n3A_1224 : i32
        %sub3A_1227 = arith.subi %add3A_1200, %mul3A_1226 : i32
        %mul3A_1228 = arith.constant 1024 : i32
        %mul3A_1229 = arith.muli %select_n3A_1224, %mul3A_1228 : i32
        %add3A_1230 = arith.constant 512 : i32
        %add3A_1231 = arith.addi %mul3A_1229, %add3A_1230 : i32
        %mul3A_1232 = arith.constant 8 : i32
        %mul3A_1233 = arith.muli %sub3A_1227, %mul3A_1232 : i32
        %add3A_1234 = arith.addi %add3A_1231, %mul3A_1233 : i32
        %dma_wait3A_1235 = arith.constant 0 : i32
        %dma_wait3A_1236 = arith.constant 0 : i32
        %dma_wait3A_1237 = arith.constant 0 : i32
        %dma_wait3A_1238 = arith.constant 0 : i32
        %dma_wait3A_1239 = tpu.memref_slice %arg7[%dma_wait3A_1235, %dma_wait3A_1237, %dma_wait3A_1238] : memref<2x32x128xf32, #tpu.memory_space<vmem>> -> memref<1x32x128xf32, #tpu.memory_space<vmem>>
        %dma_wait3A_1240 = tpu.memref_squeeze %dma_wait3A_1239 : memref<1x32x128xf32, #tpu.memory_space<vmem>> -> memref<32x128xf32, #tpu.memory_space<vmem>>
        %dma_wait3A_1241 = arith.constant 16 : i32
        %dma_wait3A_1242 = arith.constant 0 : i32
        %dma_wait3A_1243 = tpu.memref_slice %dma_wait3A_1240[%dma_wait3A_1241, %dma_wait3A_1242] : memref<32x128xf32, #tpu.memory_space<vmem>> -> memref<8x128xf32, #tpu.memory_space<vmem>>
        %dma_wait3A_1244 = arith.constant 0 : i32
        %dma_wait3A_1245 = tpu.memref_slice %arg4[%add3A_1234, %dma_wait3A_1244] : memref<204800x128xf32, #tpu.memory_space<hbm>> -> memref<8x128xf32, #tpu.memory_space<hbm>>
        %dma_wait3A_1246 = tpu.memref_slice %arg9[%dma_wait3A_1236] : memref<2x!tpu.dma_semaphore, #tpu.memory_space<semaphore_mem>> -> memref<1x!tpu.dma_semaphore, #tpu.memory_space<semaphore_mem>>
        %dma_wait3A_1247 = tpu.memref_squeeze %dma_wait3A_1246 : memref<1x!tpu.dma_semaphore, #tpu.memory_space<semaphore_mem>> -> memref<!tpu.dma_semaphore, #tpu.memory_space<semaphore_mem>>
        %dma_wait3A_1248 = arith.constant 0 : i32
        %dma_wait3A_1249 = tpu.memref_slice %arg4[%add3A_1234, %dma_wait3A_1248] : memref<204800x128xf32, #tpu.memory_space<hbm>> -> memref<8x128xf32, #tpu.memory_space<hbm>>
        %dma_wait3A_1250 = arith.constant 0 : i32
        %dma_wait3A_1251 = arith.constant 0 : i32
        %dma_wait3A_1252 = tpu.memref_slice %arg7[%dma_wait3A_1235, %dma_wait3A_1250, %dma_wait3A_1251] : memref<2x32x128xf32, #tpu.memory_space<vmem>> -> memref<1x32x128xf32, #tpu.memory_space<vmem>>
        %dma_wait3A_1253 = tpu.memref_squeeze %dma_wait3A_1252 : memref<1x32x128xf32, #tpu.memory_space<vmem>> -> memref<32x128xf32, #tpu.memory_space<vmem>>
        %dma_wait3A_1254 = arith.constant 16 : i32
        %dma_wait3A_1255 = arith.constant 0 : i32
        %dma_wait3A_1256 = tpu.memref_slice %dma_wait3A_1253[%dma_wait3A_1254, %dma_wait3A_1255] : memref<32x128xf32, #tpu.memory_space<vmem>> -> memref<8x128xf32, #tpu.memory_space<vmem>>
        tpu.wait_dma2 semaphore(%dma_wait3A_1247 : memref<!tpu.dma_semaphore, #tpu.memory_space<semaphore_mem>>) src(%dma_wait3A_1256 : memref<8x128xf32, #tpu.memory_space<vmem>>) dst(%dma_wait3A_1249 : memref<8x128xf32, #tpu.memory_space<hbm>>)
        %mul3A_1257 = arith.constant 200 : i32
        %mul3A_1258 = arith.muli %add3A, %mul3A_1257 : i32
        %add3A_1259 = arith.constant 0 : i32
        %add3A_1260 = arith.addi %mul3A_1258, %add3A_1259 : i32
        %jit3A_1261 = arith.constant 32 : i32
        %div3A_1262 = arith.divsi %add3A_1260, %jit3A_1261 : i32
        %sign3A_1263 = arith.constant 0 : i32
        %sign3A_1264 = arith.cmpi sgt, %add3A_1260, %sign3A_1263 : i32
        %sign3A_1265 = arith.extui %sign3A_1264 : i1 to i32
        %sign3A_1266 = arith.constant 0 : i32
        %sign3A_1267 = arith.cmpi slt, %add3A_1260, %sign3A_1266 : i32
        %sign3A_1268 = arith.extui %sign3A_1267 : i1 to i32
        %sign3A_1269 = arith.subi %sign3A_1265, %sign3A_1268 : i32
        %sign3A_1270 = arith.constant 0 : i32
        %sign3A_1271 = arith.cmpi sgt, %jit3A_1261, %sign3A_1270 : i32
        %sign3A_1272 = arith.extui %sign3A_1271 : i1 to i32
        %sign3A_1273 = arith.constant 0 : i32
        %sign3A_1274 = arith.cmpi slt, %jit3A_1261, %sign3A_1273 : i32
        %sign3A_1275 = arith.extui %sign3A_1274 : i1 to i32
        %sign3A_1276 = arith.subi %sign3A_1272, %sign3A_1275 : i32
        %ne3A_1277 = arith.cmpi ne, %sign3A_1269, %sign3A_1276 : i32
        %rem3A_1278 = arith.remsi %add3A_1260, %jit3A_1261 : i32
        %ne3A_1279 = arith.constant 0 : i32
        %ne3A_1280 = arith.cmpi ne, %rem3A_1278, %ne3A_1279 : i32
        %and3A_1281 = arith.andi %ne3A_1277, %ne3A_1280 : i1
        %sub3A_1282 = arith.constant 1 : i32
        %sub3A_1283 = arith.subi %div3A_1262, %sub3A_1282 : i32
        %select_n3A_1284 = arith.select %and3A_1281, %sub3A_1283, %div3A_1262 : i32
        %mul3A_1285 = arith.constant 32 : i32
        %mul3A_1286 = arith.muli %mul3A_1285, %select_n3A_1284 : i32
        %sub3A_1287 = arith.subi %add3A_1260, %mul3A_1286 : i32
        %mul3A_1288 = arith.constant 1024 : i32
        %mul3A_1289 = arith.muli %select_n3A_1284, %mul3A_1288 : i32
        %add3A_1290 = arith.constant 768 : i32
        %add3A_1291 = arith.addi %mul3A_1289, %add3A_1290 : i32
        %mul3A_1292 = arith.constant 8 : i32
        %mul3A_1293 = arith.muli %sub3A_1287, %mul3A_1292 : i32
        %add3A_1294 = arith.addi %add3A_1291, %mul3A_1293 : i32
        %dma_wait3A_1295 = arith.constant 0 : i32
        %dma_wait3A_1296 = arith.constant 0 : i32
        %dma_wait3A_1297 = arith.constant 0 : i32
        %dma_wait3A_1298 = arith.constant 0 : i32
        %dma_wait3A_1299 = tpu.memref_slice %arg7[%dma_wait3A_1295, %dma_wait3A_1297, %dma_wait3A_1298] : memref<2x32x128xf32, #tpu.memory_space<vmem>> -> memref<1x32x128xf32, #tpu.memory_space<vmem>>
        %dma_wait3A_1300 = tpu.memref_squeeze %dma_wait3A_1299 : memref<1x32x128xf32, #tpu.memory_space<vmem>> -> memref<32x128xf32, #tpu.memory_space<vmem>>
        %dma_wait3A_1301 = arith.constant 24 : i32
        %dma_wait3A_1302 = arith.constant 0 : i32
        %dma_wait3A_1303 = tpu.memref_slice %dma_wait3A_1300[%dma_wait3A_1301, %dma_wait3A_1302] : memref<32x128xf32, #tpu.memory_space<vmem>> -> memref<8x128xf32, #tpu.memory_space<vmem>>
        %dma_wait3A_1304 = arith.constant 0 : i32
        %dma_wait3A_1305 = tpu.memref_slice %arg4[%add3A_1294, %dma_wait3A_1304] : memref<204800x128xf32, #tpu.memory_space<hbm>> -> memref<8x128xf32, #tpu.memory_space<hbm>>
        %dma_wait3A_1306 = tpu.memref_slice %arg9[%dma_wait3A_1296] : memref<2x!tpu.dma_semaphore, #tpu.memory_space<semaphore_mem>> -> memref<1x!tpu.dma_semaphore, #tpu.memory_space<semaphore_mem>>
        %dma_wait3A_1307 = tpu.memref_squeeze %dma_wait3A_1306 : memref<1x!tpu.dma_semaphore, #tpu.memory_space<semaphore_mem>> -> memref<!tpu.dma_semaphore, #tpu.memory_space<semaphore_mem>>
        %dma_wait3A_1308 = arith.constant 0 : i32
        %dma_wait3A_1309 = tpu.memref_slice %arg4[%add3A_1294, %dma_wait3A_1308] : memref<204800x128xf32, #tpu.memory_space<hbm>> -> memref<8x128xf32, #tpu.memory_space<hbm>>
        %dma_wait3A_1310 = arith.constant 0 : i32
        %dma_wait3A_1311 = arith.constant 0 : i32
        %dma_wait3A_1312 = tpu.memref_slice %arg7[%dma_wait3A_1295, %dma_wait3A_1310, %dma_wait3A_1311] : memref<2x32x128xf32, #tpu.memory_space<vmem>> -> memref<1x32x128xf32, #tpu.memory_space<vmem>>
        %dma_wait3A_1313 = tpu.memref_squeeze %dma_wait3A_1312 : memref<1x32x128xf32, #tpu.memory_space<vmem>> -> memref<32x128xf32, #tpu.memory_space<vmem>>
        %dma_wait3A_1314 = arith.constant 24 : i32
        %dma_wait3A_1315 = arith.constant 0 : i32
        %dma_wait3A_1316 = tpu.memref_slice %dma_wait3A_1313[%dma_wait3A_1314, %dma_wait3A_1315] : memref<32x128xf32, #tpu.memory_space<vmem>> -> memref<8x128xf32, #tpu.memory_space<vmem>>
        tpu.wait_dma2 semaphore(%dma_wait3A_1307 : memref<!tpu.dma_semaphore, #tpu.memory_space<semaphore_mem>>) src(%dma_wait3A_1316 : memref<8x128xf32, #tpu.memory_space<vmem>>) dst(%dma_wait3A_1309 : memref<8x128xf32, #tpu.memory_space<hbm>>)
      } else {
      }
      %broadcast_in_dim3A_559 = arith.constant 0 : i32
      %broadcast_in_dim3A_560 = vector.broadcast %broadcast_in_dim3A_559 : i32 to vector<16xi32>
      %parallel_loop3A = arith.constant 0 : i32
      %parallel_loop3A_561 = arith.constant 32 : i32
      %parallel_loop3A_562 = arith.constant 1 : i32
      %parallel_loop3A_563 = scf.for %parallel_loop3A_1077 = %parallel_loop3A to %parallel_loop3A_561 step %parallel_loop3A_562 iter_args(%parallel_loop3A_1078 = %broadcast_in_dim3A_560) -> (vector<16xi32>)  : i32 {
        %parallel_loop3A_1079 = arith.constant 0 : i32
        %parallel_loop3A_1080 = arith.constant 0 : i32
        %parallel_loop3A_1081 = arith.constant 0 : i32
        %parallel_loop3A_1082 = tpu.memref_slice %arg6[%parallel_loop3A_1079, %parallel_loop3A_1080, %parallel_loop3A_1081] : memref<2x128x32xf32, #tpu.memory_space<vmem>> -> memref<1x128x32xf32, #tpu.memory_space<vmem>>
        %parallel_loop3A_1083 = tpu.memref_squeeze %parallel_loop3A_1082 : memref<1x128x32xf32, #tpu.memory_space<vmem>> -> memref<128x32xf32, #tpu.memory_space<vmem>>
        %parallel_loop3A_1084 = tpu.vector_load_idx %parallel_loop3A_1083[%add3A_5, %parallel_loop3A_1078] : memref<128x32xf32, #tpu.memory_space<vmem>>[vector<16xi32>, vector<16xi32>], vector<16xf32>,
        %parallel_loop3A_1085 = arith.constant 0 : i32
        %parallel_loop3A_1086 = arith.index_cast %parallel_loop3A_1085 : i32 to index
        %parallel_loop3A_1087 = arith.index_cast %parallel_loop3A_1077 : i32 to index
        %parallel_loop3A_1088 = arith.constant 0 : index
        %parallel_loop3A_1089 = tpu.vector_load %arg7[%parallel_loop3A_1086, %parallel_loop3A_1087, %parallel_loop3A_1088] {strides = array<i32>} : memref<2x32x128xf32, #tpu.memory_space<vmem>>, vector<16xf32>,
        tpu.vector_store %arg7[%parallel_loop3A_1086, %parallel_loop3A_1087, %parallel_loop3A_1088], %parallel_loop3A_1084 {strides = array<i32>} : memref<2x32x128xf32, #tpu.memory_space<vmem>>, vector<16xf32>,
        %parallel_loop3A_1090 = arith.constant 0 : i32
        %parallel_loop3A_1091 = arith.constant 0 : i32
        %parallel_loop3A_1092 = arith.constant 0 : i32
        %parallel_loop3A_1093 = tpu.memref_slice %arg6[%parallel_loop3A_1090, %parallel_loop3A_1091, %parallel_loop3A_1092] : memref<2x128x32xf32, #tpu.memory_space<vmem>> -> memref<1x128x32xf32, #tpu.memory_space<vmem>>
        %parallel_loop3A_1094 = tpu.memref_squeeze %parallel_loop3A_1093 : memref<1x128x32xf32, #tpu.memory_space<vmem>> -> memref<128x32xf32, #tpu.memory_space<vmem>>
        %parallel_loop3A_1095 = tpu.vector_load_idx %parallel_loop3A_1094[%add3A_9, %parallel_loop3A_1078] : memref<128x32xf32, #tpu.memory_space<vmem>>[vector<16xi32>, vector<16xi32>], vector<16xf32>,
        %parallel_loop3A_1096 = arith.constant 0 : i32
        %parallel_loop3A_1097 = arith.index_cast %parallel_loop3A_1096 : i32 to index
        %parallel_loop3A_1098 = arith.index_cast %parallel_loop3A_1077 : i32 to index
        %parallel_loop3A_1099 = arith.constant 16 : index
        %parallel_loop3A_1100 = tpu.vector_load %arg7[%parallel_loop3A_1097, %parallel_loop3A_1098, %parallel_loop3A_1099] {strides = array<i32>} : memref<2x32x128xf32, #tpu.memory_space<vmem>>, vector<16xf32>,
        tpu.vector_store %arg7[%parallel_loop3A_1097, %parallel_loop3A_1098, %parallel_loop3A_1099], %parallel_loop3A_1095 {strides = array<i32>} : memref<2x32x128xf32, #tpu.memory_space<vmem>>, vector<16xf32>,
        %parallel_loop3A_1101 = arith.constant 0 : i32
        %parallel_loop3A_1102 = arith.constant 0 : i32
        %parallel_loop3A_1103 = arith.constant 0 : i32
        %parallel_loop3A_1104 = tpu.memref_slice %arg6[%parallel_loop3A_1101, %parallel_loop3A_1102, %parallel_loop3A_1103] : memref<2x128x32xf32, #tpu.memory_space<vmem>> -> memref<1x128x32xf32, #tpu.memory_space<vmem>>
        %parallel_loop3A_1105 = tpu.memref_squeeze %parallel_loop3A_1104 : memref<1x128x32xf32, #tpu.memory_space<vmem>> -> memref<128x32xf32, #tpu.memory_space<vmem>>
        %parallel_loop3A_1106 = tpu.vector_load_idx %parallel_loop3A_1105[%add3A_13, %parallel_loop3A_1078] : memref<128x32xf32, #tpu.memory_space<vmem>>[vector<16xi32>, vector<16xi32>], vector<16xf32>,
        %parallel_loop3A_1107 = arith.constant 0 : i32
        %parallel_loop3A_1108 = arith.index_cast %parallel_loop3A_1107 : i32 to index
        %parallel_loop3A_1109 = arith.index_cast %parallel_loop3A_1077 : i32 to index
        %parallel_loop3A_1110 = arith.constant 32 : index
        %parallel_loop3A_1111 = tpu.vector_load %arg7[%parallel_loop3A_1108, %parallel_loop3A_1109, %parallel_loop3A_1110] {strides = array<i32>} : memref<2x32x128xf32, #tpu.memory_space<vmem>>, vector<16xf32>,
        tpu.vector_store %arg7[%parallel_loop3A_1108, %parallel_loop3A_1109, %parallel_loop3A_1110], %parallel_loop3A_1106 {strides = array<i32>} : memref<2x32x128xf32, #tpu.memory_space<vmem>>, vector<16xf32>,
        %parallel_loop3A_1112 = arith.constant 0 : i32
        %parallel_loop3A_1113 = arith.constant 0 : i32
        %parallel_loop3A_1114 = arith.constant 0 : i32
        %parallel_loop3A_1115 = tpu.memref_slice %arg6[%parallel_loop3A_1112, %parallel_loop3A_1113, %parallel_loop3A_1114] : memref<2x128x32xf32, #tpu.memory_space<vmem>> -> memref<1x128x32xf32, #tpu.memory_space<vmem>>
        %parallel_loop3A_1116 = tpu.memref_squeeze %parallel_loop3A_1115 : memref<1x128x32xf32, #tpu.memory_space<vmem>> -> memref<128x32xf32, #tpu.memory_space<vmem>>
        %parallel_loop3A_1117 = tpu.vector_load_idx %parallel_loop3A_1116[%add3A_17, %parallel_loop3A_1078] : memref<128x32xf32, #tpu.memory_space<vmem>>[vector<16xi32>, vector<16xi32>], vector<16xf32>,
        %parallel_loop3A_1118 = arith.constant 0 : i32
        %parallel_loop3A_1119 = arith.index_cast %parallel_loop3A_1118 : i32 to index
        %parallel_loop3A_1120 = arith.index_cast %parallel_loop3A_1077 : i32 to index
        %parallel_loop3A_1121 = arith.constant 48 : index
        %parallel_loop3A_1122 = tpu.vector_load %arg7[%parallel_loop3A_1119, %parallel_loop3A_1120, %parallel_loop3A_1121] {strides = array<i32>} : memref<2x32x128xf32, #tpu.memory_space<vmem>>, vector<16xf32>,
        tpu.vector_store %arg7[%parallel_loop3A_1119, %parallel_loop3A_1120, %parallel_loop3A_1121], %parallel_loop3A_1117 {strides = array<i32>} : memref<2x32x128xf32, #tpu.memory_space<vmem>>, vector<16xf32>,
        %parallel_loop3A_1123 = arith.constant 0 : i32
        %parallel_loop3A_1124 = arith.constant 0 : i32
        %parallel_loop3A_1125 = arith.constant 0 : i32
        %parallel_loop3A_1126 = tpu.memref_slice %arg6[%parallel_loop3A_1123, %parallel_loop3A_1124, %parallel_loop3A_1125] : memref<2x128x32xf32, #tpu.memory_space<vmem>> -> memref<1x128x32xf32, #tpu.memory_space<vmem>>
        %parallel_loop3A_1127 = tpu.memref_squeeze %parallel_loop3A_1126 : memref<1x128x32xf32, #tpu.memory_space<vmem>> -> memref<128x32xf32, #tpu.memory_space<vmem>>
        %parallel_loop3A_1128 = tpu.vector_load_idx %parallel_loop3A_1127[%add3A_21, %parallel_loop3A_1078] : memref<128x32xf32, #tpu.memory_space<vmem>>[vector<16xi32>, vector<16xi32>], vector<16xf32>,
        %parallel_loop3A_1129 = arith.constant 0 : i32
        %parallel_loop3A_1130 = arith.index_cast %parallel_loop3A_1129 : i32 to index
        %parallel_loop3A_1131 = arith.index_cast %parallel_loop3A_1077 : i32 to index
        %parallel_loop3A_1132 = arith.constant 64 : index
        %parallel_loop3A_1133 = tpu.vector_load %arg7[%parallel_loop3A_1130, %parallel_loop3A_1131, %parallel_loop3A_1132] {strides = array<i32>} : memref<2x32x128xf32, #tpu.memory_space<vmem>>, vector<16xf32>,
        tpu.vector_store %arg7[%parallel_loop3A_1130, %parallel_loop3A_1131, %parallel_loop3A_1132], %parallel_loop3A_1128 {strides = array<i32>} : memref<2x32x128xf32, #tpu.memory_space<vmem>>, vector<16xf32>,
        %parallel_loop3A_1134 = arith.constant 0 : i32
        %parallel_loop3A_1135 = arith.constant 0 : i32
        %parallel_loop3A_1136 = arith.constant 0 : i32
        %parallel_loop3A_1137 = tpu.memref_slice %arg6[%parallel_loop3A_1134, %parallel_loop3A_1135, %parallel_loop3A_1136] : memref<2x128x32xf32, #tpu.memory_space<vmem>> -> memref<1x128x32xf32, #tpu.memory_space<vmem>>
        %parallel_loop3A_1138 = tpu.memref_squeeze %parallel_loop3A_1137 : memref<1x128x32xf32, #tpu.memory_space<vmem>> -> memref<128x32xf32, #tpu.memory_space<vmem>>
        %parallel_loop3A_1139 = tpu.vector_load_idx %parallel_loop3A_1138[%add3A_25, %parallel_loop3A_1078] : memref<128x32xf32, #tpu.memory_space<vmem>>[vector<16xi32>, vector<16xi32>], vector<16xf32>,
        %parallel_loop3A_1140 = arith.constant 0 : i32
        %parallel_loop3A_1141 = arith.index_cast %parallel_loop3A_1140 : i32 to index
        %parallel_loop3A_1142 = arith.index_cast %parallel_loop3A_1077 : i32 to index
        %parallel_loop3A_1143 = arith.constant 80 : index
        %parallel_loop3A_1144 = tpu.vector_load %arg7[%parallel_loop3A_1141, %parallel_loop3A_1142, %parallel_loop3A_1143] {strides = array<i32>} : memref<2x32x128xf32, #tpu.memory_space<vmem>>, vector<16xf32>,
        tpu.vector_store %arg7[%parallel_loop3A_1141, %parallel_loop3A_1142, %parallel_loop3A_1143], %parallel_loop3A_1139 {strides = array<i32>} : memref<2x32x128xf32, #tpu.memory_space<vmem>>, vector<16xf32>,
        %parallel_loop3A_1145 = arith.constant 0 : i32
        %parallel_loop3A_1146 = arith.constant 0 : i32
        %parallel_loop3A_1147 = arith.constant 0 : i32
        %parallel_loop3A_1148 = tpu.memref_slice %arg6[%parallel_loop3A_1145, %parallel_loop3A_1146, %parallel_loop3A_1147] : memref<2x128x32xf32, #tpu.memory_space<vmem>> -> memref<1x128x32xf32, #tpu.memory_space<vmem>>
        %parallel_loop3A_1149 = tpu.memref_squeeze %parallel_loop3A_1148 : memref<1x128x32xf32, #tpu.memory_space<vmem>> -> memref<128x32xf32, #tpu.memory_space<vmem>>
        %parallel_loop3A_1150 = tpu.vector_load_idx %parallel_loop3A_1149[%add3A_29, %parallel_loop3A_1078] : memref<128x32xf32, #tpu.memory_space<vmem>>[vector<16xi32>, vector<16xi32>], vector<16xf32>,
        %parallel_loop3A_1151 = arith.constant 0 : i32
        %parallel_loop3A_1152 = arith.index_cast %parallel_loop3A_1151 : i32 to index
        %parallel_loop3A_1153 = arith.index_cast %parallel_loop3A_1077 : i32 to index
        %parallel_loop3A_1154 = arith.constant 96 : index
        %parallel_loop3A_1155 = tpu.vector_load %arg7[%parallel_loop3A_1152, %parallel_loop3A_1153, %parallel_loop3A_1154] {strides = array<i32>} : memref<2x32x128xf32, #tpu.memory_space<vmem>>, vector<16xf32>,
        tpu.vector_store %arg7[%parallel_loop3A_1152, %parallel_loop3A_1153, %parallel_loop3A_1154], %parallel_loop3A_1150 {strides = array<i32>} : memref<2x32x128xf32, #tpu.memory_space<vmem>>, vector<16xf32>,
        %parallel_loop3A_1156 = arith.constant 0 : i32
        %parallel_loop3A_1157 = arith.constant 0 : i32
        %parallel_loop3A_1158 = arith.constant 0 : i32
        %parallel_loop3A_1159 = tpu.memref_slice %arg6[%parallel_loop3A_1156, %parallel_loop3A_1157, %parallel_loop3A_1158] : memref<2x128x32xf32, #tpu.memory_space<vmem>> -> memref<1x128x32xf32, #tpu.memory_space<vmem>>
        %parallel_loop3A_1160 = tpu.memref_squeeze %parallel_loop3A_1159 : memref<1x128x32xf32, #tpu.memory_space<vmem>> -> memref<128x32xf32, #tpu.memory_space<vmem>>
        %parallel_loop3A_1161 = tpu.vector_load_idx %parallel_loop3A_1160[%add3A_33, %parallel_loop3A_1078] : memref<128x32xf32, #tpu.memory_space<vmem>>[vector<16xi32>, vector<16xi32>], vector<16xf32>,
        %parallel_loop3A_1162 = arith.constant 0 : i32
        %parallel_loop3A_1163 = arith.index_cast %parallel_loop3A_1162 : i32 to index
        %parallel_loop3A_1164 = arith.index_cast %parallel_loop3A_1077 : i32 to index
        %parallel_loop3A_1165 = arith.constant 112 : index
        %parallel_loop3A_1166 = tpu.vector_load %arg7[%parallel_loop3A_1163, %parallel_loop3A_1164, %parallel_loop3A_1165] {strides = array<i32>} : memref<2x32x128xf32, #tpu.memory_space<vmem>>, vector<16xf32>,
        tpu.vector_store %arg7[%parallel_loop3A_1163, %parallel_loop3A_1164, %parallel_loop3A_1165], %parallel_loop3A_1161 {strides = array<i32>} : memref<2x32x128xf32, #tpu.memory_space<vmem>>, vector<16xf32>,
        %parallel_loop3A_1167 = arith.addi %parallel_loop3A_1078, %broadcast_in_dim3A_34 : vector<16xi32>
        scf.yield %parallel_loop3A_1167 : vector<16xi32>
      } {sc.loop_unroll_factor = 4 : i64, sc.parallel_access}
      %mul3A_564 = arith.constant 200 : i32
      %mul3A_565 = arith.muli %add3A, %mul3A_564 : i32
      %add3A_566 = arith.addi %mul3A_565, %add3A_543 : i32
      %jit3A_567 = arith.constant 32 : i32
      %div3A_568 = arith.divsi %add3A_566, %jit3A_567 : i32
      %sign3A_569 = arith.constant 0 : i32
      %sign3A_570 = arith.cmpi sgt, %add3A_566, %sign3A_569 : i32
      %sign3A_571 = arith.extui %sign3A_570 : i1 to i32
      %sign3A_572 = arith.constant 0 : i32
      %sign3A_573 = arith.cmpi slt, %add3A_566, %sign3A_572 : i32
      %sign3A_574 = arith.extui %sign3A_573 : i1 to i32
      %sign3A_575 = arith.subi %sign3A_571, %sign3A_574 : i32
      %sign3A_576 = arith.constant 0 : i32
      %sign3A_577 = arith.cmpi sgt, %jit3A_567, %sign3A_576 : i32
      %sign3A_578 = arith.extui %sign3A_577 : i1 to i32
      %sign3A_579 = arith.constant 0 : i32
      %sign3A_580 = arith.cmpi slt, %jit3A_567, %sign3A_579 : i32
      %sign3A_581 = arith.extui %sign3A_580 : i1 to i32
      %sign3A_582 = arith.subi %sign3A_578, %sign3A_581 : i32
      %ne3A_583 = arith.cmpi ne, %sign3A_575, %sign3A_582 : i32
      %rem3A_584 = arith.remsi %add3A_566, %jit3A_567 : i32
      %ne3A_585 = arith.constant 0 : i32
      %ne3A_586 = arith.cmpi ne, %rem3A_584, %ne3A_585 : i32
      %and3A_587 = arith.andi %ne3A_583, %ne3A_586 : i1
      %sub3A_588 = arith.constant 1 : i32
      %sub3A_589 = arith.subi %div3A_568, %sub3A_588 : i32
      %select_n3A_590 = arith.select %and3A_587, %sub3A_589, %div3A_568 : i32
      %mul3A_591 = arith.constant 32 : i32
      %mul3A_592 = arith.muli %mul3A_591, %select_n3A_590 : i32
      %sub3A_593 = arith.subi %add3A_566, %mul3A_592 : i32
      %mul3A_594 = arith.constant 1024 : i32
      %mul3A_595 = arith.muli %select_n3A_590, %mul3A_594 : i32
      %add3A_596 = arith.constant 0 : i32
      %add3A_597 = arith.addi %mul3A_595, %add3A_596 : i32
      %mul3A_598 = arith.constant 8 : i32
      %mul3A_599 = arith.muli %sub3A_593, %mul3A_598 : i32
      %add3A_600 = arith.addi %add3A_597, %mul3A_599 : i32
      %dma_start3A_601 = arith.constant 0 : i32
      %dma_start3A_602 = arith.constant 0 : i32
      %dma_start3A_603 = arith.constant 0 : i32
      %dma_start3A_604 = arith.constant 0 : i32
      %dma_start3A_605 = tpu.memref_slice %arg7[%dma_start3A_601, %dma_start3A_603, %dma_start3A_604] : memref<2x32x128xf32, #tpu.memory_space<vmem>> -> memref<1x32x128xf32, #tpu.memory_space<vmem>>
      %dma_start3A_606 = tpu.memref_squeeze %dma_start3A_605 : memref<1x32x128xf32, #tpu.memory_space<vmem>> -> memref<32x128xf32, #tpu.memory_space<vmem>>
      %dma_start3A_607 = arith.constant 0 : i32
      %dma_start3A_608 = arith.constant 0 : i32
      %dma_start3A_609 = tpu.memref_slice %dma_start3A_606[%dma_start3A_607, %dma_start3A_608] : memref<32x128xf32, #tpu.memory_space<vmem>> -> memref<8x128xf32, #tpu.memory_space<vmem>>
      %dma_start3A_610 = arith.constant 0 : i32
      %dma_start3A_611 = tpu.memref_slice %arg4[%add3A_600, %dma_start3A_610] : memref<204800x128xf32, #tpu.memory_space<hbm>> -> memref<8x128xf32, #tpu.memory_space<hbm>>
      %dma_start3A_612 = tpu.memref_slice %arg9[%dma_start3A_602] : memref<2x!tpu.dma_semaphore, #tpu.memory_space<semaphore_mem>> -> memref<1x!tpu.dma_semaphore, #tpu.memory_space<semaphore_mem>>
      %dma_start3A_613 = tpu.memref_squeeze %dma_start3A_612 : memref<1x!tpu.dma_semaphore, #tpu.memory_space<semaphore_mem>> -> memref<!tpu.dma_semaphore, #tpu.memory_space<semaphore_mem>>
      %dma_start3A_614 = arith.constant 0 : i32
      %dma_start3A_615 = tpu.memref_slice %arg4[%add3A_600, %dma_start3A_614] : memref<204800x128xf32, #tpu.memory_space<hbm>> -> memref<8x128xf32, #tpu.memory_space<hbm>>
      %dma_start3A_616 = arith.constant 0 : i32
      %dma_start3A_617 = arith.constant 0 : i32
      %dma_start3A_618 = tpu.memref_slice %arg7[%dma_start3A_601, %dma_start3A_616, %dma_start3A_617] : memref<2x32x128xf32, #tpu.memory_space<vmem>> -> memref<1x32x128xf32, #tpu.memory_space<vmem>>
      %dma_start3A_619 = tpu.memref_squeeze %dma_start3A_618 : memref<1x32x128xf32, #tpu.memory_space<vmem>> -> memref<32x128xf32, #tpu.memory_space<vmem>>
      %dma_start3A_620 = arith.constant 0 : i32
      %dma_start3A_621 = arith.constant 0 : i32
      %dma_start3A_622 = tpu.memref_slice %dma_start3A_619[%dma_start3A_620, %dma_start3A_621] : memref<32x128xf32, #tpu.memory_space<vmem>> -> memref<8x128xf32, #tpu.memory_space<vmem>>
      tpu.enqueue_dma source(%dma_start3A_622 : memref<8x128xf32, #tpu.memory_space<vmem>>) target(%dma_start3A_615 : memref<8x128xf32, #tpu.memory_space<hbm>>) target_semaphore(%dma_start3A_613 : memref<!tpu.dma_semaphore, #tpu.memory_space<semaphore_mem>>)
      %mul3A_623 = arith.constant 200 : i32
      %mul3A_624 = arith.muli %add3A, %mul3A_623 : i32
      %add3A_625 = arith.addi %mul3A_624, %add3A_543 : i32
      %jit3A_626 = arith.constant 32 : i32
      %div3A_627 = arith.divsi %add3A_625, %jit3A_626 : i32
      %sign3A_628 = arith.constant 0 : i32
      %sign3A_629 = arith.cmpi sgt, %add3A_625, %sign3A_628 : i32
      %sign3A_630 = arith.extui %sign3A_629 : i1 to i32
      %sign3A_631 = arith.constant 0 : i32
      %sign3A_632 = arith.cmpi slt, %add3A_625, %sign3A_631 : i32
      %sign3A_633 = arith.extui %sign3A_632 : i1 to i32
      %sign3A_634 = arith.subi %sign3A_630, %sign3A_633 : i32
      %sign3A_635 = arith.constant 0 : i32
      %sign3A_636 = arith.cmpi sgt, %jit3A_626, %sign3A_635 : i32
      %sign3A_637 = arith.extui %sign3A_636 : i1 to i32
      %sign3A_638 = arith.constant 0 : i32
      %sign3A_639 = arith.cmpi slt, %jit3A_626, %sign3A_638 : i32
      %sign3A_640 = arith.extui %sign3A_639 : i1 to i32
      %sign3A_641 = arith.subi %sign3A_637, %sign3A_640 : i32
      %ne3A_642 = arith.cmpi ne, %sign3A_634, %sign3A_641 : i32
      %rem3A_643 = arith.remsi %add3A_625, %jit3A_626 : i32
      %ne3A_644 = arith.constant 0 : i32
      %ne3A_645 = arith.cmpi ne, %rem3A_643, %ne3A_644 : i32
      %and3A_646 = arith.andi %ne3A_642, %ne3A_645 : i1
      %sub3A_647 = arith.constant 1 : i32
      %sub3A_648 = arith.subi %div3A_627, %sub3A_647 : i32
      %select_n3A_649 = arith.select %and3A_646, %sub3A_648, %div3A_627 : i32
      %mul3A_650 = arith.constant 32 : i32
      %mul3A_651 = arith.muli %mul3A_650, %select_n3A_649 : i32
      %sub3A_652 = arith.subi %add3A_625, %mul3A_651 : i32
      %mul3A_653 = arith.constant 1024 : i32
      %mul3A_654 = arith.muli %select_n3A_649, %mul3A_653 : i32
      %add3A_655 = arith.constant 256 : i32
      %add3A_656 = arith.addi %mul3A_654, %add3A_655 : i32
      %mul3A_657 = arith.constant 8 : i32
      %mul3A_658 = arith.muli %sub3A_652, %mul3A_657 : i32
      %add3A_659 = arith.addi %add3A_656, %mul3A_658 : i32
      %dma_start3A_660 = arith.constant 0 : i32
      %dma_start3A_661 = arith.constant 0 : i32
      %dma_start3A_662 = arith.constant 0 : i32
      %dma_start3A_663 = arith.constant 0 : i32
      %dma_start3A_664 = tpu.memref_slice %arg7[%dma_start3A_660, %dma_start3A_662, %dma_start3A_663] : memref<2x32x128xf32, #tpu.memory_space<vmem>> -> memref<1x32x128xf32, #tpu.memory_space<vmem>>
      %dma_start3A_665 = tpu.memref_squeeze %dma_start3A_664 : memref<1x32x128xf32, #tpu.memory_space<vmem>> -> memref<32x128xf32, #tpu.memory_space<vmem>>
      %dma_start3A_666 = arith.constant 8 : i32
      %dma_start3A_667 = arith.constant 0 : i32
      %dma_start3A_668 = tpu.memref_slice %dma_start3A_665[%dma_start3A_666, %dma_start3A_667] : memref<32x128xf32, #tpu.memory_space<vmem>> -> memref<8x128xf32, #tpu.memory_space<vmem>>
      %dma_start3A_669 = arith.constant 0 : i32
      %dma_start3A_670 = tpu.memref_slice %arg4[%add3A_659, %dma_start3A_669] : memref<204800x128xf32, #tpu.memory_space<hbm>> -> memref<8x128xf32, #tpu.memory_space<hbm>>
      %dma_start3A_671 = tpu.memref_slice %arg9[%dma_start3A_661] : memref<2x!tpu.dma_semaphore, #tpu.memory_space<semaphore_mem>> -> memref<1x!tpu.dma_semaphore, #tpu.memory_space<semaphore_mem>>
      %dma_start3A_672 = tpu.memref_squeeze %dma_start3A_671 : memref<1x!tpu.dma_semaphore, #tpu.memory_space<semaphore_mem>> -> memref<!tpu.dma_semaphore, #tpu.memory_space<semaphore_mem>>
      %dma_start3A_673 = arith.constant 0 : i32
      %dma_start3A_674 = tpu.memref_slice %arg4[%add3A_659, %dma_start3A_673] : memref<204800x128xf32, #tpu.memory_space<hbm>> -> memref<8x128xf32, #tpu.memory_space<hbm>>
      %dma_start3A_675 = arith.constant 0 : i32
      %dma_start3A_676 = arith.constant 0 : i32
      %dma_start3A_677 = tpu.memref_slice %arg7[%dma_start3A_660, %dma_start3A_675, %dma_start3A_676] : memref<2x32x128xf32, #tpu.memory_space<vmem>> -> memref<1x32x128xf32, #tpu.memory_space<vmem>>
      %dma_start3A_678 = tpu.memref_squeeze %dma_start3A_677 : memref<1x32x128xf32, #tpu.memory_space<vmem>> -> memref<32x128xf32, #tpu.memory_space<vmem>>
      %dma_start3A_679 = arith.constant 8 : i32
      %dma_start3A_680 = arith.constant 0 : i32
      %dma_start3A_681 = tpu.memref_slice %dma_start3A_678[%dma_start3A_679, %dma_start3A_680] : memref<32x128xf32, #tpu.memory_space<vmem>> -> memref<8x128xf32, #tpu.memory_space<vmem>>
      tpu.enqueue_dma source(%dma_start3A_681 : memref<8x128xf32, #tpu.memory_space<vmem>>) target(%dma_start3A_674 : memref<8x128xf32, #tpu.memory_space<hbm>>) target_semaphore(%dma_start3A_672 : memref<!tpu.dma_semaphore, #tpu.memory_space<semaphore_mem>>)
      %mul3A_682 = arith.constant 200 : i32
      %mul3A_683 = arith.muli %add3A, %mul3A_682 : i32
      %add3A_684 = arith.addi %mul3A_683, %add3A_543 : i32
      %jit3A_685 = arith.constant 32 : i32
      %div3A_686 = arith.divsi %add3A_684, %jit3A_685 : i32
      %sign3A_687 = arith.constant 0 : i32
      %sign3A_688 = arith.cmpi sgt, %add3A_684, %sign3A_687 : i32
      %sign3A_689 = arith.extui %sign3A_688 : i1 to i32
      %sign3A_690 = arith.constant 0 : i32
      %sign3A_691 = arith.cmpi slt, %add3A_684, %sign3A_690 : i32
      %sign3A_692 = arith.extui %sign3A_691 : i1 to i32
      %sign3A_693 = arith.subi %sign3A_689, %sign3A_692 : i32
      %sign3A_694 = arith.constant 0 : i32
      %sign3A_695 = arith.cmpi sgt, %jit3A_685, %sign3A_694 : i32
      %sign3A_696 = arith.extui %sign3A_695 : i1 to i32
      %sign3A_697 = arith.constant 0 : i32
      %sign3A_698 = arith.cmpi slt, %jit3A_685, %sign3A_697 : i32
      %sign3A_699 = arith.extui %sign3A_698 : i1 to i32
      %sign3A_700 = arith.subi %sign3A_696, %sign3A_699 : i32
      %ne3A_701 = arith.cmpi ne, %sign3A_693, %sign3A_700 : i32
      %rem3A_702 = arith.remsi %add3A_684, %jit3A_685 : i32
      %ne3A_703 = arith.constant 0 : i32
      %ne3A_704 = arith.cmpi ne, %rem3A_702, %ne3A_703 : i32
      %and3A_705 = arith.andi %ne3A_701, %ne3A_704 : i1
      %sub3A_706 = arith.constant 1 : i32
      %sub3A_707 = arith.subi %div3A_686, %sub3A_706 : i32
      %select_n3A_708 = arith.select %and3A_705, %sub3A_707, %div3A_686 : i32
      %mul3A_709 = arith.constant 32 : i32
      %mul3A_710 = arith.muli %mul3A_709, %select_n3A_708 : i32
      %sub3A_711 = arith.subi %add3A_684, %mul3A_710 : i32
      %mul3A_712 = arith.constant 1024 : i32
      %mul3A_713 = arith.muli %select_n3A_708, %mul3A_712 : i32
      %add3A_714 = arith.constant 512 : i32
      %add3A_715 = arith.addi %mul3A_713, %add3A_714 : i32
      %mul3A_716 = arith.constant 8 : i32
      %mul3A_717 = arith.muli %sub3A_711, %mul3A_716 : i32
      %add3A_718 = arith.addi %add3A_715, %mul3A_717 : i32
      %dma_start3A_719 = arith.constant 0 : i32
      %dma_start3A_720 = arith.constant 0 : i32
      %dma_start3A_721 = arith.constant 0 : i32
      %dma_start3A_722 = arith.constant 0 : i32
      %dma_start3A_723 = tpu.memref_slice %arg7[%dma_start3A_719, %dma_start3A_721, %dma_start3A_722] : memref<2x32x128xf32, #tpu.memory_space<vmem>> -> memref<1x32x128xf32, #tpu.memory_space<vmem>>
      %dma_start3A_724 = tpu.memref_squeeze %dma_start3A_723 : memref<1x32x128xf32, #tpu.memory_space<vmem>> -> memref<32x128xf32, #tpu.memory_space<vmem>>
      %dma_start3A_725 = arith.constant 16 : i32
      %dma_start3A_726 = arith.constant 0 : i32
      %dma_start3A_727 = tpu.memref_slice %dma_start3A_724[%dma_start3A_725, %dma_start3A_726] : memref<32x128xf32, #tpu.memory_space<vmem>> -> memref<8x128xf32, #tpu.memory_space<vmem>>
      %dma_start3A_728 = arith.constant 0 : i32
      %dma_start3A_729 = tpu.memref_slice %arg4[%add3A_718, %dma_start3A_728] : memref<204800x128xf32, #tpu.memory_space<hbm>> -> memref<8x128xf32, #tpu.memory_space<hbm>>
      %dma_start3A_730 = tpu.memref_slice %arg9[%dma_start3A_720] : memref<2x!tpu.dma_semaphore, #tpu.memory_space<semaphore_mem>> -> memref<1x!tpu.dma_semaphore, #tpu.memory_space<semaphore_mem>>
      %dma_start3A_731 = tpu.memref_squeeze %dma_start3A_730 : memref<1x!tpu.dma_semaphore, #tpu.memory_space<semaphore_mem>> -> memref<!tpu.dma_semaphore, #tpu.memory_space<semaphore_mem>>
      %dma_start3A_732 = arith.constant 0 : i32
      %dma_start3A_733 = tpu.memref_slice %arg4[%add3A_718, %dma_start3A_732] : memref<204800x128xf32, #tpu.memory_space<hbm>> -> memref<8x128xf32, #tpu.memory_space<hbm>>
      %dma_start3A_734 = arith.constant 0 : i32
      %dma_start3A_735 = arith.constant 0 : i32
      %dma_start3A_736 = tpu.memref_slice %arg7[%dma_start3A_719, %dma_start3A_734, %dma_start3A_735] : memref<2x32x128xf32, #tpu.memory_space<vmem>> -> memref<1x32x128xf32, #tpu.memory_space<vmem>>
      %dma_start3A_737 = tpu.memref_squeeze %dma_start3A_736 : memref<1x32x128xf32, #tpu.memory_space<vmem>> -> memref<32x128xf32, #tpu.memory_space<vmem>>
      %dma_start3A_738 = arith.constant 16 : i32
      %dma_start3A_739 = arith.constant 0 : i32
      %dma_start3A_740 = tpu.memref_slice %dma_start3A_737[%dma_start3A_738, %dma_start3A_739] : memref<32x128xf32, #tpu.memory_space<vmem>> -> memref<8x128xf32, #tpu.memory_space<vmem>>
      tpu.enqueue_dma source(%dma_start3A_740 : memref<8x128xf32, #tpu.memory_space<vmem>>) target(%dma_start3A_733 : memref<8x128xf32, #tpu.memory_space<hbm>>) target_semaphore(%dma_start3A_731 : memref<!tpu.dma_semaphore, #tpu.memory_space<semaphore_mem>>)
      %mul3A_741 = arith.constant 200 : i32
      %mul3A_742 = arith.muli %add3A, %mul3A_741 : i32
      %add3A_743 = arith.addi %mul3A_742, %add3A_543 : i32
      %jit3A_744 = arith.constant 32 : i32
      %div3A_745 = arith.divsi %add3A_743, %jit3A_744 : i32
      %sign3A_746 = arith.constant 0 : i32
      %sign3A_747 = arith.cmpi sgt, %add3A_743, %sign3A_746 : i32
      %sign3A_748 = arith.extui %sign3A_747 : i1 to i32
      %sign3A_749 = arith.constant 0 : i32
      %sign3A_750 = arith.cmpi slt, %add3A_743, %sign3A_749 : i32
      %sign3A_751 = arith.extui %sign3A_750 : i1 to i32
      %sign3A_752 = arith.subi %sign3A_748, %sign3A_751 : i32
      %sign3A_753 = arith.constant 0 : i32
      %sign3A_754 = arith.cmpi sgt, %jit3A_744, %sign3A_753 : i32
      %sign3A_755 = arith.extui %sign3A_754 : i1 to i32
      %sign3A_756 = arith.constant 0 : i32
      %sign3A_757 = arith.cmpi slt, %jit3A_744, %sign3A_756 : i32
      %sign3A_758 = arith.extui %sign3A_757 : i1 to i32
      %sign3A_759 = arith.subi %sign3A_755, %sign3A_758 : i32
      %ne3A_760 = arith.cmpi ne, %sign3A_752, %sign3A_759 : i32
      %rem3A_761 = arith.remsi %add3A_743, %jit3A_744 : i32
      %ne3A_762 = arith.constant 0 : i32
      %ne3A_763 = arith.cmpi ne, %rem3A_761, %ne3A_762 : i32
      %and3A_764 = arith.andi %ne3A_760, %ne3A_763 : i1
      %sub3A_765 = arith.constant 1 : i32
      %sub3A_766 = arith.subi %div3A_745, %sub3A_765 : i32
      %select_n3A_767 = arith.select %and3A_764, %sub3A_766, %div3A_745 : i32
      %mul3A_768 = arith.constant 32 : i32
      %mul3A_769 = arith.muli %mul3A_768, %select_n3A_767 : i32
      %sub3A_770 = arith.subi %add3A_743, %mul3A_769 : i32
      %mul3A_771 = arith.constant 1024 : i32
      %mul3A_772 = arith.muli %select_n3A_767, %mul3A_771 : i32
      %add3A_773 = arith.constant 768 : i32
      %add3A_774 = arith.addi %mul3A_772, %add3A_773 : i32
      %mul3A_775 = arith.constant 8 : i32
      %mul3A_776 = arith.muli %sub3A_770, %mul3A_775 : i32
      %add3A_777 = arith.addi %add3A_774, %mul3A_776 : i32
      %dma_start3A_778 = arith.constant 0 : i32
      %dma_start3A_779 = arith.constant 0 : i32
      %dma_start3A_780 = arith.constant 0 : i32
      %dma_start3A_781 = arith.constant 0 : i32
      %dma_start3A_782 = tpu.memref_slice %arg7[%dma_start3A_778, %dma_start3A_780, %dma_start3A_781] : memref<2x32x128xf32, #tpu.memory_space<vmem>> -> memref<1x32x128xf32, #tpu.memory_space<vmem>>
      %dma_start3A_783 = tpu.memref_squeeze %dma_start3A_782 : memref<1x32x128xf32, #tpu.memory_space<vmem>> -> memref<32x128xf32, #tpu.memory_space<vmem>>
      %dma_start3A_784 = arith.constant 24 : i32
      %dma_start3A_785 = arith.constant 0 : i32
      %dma_start3A_786 = tpu.memref_slice %dma_start3A_783[%dma_start3A_784, %dma_start3A_785] : memref<32x128xf32, #tpu.memory_space<vmem>> -> memref<8x128xf32, #tpu.memory_space<vmem>>
      %dma_start3A_787 = arith.constant 0 : i32
      %dma_start3A_788 = tpu.memref_slice %arg4[%add3A_777, %dma_start3A_787] : memref<204800x128xf32, #tpu.memory_space<hbm>> -> memref<8x128xf32, #tpu.memory_space<hbm>>
      %dma_start3A_789 = tpu.memref_slice %arg9[%dma_start3A_779] : memref<2x!tpu.dma_semaphore, #tpu.memory_space<semaphore_mem>> -> memref<1x!tpu.dma_semaphore, #tpu.memory_space<semaphore_mem>>
      %dma_start3A_790 = tpu.memref_squeeze %dma_start3A_789 : memref<1x!tpu.dma_semaphore, #tpu.memory_space<semaphore_mem>> -> memref<!tpu.dma_semaphore, #tpu.memory_space<semaphore_mem>>
      %dma_start3A_791 = arith.constant 0 : i32
      %dma_start3A_792 = tpu.memref_slice %arg4[%add3A_777, %dma_start3A_791] : memref<204800x128xf32, #tpu.memory_space<hbm>> -> memref<8x128xf32, #tpu.memory_space<hbm>>
      %dma_start3A_793 = arith.constant 0 : i32
      %dma_start3A_794 = arith.constant 0 : i32
      %dma_start3A_795 = tpu.memref_slice %arg7[%dma_start3A_778, %dma_start3A_793, %dma_start3A_794] : memref<2x32x128xf32, #tpu.memory_space<vmem>> -> memref<1x32x128xf32, #tpu.memory_space<vmem>>
      %dma_start3A_796 = tpu.memref_squeeze %dma_start3A_795 : memref<1x32x128xf32, #tpu.memory_space<vmem>> -> memref<32x128xf32, #tpu.memory_space<vmem>>
      %dma_start3A_797 = arith.constant 24 : i32
      %dma_start3A_798 = arith.constant 0 : i32
      %dma_start3A_799 = tpu.memref_slice %dma_start3A_796[%dma_start3A_797, %dma_start3A_798] : memref<32x128xf32, #tpu.memory_space<vmem>> -> memref<8x128xf32, #tpu.memory_space<vmem>>
      tpu.enqueue_dma source(%dma_start3A_799 : memref<8x128xf32, #tpu.memory_space<vmem>>) target(%dma_start3A_792 : memref<8x128xf32, #tpu.memory_space<hbm>>) target_semaphore(%dma_start3A_790 : memref<!tpu.dma_semaphore, #tpu.memory_space<semaphore_mem>>)
      %add3A_800 = arith.constant 2 : i32
      %add3A_801 = arith.addi %add3A_543, %add3A_800 : i32
      %lt3A = arith.constant 200 : i32
      %lt3A_802 = arith.cmpi slt, %add3A_801, %lt3A : i32
      %convert_element_type3A_803 = arith.extui %lt3A_802 : i1 to i32
      %cond3A_804 = arith.constant 0 : i32
      %cond3A_805 = arith.cmpi ne, %convert_element_type3A_803, %cond3A_804 : i32
      scf.if %cond3A_805 {
        %add3A_1077 = arith.constant 2 : i32
        %add3A_1078 = arith.addi %add3A_543, %add3A_1077 : i32
        %mul3A_1079 = arith.constant 128 : i32
        %mul3A_1080 = arith.muli %add3A_1078, %mul3A_1079 : i32
        %dma_start3A_1081 = arith.constant 0 : i32
        %dma_start3A_1082 = arith.constant 0 : i32
        %dma_start3A_1083 = arith.constant 0 : i32
        %dma_start3A_1084 = arith.constant 0 : i32
        %dma_start3A_1085 = tpu.memref_slice %arg6[%dma_start3A_1081, %dma_start3A_1083, %dma_start3A_1084] : memref<2x128x32xf32, #tpu.memory_space<vmem>> -> memref<1x128x32xf32, #tpu.memory_space<vmem>>
        %dma_start3A_1086 = tpu.memref_squeeze %dma_start3A_1085 : memref<1x128x32xf32, #tpu.memory_space<vmem>> -> memref<128x32xf32, #tpu.memory_space<vmem>>
        %dma_start3A_1087 = tpu.memref_slice %arg5[%mul3A_1080] : memref<25600xi32, #tpu.memory_space<vmem>> -> memref<128xi32, #tpu.memory_space<vmem>>
        %dma_start3A_1088 = arith.constant 0 : i32
        %dma_start3A_1089 = arith.constant 0 : i32
        %dma_start3A_1090 = tpu.memref_slice %arg2[%dma_start3A_1088, %dma_start3A_1089] : memref<1000000x32xf32, #tpu.memory_space<hbm>> -> memref<1000000x32xf32, #tpu.memory_space<hbm>>
        %dma_start3A_1091 = tpu.memref_slice %arg8[%dma_start3A_1082] : memref<2x!tpu.dma_semaphore, #tpu.memory_space<semaphore_mem>> -> memref<1x!tpu.dma_semaphore, #tpu.memory_space<semaphore_mem>>
        %dma_start3A_1092 = tpu.memref_squeeze %dma_start3A_1091 : memref<1x!tpu.dma_semaphore, #tpu.memory_space<semaphore_mem>> -> memref<!tpu.dma_semaphore, #tpu.memory_space<semaphore_mem>>
        tpu.enqueue_indirect_dma source(%dma_start3A_1090 : memref<1000000x32xf32, #tpu.memory_space<hbm>>) target(%dma_start3A_1086 : memref<128x32xf32, #tpu.memory_space<vmem>>) offsets(%dma_start3A_1087 : memref<128xi32, #tpu.memory_space<vmem>>) semaphore(%dma_start3A_1092 : memref<!tpu.dma_semaphore, #tpu.memory_space<semaphore_mem>>)
      } else {
      }
      %mul3A_806 = arith.constant 2 : i32
      %mul3A_807 = arith.muli %mul3A_806, %add3A_539 : i32
      %add3A_808 = arith.constant 1 : i32
      %add3A_809 = arith.addi %mul3A_807, %add3A_808 : i32
      %dma_wait3A_810 = arith.constant 1 : i32
      %dma_wait3A_811 = arith.constant 1 : i32
      %dma_wait3A_812 = arith.constant 0 : i32
      %dma_wait3A_813 = arith.constant 0 : i32
      %dma_wait3A_814 = tpu.memref_slice %arg6[%dma_wait3A_810, %dma_wait3A_812, %dma_wait3A_813] : memref<2x128x32xf32, #tpu.memory_space<vmem>> -> memref<1x128x32xf32, #tpu.memory_space<vmem>>
      %dma_wait3A_815 = tpu.memref_squeeze %dma_wait3A_814 : memref<1x128x32xf32, #tpu.memory_space<vmem>> -> memref<128x32xf32, #tpu.memory_space<vmem>>
      %dma_wait3A_816 = arith.constant 0 : i32
      %dma_wait3A_817 = tpu.memref_slice %arg5[%dma_wait3A_816] : memref<25600xi32, #tpu.memory_space<vmem>> -> memref<128xi32, #tpu.memory_space<vmem>>
      %dma_wait3A_818 = arith.constant 0 : i32
      %dma_wait3A_819 = arith.constant 0 : i32
      %dma_wait3A_820 = tpu.memref_slice %arg2[%dma_wait3A_818, %dma_wait3A_819] : memref<1000000x32xf32, #tpu.memory_space<hbm>> -> memref<1000000x32xf32, #tpu.memory_space<hbm>>
      %dma_wait3A_821 = tpu.memref_slice %arg8[%dma_wait3A_811] : memref<2x!tpu.dma_semaphore, #tpu.memory_space<semaphore_mem>> -> memref<1x!tpu.dma_semaphore, #tpu.memory_space<semaphore_mem>>
      %dma_wait3A_822 = tpu.memref_squeeze %dma_wait3A_821 : memref<1x!tpu.dma_semaphore, #tpu.memory_space<semaphore_mem>> -> memref<!tpu.dma_semaphore, #tpu.memory_space<semaphore_mem>>
      tpu.wait_indirect_dma semaphore(%dma_wait3A_822 : memref<!tpu.dma_semaphore, #tpu.memory_space<semaphore_mem>>) src(%dma_wait3A_820 : memref<1000000x32xf32, #tpu.memory_space<hbm>>) dst(%dma_wait3A_815 : memref<128x32xf32, #tpu.memory_space<vmem>>)
      %gt3A_823 = arith.constant 0 : i32
      %gt3A_824 = arith.cmpi sgt, %add3A_539, %gt3A_823 : i32
      %convert_element_type3A_825 = arith.extui %gt3A_824 : i1 to i32
      %cond3A_826 = arith.constant 0 : i32
      %cond3A_827 = arith.cmpi ne, %convert_element_type3A_825, %cond3A_826 : i32
      scf.if %cond3A_827 {
        %mul3A_1077 = arith.constant 200 : i32
        %mul3A_1078 = arith.muli %add3A, %mul3A_1077 : i32
        %add3A_1079 = arith.constant 0 : i32
        %add3A_1080 = arith.addi %mul3A_1078, %add3A_1079 : i32
        %jit3A_1081 = arith.constant 32 : i32
        %div3A_1082 = arith.divsi %add3A_1080, %jit3A_1081 : i32
        %sign3A_1083 = arith.constant 0 : i32
        %sign3A_1084 = arith.cmpi sgt, %add3A_1080, %sign3A_1083 : i32
        %sign3A_1085 = arith.extui %sign3A_1084 : i1 to i32
        %sign3A_1086 = arith.constant 0 : i32
        %sign3A_1087 = arith.cmpi slt, %add3A_1080, %sign3A_1086 : i32
        %sign3A_1088 = arith.extui %sign3A_1087 : i1 to i32
        %sign3A_1089 = arith.subi %sign3A_1085, %sign3A_1088 : i32
        %sign3A_1090 = arith.constant 0 : i32
        %sign3A_1091 = arith.cmpi sgt, %jit3A_1081, %sign3A_1090 : i32
        %sign3A_1092 = arith.extui %sign3A_1091 : i1 to i32
        %sign3A_1093 = arith.constant 0 : i32
        %sign3A_1094 = arith.cmpi slt, %jit3A_1081, %sign3A_1093 : i32
        %sign3A_1095 = arith.extui %sign3A_1094 : i1 to i32
        %sign3A_1096 = arith.subi %sign3A_1092, %sign3A_1095 : i32
        %ne3A_1097 = arith.cmpi ne, %sign3A_1089, %sign3A_1096 : i32
        %rem3A_1098 = arith.remsi %add3A_1080, %jit3A_1081 : i32
        %ne3A_1099 = arith.constant 0 : i32
        %ne3A_1100 = arith.cmpi ne, %rem3A_1098, %ne3A_1099 : i32
        %and3A_1101 = arith.andi %ne3A_1097, %ne3A_1100 : i1
        %sub3A_1102 = arith.constant 1 : i32
        %sub3A_1103 = arith.subi %div3A_1082, %sub3A_1102 : i32
        %select_n3A_1104 = arith.select %and3A_1101, %sub3A_1103, %div3A_1082 : i32
        %mul3A_1105 = arith.constant 32 : i32
        %mul3A_1106 = arith.muli %mul3A_1105, %select_n3A_1104 : i32
        %sub3A_1107 = arith.subi %add3A_1080, %mul3A_1106 : i32
        %mul3A_1108 = arith.constant 1024 : i32
        %mul3A_1109 = arith.muli %select_n3A_1104, %mul3A_1108 : i32
        %add3A_1110 = arith.constant 0 : i32
        %add3A_1111 = arith.addi %mul3A_1109, %add3A_1110 : i32
        %mul3A_1112 = arith.constant 8 : i32
        %mul3A_1113 = arith.muli %sub3A_1107, %mul3A_1112 : i32
        %add3A_1114 = arith.addi %add3A_1111, %mul3A_1113 : i32
        %dma_wait3A_1115 = arith.constant 1 : i32
        %dma_wait3A_1116 = arith.constant 1 : i32
        %dma_wait3A_1117 = arith.constant 0 : i32
        %dma_wait3A_1118 = arith.constant 0 : i32
        %dma_wait3A_1119 = tpu.memref_slice %arg7[%dma_wait3A_1115, %dma_wait3A_1117, %dma_wait3A_1118] : memref<2x32x128xf32, #tpu.memory_space<vmem>> -> memref<1x32x128xf32, #tpu.memory_space<vmem>>
        %dma_wait3A_1120 = tpu.memref_squeeze %dma_wait3A_1119 : memref<1x32x128xf32, #tpu.memory_space<vmem>> -> memref<32x128xf32, #tpu.memory_space<vmem>>
        %dma_wait3A_1121 = arith.constant 0 : i32
        %dma_wait3A_1122 = arith.constant 0 : i32
        %dma_wait3A_1123 = tpu.memref_slice %dma_wait3A_1120[%dma_wait3A_1121, %dma_wait3A_1122] : memref<32x128xf32, #tpu.memory_space<vmem>> -> memref<8x128xf32, #tpu.memory_space<vmem>>
        %dma_wait3A_1124 = arith.constant 0 : i32
        %dma_wait3A_1125 = tpu.memref_slice %arg4[%add3A_1114, %dma_wait3A_1124] : memref<204800x128xf32, #tpu.memory_space<hbm>> -> memref<8x128xf32, #tpu.memory_space<hbm>>
        %dma_wait3A_1126 = tpu.memref_slice %arg9[%dma_wait3A_1116] : memref<2x!tpu.dma_semaphore, #tpu.memory_space<semaphore_mem>> -> memref<1x!tpu.dma_semaphore, #tpu.memory_space<semaphore_mem>>
        %dma_wait3A_1127 = tpu.memref_squeeze %dma_wait3A_1126 : memref<1x!tpu.dma_semaphore, #tpu.memory_space<semaphore_mem>> -> memref<!tpu.dma_semaphore, #tpu.memory_space<semaphore_mem>>
        %dma_wait3A_1128 = arith.constant 0 : i32
        %dma_wait3A_1129 = tpu.memref_slice %arg4[%add3A_1114, %dma_wait3A_1128] : memref<204800x128xf32, #tpu.memory_space<hbm>> -> memref<8x128xf32, #tpu.memory_space<hbm>>
        %dma_wait3A_1130 = arith.constant 0 : i32
        %dma_wait3A_1131 = arith.constant 0 : i32
        %dma_wait3A_1132 = tpu.memref_slice %arg7[%dma_wait3A_1115, %dma_wait3A_1130, %dma_wait3A_1131] : memref<2x32x128xf32, #tpu.memory_space<vmem>> -> memref<1x32x128xf32, #tpu.memory_space<vmem>>
        %dma_wait3A_1133 = tpu.memref_squeeze %dma_wait3A_1132 : memref<1x32x128xf32, #tpu.memory_space<vmem>> -> memref<32x128xf32, #tpu.memory_space<vmem>>
        %dma_wait3A_1134 = arith.constant 0 : i32
        %dma_wait3A_1135 = arith.constant 0 : i32
        %dma_wait3A_1136 = tpu.memref_slice %dma_wait3A_1133[%dma_wait3A_1134, %dma_wait3A_1135] : memref<32x128xf32, #tpu.memory_space<vmem>> -> memref<8x128xf32, #tpu.memory_space<vmem>>
        tpu.wait_dma2 semaphore(%dma_wait3A_1127 : memref<!tpu.dma_semaphore, #tpu.memory_space<semaphore_mem>>) src(%dma_wait3A_1136 : memref<8x128xf32, #tpu.memory_space<vmem>>) dst(%dma_wait3A_1129 : memref<8x128xf32, #tpu.memory_space<hbm>>)
        %mul3A_1137 = arith.constant 200 : i32
        %mul3A_1138 = arith.muli %add3A, %mul3A_1137 : i32
        %add3A_1139 = arith.constant 0 : i32
        %add3A_1140 = arith.addi %mul3A_1138, %add3A_1139 : i32
        %jit3A_1141 = arith.constant 32 : i32
        %div3A_1142 = arith.divsi %add3A_1140, %jit3A_1141 : i32
        %sign3A_1143 = arith.constant 0 : i32
        %sign3A_1144 = arith.cmpi sgt, %add3A_1140, %sign3A_1143 : i32
        %sign3A_1145 = arith.extui %sign3A_1144 : i1 to i32
        %sign3A_1146 = arith.constant 0 : i32
        %sign3A_1147 = arith.cmpi slt, %add3A_1140, %sign3A_1146 : i32
        %sign3A_1148 = arith.extui %sign3A_1147 : i1 to i32
        %sign3A_1149 = arith.subi %sign3A_1145, %sign3A_1148 : i32
        %sign3A_1150 = arith.constant 0 : i32
        %sign3A_1151 = arith.cmpi sgt, %jit3A_1141, %sign3A_1150 : i32
        %sign3A_1152 = arith.extui %sign3A_1151 : i1 to i32
        %sign3A_1153 = arith.constant 0 : i32
        %sign3A_1154 = arith.cmpi slt, %jit3A_1141, %sign3A_1153 : i32
        %sign3A_1155 = arith.extui %sign3A_1154 : i1 to i32
        %sign3A_1156 = arith.subi %sign3A_1152, %sign3A_1155 : i32
        %ne3A_1157 = arith.cmpi ne, %sign3A_1149, %sign3A_1156 : i32
        %rem3A_1158 = arith.remsi %add3A_1140, %jit3A_1141 : i32
        %ne3A_1159 = arith.constant 0 : i32
        %ne3A_1160 = arith.cmpi ne, %rem3A_1158, %ne3A_1159 : i32
        %and3A_1161 = arith.andi %ne3A_1157, %ne3A_1160 : i1
        %sub3A_1162 = arith.constant 1 : i32
        %sub3A_1163 = arith.subi %div3A_1142, %sub3A_1162 : i32
        %select_n3A_1164 = arith.select %and3A_1161, %sub3A_1163, %div3A_1142 : i32
        %mul3A_1165 = arith.constant 32 : i32
        %mul3A_1166 = arith.muli %mul3A_1165, %select_n3A_1164 : i32
        %sub3A_1167 = arith.subi %add3A_1140, %mul3A_1166 : i32
        %mul3A_1168 = arith.constant 1024 : i32
        %mul3A_1169 = arith.muli %select_n3A_1164, %mul3A_1168 : i32
        %add3A_1170 = arith.constant 256 : i32
        %add3A_1171 = arith.addi %mul3A_1169, %add3A_1170 : i32
        %mul3A_1172 = arith.constant 8 : i32
        %mul3A_1173 = arith.muli %sub3A_1167, %mul3A_1172 : i32
        %add3A_1174 = arith.addi %add3A_1171, %mul3A_1173 : i32
        %dma_wait3A_1175 = arith.constant 1 : i32
        %dma_wait3A_1176 = arith.constant 1 : i32
        %dma_wait3A_1177 = arith.constant 0 : i32
        %dma_wait3A_1178 = arith.constant 0 : i32
        %dma_wait3A_1179 = tpu.memref_slice %arg7[%dma_wait3A_1175, %dma_wait3A_1177, %dma_wait3A_1178] : memref<2x32x128xf32, #tpu.memory_space<vmem>> -> memref<1x32x128xf32, #tpu.memory_space<vmem>>
        %dma_wait3A_1180 = tpu.memref_squeeze %dma_wait3A_1179 : memref<1x32x128xf32, #tpu.memory_space<vmem>> -> memref<32x128xf32, #tpu.memory_space<vmem>>
        %dma_wait3A_1181 = arith.constant 8 : i32
        %dma_wait3A_1182 = arith.constant 0 : i32
        %dma_wait3A_1183 = tpu.memref_slice %dma_wait3A_1180[%dma_wait3A_1181, %dma_wait3A_1182] : memref<32x128xf32, #tpu.memory_space<vmem>> -> memref<8x128xf32, #tpu.memory_space<vmem>>
        %dma_wait3A_1184 = arith.constant 0 : i32
        %dma_wait3A_1185 = tpu.memref_slice %arg4[%add3A_1174, %dma_wait3A_1184] : memref<204800x128xf32, #tpu.memory_space<hbm>> -> memref<8x128xf32, #tpu.memory_space<hbm>>
        %dma_wait3A_1186 = tpu.memref_slice %arg9[%dma_wait3A_1176] : memref<2x!tpu.dma_semaphore, #tpu.memory_space<semaphore_mem>> -> memref<1x!tpu.dma_semaphore, #tpu.memory_space<semaphore_mem>>
        %dma_wait3A_1187 = tpu.memref_squeeze %dma_wait3A_1186 : memref<1x!tpu.dma_semaphore, #tpu.memory_space<semaphore_mem>> -> memref<!tpu.dma_semaphore, #tpu.memory_space<semaphore_mem>>
        %dma_wait3A_1188 = arith.constant 0 : i32
        %dma_wait3A_1189 = tpu.memref_slice %arg4[%add3A_1174, %dma_wait3A_1188] : memref<204800x128xf32, #tpu.memory_space<hbm>> -> memref<8x128xf32, #tpu.memory_space<hbm>>
        %dma_wait3A_1190 = arith.constant 0 : i32
        %dma_wait3A_1191 = arith.constant 0 : i32
        %dma_wait3A_1192 = tpu.memref_slice %arg7[%dma_wait3A_1175, %dma_wait3A_1190, %dma_wait3A_1191] : memref<2x32x128xf32, #tpu.memory_space<vmem>> -> memref<1x32x128xf32, #tpu.memory_space<vmem>>
        %dma_wait3A_1193 = tpu.memref_squeeze %dma_wait3A_1192 : memref<1x32x128xf32, #tpu.memory_space<vmem>> -> memref<32x128xf32, #tpu.memory_space<vmem>>
        %dma_wait3A_1194 = arith.constant 8 : i32
        %dma_wait3A_1195 = arith.constant 0 : i32
        %dma_wait3A_1196 = tpu.memref_slice %dma_wait3A_1193[%dma_wait3A_1194, %dma_wait3A_1195] : memref<32x128xf32, #tpu.memory_space<vmem>> -> memref<8x128xf32, #tpu.memory_space<vmem>>
        tpu.wait_dma2 semaphore(%dma_wait3A_1187 : memref<!tpu.dma_semaphore, #tpu.memory_space<semaphore_mem>>) src(%dma_wait3A_1196 : memref<8x128xf32, #tpu.memory_space<vmem>>) dst(%dma_wait3A_1189 : memref<8x128xf32, #tpu.memory_space<hbm>>)
        %mul3A_1197 = arith.constant 200 : i32
        %mul3A_1198 = arith.muli %add3A, %mul3A_1197 : i32
        %add3A_1199 = arith.constant 0 : i32
        %add3A_1200 = arith.addi %mul3A_1198, %add3A_1199 : i32
        %jit3A_1201 = arith.constant 32 : i32
        %div3A_1202 = arith.divsi %add3A_1200, %jit3A_1201 : i32
        %sign3A_1203 = arith.constant 0 : i32
        %sign3A_1204 = arith.cmpi sgt, %add3A_1200, %sign3A_1203 : i32
        %sign3A_1205 = arith.extui %sign3A_1204 : i1 to i32
        %sign3A_1206 = arith.constant 0 : i32
        %sign3A_1207 = arith.cmpi slt, %add3A_1200, %sign3A_1206 : i32
        %sign3A_1208 = arith.extui %sign3A_1207 : i1 to i32
        %sign3A_1209 = arith.subi %sign3A_1205, %sign3A_1208 : i32
        %sign3A_1210 = arith.constant 0 : i32
        %sign3A_1211 = arith.cmpi sgt, %jit3A_1201, %sign3A_1210 : i32
        %sign3A_1212 = arith.extui %sign3A_1211 : i1 to i32
        %sign3A_1213 = arith.constant 0 : i32
        %sign3A_1214 = arith.cmpi slt, %jit3A_1201, %sign3A_1213 : i32
        %sign3A_1215 = arith.extui %sign3A_1214 : i1 to i32
        %sign3A_1216 = arith.subi %sign3A_1212, %sign3A_1215 : i32
        %ne3A_1217 = arith.cmpi ne, %sign3A_1209, %sign3A_1216 : i32
        %rem3A_1218 = arith.remsi %add3A_1200, %jit3A_1201 : i32
        %ne3A_1219 = arith.constant 0 : i32
        %ne3A_1220 = arith.cmpi ne, %rem3A_1218, %ne3A_1219 : i32
        %and3A_1221 = arith.andi %ne3A_1217, %ne3A_1220 : i1
        %sub3A_1222 = arith.constant 1 : i32
        %sub3A_1223 = arith.subi %div3A_1202, %sub3A_1222 : i32
        %select_n3A_1224 = arith.select %and3A_1221, %sub3A_1223, %div3A_1202 : i32
        %mul3A_1225 = arith.constant 32 : i32
        %mul3A_1226 = arith.muli %mul3A_1225, %select_n3A_1224 : i32
        %sub3A_1227 = arith.subi %add3A_1200, %mul3A_1226 : i32
        %mul3A_1228 = arith.constant 1024 : i32
        %mul3A_1229 = arith.muli %select_n3A_1224, %mul3A_1228 : i32
        %add3A_1230 = arith.constant 512 : i32
        %add3A_1231 = arith.addi %mul3A_1229, %add3A_1230 : i32
        %mul3A_1232 = arith.constant 8 : i32
        %mul3A_1233 = arith.muli %sub3A_1227, %mul3A_1232 : i32
        %add3A_1234 = arith.addi %add3A_1231, %mul3A_1233 : i32
        %dma_wait3A_1235 = arith.constant 1 : i32
        %dma_wait3A_1236 = arith.constant 1 : i32
        %dma_wait3A_1237 = arith.constant 0 : i32
        %dma_wait3A_1238 = arith.constant 0 : i32
        %dma_wait3A_1239 = tpu.memref_slice %arg7[%dma_wait3A_1235, %dma_wait3A_1237, %dma_wait3A_1238] : memref<2x32x128xf32, #tpu.memory_space<vmem>> -> memref<1x32x128xf32, #tpu.memory_space<vmem>>
        %dma_wait3A_1240 = tpu.memref_squeeze %dma_wait3A_1239 : memref<1x32x128xf32, #tpu.memory_space<vmem>> -> memref<32x128xf32, #tpu.memory_space<vmem>>
        %dma_wait3A_1241 = arith.constant 16 : i32
        %dma_wait3A_1242 = arith.constant 0 : i32
        %dma_wait3A_1243 = tpu.memref_slice %dma_wait3A_1240[%dma_wait3A_1241, %dma_wait3A_1242] : memref<32x128xf32, #tpu.memory_space<vmem>> -> memref<8x128xf32, #tpu.memory_space<vmem>>
        %dma_wait3A_1244 = arith.constant 0 : i32
        %dma_wait3A_1245 = tpu.memref_slice %arg4[%add3A_1234, %dma_wait3A_1244] : memref<204800x128xf32, #tpu.memory_space<hbm>> -> memref<8x128xf32, #tpu.memory_space<hbm>>
        %dma_wait3A_1246 = tpu.memref_slice %arg9[%dma_wait3A_1236] : memref<2x!tpu.dma_semaphore, #tpu.memory_space<semaphore_mem>> -> memref<1x!tpu.dma_semaphore, #tpu.memory_space<semaphore_mem>>
        %dma_wait3A_1247 = tpu.memref_squeeze %dma_wait3A_1246 : memref<1x!tpu.dma_semaphore, #tpu.memory_space<semaphore_mem>> -> memref<!tpu.dma_semaphore, #tpu.memory_space<semaphore_mem>>
        %dma_wait3A_1248 = arith.constant 0 : i32
        %dma_wait3A_1249 = tpu.memref_slice %arg4[%add3A_1234, %dma_wait3A_1248] : memref<204800x128xf32, #tpu.memory_space<hbm>> -> memref<8x128xf32, #tpu.memory_space<hbm>>
        %dma_wait3A_1250 = arith.constant 0 : i32
        %dma_wait3A_1251 = arith.constant 0 : i32
        %dma_wait3A_1252 = tpu.memref_slice %arg7[%dma_wait3A_1235, %dma_wait3A_1250, %dma_wait3A_1251] : memref<2x32x128xf32, #tpu.memory_space<vmem>> -> memref<1x32x128xf32, #tpu.memory_space<vmem>>
        %dma_wait3A_1253 = tpu.memref_squeeze %dma_wait3A_1252 : memref<1x32x128xf32, #tpu.memory_space<vmem>> -> memref<32x128xf32, #tpu.memory_space<vmem>>
        %dma_wait3A_1254 = arith.constant 16 : i32
        %dma_wait3A_1255 = arith.constant 0 : i32
        %dma_wait3A_1256 = tpu.memref_slice %dma_wait3A_1253[%dma_wait3A_1254, %dma_wait3A_1255] : memref<32x128xf32, #tpu.memory_space<vmem>> -> memref<8x128xf32, #tpu.memory_space<vmem>>
        tpu.wait_dma2 semaphore(%dma_wait3A_1247 : memref<!tpu.dma_semaphore, #tpu.memory_space<semaphore_mem>>) src(%dma_wait3A_1256 : memref<8x128xf32, #tpu.memory_space<vmem>>) dst(%dma_wait3A_1249 : memref<8x128xf32, #tpu.memory_space<hbm>>)
        %mul3A_1257 = arith.constant 200 : i32
        %mul3A_1258 = arith.muli %add3A, %mul3A_1257 : i32
        %add3A_1259 = arith.constant 0 : i32
        %add3A_1260 = arith.addi %mul3A_1258, %add3A_1259 : i32
        %jit3A_1261 = arith.constant 32 : i32
        %div3A_1262 = arith.divsi %add3A_1260, %jit3A_1261 : i32
        %sign3A_1263 = arith.constant 0 : i32
        %sign3A_1264 = arith.cmpi sgt, %add3A_1260, %sign3A_1263 : i32
        %sign3A_1265 = arith.extui %sign3A_1264 : i1 to i32
        %sign3A_1266 = arith.constant 0 : i32
        %sign3A_1267 = arith.cmpi slt, %add3A_1260, %sign3A_1266 : i32
        %sign3A_1268 = arith.extui %sign3A_1267 : i1 to i32
        %sign3A_1269 = arith.subi %sign3A_1265, %sign3A_1268 : i32
        %sign3A_1270 = arith.constant 0 : i32
        %sign3A_1271 = arith.cmpi sgt, %jit3A_1261, %sign3A_1270 : i32
        %sign3A_1272 = arith.extui %sign3A_1271 : i1 to i32
        %sign3A_1273 = arith.constant 0 : i32
        %sign3A_1274 = arith.cmpi slt, %jit3A_1261, %sign3A_1273 : i32
        %sign3A_1275 = arith.extui %sign3A_1274 : i1 to i32
        %sign3A_1276 = arith.subi %sign3A_1272, %sign3A_1275 : i32
        %ne3A_1277 = arith.cmpi ne, %sign3A_1269, %sign3A_1276 : i32
        %rem3A_1278 = arith.remsi %add3A_1260, %jit3A_1261 : i32
        %ne3A_1279 = arith.constant 0 : i32
        %ne3A_1280 = arith.cmpi ne, %rem3A_1278, %ne3A_1279 : i32
        %and3A_1281 = arith.andi %ne3A_1277, %ne3A_1280 : i1
        %sub3A_1282 = arith.constant 1 : i32
        %sub3A_1283 = arith.subi %div3A_1262, %sub3A_1282 : i32
        %select_n3A_1284 = arith.select %and3A_1281, %sub3A_1283, %div3A_1262 : i32
        %mul3A_1285 = arith.constant 32 : i32
        %mul3A_1286 = arith.muli %mul3A_1285, %select_n3A_1284 : i32
        %sub3A_1287 = arith.subi %add3A_1260, %mul3A_1286 : i32
        %mul3A_1288 = arith.constant 1024 : i32
        %mul3A_1289 = arith.muli %select_n3A_1284, %mul3A_1288 : i32
        %add3A_1290 = arith.constant 768 : i32
        %add3A_1291 = arith.addi %mul3A_1289, %add3A_1290 : i32
        %mul3A_1292 = arith.constant 8 : i32
        %mul3A_1293 = arith.muli %sub3A_1287, %mul3A_1292 : i32
        %add3A_1294 = arith.addi %add3A_1291, %mul3A_1293 : i32
        %dma_wait3A_1295 = arith.constant 1 : i32
        %dma_wait3A_1296 = arith.constant 1 : i32
        %dma_wait3A_1297 = arith.constant 0 : i32
        %dma_wait3A_1298 = arith.constant 0 : i32
        %dma_wait3A_1299 = tpu.memref_slice %arg7[%dma_wait3A_1295, %dma_wait3A_1297, %dma_wait3A_1298] : memref<2x32x128xf32, #tpu.memory_space<vmem>> -> memref<1x32x128xf32, #tpu.memory_space<vmem>>
        %dma_wait3A_1300 = tpu.memref_squeeze %dma_wait3A_1299 : memref<1x32x128xf32, #tpu.memory_space<vmem>> -> memref<32x128xf32, #tpu.memory_space<vmem>>
        %dma_wait3A_1301 = arith.constant 24 : i32
        %dma_wait3A_1302 = arith.constant 0 : i32
        %dma_wait3A_1303 = tpu.memref_slice %dma_wait3A_1300[%dma_wait3A_1301, %dma_wait3A_1302] : memref<32x128xf32, #tpu.memory_space<vmem>> -> memref<8x128xf32, #tpu.memory_space<vmem>>
        %dma_wait3A_1304 = arith.constant 0 : i32
        %dma_wait3A_1305 = tpu.memref_slice %arg4[%add3A_1294, %dma_wait3A_1304] : memref<204800x128xf32, #tpu.memory_space<hbm>> -> memref<8x128xf32, #tpu.memory_space<hbm>>
        %dma_wait3A_1306 = tpu.memref_slice %arg9[%dma_wait3A_1296] : memref<2x!tpu.dma_semaphore, #tpu.memory_space<semaphore_mem>> -> memref<1x!tpu.dma_semaphore, #tpu.memory_space<semaphore_mem>>
        %dma_wait3A_1307 = tpu.memref_squeeze %dma_wait3A_1306 : memref<1x!tpu.dma_semaphore, #tpu.memory_space<semaphore_mem>> -> memref<!tpu.dma_semaphore, #tpu.memory_space<semaphore_mem>>
        %dma_wait3A_1308 = arith.constant 0 : i32
        %dma_wait3A_1309 = tpu.memref_slice %arg4[%add3A_1294, %dma_wait3A_1308] : memref<204800x128xf32, #tpu.memory_space<hbm>> -> memref<8x128xf32, #tpu.memory_space<hbm>>
        %dma_wait3A_1310 = arith.constant 0 : i32
        %dma_wait3A_1311 = arith.constant 0 : i32
        %dma_wait3A_1312 = tpu.memref_slice %arg7[%dma_wait3A_1295, %dma_wait3A_1310, %dma_wait3A_1311] : memref<2x32x128xf32, #tpu.memory_space<vmem>> -> memref<1x32x128xf32, #tpu.memory_space<vmem>>
        %dma_wait3A_1313 = tpu.memref_squeeze %dma_wait3A_1312 : memref<1x32x128xf32, #tpu.memory_space<vmem>> -> memref<32x128xf32, #tpu.memory_space<vmem>>
        %dma_wait3A_1314 = arith.constant 24 : i32
        %dma_wait3A_1315 = arith.constant 0 : i32
        %dma_wait3A_1316 = tpu.memref_slice %dma_wait3A_1313[%dma_wait3A_1314, %dma_wait3A_1315] : memref<32x128xf32, #tpu.memory_space<vmem>> -> memref<8x128xf32, #tpu.memory_space<vmem>>
        tpu.wait_dma2 semaphore(%dma_wait3A_1307 : memref<!tpu.dma_semaphore, #tpu.memory_space<semaphore_mem>>) src(%dma_wait3A_1316 : memref<8x128xf32, #tpu.memory_space<vmem>>) dst(%dma_wait3A_1309 : memref<8x128xf32, #tpu.memory_space<hbm>>)
      } else {
      }
      %broadcast_in_dim3A_828 = arith.constant 0 : i32
      %broadcast_in_dim3A_829 = vector.broadcast %broadcast_in_dim3A_828 : i32 to vector<16xi32>
      %parallel_loop3A_830 = arith.constant 0 : i32
      %parallel_loop3A_831 = arith.constant 32 : i32
      %parallel_loop3A_832 = arith.constant 1 : i32
      %parallel_loop3A_833 = scf.for %parallel_loop3A_1077 = %parallel_loop3A_830 to %parallel_loop3A_831 step %parallel_loop3A_832 iter_args(%parallel_loop3A_1078 = %broadcast_in_dim3A_829) -> (vector<16xi32>)  : i32 {
        %parallel_loop3A_1079 = arith.constant 1 : i32
        %parallel_loop3A_1080 = arith.constant 0 : i32
        %parallel_loop3A_1081 = arith.constant 0 : i32
        %parallel_loop3A_1082 = tpu.memref_slice %arg6[%parallel_loop3A_1079, %parallel_loop3A_1080, %parallel_loop3A_1081] : memref<2x128x32xf32, #tpu.memory_space<vmem>> -> memref<1x128x32xf32, #tpu.memory_space<vmem>>
        %parallel_loop3A_1083 = tpu.memref_squeeze %parallel_loop3A_1082 : memref<1x128x32xf32, #tpu.memory_space<vmem>> -> memref<128x32xf32, #tpu.memory_space<vmem>>
        %parallel_loop3A_1084 = tpu.vector_load_idx %parallel_loop3A_1083[%add3A_5, %parallel_loop3A_1078] : memref<128x32xf32, #tpu.memory_space<vmem>>[vector<16xi32>, vector<16xi32>], vector<16xf32>,
        %parallel_loop3A_1085 = arith.constant 1 : i32
        %parallel_loop3A_1086 = arith.index_cast %parallel_loop3A_1085 : i32 to index
        %parallel_loop3A_1087 = arith.index_cast %parallel_loop3A_1077 : i32 to index
        %parallel_loop3A_1088 = arith.constant 0 : index
        %parallel_loop3A_1089 = tpu.vector_load %arg7[%parallel_loop3A_1086, %parallel_loop3A_1087, %parallel_loop3A_1088] {strides = array<i32>} : memref<2x32x128xf32, #tpu.memory_space<vmem>>, vector<16xf32>,
        tpu.vector_store %arg7[%parallel_loop3A_1086, %parallel_loop3A_1087, %parallel_loop3A_1088], %parallel_loop3A_1084 {strides = array<i32>} : memref<2x32x128xf32, #tpu.memory_space<vmem>>, vector<16xf32>,
        %parallel_loop3A_1090 = arith.constant 1 : i32
        %parallel_loop3A_1091 = arith.constant 0 : i32
        %parallel_loop3A_1092 = arith.constant 0 : i32
        %parallel_loop3A_1093 = tpu.memref_slice %arg6[%parallel_loop3A_1090, %parallel_loop3A_1091, %parallel_loop3A_1092] : memref<2x128x32xf32, #tpu.memory_space<vmem>> -> memref<1x128x32xf32, #tpu.memory_space<vmem>>
        %parallel_loop3A_1094 = tpu.memref_squeeze %parallel_loop3A_1093 : memref<1x128x32xf32, #tpu.memory_space<vmem>> -> memref<128x32xf32, #tpu.memory_space<vmem>>
        %parallel_loop3A_1095 = tpu.vector_load_idx %parallel_loop3A_1094[%add3A_9, %parallel_loop3A_1078] : memref<128x32xf32, #tpu.memory_space<vmem>>[vector<16xi32>, vector<16xi32>], vector<16xf32>,
        %parallel_loop3A_1096 = arith.constant 1 : i32
        %parallel_loop3A_1097 = arith.index_cast %parallel_loop3A_1096 : i32 to index
        %parallel_loop3A_1098 = arith.index_cast %parallel_loop3A_1077 : i32 to index
        %parallel_loop3A_1099 = arith.constant 16 : index
        %parallel_loop3A_1100 = tpu.vector_load %arg7[%parallel_loop3A_1097, %parallel_loop3A_1098, %parallel_loop3A_1099] {strides = array<i32>} : memref<2x32x128xf32, #tpu.memory_space<vmem>>, vector<16xf32>,
        tpu.vector_store %arg7[%parallel_loop3A_1097, %parallel_loop3A_1098, %parallel_loop3A_1099], %parallel_loop3A_1095 {strides = array<i32>} : memref<2x32x128xf32, #tpu.memory_space<vmem>>, vector<16xf32>,
        %parallel_loop3A_1101 = arith.constant 1 : i32
        %parallel_loop3A_1102 = arith.constant 0 : i32
        %parallel_loop3A_1103 = arith.constant 0 : i32
        %parallel_loop3A_1104 = tpu.memref_slice %arg6[%parallel_loop3A_1101, %parallel_loop3A_1102, %parallel_loop3A_1103] : memref<2x128x32xf32, #tpu.memory_space<vmem>> -> memref<1x128x32xf32, #tpu.memory_space<vmem>>
        %parallel_loop3A_1105 = tpu.memref_squeeze %parallel_loop3A_1104 : memref<1x128x32xf32, #tpu.memory_space<vmem>> -> memref<128x32xf32, #tpu.memory_space<vmem>>
        %parallel_loop3A_1106 = tpu.vector_load_idx %parallel_loop3A_1105[%add3A_13, %parallel_loop3A_1078] : memref<128x32xf32, #tpu.memory_space<vmem>>[vector<16xi32>, vector<16xi32>], vector<16xf32>,
        %parallel_loop3A_1107 = arith.constant 1 : i32
        %parallel_loop3A_1108 = arith.index_cast %parallel_loop3A_1107 : i32 to index
        %parallel_loop3A_1109 = arith.index_cast %parallel_loop3A_1077 : i32 to index
        %parallel_loop3A_1110 = arith.constant 32 : index
        %parallel_loop3A_1111 = tpu.vector_load %arg7[%parallel_loop3A_1108, %parallel_loop3A_1109, %parallel_loop3A_1110] {strides = array<i32>} : memref<2x32x128xf32, #tpu.memory_space<vmem>>, vector<16xf32>,
        tpu.vector_store %arg7[%parallel_loop3A_1108, %parallel_loop3A_1109, %parallel_loop3A_1110], %parallel_loop3A_1106 {strides = array<i32>} : memref<2x32x128xf32, #tpu.memory_space<vmem>>, vector<16xf32>,
        %parallel_loop3A_1112 = arith.constant 1 : i32
        %parallel_loop3A_1113 = arith.constant 0 : i32
        %parallel_loop3A_1114 = arith.constant 0 : i32
        %parallel_loop3A_1115 = tpu.memref_slice %arg6[%parallel_loop3A_1112, %parallel_loop3A_1113, %parallel_loop3A_1114] : memref<2x128x32xf32, #tpu.memory_space<vmem>> -> memref<1x128x32xf32, #tpu.memory_space<vmem>>
        %parallel_loop3A_1116 = tpu.memref_squeeze %parallel_loop3A_1115 : memref<1x128x32xf32, #tpu.memory_space<vmem>> -> memref<128x32xf32, #tpu.memory_space<vmem>>
        %parallel_loop3A_1117 = tpu.vector_load_idx %parallel_loop3A_1116[%add3A_17, %parallel_loop3A_1078] : memref<128x32xf32, #tpu.memory_space<vmem>>[vector<16xi32>, vector<16xi32>], vector<16xf32>,
        %parallel_loop3A_1118 = arith.constant 1 : i32
        %parallel_loop3A_1119 = arith.index_cast %parallel_loop3A_1118 : i32 to index
        %parallel_loop3A_1120 = arith.index_cast %parallel_loop3A_1077 : i32 to index
        %parallel_loop3A_1121 = arith.constant 48 : index
        %parallel_loop3A_1122 = tpu.vector_load %arg7[%parallel_loop3A_1119, %parallel_loop3A_1120, %parallel_loop3A_1121] {strides = array<i32>} : memref<2x32x128xf32, #tpu.memory_space<vmem>>, vector<16xf32>,
        tpu.vector_store %arg7[%parallel_loop3A_1119, %parallel_loop3A_1120, %parallel_loop3A_1121], %parallel_loop3A_1117 {strides = array<i32>} : memref<2x32x128xf32, #tpu.memory_space<vmem>>, vector<16xf32>,
        %parallel_loop3A_1123 = arith.constant 1 : i32
        %parallel_loop3A_1124 = arith.constant 0 : i32
        %parallel_loop3A_1125 = arith.constant 0 : i32
        %parallel_loop3A_1126 = tpu.memref_slice %arg6[%parallel_loop3A_1123, %parallel_loop3A_1124, %parallel_loop3A_1125] : memref<2x128x32xf32, #tpu.memory_space<vmem>> -> memref<1x128x32xf32, #tpu.memory_space<vmem>>
        %parallel_loop3A_1127 = tpu.memref_squeeze %parallel_loop3A_1126 : memref<1x128x32xf32, #tpu.memory_space<vmem>> -> memref<128x32xf32, #tpu.memory_space<vmem>>
        %parallel_loop3A_1128 = tpu.vector_load_idx %parallel_loop3A_1127[%add3A_21, %parallel_loop3A_1078] : memref<128x32xf32, #tpu.memory_space<vmem>>[vector<16xi32>, vector<16xi32>], vector<16xf32>,
        %parallel_loop3A_1129 = arith.constant 1 : i32
        %parallel_loop3A_1130 = arith.index_cast %parallel_loop3A_1129 : i32 to index
        %parallel_loop3A_1131 = arith.index_cast %parallel_loop3A_1077 : i32 to index
        %parallel_loop3A_1132 = arith.constant 64 : index
        %parallel_loop3A_1133 = tpu.vector_load %arg7[%parallel_loop3A_1130, %parallel_loop3A_1131, %parallel_loop3A_1132] {strides = array<i32>} : memref<2x32x128xf32, #tpu.memory_space<vmem>>, vector<16xf32>,
        tpu.vector_store %arg7[%parallel_loop3A_1130, %parallel_loop3A_1131, %parallel_loop3A_1132], %parallel_loop3A_1128 {strides = array<i32>} : memref<2x32x128xf32, #tpu.memory_space<vmem>>, vector<16xf32>,
        %parallel_loop3A_1134 = arith.constant 1 : i32
        %parallel_loop3A_1135 = arith.constant 0 : i32
        %parallel_loop3A_1136 = arith.constant 0 : i32
        %parallel_loop3A_1137 = tpu.memref_slice %arg6[%parallel_loop3A_1134, %parallel_loop3A_1135, %parallel_loop3A_1136] : memref<2x128x32xf32, #tpu.memory_space<vmem>> -> memref<1x128x32xf32, #tpu.memory_space<vmem>>
        %parallel_loop3A_1138 = tpu.memref_squeeze %parallel_loop3A_1137 : memref<1x128x32xf32, #tpu.memory_space<vmem>> -> memref<128x32xf32, #tpu.memory_space<vmem>>
        %parallel_loop3A_1139 = tpu.vector_load_idx %parallel_loop3A_1138[%add3A_25, %parallel_loop3A_1078] : memref<128x32xf32, #tpu.memory_space<vmem>>[vector<16xi32>, vector<16xi32>], vector<16xf32>,
        %parallel_loop3A_1140 = arith.constant 1 : i32
        %parallel_loop3A_1141 = arith.index_cast %parallel_loop3A_1140 : i32 to index
        %parallel_loop3A_1142 = arith.index_cast %parallel_loop3A_1077 : i32 to index
        %parallel_loop3A_1143 = arith.constant 80 : index
        %parallel_loop3A_1144 = tpu.vector_load %arg7[%parallel_loop3A_1141, %parallel_loop3A_1142, %parallel_loop3A_1143] {strides = array<i32>} : memref<2x32x128xf32, #tpu.memory_space<vmem>>, vector<16xf32>,
        tpu.vector_store %arg7[%parallel_loop3A_1141, %parallel_loop3A_1142, %parallel_loop3A_1143], %parallel_loop3A_1139 {strides = array<i32>} : memref<2x32x128xf32, #tpu.memory_space<vmem>>, vector<16xf32>,
        %parallel_loop3A_1145 = arith.constant 1 : i32
        %parallel_loop3A_1146 = arith.constant 0 : i32
        %parallel_loop3A_1147 = arith.constant 0 : i32
        %parallel_loop3A_1148 = tpu.memref_slice %arg6[%parallel_loop3A_1145, %parallel_loop3A_1146, %parallel_loop3A_1147] : memref<2x128x32xf32, #tpu.memory_space<vmem>> -> memref<1x128x32xf32, #tpu.memory_space<vmem>>
        %parallel_loop3A_1149 = tpu.memref_squeeze %parallel_loop3A_1148 : memref<1x128x32xf32, #tpu.memory_space<vmem>> -> memref<128x32xf32, #tpu.memory_space<vmem>>
        %parallel_loop3A_1150 = tpu.vector_load_idx %parallel_loop3A_1149[%add3A_29, %parallel_loop3A_1078] : memref<128x32xf32, #tpu.memory_space<vmem>>[vector<16xi32>, vector<16xi32>], vector<16xf32>,
        %parallel_loop3A_1151 = arith.constant 1 : i32
        %parallel_loop3A_1152 = arith.index_cast %parallel_loop3A_1151 : i32 to index
        %parallel_loop3A_1153 = arith.index_cast %parallel_loop3A_1077 : i32 to index
        %parallel_loop3A_1154 = arith.constant 96 : index
        %parallel_loop3A_1155 = tpu.vector_load %arg7[%parallel_loop3A_1152, %parallel_loop3A_1153, %parallel_loop3A_1154] {strides = array<i32>} : memref<2x32x128xf32, #tpu.memory_space<vmem>>, vector<16xf32>,
        tpu.vector_store %arg7[%parallel_loop3A_1152, %parallel_loop3A_1153, %parallel_loop3A_1154], %parallel_loop3A_1150 {strides = array<i32>} : memref<2x32x128xf32, #tpu.memory_space<vmem>>, vector<16xf32>,
        %parallel_loop3A_1156 = arith.constant 1 : i32
        %parallel_loop3A_1157 = arith.constant 0 : i32
        %parallel_loop3A_1158 = arith.constant 0 : i32
        %parallel_loop3A_1159 = tpu.memref_slice %arg6[%parallel_loop3A_1156, %parallel_loop3A_1157, %parallel_loop3A_1158] : memref<2x128x32xf32, #tpu.memory_space<vmem>> -> memref<1x128x32xf32, #tpu.memory_space<vmem>>
        %parallel_loop3A_1160 = tpu.memref_squeeze %parallel_loop3A_1159 : memref<1x128x32xf32, #tpu.memory_space<vmem>> -> memref<128x32xf32, #tpu.memory_space<vmem>>
        %parallel_loop3A_1161 = tpu.vector_load_idx %parallel_loop3A_1160[%add3A_33, %parallel_loop3A_1078] : memref<128x32xf32, #tpu.memory_space<vmem>>[vector<16xi32>, vector<16xi32>], vector<16xf32>,
        %parallel_loop3A_1162 = arith.constant 1 : i32
        %parallel_loop3A_1163 = arith.index_cast %parallel_loop3A_1162 : i32 to index
        %parallel_loop3A_1164 = arith.index_cast %parallel_loop3A_1077 : i32 to index
        %parallel_loop3A_1165 = arith.constant 112 : index
        %parallel_loop3A_1166 = tpu.vector_load %arg7[%parallel_loop3A_1163, %parallel_loop3A_1164, %parallel_loop3A_1165] {strides = array<i32>} : memref<2x32x128xf32, #tpu.memory_space<vmem>>, vector<16xf32>,
        tpu.vector_store %arg7[%parallel_loop3A_1163, %parallel_loop3A_1164, %parallel_loop3A_1165], %parallel_loop3A_1161 {strides = array<i32>} : memref<2x32x128xf32, #tpu.memory_space<vmem>>, vector<16xf32>,
        %parallel_loop3A_1167 = arith.addi %parallel_loop3A_1078, %broadcast_in_dim3A_34 : vector<16xi32>
        scf.yield %parallel_loop3A_1167 : vector<16xi32>
      } {sc.loop_unroll_factor = 4 : i64, sc.parallel_access}
      %mul3A_834 = arith.constant 200 : i32
      %mul3A_835 = arith.muli %add3A, %mul3A_834 : i32
      %add3A_836 = arith.addi %mul3A_835, %add3A_809 : i32
      %jit3A_837 = arith.constant 32 : i32
      %div3A_838 = arith.divsi %add3A_836, %jit3A_837 : i32
      %sign3A_839 = arith.constant 0 : i32
      %sign3A_840 = arith.cmpi sgt, %add3A_836, %sign3A_839 : i32
      %sign3A_841 = arith.extui %sign3A_840 : i1 to i32
      %sign3A_842 = arith.constant 0 : i32
      %sign3A_843 = arith.cmpi slt, %add3A_836, %sign3A_842 : i32
      %sign3A_844 = arith.extui %sign3A_843 : i1 to i32
      %sign3A_845 = arith.subi %sign3A_841, %sign3A_844 : i32
      %sign3A_846 = arith.constant 0 : i32
      %sign3A_847 = arith.cmpi sgt, %jit3A_837, %sign3A_846 : i32
      %sign3A_848 = arith.extui %sign3A_847 : i1 to i32
      %sign3A_849 = arith.constant 0 : i32
      %sign3A_850 = arith.cmpi slt, %jit3A_837, %sign3A_849 : i32
      %sign3A_851 = arith.extui %sign3A_850 : i1 to i32
      %sign3A_852 = arith.subi %sign3A_848, %sign3A_851 : i32
      %ne3A_853 = arith.cmpi ne, %sign3A_845, %sign3A_852 : i32
      %rem3A_854 = arith.remsi %add3A_836, %jit3A_837 : i32
      %ne3A_855 = arith.constant 0 : i32
      %ne3A_856 = arith.cmpi ne, %rem3A_854, %ne3A_855 : i32
      %and3A_857 = arith.andi %ne3A_853, %ne3A_856 : i1
      %sub3A_858 = arith.constant 1 : i32
      %sub3A_859 = arith.subi %div3A_838, %sub3A_858 : i32
      %select_n3A_860 = arith.select %and3A_857, %sub3A_859, %div3A_838 : i32
      %mul3A_861 = arith.constant 32 : i32
      %mul3A_862 = arith.muli %mul3A_861, %select_n3A_860 : i32
      %sub3A_863 = arith.subi %add3A_836, %mul3A_862 : i32
      %mul3A_864 = arith.constant 1024 : i32
      %mul3A_865 = arith.muli %select_n3A_860, %mul3A_864 : i32
      %add3A_866 = arith.constant 0 : i32
      %add3A_867 = arith.addi %mul3A_865, %add3A_866 : i32
      %mul3A_868 = arith.constant 8 : i32
      %mul3A_869 = arith.muli %sub3A_863, %mul3A_868 : i32
      %add3A_870 = arith.addi %add3A_867, %mul3A_869 : i32
      %dma_start3A_871 = arith.constant 1 : i32
      %dma_start3A_872 = arith.constant 1 : i32
      %dma_start3A_873 = arith.constant 0 : i32
      %dma_start3A_874 = arith.constant 0 : i32
      %dma_start3A_875 = tpu.memref_slice %arg7[%dma_start3A_871, %dma_start3A_873, %dma_start3A_874] : memref<2x32x128xf32, #tpu.memory_space<vmem>> -> memref<1x32x128xf32, #tpu.memory_space<vmem>>
      %dma_start3A_876 = tpu.memref_squeeze %dma_start3A_875 : memref<1x32x128xf32, #tpu.memory_space<vmem>> -> memref<32x128xf32, #tpu.memory_space<vmem>>
      %dma_start3A_877 = arith.constant 0 : i32
      %dma_start3A_878 = arith.constant 0 : i32
      %dma_start3A_879 = tpu.memref_slice %dma_start3A_876[%dma_start3A_877, %dma_start3A_878] : memref<32x128xf32, #tpu.memory_space<vmem>> -> memref<8x128xf32, #tpu.memory_space<vmem>>
      %dma_start3A_880 = arith.constant 0 : i32
      %dma_start3A_881 = tpu.memref_slice %arg4[%add3A_870, %dma_start3A_880] : memref<204800x128xf32, #tpu.memory_space<hbm>> -> memref<8x128xf32, #tpu.memory_space<hbm>>
      %dma_start3A_882 = tpu.memref_slice %arg9[%dma_start3A_872] : memref<2x!tpu.dma_semaphore, #tpu.memory_space<semaphore_mem>> -> memref<1x!tpu.dma_semaphore, #tpu.memory_space<semaphore_mem>>
      %dma_start3A_883 = tpu.memref_squeeze %dma_start3A_882 : memref<1x!tpu.dma_semaphore, #tpu.memory_space<semaphore_mem>> -> memref<!tpu.dma_semaphore, #tpu.memory_space<semaphore_mem>>
      %dma_start3A_884 = arith.constant 0 : i32
      %dma_start3A_885 = tpu.memref_slice %arg4[%add3A_870, %dma_start3A_884] : memref<204800x128xf32, #tpu.memory_space<hbm>> -> memref<8x128xf32, #tpu.memory_space<hbm>>
      %dma_start3A_886 = arith.constant 0 : i32
      %dma_start3A_887 = arith.constant 0 : i32
      %dma_start3A_888 = tpu.memref_slice %arg7[%dma_start3A_871, %dma_start3A_886, %dma_start3A_887] : memref<2x32x128xf32, #tpu.memory_space<vmem>> -> memref<1x32x128xf32, #tpu.memory_space<vmem>>
      %dma_start3A_889 = tpu.memref_squeeze %dma_start3A_888 : memref<1x32x128xf32, #tpu.memory_space<vmem>> -> memref<32x128xf32, #tpu.memory_space<vmem>>
      %dma_start3A_890 = arith.constant 0 : i32
      %dma_start3A_891 = arith.constant 0 : i32
      %dma_start3A_892 = tpu.memref_slice %dma_start3A_889[%dma_start3A_890, %dma_start3A_891] : memref<32x128xf32, #tpu.memory_space<vmem>> -> memref<8x128xf32, #tpu.memory_space<vmem>>
      tpu.enqueue_dma source(%dma_start3A_892 : memref<8x128xf32, #tpu.memory_space<vmem>>) target(%dma_start3A_885 : memref<8x128xf32, #tpu.memory_space<hbm>>) target_semaphore(%dma_start3A_883 : memref<!tpu.dma_semaphore, #tpu.memory_space<semaphore_mem>>)
      %mul3A_893 = arith.constant 200 : i32
      %mul3A_894 = arith.muli %add3A, %mul3A_893 : i32
      %add3A_895 = arith.addi %mul3A_894, %add3A_809 : i32
      %jit3A_896 = arith.constant 32 : i32
      %div3A_897 = arith.divsi %add3A_895, %jit3A_896 : i32
      %sign3A_898 = arith.constant 0 : i32
      %sign3A_899 = arith.cmpi sgt, %add3A_895, %sign3A_898 : i32
      %sign3A_900 = arith.extui %sign3A_899 : i1 to i32
      %sign3A_901 = arith.constant 0 : i32
      %sign3A_902 = arith.cmpi slt, %add3A_895, %sign3A_901 : i32
      %sign3A_903 = arith.extui %sign3A_902 : i1 to i32
      %sign3A_904 = arith.subi %sign3A_900, %sign3A_903 : i32
      %sign3A_905 = arith.constant 0 : i32
      %sign3A_906 = arith.cmpi sgt, %jit3A_896, %sign3A_905 : i32
      %sign3A_907 = arith.extui %sign3A_906 : i1 to i32
      %sign3A_908 = arith.constant 0 : i32
      %sign3A_909 = arith.cmpi slt, %jit3A_896, %sign3A_908 : i32
      %sign3A_910 = arith.extui %sign3A_909 : i1 to i32
      %sign3A_911 = arith.subi %sign3A_907, %sign3A_910 : i32
      %ne3A_912 = arith.cmpi ne, %sign3A_904, %sign3A_911 : i32
      %rem3A_913 = arith.remsi %add3A_895, %jit3A_896 : i32
      %ne3A_914 = arith.constant 0 : i32
      %ne3A_915 = arith.cmpi ne, %rem3A_913, %ne3A_914 : i32
      %and3A_916 = arith.andi %ne3A_912, %ne3A_915 : i1
      %sub3A_917 = arith.constant 1 : i32
      %sub3A_918 = arith.subi %div3A_897, %sub3A_917 : i32
      %select_n3A_919 = arith.select %and3A_916, %sub3A_918, %div3A_897 : i32
      %mul3A_920 = arith.constant 32 : i32
      %mul3A_921 = arith.muli %mul3A_920, %select_n3A_919 : i32
      %sub3A_922 = arith.subi %add3A_895, %mul3A_921 : i32
      %mul3A_923 = arith.constant 1024 : i32
      %mul3A_924 = arith.muli %select_n3A_919, %mul3A_923 : i32
      %add3A_925 = arith.constant 256 : i32
      %add3A_926 = arith.addi %mul3A_924, %add3A_925 : i32
      %mul3A_927 = arith.constant 8 : i32
      %mul3A_928 = arith.muli %sub3A_922, %mul3A_927 : i32
      %add3A_929 = arith.addi %add3A_926, %mul3A_928 : i32
      %dma_start3A_930 = arith.constant 1 : i32
      %dma_start3A_931 = arith.constant 1 : i32
      %dma_start3A_932 = arith.constant 0 : i32
      %dma_start3A_933 = arith.constant 0 : i32
      %dma_start3A_934 = tpu.memref_slice %arg7[%dma_start3A_930, %dma_start3A_932, %dma_start3A_933] : memref<2x32x128xf32, #tpu.memory_space<vmem>> -> memref<1x32x128xf32, #tpu.memory_space<vmem>>
      %dma_start3A_935 = tpu.memref_squeeze %dma_start3A_934 : memref<1x32x128xf32, #tpu.memory_space<vmem>> -> memref<32x128xf32, #tpu.memory_space<vmem>>
      %dma_start3A_936 = arith.constant 8 : i32
      %dma_start3A_937 = arith.constant 0 : i32
      %dma_start3A_938 = tpu.memref_slice %dma_start3A_935[%dma_start3A_936, %dma_start3A_937] : memref<32x128xf32, #tpu.memory_space<vmem>> -> memref<8x128xf32, #tpu.memory_space<vmem>>
      %dma_start3A_939 = arith.constant 0 : i32
      %dma_start3A_940 = tpu.memref_slice %arg4[%add3A_929, %dma_start3A_939] : memref<204800x128xf32, #tpu.memory_space<hbm>> -> memref<8x128xf32, #tpu.memory_space<hbm>>
      %dma_start3A_941 = tpu.memref_slice %arg9[%dma_start3A_931] : memref<2x!tpu.dma_semaphore, #tpu.memory_space<semaphore_mem>> -> memref<1x!tpu.dma_semaphore, #tpu.memory_space<semaphore_mem>>
      %dma_start3A_942 = tpu.memref_squeeze %dma_start3A_941 : memref<1x!tpu.dma_semaphore, #tpu.memory_space<semaphore_mem>> -> memref<!tpu.dma_semaphore, #tpu.memory_space<semaphore_mem>>
      %dma_start3A_943 = arith.constant 0 : i32
      %dma_start3A_944 = tpu.memref_slice %arg4[%add3A_929, %dma_start3A_943] : memref<204800x128xf32, #tpu.memory_space<hbm>> -> memref<8x128xf32, #tpu.memory_space<hbm>>
      %dma_start3A_945 = arith.constant 0 : i32
      %dma_start3A_946 = arith.constant 0 : i32
      %dma_start3A_947 = tpu.memref_slice %arg7[%dma_start3A_930, %dma_start3A_945, %dma_start3A_946] : memref<2x32x128xf32, #tpu.memory_space<vmem>> -> memref<1x32x128xf32, #tpu.memory_space<vmem>>
      %dma_start3A_948 = tpu.memref_squeeze %dma_start3A_947 : memref<1x32x128xf32, #tpu.memory_space<vmem>> -> memref<32x128xf32, #tpu.memory_space<vmem>>
      %dma_start3A_949 = arith.constant 8 : i32
      %dma_start3A_950 = arith.constant 0 : i32
      %dma_start3A_951 = tpu.memref_slice %dma_start3A_948[%dma_start3A_949, %dma_start3A_950] : memref<32x128xf32, #tpu.memory_space<vmem>> -> memref<8x128xf32, #tpu.memory_space<vmem>>
      tpu.enqueue_dma source(%dma_start3A_951 : memref<8x128xf32, #tpu.memory_space<vmem>>) target(%dma_start3A_944 : memref<8x128xf32, #tpu.memory_space<hbm>>) target_semaphore(%dma_start3A_942 : memref<!tpu.dma_semaphore, #tpu.memory_space<semaphore_mem>>)
      %mul3A_952 = arith.constant 200 : i32
      %mul3A_953 = arith.muli %add3A, %mul3A_952 : i32
      %add3A_954 = arith.addi %mul3A_953, %add3A_809 : i32
      %jit3A_955 = arith.constant 32 : i32
      %div3A_956 = arith.divsi %add3A_954, %jit3A_955 : i32
      %sign3A_957 = arith.constant 0 : i32
      %sign3A_958 = arith.cmpi sgt, %add3A_954, %sign3A_957 : i32
      %sign3A_959 = arith.extui %sign3A_958 : i1 to i32
      %sign3A_960 = arith.constant 0 : i32
      %sign3A_961 = arith.cmpi slt, %add3A_954, %sign3A_960 : i32
      %sign3A_962 = arith.extui %sign3A_961 : i1 to i32
      %sign3A_963 = arith.subi %sign3A_959, %sign3A_962 : i32
      %sign3A_964 = arith.constant 0 : i32
      %sign3A_965 = arith.cmpi sgt, %jit3A_955, %sign3A_964 : i32
      %sign3A_966 = arith.extui %sign3A_965 : i1 to i32
      %sign3A_967 = arith.constant 0 : i32
      %sign3A_968 = arith.cmpi slt, %jit3A_955, %sign3A_967 : i32
      %sign3A_969 = arith.extui %sign3A_968 : i1 to i32
      %sign3A_970 = arith.subi %sign3A_966, %sign3A_969 : i32
      %ne3A_971 = arith.cmpi ne, %sign3A_963, %sign3A_970 : i32
      %rem3A_972 = arith.remsi %add3A_954, %jit3A_955 : i32
      %ne3A_973 = arith.constant 0 : i32
      %ne3A_974 = arith.cmpi ne, %rem3A_972, %ne3A_973 : i32
      %and3A_975 = arith.andi %ne3A_971, %ne3A_974 : i1
      %sub3A_976 = arith.constant 1 : i32
      %sub3A_977 = arith.subi %div3A_956, %sub3A_976 : i32
      %select_n3A_978 = arith.select %and3A_975, %sub3A_977, %div3A_956 : i32
      %mul3A_979 = arith.constant 32 : i32
      %mul3A_980 = arith.muli %mul3A_979, %select_n3A_978 : i32
      %sub3A_981 = arith.subi %add3A_954, %mul3A_980 : i32
      %mul3A_982 = arith.constant 1024 : i32
      %mul3A_983 = arith.muli %select_n3A_978, %mul3A_982 : i32
      %add3A_984 = arith.constant 512 : i32
      %add3A_985 = arith.addi %mul3A_983, %add3A_984 : i32
      %mul3A_986 = arith.constant 8 : i32
      %mul3A_987 = arith.muli %sub3A_981, %mul3A_986 : i32
      %add3A_988 = arith.addi %add3A_985, %mul3A_987 : i32
      %dma_start3A_989 = arith.constant 1 : i32
      %dma_start3A_990 = arith.constant 1 : i32
      %dma_start3A_991 = arith.constant 0 : i32
      %dma_start3A_992 = arith.constant 0 : i32
      %dma_start3A_993 = tpu.memref_slice %arg7[%dma_start3A_989, %dma_start3A_991, %dma_start3A_992] : memref<2x32x128xf32, #tpu.memory_space<vmem>> -> memref<1x32x128xf32, #tpu.memory_space<vmem>>
      %dma_start3A_994 = tpu.memref_squeeze %dma_start3A_993 : memref<1x32x128xf32, #tpu.memory_space<vmem>> -> memref<32x128xf32, #tpu.memory_space<vmem>>
      %dma_start3A_995 = arith.constant 16 : i32
      %dma_start3A_996 = arith.constant 0 : i32
      %dma_start3A_997 = tpu.memref_slice %dma_start3A_994[%dma_start3A_995, %dma_start3A_996] : memref<32x128xf32, #tpu.memory_space<vmem>> -> memref<8x128xf32, #tpu.memory_space<vmem>>
      %dma_start3A_998 = arith.constant 0 : i32
      %dma_start3A_999 = tpu.memref_slice %arg4[%add3A_988, %dma_start3A_998] : memref<204800x128xf32, #tpu.memory_space<hbm>> -> memref<8x128xf32, #tpu.memory_space<hbm>>
      %dma_start3A_1000 = tpu.memref_slice %arg9[%dma_start3A_990] : memref<2x!tpu.dma_semaphore, #tpu.memory_space<semaphore_mem>> -> memref<1x!tpu.dma_semaphore, #tpu.memory_space<semaphore_mem>>
      %dma_start3A_1001 = tpu.memref_squeeze %dma_start3A_1000 : memref<1x!tpu.dma_semaphore, #tpu.memory_space<semaphore_mem>> -> memref<!tpu.dma_semaphore, #tpu.memory_space<semaphore_mem>>
      %dma_start3A_1002 = arith.constant 0 : i32
      %dma_start3A_1003 = tpu.memref_slice %arg4[%add3A_988, %dma_start3A_1002] : memref<204800x128xf32, #tpu.memory_space<hbm>> -> memref<8x128xf32, #tpu.memory_space<hbm>>
      %dma_start3A_1004 = arith.constant 0 : i32
      %dma_start3A_1005 = arith.constant 0 : i32
      %dma_start3A_1006 = tpu.memref_slice %arg7[%dma_start3A_989, %dma_start3A_1004, %dma_start3A_1005] : memref<2x32x128xf32, #tpu.memory_space<vmem>> -> memref<1x32x128xf32, #tpu.memory_space<vmem>>
      %dma_start3A_1007 = tpu.memref_squeeze %dma_start3A_1006 : memref<1x32x128xf32, #tpu.memory_space<vmem>> -> memref<32x128xf32, #tpu.memory_space<vmem>>
      %dma_start3A_1008 = arith.constant 16 : i32
      %dma_start3A_1009 = arith.constant 0 : i32
      %dma_start3A_1010 = tpu.memref_slice %dma_start3A_1007[%dma_start3A_1008, %dma_start3A_1009] : memref<32x128xf32, #tpu.memory_space<vmem>> -> memref<8x128xf32, #tpu.memory_space<vmem>>
      tpu.enqueue_dma source(%dma_start3A_1010 : memref<8x128xf32, #tpu.memory_space<vmem>>) target(%dma_start3A_1003 : memref<8x128xf32, #tpu.memory_space<hbm>>) target_semaphore(%dma_start3A_1001 : memref<!tpu.dma_semaphore, #tpu.memory_space<semaphore_mem>>)
      %mul3A_1011 = arith.constant 200 : i32
      %mul3A_1012 = arith.muli %add3A, %mul3A_1011 : i32
      %add3A_1013 = arith.addi %mul3A_1012, %add3A_809 : i32
      %jit3A_1014 = arith.constant 32 : i32
      %div3A_1015 = arith.divsi %add3A_1013, %jit3A_1014 : i32
      %sign3A_1016 = arith.constant 0 : i32
      %sign3A_1017 = arith.cmpi sgt, %add3A_1013, %sign3A_1016 : i32
      %sign3A_1018 = arith.extui %sign3A_1017 : i1 to i32
      %sign3A_1019 = arith.constant 0 : i32
      %sign3A_1020 = arith.cmpi slt, %add3A_1013, %sign3A_1019 : i32
      %sign3A_1021 = arith.extui %sign3A_1020 : i1 to i32
      %sign3A_1022 = arith.subi %sign3A_1018, %sign3A_1021 : i32
      %sign3A_1023 = arith.constant 0 : i32
      %sign3A_1024 = arith.cmpi sgt, %jit3A_1014, %sign3A_1023 : i32
      %sign3A_1025 = arith.extui %sign3A_1024 : i1 to i32
      %sign3A_1026 = arith.constant 0 : i32
      %sign3A_1027 = arith.cmpi slt, %jit3A_1014, %sign3A_1026 : i32
      %sign3A_1028 = arith.extui %sign3A_1027 : i1 to i32
      %sign3A_1029 = arith.subi %sign3A_1025, %sign3A_1028 : i32
      %ne3A_1030 = arith.cmpi ne, %sign3A_1022, %sign3A_1029 : i32
      %rem3A_1031 = arith.remsi %add3A_1013, %jit3A_1014 : i32
      %ne3A_1032 = arith.constant 0 : i32
      %ne3A_1033 = arith.cmpi ne, %rem3A_1031, %ne3A_1032 : i32
      %and3A_1034 = arith.andi %ne3A_1030, %ne3A_1033 : i1
      %sub3A_1035 = arith.constant 1 : i32
      %sub3A_1036 = arith.subi %div3A_1015, %sub3A_1035 : i32
      %select_n3A_1037 = arith.select %and3A_1034, %sub3A_1036, %div3A_1015 : i32
      %mul3A_1038 = arith.constant 32 : i32
      %mul3A_1039 = arith.muli %mul3A_1038, %select_n3A_1037 : i32
      %sub3A_1040 = arith.subi %add3A_1013, %mul3A_1039 : i32
      %mul3A_1041 = arith.constant 1024 : i32
      %mul3A_1042 = arith.muli %select_n3A_1037, %mul3A_1041 : i32
      %add3A_1043 = arith.constant 768 : i32
      %add3A_1044 = arith.addi %mul3A_1042, %add3A_1043 : i32
      %mul3A_1045 = arith.constant 8 : i32
      %mul3A_1046 = arith.muli %sub3A_1040, %mul3A_1045 : i32
      %add3A_1047 = arith.addi %add3A_1044, %mul3A_1046 : i32
      %dma_start3A_1048 = arith.constant 1 : i32
      %dma_start3A_1049 = arith.constant 1 : i32
      %dma_start3A_1050 = arith.constant 0 : i32
      %dma_start3A_1051 = arith.constant 0 : i32
      %dma_start3A_1052 = tpu.memref_slice %arg7[%dma_start3A_1048, %dma_start3A_1050, %dma_start3A_1051] : memref<2x32x128xf32, #tpu.memory_space<vmem>> -> memref<1x32x128xf32, #tpu.memory_space<vmem>>
      %dma_start3A_1053 = tpu.memref_squeeze %dma_start3A_1052 : memref<1x32x128xf32, #tpu.memory_space<vmem>> -> memref<32x128xf32, #tpu.memory_space<vmem>>
      %dma_start3A_1054 = arith.constant 24 : i32
      %dma_start3A_1055 = arith.constant 0 : i32
      %dma_start3A_1056 = tpu.memref_slice %dma_start3A_1053[%dma_start3A_1054, %dma_start3A_1055] : memref<32x128xf32, #tpu.memory_space<vmem>> -> memref<8x128xf32, #tpu.memory_space<vmem>>
      %dma_start3A_1057 = arith.constant 0 : i32
      %dma_start3A_1058 = tpu.memref_slice %arg4[%add3A_1047, %dma_start3A_1057] : memref<204800x128xf32, #tpu.memory_space<hbm>> -> memref<8x128xf32, #tpu.memory_space<hbm>>
      %dma_start3A_1059 = tpu.memref_slice %arg9[%dma_start3A_1049] : memref<2x!tpu.dma_semaphore, #tpu.memory_space<semaphore_mem>> -> memref<1x!tpu.dma_semaphore, #tpu.memory_space<semaphore_mem>>
      %dma_start3A_1060 = tpu.memref_squeeze %dma_start3A_1059 : memref<1x!tpu.dma_semaphore, #tpu.memory_space<semaphore_mem>> -> memref<!tpu.dma_semaphore, #tpu.memory_space<semaphore_mem>>
      %dma_start3A_1061 = arith.constant 0 : i32
      %dma_start3A_1062 = tpu.memref_slice %arg4[%add3A_1047, %dma_start3A_1061] : memref<204800x128xf32, #tpu.memory_space<hbm>> -> memref<8x128xf32, #tpu.memory_space<hbm>>
      %dma_start3A_1063 = arith.constant 0 : i32
      %dma_start3A_1064 = arith.constant 0 : i32
      %dma_start3A_1065 = tpu.memref_slice %arg7[%dma_start3A_1048, %dma_start3A_1063, %dma_start3A_1064] : memref<2x32x128xf32, #tpu.memory_space<vmem>> -> memref<1x32x128xf32, #tpu.memory_space<vmem>>
      %dma_start3A_1066 = tpu.memref_squeeze %dma_start3A_1065 : memref<1x32x128xf32, #tpu.memory_space<vmem>> -> memref<32x128xf32, #tpu.memory_space<vmem>>
      %dma_start3A_1067 = arith.constant 24 : i32
      %dma_start3A_1068 = arith.constant 0 : i32
      %dma_start3A_1069 = tpu.memref_slice %dma_start3A_1066[%dma_start3A_1067, %dma_start3A_1068] : memref<32x128xf32, #tpu.memory_space<vmem>> -> memref<8x128xf32, #tpu.memory_space<vmem>>
      tpu.enqueue_dma source(%dma_start3A_1069 : memref<8x128xf32, #tpu.memory_space<vmem>>) target(%dma_start3A_1062 : memref<8x128xf32, #tpu.memory_space<hbm>>) target_semaphore(%dma_start3A_1060 : memref<!tpu.dma_semaphore, #tpu.memory_space<semaphore_mem>>)
      %add3A_1070 = arith.constant 2 : i32
      %add3A_1071 = arith.addi %add3A_809, %add3A_1070 : i32
      %lt3A_1072 = arith.constant 200 : i32
      %lt3A_1073 = arith.cmpi slt, %add3A_1071, %lt3A_1072 : i32
      %convert_element_type3A_1074 = arith.extui %lt3A_1073 : i1 to i32
      %cond3A_1075 = arith.constant 0 : i32
      %cond3A_1076 = arith.cmpi ne, %convert_element_type3A_1074, %cond3A_1075 : i32
      scf.if %cond3A_1076 {
        %add3A_1077 = arith.constant 2 : i32
        %add3A_1078 = arith.addi %add3A_809, %add3A_1077 : i32
        %mul3A_1079 = arith.constant 128 : i32
        %mul3A_1080 = arith.muli %add3A_1078, %mul3A_1079 : i32
        %dma_start3A_1081 = arith.constant 1 : i32
        %dma_start3A_1082 = arith.constant 1 : i32
        %dma_start3A_1083 = arith.constant 0 : i32
        %dma_start3A_1084 = arith.constant 0 : i32
        %dma_start3A_1085 = tpu.memref_slice %arg6[%dma_start3A_1081, %dma_start3A_1083, %dma_start3A_1084] : memref<2x128x32xf32, #tpu.memory_space<vmem>> -> memref<1x128x32xf32, #tpu.memory_space<vmem>>
        %dma_start3A_1086 = tpu.memref_squeeze %dma_start3A_1085 : memref<1x128x32xf32, #tpu.memory_space<vmem>> -> memref<128x32xf32, #tpu.memory_space<vmem>>
        %dma_start3A_1087 = tpu.memref_slice %arg5[%mul3A_1080] : memref<25600xi32, #tpu.memory_space<vmem>> -> memref<128xi32, #tpu.memory_space<vmem>>
        %dma_start3A_1088 = arith.constant 0 : i32
        %dma_start3A_1089 = arith.constant 0 : i32
        %dma_start3A_1090 = tpu.memref_slice %arg2[%dma_start3A_1088, %dma_start3A_1089] : memref<1000000x32xf32, #tpu.memory_space<hbm>> -> memref<1000000x32xf32, #tpu.memory_space<hbm>>
        %dma_start3A_1091 = tpu.memref_slice %arg8[%dma_start3A_1082] : memref<2x!tpu.dma_semaphore, #tpu.memory_space<semaphore_mem>> -> memref<1x!tpu.dma_semaphore, #tpu.memory_space<semaphore_mem>>
        %dma_start3A_1092 = tpu.memref_squeeze %dma_start3A_1091 : memref<1x!tpu.dma_semaphore, #tpu.memory_space<semaphore_mem>> -> memref<!tpu.dma_semaphore, #tpu.memory_space<semaphore_mem>>
        tpu.enqueue_indirect_dma source(%dma_start3A_1090 : memref<1000000x32xf32, #tpu.memory_space<hbm>>) target(%dma_start3A_1086 : memref<128x32xf32, #tpu.memory_space<vmem>>) offsets(%dma_start3A_1087 : memref<128xi32, #tpu.memory_space<vmem>>) semaphore(%dma_start3A_1092 : memref<!tpu.dma_semaphore, #tpu.memory_space<semaphore_mem>>)
      } else {
      }
    }
    %scan3A_63 = arith.constant 100 : i32
    %mul3A_64 = arith.constant 200 : i32
    %mul3A_65 = arith.muli %add3A, %mul3A_64 : i32
    %add3A_66 = arith.constant 0 : i32
    %add3A_67 = arith.addi %mul3A_65, %add3A_66 : i32
    %jit3A = arith.constant 32 : i32
    %div3A = arith.divsi %add3A_67, %jit3A : i32
    %sign3A = arith.constant 0 : i32
    %sign3A_68 = arith.cmpi sgt, %add3A_67, %sign3A : i32
    %sign3A_69 = arith.extui %sign3A_68 : i1 to i32
    %sign3A_70 = arith.constant 0 : i32
    %sign3A_71 = arith.cmpi slt, %add3A_67, %sign3A_70 : i32
    %sign3A_72 = arith.extui %sign3A_71 : i1 to i32
    %sign3A_73 = arith.subi %sign3A_69, %sign3A_72 : i32
    %sign3A_74 = arith.constant 0 : i32
    %sign3A_75 = arith.cmpi sgt, %jit3A, %sign3A_74 : i32
    %sign3A_76 = arith.extui %sign3A_75 : i1 to i32
    %sign3A_77 = arith.constant 0 : i32
    %sign3A_78 = arith.cmpi slt, %jit3A, %sign3A_77 : i32
    %sign3A_79 = arith.extui %sign3A_78 : i1 to i32
    %sign3A_80 = arith.subi %sign3A_76, %sign3A_79 : i32
    %ne3A = arith.cmpi ne, %sign3A_73, %sign3A_80 : i32
    %rem3A = arith.remsi %add3A_67, %jit3A : i32
    %ne3A_81 = arith.constant 0 : i32
    %ne3A_82 = arith.cmpi ne, %rem3A, %ne3A_81 : i32
    %and3A = arith.andi %ne3A, %ne3A_82 : i1
    %sub3A = arith.constant 1 : i32
    %sub3A_83 = arith.subi %div3A, %sub3A : i32
    %select_n3A = arith.select %and3A, %sub3A_83, %div3A : i32
    %mul3A_84 = arith.constant 32 : i32
    %mul3A_85 = arith.muli %mul3A_84, %select_n3A : i32
    %sub3A_86 = arith.subi %add3A_67, %mul3A_85 : i32
    %mul3A_87 = arith.constant 1024 : i32
    %mul3A_88 = arith.muli %select_n3A, %mul3A_87 : i32
    %add3A_89 = arith.constant 0 : i32
    %add3A_90 = arith.addi %mul3A_88, %add3A_89 : i32
    %mul3A_91 = arith.constant 8 : i32
    %mul3A_92 = arith.muli %sub3A_86, %mul3A_91 : i32
    %add3A_93 = arith.addi %add3A_90, %mul3A_92 : i32
    %dma_wait3A = arith.constant 0 : i32
    %dma_wait3A_94 = arith.constant 0 : i32
    %dma_wait3A_95 = arith.constant 0 : i32
    %dma_wait3A_96 = arith.constant 0 : i32
    %dma_wait3A_97 = tpu.memref_slice %arg7[%dma_wait3A, %dma_wait3A_95, %dma_wait3A_96] : memref<2x32x128xf32, #tpu.memory_space<vmem>> -> memref<1x32x128xf32, #tpu.memory_space<vmem>>
    %dma_wait3A_98 = tpu.memref_squeeze %dma_wait3A_97 : memref<1x32x128xf32, #tpu.memory_space<vmem>> -> memref<32x128xf32, #tpu.memory_space<vmem>>
    %dma_wait3A_99 = arith.constant 0 : i32
    %dma_wait3A_100 = arith.constant 0 : i32
    %dma_wait3A_101 = tpu.memref_slice %dma_wait3A_98[%dma_wait3A_99, %dma_wait3A_100] : memref<32x128xf32, #tpu.memory_space<vmem>> -> memref<8x128xf32, #tpu.memory_space<vmem>>
    %dma_wait3A_102 = arith.constant 0 : i32
    %dma_wait3A_103 = tpu.memref_slice %arg4[%add3A_93, %dma_wait3A_102] : memref<204800x128xf32, #tpu.memory_space<hbm>> -> memref<8x128xf32, #tpu.memory_space<hbm>>
    %dma_wait3A_104 = tpu.memref_slice %arg9[%dma_wait3A_94] : memref<2x!tpu.dma_semaphore, #tpu.memory_space<semaphore_mem>> -> memref<1x!tpu.dma_semaphore, #tpu.memory_space<semaphore_mem>>
    %dma_wait3A_105 = tpu.memref_squeeze %dma_wait3A_104 : memref<1x!tpu.dma_semaphore, #tpu.memory_space<semaphore_mem>> -> memref<!tpu.dma_semaphore, #tpu.memory_space<semaphore_mem>>
    %dma_wait3A_106 = arith.constant 0 : i32
    %dma_wait3A_107 = tpu.memref_slice %arg4[%add3A_93, %dma_wait3A_106] : memref<204800x128xf32, #tpu.memory_space<hbm>> -> memref<8x128xf32, #tpu.memory_space<hbm>>
    %dma_wait3A_108 = arith.constant 0 : i32
    %dma_wait3A_109 = arith.constant 0 : i32
    %dma_wait3A_110 = tpu.memref_slice %arg7[%dma_wait3A, %dma_wait3A_108, %dma_wait3A_109] : memref<2x32x128xf32, #tpu.memory_space<vmem>> -> memref<1x32x128xf32, #tpu.memory_space<vmem>>
    %dma_wait3A_111 = tpu.memref_squeeze %dma_wait3A_110 : memref<1x32x128xf32, #tpu.memory_space<vmem>> -> memref<32x128xf32, #tpu.memory_space<vmem>>
    %dma_wait3A_112 = arith.constant 0 : i32
    %dma_wait3A_113 = arith.constant 0 : i32
    %dma_wait3A_114 = tpu.memref_slice %dma_wait3A_111[%dma_wait3A_112, %dma_wait3A_113] : memref<32x128xf32, #tpu.memory_space<vmem>> -> memref<8x128xf32, #tpu.memory_space<vmem>>
    tpu.wait_dma2 semaphore(%dma_wait3A_105 : memref<!tpu.dma_semaphore, #tpu.memory_space<semaphore_mem>>) src(%dma_wait3A_114 : memref<8x128xf32, #tpu.memory_space<vmem>>) dst(%dma_wait3A_107 : memref<8x128xf32, #tpu.memory_space<hbm>>)
    %mul3A_115 = arith.constant 200 : i32
    %mul3A_116 = arith.muli %add3A, %mul3A_115 : i32
    %add3A_117 = arith.constant 0 : i32
    %add3A_118 = arith.addi %mul3A_116, %add3A_117 : i32
    %jit3A_119 = arith.constant 32 : i32
    %div3A_120 = arith.divsi %add3A_118, %jit3A_119 : i32
    %sign3A_121 = arith.constant 0 : i32
    %sign3A_122 = arith.cmpi sgt, %add3A_118, %sign3A_121 : i32
    %sign3A_123 = arith.extui %sign3A_122 : i1 to i32
    %sign3A_124 = arith.constant 0 : i32
    %sign3A_125 = arith.cmpi slt, %add3A_118, %sign3A_124 : i32
    %sign3A_126 = arith.extui %sign3A_125 : i1 to i32
    %sign3A_127 = arith.subi %sign3A_123, %sign3A_126 : i32
    %sign3A_128 = arith.constant 0 : i32
    %sign3A_129 = arith.cmpi sgt, %jit3A_119, %sign3A_128 : i32
    %sign3A_130 = arith.extui %sign3A_129 : i1 to i32
    %sign3A_131 = arith.constant 0 : i32
    %sign3A_132 = arith.cmpi slt, %jit3A_119, %sign3A_131 : i32
    %sign3A_133 = arith.extui %sign3A_132 : i1 to i32
    %sign3A_134 = arith.subi %sign3A_130, %sign3A_133 : i32
    %ne3A_135 = arith.cmpi ne, %sign3A_127, %sign3A_134 : i32
    %rem3A_136 = arith.remsi %add3A_118, %jit3A_119 : i32
    %ne3A_137 = arith.constant 0 : i32
    %ne3A_138 = arith.cmpi ne, %rem3A_136, %ne3A_137 : i32
    %and3A_139 = arith.andi %ne3A_135, %ne3A_138 : i1
    %sub3A_140 = arith.constant 1 : i32
    %sub3A_141 = arith.subi %div3A_120, %sub3A_140 : i32
    %select_n3A_142 = arith.select %and3A_139, %sub3A_141, %div3A_120 : i32
    %mul3A_143 = arith.constant 32 : i32
    %mul3A_144 = arith.muli %mul3A_143, %select_n3A_142 : i32
    %sub3A_145 = arith.subi %add3A_118, %mul3A_144 : i32
    %mul3A_146 = arith.constant 1024 : i32
    %mul3A_147 = arith.muli %select_n3A_142, %mul3A_146 : i32
    %add3A_148 = arith.constant 256 : i32
    %add3A_149 = arith.addi %mul3A_147, %add3A_148 : i32
    %mul3A_150 = arith.constant 8 : i32
    %mul3A_151 = arith.muli %sub3A_145, %mul3A_150 : i32
    %add3A_152 = arith.addi %add3A_149, %mul3A_151 : i32
    %dma_wait3A_153 = arith.constant 0 : i32
    %dma_wait3A_154 = arith.constant 0 : i32
    %dma_wait3A_155 = arith.constant 0 : i32
    %dma_wait3A_156 = arith.constant 0 : i32
    %dma_wait3A_157 = tpu.memref_slice %arg7[%dma_wait3A_153, %dma_wait3A_155, %dma_wait3A_156] : memref<2x32x128xf32, #tpu.memory_space<vmem>> -> memref<1x32x128xf32, #tpu.memory_space<vmem>>
    %dma_wait3A_158 = tpu.memref_squeeze %dma_wait3A_157 : memref<1x32x128xf32, #tpu.memory_space<vmem>> -> memref<32x128xf32, #tpu.memory_space<vmem>>
    %dma_wait3A_159 = arith.constant 8 : i32
    %dma_wait3A_160 = arith.constant 0 : i32
    %dma_wait3A_161 = tpu.memref_slice %dma_wait3A_158[%dma_wait3A_159, %dma_wait3A_160] : memref<32x128xf32, #tpu.memory_space<vmem>> -> memref<8x128xf32, #tpu.memory_space<vmem>>
    %dma_wait3A_162 = arith.constant 0 : i32
    %dma_wait3A_163 = tpu.memref_slice %arg4[%add3A_152, %dma_wait3A_162] : memref<204800x128xf32, #tpu.memory_space<hbm>> -> memref<8x128xf32, #tpu.memory_space<hbm>>
    %dma_wait3A_164 = tpu.memref_slice %arg9[%dma_wait3A_154] : memref<2x!tpu.dma_semaphore, #tpu.memory_space<semaphore_mem>> -> memref<1x!tpu.dma_semaphore, #tpu.memory_space<semaphore_mem>>
    %dma_wait3A_165 = tpu.memref_squeeze %dma_wait3A_164 : memref<1x!tpu.dma_semaphore, #tpu.memory_space<semaphore_mem>> -> memref<!tpu.dma_semaphore, #tpu.memory_space<semaphore_mem>>
    %dma_wait3A_166 = arith.constant 0 : i32
    %dma_wait3A_167 = tpu.memref_slice %arg4[%add3A_152, %dma_wait3A_166] : memref<204800x128xf32, #tpu.memory_space<hbm>> -> memref<8x128xf32, #tpu.memory_space<hbm>>
    %dma_wait3A_168 = arith.constant 0 : i32
    %dma_wait3A_169 = arith.constant 0 : i32
    %dma_wait3A_170 = tpu.memref_slice %arg7[%dma_wait3A_153, %dma_wait3A_168, %dma_wait3A_169] : memref<2x32x128xf32, #tpu.memory_space<vmem>> -> memref<1x32x128xf32, #tpu.memory_space<vmem>>
    %dma_wait3A_171 = tpu.memref_squeeze %dma_wait3A_170 : memref<1x32x128xf32, #tpu.memory_space<vmem>> -> memref<32x128xf32, #tpu.memory_space<vmem>>
    %dma_wait3A_172 = arith.constant 8 : i32
    %dma_wait3A_173 = arith.constant 0 : i32
    %dma_wait3A_174 = tpu.memref_slice %dma_wait3A_171[%dma_wait3A_172, %dma_wait3A_173] : memref<32x128xf32, #tpu.memory_space<vmem>> -> memref<8x128xf32, #tpu.memory_space<vmem>>
    tpu.wait_dma2 semaphore(%dma_wait3A_165 : memref<!tpu.dma_semaphore, #tpu.memory_space<semaphore_mem>>) src(%dma_wait3A_174 : memref<8x128xf32, #tpu.memory_space<vmem>>) dst(%dma_wait3A_167 : memref<8x128xf32, #tpu.memory_space<hbm>>)
    %mul3A_175 = arith.constant 200 : i32
    %mul3A_176 = arith.muli %add3A, %mul3A_175 : i32
    %add3A_177 = arith.constant 0 : i32
    %add3A_178 = arith.addi %mul3A_176, %add3A_177 : i32
    %jit3A_179 = arith.constant 32 : i32
    %div3A_180 = arith.divsi %add3A_178, %jit3A_179 : i32
    %sign3A_181 = arith.constant 0 : i32
    %sign3A_182 = arith.cmpi sgt, %add3A_178, %sign3A_181 : i32
    %sign3A_183 = arith.extui %sign3A_182 : i1 to i32
    %sign3A_184 = arith.constant 0 : i32
    %sign3A_185 = arith.cmpi slt, %add3A_178, %sign3A_184 : i32
    %sign3A_186 = arith.extui %sign3A_185 : i1 to i32
    %sign3A_187 = arith.subi %sign3A_183, %sign3A_186 : i32
    %sign3A_188 = arith.constant 0 : i32
    %sign3A_189 = arith.cmpi sgt, %jit3A_179, %sign3A_188 : i32
    %sign3A_190 = arith.extui %sign3A_189 : i1 to i32
    %sign3A_191 = arith.constant 0 : i32
    %sign3A_192 = arith.cmpi slt, %jit3A_179, %sign3A_191 : i32
    %sign3A_193 = arith.extui %sign3A_192 : i1 to i32
    %sign3A_194 = arith.subi %sign3A_190, %sign3A_193 : i32
    %ne3A_195 = arith.cmpi ne, %sign3A_187, %sign3A_194 : i32
    %rem3A_196 = arith.remsi %add3A_178, %jit3A_179 : i32
    %ne3A_197 = arith.constant 0 : i32
    %ne3A_198 = arith.cmpi ne, %rem3A_196, %ne3A_197 : i32
    %and3A_199 = arith.andi %ne3A_195, %ne3A_198 : i1
    %sub3A_200 = arith.constant 1 : i32
    %sub3A_201 = arith.subi %div3A_180, %sub3A_200 : i32
    %select_n3A_202 = arith.select %and3A_199, %sub3A_201, %div3A_180 : i32
    %mul3A_203 = arith.constant 32 : i32
    %mul3A_204 = arith.muli %mul3A_203, %select_n3A_202 : i32
    %sub3A_205 = arith.subi %add3A_178, %mul3A_204 : i32
    %mul3A_206 = arith.constant 1024 : i32
    %mul3A_207 = arith.muli %select_n3A_202, %mul3A_206 : i32
    %add3A_208 = arith.constant 512 : i32
    %add3A_209 = arith.addi %mul3A_207, %add3A_208 : i32
    %mul3A_210 = arith.constant 8 : i32
    %mul3A_211 = arith.muli %sub3A_205, %mul3A_210 : i32
    %add3A_212 = arith.addi %add3A_209, %mul3A_211 : i32
    %dma_wait3A_213 = arith.constant 0 : i32
    %dma_wait3A_214 = arith.constant 0 : i32
    %dma_wait3A_215 = arith.constant 0 : i32
    %dma_wait3A_216 = arith.constant 0 : i32
    %dma_wait3A_217 = tpu.memref_slice %arg7[%dma_wait3A_213, %dma_wait3A_215, %dma_wait3A_216] : memref<2x32x128xf32, #tpu.memory_space<vmem>> -> memref<1x32x128xf32, #tpu.memory_space<vmem>>
    %dma_wait3A_218 = tpu.memref_squeeze %dma_wait3A_217 : memref<1x32x128xf32, #tpu.memory_space<vmem>> -> memref<32x128xf32, #tpu.memory_space<vmem>>
    %dma_wait3A_219 = arith.constant 16 : i32
    %dma_wait3A_220 = arith.constant 0 : i32
    %dma_wait3A_221 = tpu.memref_slice %dma_wait3A_218[%dma_wait3A_219, %dma_wait3A_220] : memref<32x128xf32, #tpu.memory_space<vmem>> -> memref<8x128xf32, #tpu.memory_space<vmem>>
    %dma_wait3A_222 = arith.constant 0 : i32
    %dma_wait3A_223 = tpu.memref_slice %arg4[%add3A_212, %dma_wait3A_222] : memref<204800x128xf32, #tpu.memory_space<hbm>> -> memref<8x128xf32, #tpu.memory_space<hbm>>
    %dma_wait3A_224 = tpu.memref_slice %arg9[%dma_wait3A_214] : memref<2x!tpu.dma_semaphore, #tpu.memory_space<semaphore_mem>> -> memref<1x!tpu.dma_semaphore, #tpu.memory_space<semaphore_mem>>
    %dma_wait3A_225 = tpu.memref_squeeze %dma_wait3A_224 : memref<1x!tpu.dma_semaphore, #tpu.memory_space<semaphore_mem>> -> memref<!tpu.dma_semaphore, #tpu.memory_space<semaphore_mem>>
    %dma_wait3A_226 = arith.constant 0 : i32
    %dma_wait3A_227 = tpu.memref_slice %arg4[%add3A_212, %dma_wait3A_226] : memref<204800x128xf32, #tpu.memory_space<hbm>> -> memref<8x128xf32, #tpu.memory_space<hbm>>
    %dma_wait3A_228 = arith.constant 0 : i32
    %dma_wait3A_229 = arith.constant 0 : i32
    %dma_wait3A_230 = tpu.memref_slice %arg7[%dma_wait3A_213, %dma_wait3A_228, %dma_wait3A_229] : memref<2x32x128xf32, #tpu.memory_space<vmem>> -> memref<1x32x128xf32, #tpu.memory_space<vmem>>
    %dma_wait3A_231 = tpu.memref_squeeze %dma_wait3A_230 : memref<1x32x128xf32, #tpu.memory_space<vmem>> -> memref<32x128xf32, #tpu.memory_space<vmem>>
    %dma_wait3A_232 = arith.constant 16 : i32
    %dma_wait3A_233 = arith.constant 0 : i32
    %dma_wait3A_234 = tpu.memref_slice %dma_wait3A_231[%dma_wait3A_232, %dma_wait3A_233] : memref<32x128xf32, #tpu.memory_space<vmem>> -> memref<8x128xf32, #tpu.memory_space<vmem>>
    tpu.wait_dma2 semaphore(%dma_wait3A_225 : memref<!tpu.dma_semaphore, #tpu.memory_space<semaphore_mem>>) src(%dma_wait3A_234 : memref<8x128xf32, #tpu.memory_space<vmem>>) dst(%dma_wait3A_227 : memref<8x128xf32, #tpu.memory_space<hbm>>)
    %mul3A_235 = arith.constant 200 : i32
    %mul3A_236 = arith.muli %add3A, %mul3A_235 : i32
    %add3A_237 = arith.constant 0 : i32
    %add3A_238 = arith.addi %mul3A_236, %add3A_237 : i32
    %jit3A_239 = arith.constant 32 : i32
    %div3A_240 = arith.divsi %add3A_238, %jit3A_239 : i32
    %sign3A_241 = arith.constant 0 : i32
    %sign3A_242 = arith.cmpi sgt, %add3A_238, %sign3A_241 : i32
    %sign3A_243 = arith.extui %sign3A_242 : i1 to i32
    %sign3A_244 = arith.constant 0 : i32
    %sign3A_245 = arith.cmpi slt, %add3A_238, %sign3A_244 : i32
    %sign3A_246 = arith.extui %sign3A_245 : i1 to i32
    %sign3A_247 = arith.subi %sign3A_243, %sign3A_246 : i32
    %sign3A_248 = arith.constant 0 : i32
    %sign3A_249 = arith.cmpi sgt, %jit3A_239, %sign3A_248 : i32
    %sign3A_250 = arith.extui %sign3A_249 : i1 to i32
    %sign3A_251 = arith.constant 0 : i32
    %sign3A_252 = arith.cmpi slt, %jit3A_239, %sign3A_251 : i32
    %sign3A_253 = arith.extui %sign3A_252 : i1 to i32
    %sign3A_254 = arith.subi %sign3A_250, %sign3A_253 : i32
    %ne3A_255 = arith.cmpi ne, %sign3A_247, %sign3A_254 : i32
    %rem3A_256 = arith.remsi %add3A_238, %jit3A_239 : i32
    %ne3A_257 = arith.constant 0 : i32
    %ne3A_258 = arith.cmpi ne, %rem3A_256, %ne3A_257 : i32
    %and3A_259 = arith.andi %ne3A_255, %ne3A_258 : i1
    %sub3A_260 = arith.constant 1 : i32
    %sub3A_261 = arith.subi %div3A_240, %sub3A_260 : i32
    %select_n3A_262 = arith.select %and3A_259, %sub3A_261, %div3A_240 : i32
    %mul3A_263 = arith.constant 32 : i32
    %mul3A_264 = arith.muli %mul3A_263, %select_n3A_262 : i32
    %sub3A_265 = arith.subi %add3A_238, %mul3A_264 : i32
    %mul3A_266 = arith.constant 1024 : i32
    %mul3A_267 = arith.muli %select_n3A_262, %mul3A_266 : i32
    %add3A_268 = arith.constant 768 : i32
    %add3A_269 = arith.addi %mul3A_267, %add3A_268 : i32
    %mul3A_270 = arith.constant 8 : i32
    %mul3A_271 = arith.muli %sub3A_265, %mul3A_270 : i32
    %add3A_272 = arith.addi %add3A_269, %mul3A_271 : i32
    %dma_wait3A_273 = arith.constant 0 : i32
    %dma_wait3A_274 = arith.constant 0 : i32
    %dma_wait3A_275 = arith.constant 0 : i32
    %dma_wait3A_276 = arith.constant 0 : i32
    %dma_wait3A_277 = tpu.memref_slice %arg7[%dma_wait3A_273, %dma_wait3A_275, %dma_wait3A_276] : memref<2x32x128xf32, #tpu.memory_space<vmem>> -> memref<1x32x128xf32, #tpu.memory_space<vmem>>
    %dma_wait3A_278 = tpu.memref_squeeze %dma_wait3A_277 : memref<1x32x128xf32, #tpu.memory_space<vmem>> -> memref<32x128xf32, #tpu.memory_space<vmem>>
    %dma_wait3A_279 = arith.constant 24 : i32
    %dma_wait3A_280 = arith.constant 0 : i32
    %dma_wait3A_281 = tpu.memref_slice %dma_wait3A_278[%dma_wait3A_279, %dma_wait3A_280] : memref<32x128xf32, #tpu.memory_space<vmem>> -> memref<8x128xf32, #tpu.memory_space<vmem>>
    %dma_wait3A_282 = arith.constant 0 : i32
    %dma_wait3A_283 = tpu.memref_slice %arg4[%add3A_272, %dma_wait3A_282] : memref<204800x128xf32, #tpu.memory_space<hbm>> -> memref<8x128xf32, #tpu.memory_space<hbm>>
    %dma_wait3A_284 = tpu.memref_slice %arg9[%dma_wait3A_274] : memref<2x!tpu.dma_semaphore, #tpu.memory_space<semaphore_mem>> -> memref<1x!tpu.dma_semaphore, #tpu.memory_space<semaphore_mem>>
    %dma_wait3A_285 = tpu.memref_squeeze %dma_wait3A_284 : memref<1x!tpu.dma_semaphore, #tpu.memory_space<semaphore_mem>> -> memref<!tpu.dma_semaphore, #tpu.memory_space<semaphore_mem>>
    %dma_wait3A_286 = arith.constant 0 : i32
    %dma_wait3A_287 = tpu.memref_slice %arg4[%add3A_272, %dma_wait3A_286] : memref<204800x128xf32, #tpu.memory_space<hbm>> -> memref<8x128xf32, #tpu.memory_space<hbm>>
    %dma_wait3A_288 = arith.constant 0 : i32
    %dma_wait3A_289 = arith.constant 0 : i32
    %dma_wait3A_290 = tpu.memref_slice %arg7[%dma_wait3A_273, %dma_wait3A_288, %dma_wait3A_289] : memref<2x32x128xf32, #tpu.memory_space<vmem>> -> memref<1x32x128xf32, #tpu.memory_space<vmem>>
    %dma_wait3A_291 = tpu.memref_squeeze %dma_wait3A_290 : memref<1x32x128xf32, #tpu.memory_space<vmem>> -> memref<32x128xf32, #tpu.memory_space<vmem>>
    %dma_wait3A_292 = arith.constant 24 : i32
    %dma_wait3A_293 = arith.constant 0 : i32
    %dma_wait3A_294 = tpu.memref_slice %dma_wait3A_291[%dma_wait3A_292, %dma_wait3A_293] : memref<32x128xf32, #tpu.memory_space<vmem>> -> memref<8x128xf32, #tpu.memory_space<vmem>>
    tpu.wait_dma2 semaphore(%dma_wait3A_285 : memref<!tpu.dma_semaphore, #tpu.memory_space<semaphore_mem>>) src(%dma_wait3A_294 : memref<8x128xf32, #tpu.memory_space<vmem>>) dst(%dma_wait3A_287 : memref<8x128xf32, #tpu.memory_space<hbm>>)
    %mul3A_295 = arith.constant 200 : i32
    %mul3A_296 = arith.muli %add3A, %mul3A_295 : i32
    %add3A_297 = arith.constant 0 : i32
    %add3A_298 = arith.addi %mul3A_296, %add3A_297 : i32
    %jit3A_299 = arith.constant 32 : i32
    %div3A_300 = arith.divsi %add3A_298, %jit3A_299 : i32
    %sign3A_301 = arith.constant 0 : i32
    %sign3A_302 = arith.cmpi sgt, %add3A_298, %sign3A_301 : i32
    %sign3A_303 = arith.extui %sign3A_302 : i1 to i32
    %sign3A_304 = arith.constant 0 : i32
    %sign3A_305 = arith.cmpi slt, %add3A_298, %sign3A_304 : i32
    %sign3A_306 = arith.extui %sign3A_305 : i1 to i32
    %sign3A_307 = arith.subi %sign3A_303, %sign3A_306 : i32
    %sign3A_308 = arith.constant 0 : i32
    %sign3A_309 = arith.cmpi sgt, %jit3A_299, %sign3A_308 : i32
    %sign3A_310 = arith.extui %sign3A_309 : i1 to i32
    %sign3A_311 = arith.constant 0 : i32
    %sign3A_312 = arith.cmpi slt, %jit3A_299, %sign3A_311 : i32
    %sign3A_313 = arith.extui %sign3A_312 : i1 to i32
    %sign3A_314 = arith.subi %sign3A_310, %sign3A_313 : i32
    %ne3A_315 = arith.cmpi ne, %sign3A_307, %sign3A_314 : i32
    %rem3A_316 = arith.remsi %add3A_298, %jit3A_299 : i32
    %ne3A_317 = arith.constant 0 : i32
    %ne3A_318 = arith.cmpi ne, %rem3A_316, %ne3A_317 : i32
    %and3A_319 = arith.andi %ne3A_315, %ne3A_318 : i1
    %sub3A_320 = arith.constant 1 : i32
    %sub3A_321 = arith.subi %div3A_300, %sub3A_320 : i32
    %select_n3A_322 = arith.select %and3A_319, %sub3A_321, %div3A_300 : i32
    %mul3A_323 = arith.constant 32 : i32
    %mul3A_324 = arith.muli %mul3A_323, %select_n3A_322 : i32
    %sub3A_325 = arith.subi %add3A_298, %mul3A_324 : i32
    %mul3A_326 = arith.constant 1024 : i32
    %mul3A_327 = arith.muli %select_n3A_322, %mul3A_326 : i32
    %add3A_328 = arith.constant 0 : i32
    %add3A_329 = arith.addi %mul3A_327, %add3A_328 : i32
    %mul3A_330 = arith.constant 8 : i32
    %mul3A_331 = arith.muli %sub3A_325, %mul3A_330 : i32
    %add3A_332 = arith.addi %add3A_329, %mul3A_331 : i32
    %dma_wait3A_333 = arith.constant 1 : i32
    %dma_wait3A_334 = arith.constant 1 : i32
    %dma_wait3A_335 = arith.constant 0 : i32
    %dma_wait3A_336 = arith.constant 0 : i32
    %dma_wait3A_337 = tpu.memref_slice %arg7[%dma_wait3A_333, %dma_wait3A_335, %dma_wait3A_336] : memref<2x32x128xf32, #tpu.memory_space<vmem>> -> memref<1x32x128xf32, #tpu.memory_space<vmem>>
    %dma_wait3A_338 = tpu.memref_squeeze %dma_wait3A_337 : memref<1x32x128xf32, #tpu.memory_space<vmem>> -> memref<32x128xf32, #tpu.memory_space<vmem>>
    %dma_wait3A_339 = arith.constant 0 : i32
    %dma_wait3A_340 = arith.constant 0 : i32
    %dma_wait3A_341 = tpu.memref_slice %dma_wait3A_338[%dma_wait3A_339, %dma_wait3A_340] : memref<32x128xf32, #tpu.memory_space<vmem>> -> memref<8x128xf32, #tpu.memory_space<vmem>>
    %dma_wait3A_342 = arith.constant 0 : i32
    %dma_wait3A_343 = tpu.memref_slice %arg4[%add3A_332, %dma_wait3A_342] : memref<204800x128xf32, #tpu.memory_space<hbm>> -> memref<8x128xf32, #tpu.memory_space<hbm>>
    %dma_wait3A_344 = tpu.memref_slice %arg9[%dma_wait3A_334] : memref<2x!tpu.dma_semaphore, #tpu.memory_space<semaphore_mem>> -> memref<1x!tpu.dma_semaphore, #tpu.memory_space<semaphore_mem>>
    %dma_wait3A_345 = tpu.memref_squeeze %dma_wait3A_344 : memref<1x!tpu.dma_semaphore, #tpu.memory_space<semaphore_mem>> -> memref<!tpu.dma_semaphore, #tpu.memory_space<semaphore_mem>>
    %dma_wait3A_346 = arith.constant 0 : i32
    %dma_wait3A_347 = tpu.memref_slice %arg4[%add3A_332, %dma_wait3A_346] : memref<204800x128xf32, #tpu.memory_space<hbm>> -> memref<8x128xf32, #tpu.memory_space<hbm>>
    %dma_wait3A_348 = arith.constant 0 : i32
    %dma_wait3A_349 = arith.constant 0 : i32
    %dma_wait3A_350 = tpu.memref_slice %arg7[%dma_wait3A_333, %dma_wait3A_348, %dma_wait3A_349] : memref<2x32x128xf32, #tpu.memory_space<vmem>> -> memref<1x32x128xf32, #tpu.memory_space<vmem>>
    %dma_wait3A_351 = tpu.memref_squeeze %dma_wait3A_350 : memref<1x32x128xf32, #tpu.memory_space<vmem>> -> memref<32x128xf32, #tpu.memory_space<vmem>>
    %dma_wait3A_352 = arith.constant 0 : i32
    %dma_wait3A_353 = arith.constant 0 : i32
    %dma_wait3A_354 = tpu.memref_slice %dma_wait3A_351[%dma_wait3A_352, %dma_wait3A_353] : memref<32x128xf32, #tpu.memory_space<vmem>> -> memref<8x128xf32, #tpu.memory_space<vmem>>
    tpu.wait_dma2 semaphore(%dma_wait3A_345 : memref<!tpu.dma_semaphore, #tpu.memory_space<semaphore_mem>>) src(%dma_wait3A_354 : memref<8x128xf32, #tpu.memory_space<vmem>>) dst(%dma_wait3A_347 : memref<8x128xf32, #tpu.memory_space<hbm>>)
    %mul3A_355 = arith.constant 200 : i32
    %mul3A_356 = arith.muli %add3A, %mul3A_355 : i32
    %add3A_357 = arith.constant 0 : i32
    %add3A_358 = arith.addi %mul3A_356, %add3A_357 : i32
    %jit3A_359 = arith.constant 32 : i32
    %div3A_360 = arith.divsi %add3A_358, %jit3A_359 : i32
    %sign3A_361 = arith.constant 0 : i32
    %sign3A_362 = arith.cmpi sgt, %add3A_358, %sign3A_361 : i32
    %sign3A_363 = arith.extui %sign3A_362 : i1 to i32
    %sign3A_364 = arith.constant 0 : i32
    %sign3A_365 = arith.cmpi slt, %add3A_358, %sign3A_364 : i32
    %sign3A_366 = arith.extui %sign3A_365 : i1 to i32
    %sign3A_367 = arith.subi %sign3A_363, %sign3A_366 : i32
    %sign3A_368 = arith.constant 0 : i32
    %sign3A_369 = arith.cmpi sgt, %jit3A_359, %sign3A_368 : i32
    %sign3A_370 = arith.extui %sign3A_369 : i1 to i32
    %sign3A_371 = arith.constant 0 : i32
    %sign3A_372 = arith.cmpi slt, %jit3A_359, %sign3A_371 : i32
    %sign3A_373 = arith.extui %sign3A_372 : i1 to i32
    %sign3A_374 = arith.subi %sign3A_370, %sign3A_373 : i32
    %ne3A_375 = arith.cmpi ne, %sign3A_367, %sign3A_374 : i32
    %rem3A_376 = arith.remsi %add3A_358, %jit3A_359 : i32
    %ne3A_377 = arith.constant 0 : i32
    %ne3A_378 = arith.cmpi ne, %rem3A_376, %ne3A_377 : i32
    %and3A_379 = arith.andi %ne3A_375, %ne3A_378 : i1
    %sub3A_380 = arith.constant 1 : i32
    %sub3A_381 = arith.subi %div3A_360, %sub3A_380 : i32
    %select_n3A_382 = arith.select %and3A_379, %sub3A_381, %div3A_360 : i32
    %mul3A_383 = arith.constant 32 : i32
    %mul3A_384 = arith.muli %mul3A_383, %select_n3A_382 : i32
    %sub3A_385 = arith.subi %add3A_358, %mul3A_384 : i32
    %mul3A_386 = arith.constant 1024 : i32
    %mul3A_387 = arith.muli %select_n3A_382, %mul3A_386 : i32
    %add3A_388 = arith.constant 256 : i32
    %add3A_389 = arith.addi %mul3A_387, %add3A_388 : i32
    %mul3A_390 = arith.constant 8 : i32
    %mul3A_391 = arith.muli %sub3A_385, %mul3A_390 : i32
    %add3A_392 = arith.addi %add3A_389, %mul3A_391 : i32
    %dma_wait3A_393 = arith.constant 1 : i32
    %dma_wait3A_394 = arith.constant 1 : i32
    %dma_wait3A_395 = arith.constant 0 : i32
    %dma_wait3A_396 = arith.constant 0 : i32
    %dma_wait3A_397 = tpu.memref_slice %arg7[%dma_wait3A_393, %dma_wait3A_395, %dma_wait3A_396] : memref<2x32x128xf32, #tpu.memory_space<vmem>> -> memref<1x32x128xf32, #tpu.memory_space<vmem>>
    %dma_wait3A_398 = tpu.memref_squeeze %dma_wait3A_397 : memref<1x32x128xf32, #tpu.memory_space<vmem>> -> memref<32x128xf32, #tpu.memory_space<vmem>>
    %dma_wait3A_399 = arith.constant 8 : i32
    %dma_wait3A_400 = arith.constant 0 : i32
    %dma_wait3A_401 = tpu.memref_slice %dma_wait3A_398[%dma_wait3A_399, %dma_wait3A_400] : memref<32x128xf32, #tpu.memory_space<vmem>> -> memref<8x128xf32, #tpu.memory_space<vmem>>
    %dma_wait3A_402 = arith.constant 0 : i32
    %dma_wait3A_403 = tpu.memref_slice %arg4[%add3A_392, %dma_wait3A_402] : memref<204800x128xf32, #tpu.memory_space<hbm>> -> memref<8x128xf32, #tpu.memory_space<hbm>>
    %dma_wait3A_404 = tpu.memref_slice %arg9[%dma_wait3A_394] : memref<2x!tpu.dma_semaphore, #tpu.memory_space<semaphore_mem>> -> memref<1x!tpu.dma_semaphore, #tpu.memory_space<semaphore_mem>>
    %dma_wait3A_405 = tpu.memref_squeeze %dma_wait3A_404 : memref<1x!tpu.dma_semaphore, #tpu.memory_space<semaphore_mem>> -> memref<!tpu.dma_semaphore, #tpu.memory_space<semaphore_mem>>
    %dma_wait3A_406 = arith.constant 0 : i32
    %dma_wait3A_407 = tpu.memref_slice %arg4[%add3A_392, %dma_wait3A_406] : memref<204800x128xf32, #tpu.memory_space<hbm>> -> memref<8x128xf32, #tpu.memory_space<hbm>>
    %dma_wait3A_408 = arith.constant 0 : i32
    %dma_wait3A_409 = arith.constant 0 : i32
    %dma_wait3A_410 = tpu.memref_slice %arg7[%dma_wait3A_393, %dma_wait3A_408, %dma_wait3A_409] : memref<2x32x128xf32, #tpu.memory_space<vmem>> -> memref<1x32x128xf32, #tpu.memory_space<vmem>>
    %dma_wait3A_411 = tpu.memref_squeeze %dma_wait3A_410 : memref<1x32x128xf32, #tpu.memory_space<vmem>> -> memref<32x128xf32, #tpu.memory_space<vmem>>
    %dma_wait3A_412 = arith.constant 8 : i32
    %dma_wait3A_413 = arith.constant 0 : i32
    %dma_wait3A_414 = tpu.memref_slice %dma_wait3A_411[%dma_wait3A_412, %dma_wait3A_413] : memref<32x128xf32, #tpu.memory_space<vmem>> -> memref<8x128xf32, #tpu.memory_space<vmem>>
    tpu.wait_dma2 semaphore(%dma_wait3A_405 : memref<!tpu.dma_semaphore, #tpu.memory_space<semaphore_mem>>) src(%dma_wait3A_414 : memref<8x128xf32, #tpu.memory_space<vmem>>) dst(%dma_wait3A_407 : memref<8x128xf32, #tpu.memory_space<hbm>>)
    %mul3A_415 = arith.constant 200 : i32
    %mul3A_416 = arith.muli %add3A, %mul3A_415 : i32
    %add3A_417 = arith.constant 0 : i32
    %add3A_418 = arith.addi %mul3A_416, %add3A_417 : i32
    %jit3A_419 = arith.constant 32 : i32
    %div3A_420 = arith.divsi %add3A_418, %jit3A_419 : i32
    %sign3A_421 = arith.constant 0 : i32
    %sign3A_422 = arith.cmpi sgt, %add3A_418, %sign3A_421 : i32
    %sign3A_423 = arith.extui %sign3A_422 : i1 to i32
    %sign3A_424 = arith.constant 0 : i32
    %sign3A_425 = arith.cmpi slt, %add3A_418, %sign3A_424 : i32
    %sign3A_426 = arith.extui %sign3A_425 : i1 to i32
    %sign3A_427 = arith.subi %sign3A_423, %sign3A_426 : i32
    %sign3A_428 = arith.constant 0 : i32
    %sign3A_429 = arith.cmpi sgt, %jit3A_419, %sign3A_428 : i32
    %sign3A_430 = arith.extui %sign3A_429 : i1 to i32
    %sign3A_431 = arith.constant 0 : i32
    %sign3A_432 = arith.cmpi slt, %jit3A_419, %sign3A_431 : i32
    %sign3A_433 = arith.extui %sign3A_432 : i1 to i32
    %sign3A_434 = arith.subi %sign3A_430, %sign3A_433 : i32
    %ne3A_435 = arith.cmpi ne, %sign3A_427, %sign3A_434 : i32
    %rem3A_436 = arith.remsi %add3A_418, %jit3A_419 : i32
    %ne3A_437 = arith.constant 0 : i32
    %ne3A_438 = arith.cmpi ne, %rem3A_436, %ne3A_437 : i32
    %and3A_439 = arith.andi %ne3A_435, %ne3A_438 : i1
    %sub3A_440 = arith.constant 1 : i32
    %sub3A_441 = arith.subi %div3A_420, %sub3A_440 : i32
    %select_n3A_442 = arith.select %and3A_439, %sub3A_441, %div3A_420 : i32
    %mul3A_443 = arith.constant 32 : i32
    %mul3A_444 = arith.muli %mul3A_443, %select_n3A_442 : i32
    %sub3A_445 = arith.subi %add3A_418, %mul3A_444 : i32
    %mul3A_446 = arith.constant 1024 : i32
    %mul3A_447 = arith.muli %select_n3A_442, %mul3A_446 : i32
    %add3A_448 = arith.constant 512 : i32
    %add3A_449 = arith.addi %mul3A_447, %add3A_448 : i32
    %mul3A_450 = arith.constant 8 : i32
    %mul3A_451 = arith.muli %sub3A_445, %mul3A_450 : i32
    %add3A_452 = arith.addi %add3A_449, %mul3A_451 : i32
    %dma_wait3A_453 = arith.constant 1 : i32
    %dma_wait3A_454 = arith.constant 1 : i32
    %dma_wait3A_455 = arith.constant 0 : i32
    %dma_wait3A_456 = arith.constant 0 : i32
    %dma_wait3A_457 = tpu.memref_slice %arg7[%dma_wait3A_453, %dma_wait3A_455, %dma_wait3A_456] : memref<2x32x128xf32, #tpu.memory_space<vmem>> -> memref<1x32x128xf32, #tpu.memory_space<vmem>>
    %dma_wait3A_458 = tpu.memref_squeeze %dma_wait3A_457 : memref<1x32x128xf32, #tpu.memory_space<vmem>> -> memref<32x128xf32, #tpu.memory_space<vmem>>
    %dma_wait3A_459 = arith.constant 16 : i32
    %dma_wait3A_460 = arith.constant 0 : i32
    %dma_wait3A_461 = tpu.memref_slice %dma_wait3A_458[%dma_wait3A_459, %dma_wait3A_460] : memref<32x128xf32, #tpu.memory_space<vmem>> -> memref<8x128xf32, #tpu.memory_space<vmem>>
    %dma_wait3A_462 = arith.constant 0 : i32
    %dma_wait3A_463 = tpu.memref_slice %arg4[%add3A_452, %dma_wait3A_462] : memref<204800x128xf32, #tpu.memory_space<hbm>> -> memref<8x128xf32, #tpu.memory_space<hbm>>
    %dma_wait3A_464 = tpu.memref_slice %arg9[%dma_wait3A_454] : memref<2x!tpu.dma_semaphore, #tpu.memory_space<semaphore_mem>> -> memref<1x!tpu.dma_semaphore, #tpu.memory_space<semaphore_mem>>
    %dma_wait3A_465 = tpu.memref_squeeze %dma_wait3A_464 : memref<1x!tpu.dma_semaphore, #tpu.memory_space<semaphore_mem>> -> memref<!tpu.dma_semaphore, #tpu.memory_space<semaphore_mem>>
    %dma_wait3A_466 = arith.constant 0 : i32
    %dma_wait3A_467 = tpu.memref_slice %arg4[%add3A_452, %dma_wait3A_466] : memref<204800x128xf32, #tpu.memory_space<hbm>> -> memref<8x128xf32, #tpu.memory_space<hbm>>
    %dma_wait3A_468 = arith.constant 0 : i32
    %dma_wait3A_469 = arith.constant 0 : i32
    %dma_wait3A_470 = tpu.memref_slice %arg7[%dma_wait3A_453, %dma_wait3A_468, %dma_wait3A_469] : memref<2x32x128xf32, #tpu.memory_space<vmem>> -> memref<1x32x128xf32, #tpu.memory_space<vmem>>
    %dma_wait3A_471 = tpu.memref_squeeze %dma_wait3A_470 : memref<1x32x128xf32, #tpu.memory_space<vmem>> -> memref<32x128xf32, #tpu.memory_space<vmem>>
    %dma_wait3A_472 = arith.constant 16 : i32
    %dma_wait3A_473 = arith.constant 0 : i32
    %dma_wait3A_474 = tpu.memref_slice %dma_wait3A_471[%dma_wait3A_472, %dma_wait3A_473] : memref<32x128xf32, #tpu.memory_space<vmem>> -> memref<8x128xf32, #tpu.memory_space<vmem>>
    tpu.wait_dma2 semaphore(%dma_wait3A_465 : memref<!tpu.dma_semaphore, #tpu.memory_space<semaphore_mem>>) src(%dma_wait3A_474 : memref<8x128xf32, #tpu.memory_space<vmem>>) dst(%dma_wait3A_467 : memref<8x128xf32, #tpu.memory_space<hbm>>)
    %mul3A_475 = arith.constant 200 : i32
    %mul3A_476 = arith.muli %add3A, %mul3A_475 : i32
    %add3A_477 = arith.constant 0 : i32
    %add3A_478 = arith.addi %mul3A_476, %add3A_477 : i32
    %jit3A_479 = arith.constant 32 : i32
    %div3A_480 = arith.divsi %add3A_478, %jit3A_479 : i32
    %sign3A_481 = arith.constant 0 : i32
    %sign3A_482 = arith.cmpi sgt, %add3A_478, %sign3A_481 : i32
    %sign3A_483 = arith.extui %sign3A_482 : i1 to i32
    %sign3A_484 = arith.constant 0 : i32
    %sign3A_485 = arith.cmpi slt, %add3A_478, %sign3A_484 : i32
    %sign3A_486 = arith.extui %sign3A_485 : i1 to i32
    %sign3A_487 = arith.subi %sign3A_483, %sign3A_486 : i32
    %sign3A_488 = arith.constant 0 : i32
    %sign3A_489 = arith.cmpi sgt, %jit3A_479, %sign3A_488 : i32
    %sign3A_490 = arith.extui %sign3A_489 : i1 to i32
    %sign3A_491 = arith.constant 0 : i32
    %sign3A_492 = arith.cmpi slt, %jit3A_479, %sign3A_491 : i32
    %sign3A_493 = arith.extui %sign3A_492 : i1 to i32
    %sign3A_494 = arith.subi %sign3A_490, %sign3A_493 : i32
    %ne3A_495 = arith.cmpi ne, %sign3A_487, %sign3A_494 : i32
    %rem3A_496 = arith.remsi %add3A_478, %jit3A_479 : i32
    %ne3A_497 = arith.constant 0 : i32
    %ne3A_498 = arith.cmpi ne, %rem3A_496, %ne3A_497 : i32
    %and3A_499 = arith.andi %ne3A_495, %ne3A_498 : i1
    %sub3A_500 = arith.constant 1 : i32
    %sub3A_501 = arith.subi %div3A_480, %sub3A_500 : i32
    %select_n3A_502 = arith.select %and3A_499, %sub3A_501, %div3A_480 : i32
    %mul3A_503 = arith.constant 32 : i32
    %mul3A_504 = arith.muli %mul3A_503, %select_n3A_502 : i32
    %sub3A_505 = arith.subi %add3A_478, %mul3A_504 : i32
    %mul3A_506 = arith.constant 1024 : i32
    %mul3A_507 = arith.muli %select_n3A_502, %mul3A_506 : i32
    %add3A_508 = arith.constant 768 : i32
    %add3A_509 = arith.addi %mul3A_507, %add3A_508 : i32
    %mul3A_510 = arith.constant 8 : i32
    %mul3A_511 = arith.muli %sub3A_505, %mul3A_510 : i32
    %add3A_512 = arith.addi %add3A_509, %mul3A_511 : i32
    %dma_wait3A_513 = arith.constant 1 : i32
    %dma_wait3A_514 = arith.constant 1 : i32
    %dma_wait3A_515 = arith.constant 0 : i32
    %dma_wait3A_516 = arith.constant 0 : i32
    %dma_wait3A_517 = tpu.memref_slice %arg7[%dma_wait3A_513, %dma_wait3A_515, %dma_wait3A_516] : memref<2x32x128xf32, #tpu.memory_space<vmem>> -> memref<1x32x128xf32, #tpu.memory_space<vmem>>
    %dma_wait3A_518 = tpu.memref_squeeze %dma_wait3A_517 : memref<1x32x128xf32, #tpu.memory_space<vmem>> -> memref<32x128xf32, #tpu.memory_space<vmem>>
    %dma_wait3A_519 = arith.constant 24 : i32
    %dma_wait3A_520 = arith.constant 0 : i32
    %dma_wait3A_521 = tpu.memref_slice %dma_wait3A_518[%dma_wait3A_519, %dma_wait3A_520] : memref<32x128xf32, #tpu.memory_space<vmem>> -> memref<8x128xf32, #tpu.memory_space<vmem>>
    %dma_wait3A_522 = arith.constant 0 : i32
    %dma_wait3A_523 = tpu.memref_slice %arg4[%add3A_512, %dma_wait3A_522] : memref<204800x128xf32, #tpu.memory_space<hbm>> -> memref<8x128xf32, #tpu.memory_space<hbm>>
    %dma_wait3A_524 = tpu.memref_slice %arg9[%dma_wait3A_514] : memref<2x!tpu.dma_semaphore, #tpu.memory_space<semaphore_mem>> -> memref<1x!tpu.dma_semaphore, #tpu.memory_space<semaphore_mem>>
    %dma_wait3A_525 = tpu.memref_squeeze %dma_wait3A_524 : memref<1x!tpu.dma_semaphore, #tpu.memory_space<semaphore_mem>> -> memref<!tpu.dma_semaphore, #tpu.memory_space<semaphore_mem>>
    %dma_wait3A_526 = arith.constant 0 : i32
    %dma_wait3A_527 = tpu.memref_slice %arg4[%add3A_512, %dma_wait3A_526] : memref<204800x128xf32, #tpu.memory_space<hbm>> -> memref<8x128xf32, #tpu.memory_space<hbm>>
    %dma_wait3A_528 = arith.constant 0 : i32
    %dma_wait3A_529 = arith.constant 0 : i32
    %dma_wait3A_530 = tpu.memref_slice %arg7[%dma_wait3A_513, %dma_wait3A_528, %dma_wait3A_529] : memref<2x32x128xf32, #tpu.memory_space<vmem>> -> memref<1x32x128xf32, #tpu.memory_space<vmem>>
    %dma_wait3A_531 = tpu.memref_squeeze %dma_wait3A_530 : memref<1x32x128xf32, #tpu.memory_space<vmem>> -> memref<32x128xf32, #tpu.memory_space<vmem>>
    %dma_wait3A_532 = arith.constant 24 : i32
    %dma_wait3A_533 = arith.constant 0 : i32
    %dma_wait3A_534 = tpu.memref_slice %dma_wait3A_531[%dma_wait3A_532, %dma_wait3A_533] : memref<32x128xf32, #tpu.memory_space<vmem>> -> memref<8x128xf32, #tpu.memory_space<vmem>>
    tpu.wait_dma2 semaphore(%dma_wait3A_525 : memref<!tpu.dma_semaphore, #tpu.memory_space<semaphore_mem>>) src(%dma_wait3A_534 : memref<8x128xf32, #tpu.memory_space<vmem>>) dst(%dma_wait3A_527 : memref<8x128xf32, #tpu.memory_space<hbm>>)
    return
  }
}

</mosaic_0001>

<sc_bundles>
// kernel: kernel.4.cloned.1.call-start
scs
__scs_entry_jumppad:
0x0: {  	(pc) =	sbr.rel $0x88, $3  }
0x1: {  	(tag) =	ssettag $0x0;
	lr =	simm.s32 $0x1  }
0x2: {  	[smem:$0x3F9F] =	sst lr;
	_ =	strace $0xD0000000  }
0x3: {  	_ = 	snop  }
0x4: {  	_ = 	snop  }
0x5: {  	_ = 	snop  }
0x6: {  	_ = 	snop  }
0x7: {  	_ = 	snop  }
__scs_overlays_trampoline_lowered:
0x8: {  	[smem:$0x3FAE] =	sst s0  }
0x9: {  	[smem:$0x3FAF] =	sst s1  }
0xa: {  	[smem:$0x3FB0] =	sst s2  }
0xb: {  	[smem:$0x3FB1] =	sst s3  }
0xc: {  	[smem:$0x3FB2] =	sst s4  }
0xd: {  	[smem:$0x3FB3] =	sst s5  }
0xe: {  	[smem:$0x3FB4] =	sst s6  }
0xf: {  	[smem:$0x3FB5] =	sst s7  }
0x10: {  	[smem:$0x3FB6] =	sst s8  }
0x11: {  	[smem:$0x3FB7] =	sst s9;
	s0 =	simm.s32 @!p0 $0x0  }
0x12: {  	s1 =	sld [smem:$0x3F9D];
	s0 =	simm.s32 @p0 $0x1  }
0x13: {  	[smem:$0x3FB8] =	sst s0;
	s0 =	simm.s32 @!p1 $0x0  }
0x14: {  	s2 =	sld [smem:$0x3F9C];
	s0 =	simm.s32 @p1 $0x1  }
0x15: {  	[smem:$0x3FB9] =	sst s0;
	s0 =	simm.s32 @!p2 $0x0  }
0x16: {  	s3 =	sld [smem:$0x3FDB];
	s0 =	simm.s32 @p2 $0x1  }
0x17: {  	s4 =	simm.s32 $0x1BF5;
	[smem:$0x3FBB] =	sst s0  }
0x18: {  	s0 =	sld [smem:$0x3F9E];
	_ =	swait.ge [sflag:s4], $0x0  }
0x19: {  	s7 =	sld [smem:$0x3F9F]  }
0x1a: {  	s8 =	sadd.s32 $0xFFFFE003, lr  }
0x1b: {  	s9 =	sadd.s32 $0xFFFFFEF7, lr;
	s5 =	simm.s32 $0xFFFFFFFF;
	p2 =	slt.u32 s8, $0xFFFFF086  }
0x1c: {  	p1 =	slt.u32 s9, $0xF7A;
	s5 =	simm.s32 @!p2 $0x0  }
0x1d: {  	s5 =	simm.s32 @p1 $0x1;
	p0 =	seq.s32 s7, s2  }
0x1e: {  	s7 =	smul.u32 @!p0 $0xF7A, s2;
	p2 =	seq.s32 @!p0 s5, $0x0  }
0x1f: {  	s9 =	smul.u32 $0xF7A, s1;
	s8 =	simm.s32 @!p0 $0x1BF5;
	p2 =	por !p2, p0  }
0x20: {  	[sflag:s8] =	ssyncset.s32 @!p0 $0xFFFFF086;
	s6 =	sadd.s32 @!p0 s3, s7;
	s7 =	simm.s32 @!p0 $0x108  }
0x21: {  	s3 =	sadd.s32 s3, s9;
	s6 =	sadd.s32 @!p0 $0x88, s6;
	s7 =	simm.s32 @p2 $0x1082  }
0x22: {  	[simem:s7], [sflag:s8] =	dma.local @!p0 [hbm:s6], $0xF7A  }
0x23: {  	s9 =	sor.u32 $0xD0000000, s2;
	s6 =	simm.s32 $0x108;
	_ =	swait.ge @!p0 [sflag:s8], $0x0  }
0x24: {  	s3 =	sadd.s32 $0x88, s3;
	s6 =	simm.s32 @!p1 $0x1082;
	[sflag:s4] =	ssyncset.s32 $0xFFFFF086  }
0x25: {  	[simem:s6], [sflag:s4] =	dma.local [hbm:s3], $0xF7A  }
0x26: {  	[smem:$0x3F9F] =	sst s1;
	(tag) =	ssettag s2;
	_ =	strace s9  }
0x27: {  	s1 =	sld [smem:$0x3FAF]  }
0x28: {  	s2 =	sld [smem:$0x3FB0]  }
0x29: {  	s4 =	sld [smem:$0x3FB2]  }
0x2a: {  	p0 =	seq.s32 s5, $0x0;
	s5 =	sld [smem:$0x3FB3]  }
0x2b: {  	s6 =	sld [smem:$0x3FB4]  }
0x2c: {  	s7 =	sld [smem:$0x3FB5]  }
0x2d: {  	s3 =	simm.s32 $0x108;
	s8 =	sld [smem:$0x3FB6]  }
0x2e: {  	s3 =	simm.s32 @!p0 $0x1082;
	s9 =	sld [smem:$0x3FB7]  }
0x2f: {  	lr =	sadd.s32 s0, s3;
	s0 =	sld [smem:$0x3FAE]  }
0x30: {  	s3 =	sld [smem:$0x3FB1]  }
0x31: {  	[smem:$0x3FBA] =	sst s10  }
0x32: {  	s10 =	sld [smem:$0x3FB8];
	_ =	sdelay $0x3  }
0x33: {  	p0 =	seq.s32 s10, $0x1;
	s10 =	sld [smem:$0x3FBA];
	_ =	sdelay $0x3  }
0x34: {  	[smem:$0x3FBA] =	sst s10  }
0x35: {  	s10 =	sld [smem:$0x3FB9];
	_ =	sdelay $0x3  }
0x36: {  	p1 =	seq.s32 s10, $0x1;
	s10 =	sld [smem:$0x3FBA];
	_ =	sdelay $0x3  }
0x37: {  	[smem:$0x3FBA] =	sst s10  }
0x38: {  	s10 =	sld [smem:$0x3FBB]  }
0x39: {  	_ = 	snop;
	(pc) =	sbr.ind lr, $3  }
0x3a: {  	_ = 	snop  }
0x3b: {  	_ = 	snop  }
0x3c: {  	p2 =	seq.s32 s10, $0x1;
	s10 =	sld [smem:$0x3FBA]  }
0x3d: {  	_ =	shalt  }
0x3e: {  	_ =	shalt  }
0x3f: {  	_ =	shalt  }
0x40: {  	_ =	shalt  }
0x41: {  	_ =	shalt  }
0x42: {  	_ =	shalt  }
0x43: {  	_ =	shalt  }
0x44: {  	_ =	shalt  }
0x45: {  	_ =	shalt  }
0x46: {  	_ =	shalt  }
0x47: {  	_ =	shalt  }
0x48: {  	_ =	shalt  }
0x49: {  	_ =	shalt  }
0x4a: {  	_ =	shalt  }
0x4b: {  	_ =	shalt  }
0x4c: {  	_ =	shalt  }
0x4d: {  	_ =	shalt  }
0x4e: {  	_ =	shalt  }
0x4f: {  	_ =	shalt  }
0x50: {  	_ =	shalt  }
0x51: {  	_ =	shalt  }
0x52: {  	_ =	shalt  }
0x53: {  	_ =	shalt  }
0x54: {  	_ =	shalt  }
0x55: {  	_ =	shalt  }
0x56: {  	_ =	shalt  }
0x57: {  	_ =	shalt  }
0x58: {  	_ =	shalt  }
0x59: {  	_ =	shalt  }
0x5a: {  	_ =	shalt  }
0x5b: {  	_ =	shalt  }
0x5c: {  	_ =	shalt  }
0x5d: {  	_ =	shalt  }
0x5e: {  	_ =	shalt  }
0x5f: {  	_ =	shalt  }
0x60: {  	_ =	shalt  }
0x61: {  	_ =	shalt  }
0x62: {  	_ =	shalt  }
0x63: {  	_ =	shalt  }
0x64: {  	_ =	shalt  }
0x65: {  	_ =	shalt  }
0x66: {  	_ =	shalt  }
0x67: {  	_ =	shalt  }
0x68: {  	_ =	shalt  }
0x69: {  	_ =	shalt  }
0x6a: {  	_ =	shalt  }
0x6b: {  	_ =	shalt  }
0x6c: {  	_ =	shalt  }
0x6d: {  	_ =	shalt  }
0x6e: {  	_ =	shalt  }
0x6f: {  	_ =	shalt  }
0x70: {  	_ =	shalt  }
0x71: {  	_ =	shalt  }
0x72: {  	_ =	shalt  }
0x73: {  	_ =	shalt  }
0x74: {  	_ =	shalt  }
0x75: {  	_ =	shalt  }
0x76: {  	_ =	shalt  }
0x77: {  	_ =	shalt  }
0x78: {  	_ =	shalt  }
0x79: {  	_ =	shalt  }
0x7a: {  	_ =	shalt  }
0x7b: {  	_ =	shalt  }
0x7c: {  	_ =	shalt  }
0x7d: {  	_ =	shalt  }
0x7e: {  	_ =	shalt  }
0x7f: {  	_ =	shalt  }
0x80: {  	_ =	shalt  }
0x81: {  	_ =	shalt  }
0x82: {  	_ =	shalt  }
0x83: {  	_ =	shalt  }
0x84: {  	_ =	shalt  }
0x85: {  	_ =	shalt  }
0x86: {  	_ =	shalt  }
0x87: {  	_ =	shalt  }
.Lfunc_end0:
.L_simem_size_0:
called_computation_lowered:
.L_overlay_start_0:
0x88: {  	s2 =	sld [smem:$0x3FD9]  }
0x89: {  	s3 =	sld [smem:$0x3FFE];
	_ =	sdelay $0x1  }
0x8a: {  	s1 =	srdreg.scid  }
0x8b: {  	s0 =	sand.u32 $0x1, s1  }
0x8c: {  	s17 =	sshll.u32 s0, $0xA;
	s2 =	sadd.s32 s3, s2  }
0x8d: {  	s2 =	sadd.s32 s2, s17  }
0x8e: {  	[smem:$0x3FC6] =	sst s2  }
0x8f: {  	_ = 	snop  }
0x90: {  	s2 =	sld [smem:$0x3FC8]  }
0x91: {  	s18 =	sld [smem:$0x3FD0];
	(tm) =	ssettm $0x1  }
0x92: {  	s4 =	sld [smem:$0x3FFB];
	_ =	sdelay $0x3  }
0x93: {  	_ =	strace s4  }
0x94: {  	s4 =	sld [smem:$0x3FFC];
	_ =	sdelay $0x3  }
0x95: {  	_ =	strace s4  }
0x96: {  	s4 =	sld [smem:$0x3FFD];
	_ =	sdelay $0x3  }
0x97: {  	_ =	strace s4  }
0x98: {  	_ =	strace $0x8FFFFFFF  }
0x99: {  	s19 =	sld [smem:$0x3FDB];
	_ =	sdelay $0x1  }
0x9a: {  	s5 =	simm.s32 $_scs_section_size  }
0x9b: {  	s6 =	simm.s32 $_size__tile_overlayer_lowered;
	s7 =	simm.s32 $_tile_overlayer_lowered  }
0x9c: {  	s22 =	simm.s32 $0x1BFF;
	s21 =	sshll.u32 s7, $0x1;
	s4 =	sadd.s32 s5, s19  }
0x9d: {  	s8 =	simm.s32 $0x0;
	s20 =	sshll.u32 s6, $0x1;
	s6 =	sadd.s32 s21, s4  }
0x9e: {  	[timem:s8], [sflag:s22] =	dma.local [hbm:s6], s20  }
0x9f: {  	_ =	swait.ge [sflag:s22], s20  }
0xa0: {  	s5 =	ssub.s32 $0x0, s20;
	[sflag:s22] =	ssyncset.done $0x0  }
0xa1: {  	[sflag:s22] =	ssyncadd.s32 s5;
	_ =	sdelay $0x1  }
0xa2: {  	s23 =	simm.s32 $0x1B8B  }
0xa3: {  	_ =	swait.ge [sflag:s23], $0x1  }
0xa4: {  	[sflag:s23] =	ssyncset.done $0x0  }
0xa5: {  	s25 =	simm.s32 $0x1B8E;
	s24 =	sld [smem:$0x3FFE];
	[sflag:s23] =	ssyncadd.s32 $0xFFFFFFFF  }
0xa6: {  	s26 =	simm.s32 $execute0_lowered;
	[smem:$0x3FD2] =	sst s25  }
0xa7: {  	s6 =	sshll.u32 s26, $0x1;
	_ =	strace $0x80000046;
	[dreg:$0x1] =	wrdreg $0xFFFFFFFF  }
0xa8: {  	s28 =	simm.s32 $_size_execute0_lowered;
	s4 =	sadd.s32 s4, s6;
	[dreg:$0x0] =	wrdreg $0x0  }
0xa9: {  	s6 =	sshll.u32 s28, $0x1;
	[dreg:$0x2] =	wrdreg s4  }
0xaa: {  	[dreg:$0x3] =	wrdreg s6  }
0xab: {  	[dreg:$0x4] =	wrdreg $0xC0  }
0xac: {  	_ =	task [dreg:s8], $0x5FFFF  }
0xad: {  	[dreg:$0x1] =	wrdreg $0xFFFFFFFF  }
0xae: {  	[dreg:$0x0] =	wrdreg $0x60  }
0xaf: {  	[dreg:$0x2] =	wrdreg s2  }
0xb0: {  	[dreg:$0x3] =	wrdreg s18  }
0xb1: {  	[dreg:$0x4] =	wrdreg s24  }
0xb2: {  	[dreg:$0x5] =	wrdreg $0x9  }
0xb3: {  	_ =	task.clear_ibuf [dreg:s8], $0x6FFFF;
	_ =	strace $0x90000046  }
0xb4: {  	s29 =	simm.s32 $0x9;
	_ =	strace $0x80000048  }
0xb5: {  	_ =	swait.ge [sflag:s29], $0x1  }
0xb6: {  	[sflag:s29] =	ssyncadd.s32 $0xFFFFFFFF  }
0xb7: {  	_ =	strace $0x90000048  }
0xb8: {  	_ =	sfence  }
0xb9: {  	s30 =	sld [smem:$0x0];
	_ =	sdelay $0x2  }
0xba: {  	s31 =	sshll.u32 s1, $0xD;
	s1 =	sshrl.u32 s1, $0x2  }
0xbb: {  	s3 =	sand.u32 $0x4000, s31;
	s1 =	sadd.s32 s1, s30  }
0xbc: {  	s0 =	sor.u32 s3, s0;
	s1 =	sshll.u32 s1, $0x11  }
0xbd: {  	s0 =	sor.u32 s1, s0  }
0xbe: {  	s0 =	sadd.s32 $0x8F2B, s0  }
0xbf: {  	[sflag:s0] =	ssyncadd.remote.s32 $0x1  }
0xc0: {  	_ =	sfence.sel $0xFFFF  }
0xc1: {  	[dreg:$0x0] =	wrdreg $0xFFFFFFFF;
	(pc) =	sbr.abs _section_cstart, $3  }
0xc2: {  	[dreg:$0x1] =	wrdreg $0xFFFFFFFF  }
0xc3: {  	_ =	task.clear_ibuf [dreg:s8], $0x2FFFF;
	_ =	strace $0x9FFFFFFF  }
0xc4: {  	(tm) =	ssettm $0x7FFFFFFF  }
0xc5: {  	_ =	shalt  }
tec
execute0_lowered:
.L_overlay_start_1:
0x0: {  	(tag) =	ssettag $0x1  }
0x1: {  	s1 =	rddreg [dreg:$0x0]  }
0x2: {  	s2 =	rddreg [dreg:$0x2];
	s0 =	srdreg.scid  }
0x3: {  	s5 =	stileid.u32;
	s4 =	simm.s32 $0x0;
	s6 =	simm.s32 $0x1  }
0x4: {  	v0 =	vimm.s32 $0x1780;
	vm0 =	vcmask $0x300;
	s7 =	simm.s32 $0x3D;
	vm1 =	vcmask $0x704;
	s10 =	simm.s32 $0x1;
	s30 =	simm.s32 $0xA000  }
0x5: {  	v1 =	vimm.s32 $0x3F80;
	vm2 =	vcmask $0xB08;
	s31 =	simm.s32 $0x2;
	s3 =	sand.u32 $0x1, s0;
	s23 =	sshll.u32 s5, $0x1;
	v0 =	vsel vm0, $0x0, v0  }
0x6: {  	vm4 =	vcmask $0xF0C;
	s22 =	simm.s32 $0x5;
	[smem:$0x7FF] =	sst s4;
	v1 =	vsel vm0, $0x2800, v1;
	s0 =	sor.u32 s3, s23;
	v0 =	vsel vm1, $0x80, v0  }
0x7: {  	vm5 =	vcmask $0x1310;
	_ =	strace $0x80000047;
	s3 =	ssub.s32 $0x2, s3;
	v1 =	vsel vm1, $0x2880, v1;
	s24 =	smul.u32 $0x3D, s0;
	v0 =	vsel vm2, $0x100, v0  }
0x8: {  	vm6 =	vcmask $0x1714;
	p0 =	sne.s32 s0, $0x0;
	s9 =	sshrl.u32 s3, $0x1;
	v1 =	vsel vm2, $0x2900, v1;
	p1 =	sne.s32 s0, $0x1F;
	v0 =	vsel vm4, $0x180, v0  }
0x9: {  	vm7 =	vcmask $0x1B18;
	s6 =	simm.s32 @!p0 $0x0;
	p0 =	seq.s32 s0, $0x0;
	s3 =	ssub.s32 s3, s9;
	v1 =	vsel vm4, $0x2980, v1;
	v0 =	vsel vm5, $0x200, v0  }
0xa: {  	vm8 =	vcmask $0x1F1C;
	s0 =	simm.s32 $0xE000;
	s5 =	sadd.s32 s6, s24;
	s7 =	simm.s32 @!p0 $0x3C;
	v1 =	vsel vm5, $0x2A00, v1;
	v0 =	vsel vm6, $0x280, v0  }
0xb: {  	vm9 =	vcmask $0x2320;
	s6 =	sadd.s32 $0xA00, s2;
	s2 =	sadd.s32 $0x3D1200, s2;
	s18 =	smax.u32 s3, $0x1;
	v1 =	vsel vm6, $0x2A80, v1;
	v0 =	vsel vm7, $0x300, v0  }
0xc: {  	vm10 =	vcmask $0x2724;
	s3 =	simm.s32 $0x12000;
	s24 =	simm.s32 $0x0;
	s8 =	sadd.s32 s7, s5;
	v1 =	vsel vm7, $0x2B00, v1;
	v0 =	vsel vm8, $0x380, v0  }
0xd: {  	vm11 =	vcmask $0x2B28;
	s7 =	simm.s32 $0x3E;
	s25 =	sshll.u32 s5, $0x9;
	[dreg:$0x4] =	wrdreg s2;
	v1 =	vsel vm8, $0x2B80, v1;
	v0 =	vsel vm9, $0x1400, v0  }
0xe: {  	vm12 =	vcmask $0x2F2C;
	s15 =	sadd.s32 $0x1, s5;
	s2 =	simm.s32 $0x4;
	s8 =	sshll.u32 s8, $0xB;
	v1 =	vsel vm9, $0x3C00, v1;
	v0 =	vsel vm10, $0x1480, v0  }
0xf: {  	vm13 =	vcmask $0x3330;
	s7 =	simm.s32 @!p0 $0x3D;
	s12 =	sand.u32 $0x1FFFF800, s8;
	s8 =	sadd.s32 s1, s25;
	v1 =	vsel vm10, $0x3C80, v1;
	v0 =	vsel vm11, $0x1500, v0  }
.Ltmp0:
0x10: {  	vm14 =	vcmask $0x3734;
	s11 =	sshrl.u32 s7, $0x1;
	s28 =	sand.u32 $0x1, s7;
	v1 =	vsel vm11, $0x3D00, v1;
	v0 =	vsel vm12, $0x1580, v0;
	(pc) =	sbr.rel .LBB2_1-.Ltmp0, $4  }
0x11: {  	s25 =	simm.s32 $0x5000;
	s26 =	sadd.s32 $0x1E8500, s8;
	s13 =	sadd.s32 $0x200, s8;
	v1 =	vsel vm12, $0x3D80, v1;
	v0 =	vsel vm13, $0x1600, v0  }
0x12: {  	s14 =	sadd.s32 $0x2DC780, s8;
	s29 =	sadd.s32 s6, s12;
	s17 =	sadd.s32 $0x1E8700, s8;
	v2 =	vsel vm14, $0x1680, v0;
	v0 =	vsel vm13, $0x3E00, v1  }
0x13: {  	vm15 =	vcmask $0x3B38;
	s19 =	sadd.s32 $0xF4280, s8;
	s20 =	sadd.s32 $0x2DC980, s8;
	[dreg:$0x5] =	wrdreg s26;
	v3 =	vsel vm14, $0x3E80, v0;
	v0 =	vlaneseq.u32  }
0x14: {  	s21 =	sadd.s32 $0xF4480, s8;
	p0 =	seq.s32 s28, $0x0;
	[dreg:$0x6] =	wrdreg s29;
	v1 =	vsel vm15, $0x1700, v2;
	v2 =	vsel vm15, $0x3F00, v3;
	v3 =	vor.u32 $0x10, v0  }
.LBB2_15:
0x15: {  	s24 =	sadd.s32 $0x1, s24  }
0x16: {  	p2 =	sne.s32 s24, s18  }
.Ltmp1:
0x17: {  	_ = 	snop;
	(pc) =	sbr.rel @!p2 .LBB2_16-.Ltmp1, $1  }
0x18: {  	_ =	sdelay $0x3  }
.LBB2_1:
0x19: {  	[tilespmem:s4], [sflag:$0x1] =	stream.linear.gather [hbm4b:s8+s4], $0x1000, $0x38;
	[tilespmem:$0x14000] =	vst v63  }
0x1a: {  	s9 =	simm.s32 $0x1400  }
0x1b: {  	[tilespmem:s9], [sflag:$0x1] =	stream.linear.gather [hbm4b:s19+s4], $0x1000, $0x38;
	[tilespmem:$0x14000] =	vst v63  }
0x1c: {  	s16 =	rddreg [dreg:$0x5];
	s12 =	simm.s32 $0x2800  }
0x1d: {  	[tilespmem:s12], [sflag:$0x1] =	stream.linear.gather [hbm4b:s16+s4], $0x1000, $0x38;
	[tilespmem:$0x14000] =	vst v63  }
0x1e: {  	s23 =	simm.s32 $0x3C00  }
0x1f: {  	[tilespmem:s23], [sflag:$0x1] =	stream.linear.gather [hbm4b:s14+s4], $0x1000, $0x38;
	[tilespmem:$0x14000] =	vst v63  }
0x20: {  	_ = 	snop  }
0x21: {  	[tilespmem:s25], [sflag:$0x2] =	stream.linear.gather [hbm4b:s13+s4], $0x1000, $0x38;
	[tilespmem:$0x14000] =	vst v63  }
0x22: {  	s26 =	simm.s32 $0x6400  }
0x23: {  	[tilespmem:s26], [sflag:$0x2] =	stream.linear.gather [hbm4b:s21+s4], $0x1000, $0x38;
	[tilespmem:$0x14000] =	vst v63  }
0x24: {  	s28 =	simm.s32 $0x7800  }
0x25: {  	[tilespmem:s28], [sflag:$0x2] =	stream.linear.gather [hbm4b:s17+s4], $0x1000, $0x38;
	[tilespmem:$0x14000] =	vst v63  }
0x26: {  	s29 =	simm.s32 $0x8C00;
	s26 =	simm.s32 $0x0  }
0x27: {  	[tilespmem:s29], [sflag:$0x2] =	stream.linear.gather [hbm4b:s20+s4], $0x1000, $0x38;
	[tilespmem:$0x14000] =	vst v63  }
.LBB2_2:
0x28: {  	v4 =	vimm.s32 $0x0  }
0x29: {  	v5 =	vshll.u32 v4, $0x3  }
0x2a: {  	v6 =	vand.u32 $0x70, v4;
	v5 =	vand.u32 $0xFFFFFC00, v5  }
0x2b: {  	_ =	swait.ge [sflag:s10], $0x4000;
	v8 =	vor.u32 $0xC, v6;
	v7 =	vadd.s32 v1, v5  }
0x2c: {  	p2 =	seq.s32 s26, $0x0;
	[sflag:s10] =	ssyncset.done $0x0;
	v9 =	vor.u32 $0x8, v6;
	v10 =	vor.u32 v8, v7  }
0x2d: {  	s9 =	simm.s32 @!p2 $0x3;
	[sflag:s10] =	ssyncadd.s32 $0xFFFFC000;
	v11 =	vor.u32 v9, v7  }
0x2e: {  	v13 =	vor.u32 $0x4, v6;
	_ =	swait.ge @!p2 [sflag:s9], $0x4000;
	v12 =	vor.u32 v6, v7  }
0x2f: {  	[sflag:s9] =	ssyncset.done @!p2 $0x0;
	v14 =	vor.u32 v13, v7  }
0x30: {  	[sflag:s9] =	ssyncadd.s32 @!p2 $0xFFFFC000  }
0x31: {  	v15 =	vadd.s32 v2, v5;
	v5 =	vld.idx.msk [tilespmem:v10+s4+$0x0], $0xffff  }
0x32: {  	v8 =	vor.u32 v8, v15;
	v10 =	vld.idx.msk [tilespmem:v11+s4+$0x0], $0xffff  }
0x33: {  	v9 =	vor.u32 v9, v15;
	v11 =	vld.idx.msk [tilespmem:v12+s4+$0x0], $0xffff  }
0x34: {  	v12 =	vor.u32 v6, v15;
	v14 =	vld.idx.msk [tilespmem:v14+s4+$0x0], $0xffff  }
0x35: {  	v13 =	vor.u32 v13, v15;
	s9 =	simm.s32 $0xA100  }
0x36: {  	[tilespmem:s9+$0x80] =	vst v5  }
0x37: {  	v5 =	vor.u32 $0xD, v6;
	[tilespmem:s9+$0x0] =	vst v10;
	v8 =	vld.idx.msk [tilespmem:v8+s4+$0x0], $0xffff  }
0x38: {  	v16 =	vor.u32 $0x9, v6;
	[tilespmem:s9+$0xFFFFFF00] =	vst v11;
	v10 =	vor.u32 v5, v7;
	v9 =	vld.idx.msk [tilespmem:v9+s4+$0x0], $0xffff  }
0x39: {  	v17 =	vor.u32 v16, v7;
	v11 =	vor.u32 $0x1, v6;
	[tilespmem:s9+$0xFFFFFF80] =	vst v14;
	v12 =	vld.idx.msk [tilespmem:v12+s4+$0x0], $0xffff  }
0x3a: {  	v14 =	vor.u32 $0x5, v6;
	v18 =	vor.u32 v11, v7;
	v13 =	vld.idx.msk [tilespmem:v13+s4+$0x0], $0xffff  }
0x3b: {  	v19 =	vor.u32 v14, v7  }
0x3c: {  	[tilespmem:s9+$0x90] =	vst v8  }
0x3d: {  	[tilespmem:s9+$0x10] =	vst v9;
	v8 =	vld.idx.msk [tilespmem:v10+s4+$0x0], $0xffff  }
0x3e: {  	v27 =	vadd.s32 $0x10, v4;
	v5 =	vor.u32 v5, v15;
	[tilespmem:s9+$0xFFFFFF10] =	vst v12;
	v9 =	vld.idx.msk [tilespmem:v17+s4+$0x0], $0xffff  }
0x3f: {  	v4 =	vor.u32 v16, v15;
	[tilespmem:s9+$0xFFFFFF90] =	vst v13;
	v12 =	vshll.u32 v27, $0x3;
	v10 =	vld.idx.msk [tilespmem:v18+s4+$0x0], $0xffff  }
0x40: {  	v11 =	vor.u32 v11, v15;
	v13 =	vld.idx.msk [tilespmem:v19+s4+$0x0], $0xffff;
	v12 =	vand.u32 $0xFFFFFC00, v12  }
0x41: {  	v28 =	vand.u32 $0x70, v27;
	v14 =	vor.u32 v14, v15;
	v29 =	vadd.s32 v1, v12  }
0x42: {  	v16 =	vor.u32 $0xC, v28;
	v17 =	vor.u32 v28, v29;
	[tilespmem:s9+$0xA0] =	vst v8  }
0x43: {  	v18 =	vor.u32 $0x4, v28;
	v8 =	vor.u32 v16, v29;
	[tilespmem:s9+$0x20] =	vst v9;
	v5 =	vld.idx.msk [tilespmem:v5+s4+$0x0], $0xffff  }
0x44: {  	v20 =	vor.u32 $0x8, v28;
	[tilespmem:s9+$0xFFFFFF20] =	vst v10;
	v10 =	vor.u32 v18, v29;
	v4 =	vld.idx.msk [tilespmem:v4+s4+$0x0], $0xffff  }
0x45: {  	v21 =	vor.u32 $0x6, v6;
	v22 =	vor.u32 v20, v29;
	v9 =	vor.u32 $0xA, v6;
	[tilespmem:s9+$0xFFFFFFA0] =	vst v13;
	v11 =	vld.idx.msk [tilespmem:v11+s4+$0x0], $0xffff  }
0x46: {  	v23 =	vor.u32 $0x2, v6;
	v13 =	vor.u32 $0xE, v6;
	v19 =	vor.u32 v9, v7;
	v14 =	vld.idx.msk [tilespmem:v14+s4+$0x0], $0xffff  }
0x47: {  	v25 =	vor.u32 v21, v7;
	v36 =	vadd.s32 v2, v12;
	v24 =	vor.u32 v13, v7;
	v12 =	vld.idx.msk [tilespmem:v17+s4+$0x0], $0xffff  }
0x48: {  	v30 =	vor.u32 v21, v15;
	v31 =	vor.u32 v23, v15;
	v17 =	vor.u32 v23, v7;
	v8 =	vld.idx.msk [tilespmem:v8+s4+$0x0], $0xffff  }
0x49: {  	v21 =	vor.u32 v28, v36;
	v20 =	vor.u32 v20, v36;
	v10 =	vld.idx.msk [tilespmem:v10+s4+$0x0], $0xffff;
	[tilespmem:s9+$0x30] =	vst v4  }
0x4a: {  	v16 =	vor.u32 v16, v36;
	v18 =	vor.u32 v18, v36;
	[tilespmem:s9+$0xFFFFFF30] =	vst v11;
	v11 =	vld.idx.msk [tilespmem:v22+s4+$0x0], $0xffff  }
0x4b: {  	v9 =	vor.u32 v9, v15;
	v13 =	vor.u32 v13, v15;
	[tilespmem:s9+$0xB0] =	vst v5;
	v19 =	vld.idx.msk [tilespmem:v19+s4+$0x0], $0xffff  }
0x4c: {  	v23 =	vor.u32 $0x3, v6;
	v4 =	vor.u32 $0xB, v6;
	v5 =	vor.u32 $0x7, v6;
	[tilespmem:s9+$0xFFFFFFB0] =	vst v14;
	v14 =	vld.idx.msk [tilespmem:v24+s4+$0x0], $0xffff  }
0x4d: {  	s29 =	simm.s32 $0xA300;
	v22 =	vor.u32 $0xF, v6;
	v6 =	vor.u32 v23, v7;
	v32 =	vor.u32 v4, v7;
	v33 =	vld.idx.msk [tilespmem:v17+s4+$0x0], $0xffff  }
0x4e: {  	v37 =	vor.u32 v5, v7;
	v4 =	vor.u32 v4, v15;
	[tilespmem:s29+$0x80] =	vst v8;
	v8 =	vld.idx.msk [tilespmem:v25+s4+$0x0], $0xffff  }
0x4f: {  	v24 =	vor.u32 v5, v15;
	v5 =	vor.u32 v22, v7;
	[tilespmem:s29+$0xFFFFFF00] =	vst v12;
	v7 =	vor.u32 $0xD, v28;
	v12 =	vld.idx.msk [tilespmem:v16+s4+$0x0], $0xffff  }
0x50: {  	v22 =	vor.u32 v22, v15;
	[tilespmem:s29+$0xFFFFFF80] =	vst v10;
	v25 =	vor.u32 v7, v36;
	v16 =	vld.idx.msk [tilespmem:v21+s4+$0x0], $0xffff  }
0x51: {  	v21 =	vor.u32 v23, v15;
	v15 =	vor.u32 v7, v29;
	[tilespmem:s29+$0x0] =	vst v11;
	v7 =	vld.idx.msk [tilespmem:v18+s4+$0x0], $0xffff  }
0x52: {  	v42 =	vor.u32 $0xB, v28;
	v10 =	vor.u32 $0x1, v28;
	[tilespmem:s9+$0x40] =	vst v19;
	v39 =	vld.idx.msk [tilespmem:v20+s4+$0x0], $0xffff  }
0x53: {  	v63 =	vor.u32 $0x3, v28;
	v17 =	vor.u32 $0x9, v28;
	v34 =	vor.u32 v10, v29;
	[tilespmem:s9+$0xC0] =	vst v14;
	v9 =	vld.idx.msk [tilespmem:v9+s4+$0x0], $0xffff  }
0x54: {  	v35 =	vor.u32 v17, v29;
	v26 =	vor.u32 v17, v36;
	v23 =	vor.u32 $0x5, v28;
	[tilespmem:s9+$0xFFFFFF40] =	vst v33;
	v41 =	vld.idx.msk [tilespmem:v13+s4+$0x0], $0xffff  }
0x55: {  	v11 =	vor.u32 $0xA, v28;
	v38 =	vor.u32 v23, v29;
	v19 =	vor.u32 v10, v36;
	v33 =	vld.idx.msk [tilespmem:v31+s4+$0x0], $0xffff;
	[tilespmem:s9+$0xFFFFFFC0] =	vst v8  }
0x56: {  	v10 =	vor.u32 $0xE, v28;
	v18 =	vor.u32 v23, v36;
	v23 =	vor.u32 v11, v29;
	[tilespmem:s29+$0x90] =	vst v12;
	v30 =	vld.idx.msk [tilespmem:v30+s4+$0x0], $0xffff  }
0x57: {  	v17 =	vor.u32 v10, v29;
	v14 =	vor.u32 v10, v36;
	v12 =	vor.u32 $0x6, v28;
	[tilespmem:s29+$0xFFFFFF10] =	vst v16;
	v40 =	vld.idx.msk [tilespmem:v15+s4+$0x0], $0xffff  }
0x58: {  	v8 =	vor.u32 v11, v36;
	v15 =	vor.u32 $0x2, v28;
	v20 =	vor.u32 v12, v29;
	[tilespmem:s29+$0x10] =	vst v39;
	v34 =	vld.idx.msk [tilespmem:v34+s4+$0x0], $0xffff  }
0x59: {  	v10 =	vor.u32 $0xF, v28;
	v11 =	vor.u32 v12, v36;
	v16 =	vor.u32 v15, v29;
	[tilespmem:s9+$0x50] =	vst v9;
	v35 =	vld.idx.msk [tilespmem:v35+s4+$0x0], $0xffff  }
0x5a: {  	[tilespmem:s29+$0xFFFFFF90] =	vst v7;
	v9 =	vor.u32 $0x7, v28;
	v15 =	vor.u32 v15, v36;
	v28 =	vor.u32 v42, v36;
	v31 =	vld.idx.msk [tilespmem:v32+s4+$0x0], $0xffff  }
0x5b: {  	[tilespmem:s9+$0xD0] =	vst v41;
	v12 =	vor.u32 v9, v29;
	v7 =	vor.u32 v9, v36;
	v9 =	vor.u32 v63, v36  }
0x5c: {  	s28 =	sshll.u32 s26, $0x1;
	[tilespmem:s9+$0xFFFFFFD0] =	vst v30;
	v30 =	vor.u32 v10, v29;
	v10 =	vor.u32 v10, v36;
	v36 =	vld.idx.msk [tilespmem:v38+s4+$0x0], $0xffff  }
0x5d: {  	s12 =	simm.s32 $0x4;
	s23 =	simm.s32 $0xA300;
	s16 =	sadd.s32 s5, s28;
	v27 =	vadd.s32 $0x10, v27;
	v13 =	vor.u32 v42, v29;
	v29 =	vor.u32 v63, v29;
	[tilespmem:s29+$0xA0] =	vst v40;
	v32 =	vld.idx.msk [tilespmem:v37+s4+$0x0], $0xffff  }
.LBB2_3:
0x5e: {  	v37 =	vshll.u32 v27, $0x3;
	s12 =	sadd.s32 $0x4, s12;
	[tilespmem:s9+$0xFFFFFF50] =	vst v33;
	v33 =	vld.idx.msk [tilespmem:v5+s4+$0x0], $0xffff;
	v5 =	vmov v30  }
0x5f: {  	v30 =	vand.u32 $0x70, v27;
	v37 =	vand.u32 $0xFFFFFC00, v37;
	p3 =	slt.u32 s12, $0x7C;
	v38 =	vld.idx.msk [tilespmem:v6+s4+$0x0], $0xffff;
	[tilespmem:s9+$0x60] =	vst v31;
	v6 =	vmov v29  }
0x60: {  	v31 =	vor.u32 $0x8, v30;
	v39 =	vor.u32 $0xC, v30;
	v29 =	vadd.s32 v1, v37;
	[tilespmem:s29+$0xFFFFFF20] =	vst v34;
	v34 =	vld.idx.msk [tilespmem:v4+s4+$0x0], $0xffff;
	v4 =	vmovc v28  }
0x61: {  	v40 =	vor.u32 $0x4, v30;
	v28 =	vor.u32 v30, v29;
	v41 =	vor.u32 v31, v29;
	[tilespmem:s29+$0x20] =	vst v35;
	v35 =	vld.idx.msk [tilespmem:v25+s4+$0x0], $0xffff  }
0x62: {  	v42 =	vor.u32 v40, v29;
	v43 =	vor.u32 v39, v29;
	v25 =	vor.u32 $0xD, v30;
	v44 =	vld.idx.msk [tilespmem:v26+s4+$0x0], $0xffff;
	[tilespmem:s9+$0xFFFFFFE0] =	vst v32  }
0x63: {  	v32 =	vadd.s32 v2, v37;
	v26 =	vor.u32 $0x1, v30;
	v37 =	vor.u32 v25, v29;
	[tilespmem:s29+$0xFFFFFFA0] =	vst v36;
	v24 =	vld.idx.msk [tilespmem:v24+s4+$0x0], $0xffff  }
0x64: {  	v45 =	vor.u32 $0x9, v30;
	v36 =	vor.u32 v30, v32;
	v39 =	vor.u32 v39, v32;
	v46 =	vld.idx.msk [tilespmem:v19+s4+$0x0], $0xffff;
	[tilespmem:s9+$0xE0] =	vst v33  }
0x65: {  	v31 =	vor.u32 v31, v32;
	v33 =	vor.u32 v40, v32;
	v40 =	vor.u32 $0x5, v30;
	[tilespmem:s9+$0xFFFFFF60] =	vst v38;
	v22 =	vld.idx.msk [tilespmem:v22+s4+$0x0], $0xffff  }
0x66: {  	v48 =	vor.u32 $0xA, v30;
	v47 =	vor.u32 v45, v29;
	v38 =	vor.u32 v26, v29;
	v21 =	vld.idx.msk [tilespmem:v21+s4+$0x0], $0xffff;
	[tilespmem:s9+$0x70] =	vst v34  }
0x67: {  	v25 =	vor.u32 v25, v32;
	v49 =	vor.u32 v40, v29;
	v34 =	vor.u32 $0xE, v30;
	v50 =	vld.idx.msk [tilespmem:v18+s4+$0x0], $0xffff;
	[tilespmem:s29+$0xB0] =	vst v35  }
0x68: {  	v19 =	vor.u32 v26, v32;
	v26 =	vor.u32 v45, v32;
	v35 =	vor.u32 $0x6, v30;
	v43 =	vld.idx.msk [tilespmem:v43+s4+$0x0], $0xffff;
	[tilespmem:s29+$0x30] =	vst v44  }
0x69: {  	v18 =	vor.u32 v40, v32;
	v40 =	vor.u32 v48, v29;
	v44 =	vld.idx.msk [tilespmem:v28+s4+$0x0], $0xffff;
	v28 =	vor.u32 $0x2, v30;
	[tilespmem:s9+$0xFFFFFFF0] =	vst v24  }
0x6a: {  	v45 =	vor.u32 $0xB, v30;
	v24 =	vld.idx.msk [tilespmem:v42+s4+$0x0], $0xffff;
	v42 =	vor.u32 v48, v32;
	v48 =	vor.u32 v34, v29;
	[tilespmem:s29+$0xFFFFFF30] =	vst v46  }
0x6b: {  	v51 =	vor.u32 $0x7, v30;
	v46 =	vor.u32 v35, v29;
	v35 =	vor.u32 v35, v32;
	s29 =	sadd.s32 $0x200, s29;
	v52 =	vld.idx.msk [tilespmem:v23+s4+$0x0], $0xffff;
	[tilespmem:s9+$0xF0] =	vst v22  }
0x6c: {  	v53 =	vor.u32 $0xF, v30;
	v34 =	vor.u32 v34, v32;
	v22 =	vor.u32 v28, v29;
	v41 =	vld.idx.msk [tilespmem:v41+s4+$0x0], $0xffff;
	[tilespmem:s9+$0xFFFFFF70] =	vst v21;
	s9 =	smov.u32 s23;
	s23 =	smov.u32 s29  }
0x6d: {  	v55 =	vor.u32 v45, v29;
	v54 =	vor.u32 v28, v32;
	v21 =	vor.u32 $0x3, v30;
	[tilespmem:s9+$0xFFFFFFB0] =	vst v50;
	v50 =	vld.idx.msk [tilespmem:v17+s4+$0x0], $0xffff  }
0x6e: {  	v56 =	vor.u32 v51, v29;
	v28 =	vor.u32 v45, v32;
	v23 =	vmov v40;
	[tilespmem:s29+$0x80] =	vst v43;
	v43 =	vld.idx.msk [tilespmem:v20+s4+$0x0], $0xffff  }
0x6f: {  	v40 =	vor.u32 v51, v32;
	v30 =	vor.u32 v53, v29;
	v17 =	vmov v48;
	[tilespmem:s29+$0xFFFFFF00] =	vst v44;
	v39 =	vld.idx.msk [tilespmem:v39+s4+$0x0], $0xffff  }
0x70: {  	v29 =	vor.u32 v21, v29;
	v20 =	vmov v46;
	v44 =	vor.u32 v53, v32;
	v36 =	vld.idx.msk [tilespmem:v36+s4+$0x0], $0xffff;
	[tilespmem:s29+$0xFFFFFF80] =	vst v24  }
0x71: {  	v32 =	vor.u32 v21, v32;
	v24 =	vmovc v7;
	v7 =	vmov v40;
	v45 =	vld.idx.msk [tilespmem:v16+s4+$0x0], $0xffff;
	[tilespmem:s9+$0x40] =	vst v52;
	v16 =	vmov v22  }
0x72: {  	v21 =	vmovc v9;
	v9 =	vmovc v32;
	v22 =	vmov v10;
	v10 =	vmov v44;
	[tilespmem:s29+$0x0] =	vst v41;
	v40 =	vld.idx.msk [tilespmem:v8+s4+$0x0], $0xffff;
	v8 =	vmov v42  }
0x73: {  	v31 =	vld.idx.msk [tilespmem:v31+s4+$0x0], $0xffff;
	[tilespmem:s9+$0xC0] =	vst v50  }
0x74: {  	v32 =	vld.idx.msk [tilespmem:v33+s4+$0x0], $0xffff;
	[tilespmem:s9+$0xFFFFFFC0] =	vst v43  }
0x75: {  	[tilespmem:s29+$0x90] =	vst v39;
	v39 =	vld.idx.msk [tilespmem:v11+s4+$0x0], $0xffff;
	v11 =	vmov v35  }
0x76: {  	[tilespmem:s29+$0xFFFFFF10] =	vst v36;
	v36 =	vld.idx.msk [tilespmem:v37+s4+$0x0], $0xffff  }
0x77: {  	[tilespmem:s9+$0xFFFFFF40] =	vst v45;
	v37 =	vld.idx.msk [tilespmem:v14+s4+$0x0], $0xffff;
	v14 =	vmov v34  }
0x78: {  	v33 =	vld.idx.msk [tilespmem:v15+s4+$0x0], $0xffff;
	[tilespmem:s9+$0x50] =	vst v40;
	v15 =	vmov v54  }
.Ltmp2:
0x79: {  	[tilespmem:s29+$0x10] =	vst v31;
	v31 =	vld.idx.msk [tilespmem:v13+s4+$0x0], $0xffff;
	v13 =	vmov v55;
	(pc) =	sbr.rel @p3 .LBB2_3-.Ltmp2, $4  }
0x7a: {  	v34 =	vld.idx.msk [tilespmem:v38+s4+$0x0], $0xffff;
	[tilespmem:s29+$0xFFFFFF90] =	vst v32  }
0x7b: {  	v35 =	vld.idx.msk [tilespmem:v47+s4+$0x0], $0xffff;
	[tilespmem:s9+$0xFFFFFFD0] =	vst v39  }
0x7c: {  	[tilespmem:s29+$0xA0] =	vst v36;
	v32 =	vld.idx.msk [tilespmem:v12+s4+$0x0], $0xffff;
	v12 =	vmov v56  }
0x7d: {  	v27 =	vadd.s32 $0x10, v27;
	v36 =	vld.idx.msk [tilespmem:v49+s4+$0x0], $0xffff;
	[tilespmem:s9+$0xD0] =	vst v37  }
0x7e: {  	_ =	sdelay $0x3  }
0x7f: {  	v25 =	vld.idx.msk [tilespmem:v25+s4+$0x0], $0xffff;
	[tilespmem:s29+$0xFFFFFF20] =	vst v34  }
0x80: {  	[tilespmem:s29+$0x20] =	vst v35;
	v19 =	vld.idx.msk [tilespmem:v19+s4+$0x0], $0xffff  }
0x81: {  	v26 =	vld.idx.msk [tilespmem:v26+s4+$0x0], $0xffff;
	[tilespmem:s29+$0xFFFFFFA0] =	vst v36  }
0x82: {  	[tilespmem:s9+$0xFFFFFF50] =	vst v33;
	v18 =	vld.idx.msk [tilespmem:v18+s4+$0x0], $0xffff  }
0x83: {  	[tilespmem:s9+$0x60] =	vst v31  }
0x84: {  	v5 =	vld.idx.msk [tilespmem:v5+s4+$0x0], $0xffff;
	[tilespmem:s29+$0xB0] =	vst v25  }
0x85: {  	v17 =	vld.idx.msk [tilespmem:v17+s4+$0x0], $0xffff;
	[tilespmem:s29+$0xFFFFFF30] =	vst v19  }
0x86: {  	[tilespmem:s29+$0x30] =	vst v26;
	v16 =	vld.idx.msk [tilespmem:v16+s4+$0x0], $0xffff  }
0x87: {  	v23 =	vld.idx.msk [tilespmem:v23+s4+$0x0], $0xffff;
	[tilespmem:s23+$0xFFFFFFB0] =	vst v18  }
0x88: {  	[tilespmem:s9+$0xFFFFFFE0] =	vst v32;
	v18 =	vld.idx.msk [tilespmem:v20+s4+$0x0], $0xffff  }
0x89: {  	v6 =	vld.idx.msk [tilespmem:v6+s4+$0x0], $0xffff;
	[tilespmem:s9+$0xE0] =	vst v5  }
0x8a: {  	v4 =	vld.idx.msk [tilespmem:v4+s4+$0x0], $0xffff;
	[tilespmem:s23+$0xC0] =	vst v17  }
0x8b: {  	v14 =	vld.idx.msk [tilespmem:v14+s4+$0x0], $0xffff;
	[tilespmem:s23+$0xFFFFFF40] =	vst v16  }
0x8c: {  	[tilespmem:s23+$0x40] =	vst v23;
	v5 =	vld.idx.msk [tilespmem:v15+s4+$0x0], $0xffff  }
0x8d: {  	v8 =	vld.idx.msk [tilespmem:v8+s4+$0x0], $0xffff;
	[tilespmem:s23+$0xFFFFFFC0] =	vst v18  }
0x8e: {  	[tilespmem:s9+$0xFFFFFF60] =	vst v6;
	v11 =	vld.idx.msk [tilespmem:v11+s4+$0x0], $0xffff  }
0x8f: {  	[tilespmem:s9+$0x70] =	vst v4  }
0x90: {  	v6 =	vld.idx.msk [tilespmem:v24+s4+$0x0], $0xffff;
	[tilespmem:s23+$0xD0] =	vst v14  }
0x91: {  	[tilespmem:s23+$0xFFFFFF50] =	vst v5;
	v5 =	vld.idx.msk [tilespmem:v30+s4+$0x0], $0xffff  }
0x92: {  	[tilespmem:s23+$0x50] =	vst v8;
	v4 =	vld.idx.msk [tilespmem:v29+s4+$0x0], $0xffff  }
0x93: {  	v8 =	vld.idx.msk [tilespmem:v13+s4+$0x0], $0xffff;
	[tilespmem:s23+$0xFFFFFFD0] =	vst v11  }
0x94: {  	v11 =	vld.idx.msk [tilespmem:v12+s4+$0x0], $0xffff  }
0x95: {  	[tilespmem:s9+$0xFFFFFFF0] =	vst v6;
	v6 =	vld.idx.msk [tilespmem:v21+s4+$0x0], $0xffff  }
0x96: {  	v12 =	vld.idx.msk [tilespmem:v22+s4+$0x0], $0xffff;
	[tilespmem:s23+$0xE0] =	vst v5  }
0x97: {  	[tilespmem:s23+$0xFFFFFF60] =	vst v4;
	v4 =	vld.idx.msk [tilespmem:v10+s4+$0x0], $0xffff  }
0x98: {  	[tilespmem:s23+$0x60] =	vst v8;
	v5 =	vld.idx.msk [tilespmem:v9+s4+$0x0], $0xffff  }
0x99: {  	v8 =	vld.idx.msk [tilespmem:v28+s4+$0x0], $0xffff;
	[tilespmem:s23+$0xFFFFFFE0] =	vst v11  }
0x9a: {  	[tilespmem:s9+$0xFFFFFF70] =	vst v6;
	v7 =	vld.idx.msk [tilespmem:v7+s4+$0x0], $0xffff  }
0x9b: {  	[tilespmem:s9+$0xF0] =	vst v12  }
0x9c: {  	[tilespmem:s23+$0xF0] =	vst v4  }
0x9d: {  	s16 =	sshll.u32 s16, $0xB;
	[tilespmem:s23+$0xFFFFFF70] =	vst v5  }
0x9e: {  	s9 =	sand.u32 $0x1FFFF800, s16;
	[tilespmem:s23+$0x70] =	vst v8  }
0x9f: {  	s9 =	sadd.s32 s6, s9;
	[tilespmem:s23+$0xFFFFFFF0] =	vst v7  }
0xa0: {  	[hbm4b:s9+s4] =	stream.linear.scatter [tilespmem:s30], [sflag:$0x3], $0x4000, $0x38;
	[tilespmem:$0x14000] =	vst v63  }
0xa1: {  	s9 =	sadd.s32 $0x2, s28  }
0xa2: {  	p3 =	sge.u32 s9, s7  }
0xa3: {  	s9 =	sadd.s32 @!p3 s5, s9  }
0xa4: {  	s9 =	sshll.u32 @!p3 s9, $0x9  }
0xa5: {  	s9 =	sand.u32 @!p3 $0x1FFFFE00, s9  }
0xa6: {  	s12 =	simm.s32 @!p3 $0x0;
	s9 =	sadd.s32 @!p3 s1, s9  }
0xa7: {  	[tilespmem:s12], [sflag:$0x1] =	stream.linear.gather @!p3 [hbm4b:s9+s12], $0x1000, $0x38;
	[tilespmem:$0x14000] =	vst v63  }
0xa8: {  	s23 =	simm.s32 @!p3 $0x1400;
	s16 =	sadd.s32 @!p3 $0xF4280, s9  }
0xa9: {  	[tilespmem:s23], [sflag:$0x1] =	stream.linear.gather @!p3 [hbm4b:s16+s12], $0x1000, $0x38;
	[tilespmem:$0x14000] =	vst v63  }
0xaa: {  	s16 =	sadd.s32 @!p3 $0x1E8500, s9;
	s23 =	simm.s32 @!p3 $0x2800  }
0xab: {  	v4 =	vimm.s32 $0x0;
	[tilespmem:s23], [sflag:$0x1] =	stream.linear.gather @!p3 [hbm4b:s16+s12], $0x1000, $0x38;
	[tilespmem:$0x14000] =	vst v63  }
0xac: {  	v5 =	vshll.u32 v4, $0x3;
	s9 =	sadd.s32 @!p3 $0x2DC780, s9;
	s16 =	simm.s32 @!p3 $0x3C00  }
0xad: {  	v6 =	vand.u32 $0x70, v4;
	v5 =	vand.u32 $0xFFFFFC00, v5;
	[tilespmem:s16], [sflag:$0x1] =	stream.linear.gather @!p3 [hbm4b:s9+s12], $0x1000, $0x38;
	[tilespmem:$0x14000] =	vst v63  }
0xae: {  	v8 =	vor.u32 $0xC, v6;
	v7 =	vadd.s32 v1, v5;
	_ =	swait.ge [sflag:s31], $0x4000  }
0xaf: {  	v9 =	vor.u32 $0x8, v6;
	v10 =	vor.u32 v8, v7;
	[sflag:s31] =	ssyncset.done $0x0  }
0xb0: {  	v11 =	vor.u32 v9, v7;
	s9 =	simm.s32 @!p2 $0x4;
	[sflag:s31] =	ssyncadd.s32 $0xFFFFC000  }
0xb1: {  	v13 =	vor.u32 $0x4, v6;
	v12 =	vor.u32 v6, v7;
	_ =	swait.ge @!p2 [sflag:s9], $0x4000  }
0xb2: {  	v14 =	vor.u32 v13, v7;
	[sflag:s9] =	ssyncset.done @!p2 $0x0  }
0xb3: {  	[sflag:s9] =	ssyncadd.s32 @!p2 $0xFFFFC000  }
0xb4: {  	v15 =	vadd.s32 v2, v5;
	v5 =	vld.idx.msk [tilespmem:v10+s25+$0x0], $0xffff  }
0xb5: {  	v8 =	vor.u32 v8, v15;
	v10 =	vld.idx.msk [tilespmem:v11+s25+$0x0], $0xffff  }
0xb6: {  	v9 =	vor.u32 v9, v15;
	v11 =	vld.idx.msk [tilespmem:v12+s25+$0x0], $0xffff  }
0xb7: {  	v12 =	vor.u32 v6, v15;
	v14 =	vld.idx.msk [tilespmem:v14+s25+$0x0], $0xffff  }
0xb8: {  	v13 =	vor.u32 v13, v15;
	s9 =	simm.s32 $0xE000  }
0xb9: {  	[tilespmem:s9+$0x180] =	vst v5  }
0xba: {  	v5 =	vor.u32 $0xD, v6;
	[tilespmem:s9+$0x100] =	vst v10;
	v8 =	vld.idx.msk [tilespmem:v8+s25+$0x0], $0xffff  }
0xbb: {  	v16 =	vor.u32 $0x9, v6;
	[tilespmem:s9+$0x0] =	vst v11;
	v10 =	vor.u32 v5, v7;
	v9 =	vld.idx.msk [tilespmem:v9+s25+$0x0], $0xffff  }
0xbc: {  	v17 =	vor.u32 v16, v7;
	v11 =	vor.u32 $0x1, v6;
	[tilespmem:s9+$0x80] =	vst v14;
	v12 =	vld.idx.msk [tilespmem:v12+s25+$0x0], $0xffff  }
0xbd: {  	v14 =	vor.u32 $0x5, v6;
	v18 =	vor.u32 v11, v7;
	v13 =	vld.idx.msk [tilespmem:v13+s25+$0x0], $0xffff  }
0xbe: {  	v19 =	vor.u32 v14, v7  }
0xbf: {  	[tilespmem:s9+$0x190] =	vst v8  }
0xc0: {  	[tilespmem:s9+$0x110] =	vst v9;
	v8 =	vld.idx.msk [tilespmem:v10+s25+$0x0], $0xffff  }
0xc1: {  	v27 =	vadd.s32 $0x10, v4;
	v5 =	vor.u32 v5, v15;
	[tilespmem:s9+$0x10] =	vst v12;
	v9 =	vld.idx.msk [tilespmem:v17+s25+$0x0], $0xffff  }
0xc2: {  	v4 =	vor.u32 v16, v15;
	[tilespmem:s9+$0x90] =	vst v13;
	v12 =	vshll.u32 v27, $0x3;
	v10 =	vld.idx.msk [tilespmem:v18+s25+$0x0], $0xffff  }
0xc3: {  	v11 =	vor.u32 v11, v15;
	v13 =	vld.idx.msk [tilespmem:v19+s25+$0x0], $0xffff;
	v12 =	vand.u32 $0xFFFFFC00, v12  }
0xc4: {  	v28 =	vand.u32 $0x70, v27;
	v14 =	vor.u32 v14, v15;
	v29 =	vadd.s32 v1, v12  }
0xc5: {  	v16 =	vor.u32 $0xC, v28;
	v17 =	vor.u32 v28, v29;
	[tilespmem:s9+$0x1A0] =	vst v8  }
0xc6: {  	v18 =	vor.u32 $0x4, v28;
	v8 =	vor.u32 v16, v29;
	[tilespmem:s9+$0x120] =	vst v9;
	v5 =	vld.idx.msk [tilespmem:v5+s25+$0x0], $0xffff  }
0xc7: {  	v20 =	vor.u32 $0x8, v28;
	[tilespmem:s9+$0x20] =	vst v10;
	v10 =	vor.u32 v18, v29;
	v4 =	vld.idx.msk [tilespmem:v4+s25+$0x0], $0xffff  }
0xc8: {  	v21 =	vor.u32 $0x6, v6;
	v22 =	vor.u32 v20, v29;
	v9 =	vor.u32 $0xA, v6;
	[tilespmem:s9+$0xA0] =	vst v13;
	v11 =	vld.idx.msk [tilespmem:v11+s25+$0x0], $0xffff  }
0xc9: {  	v23 =	vor.u32 $0x2, v6;
	v13 =	vor.u32 $0xE, v6;
	v19 =	vor.u32 v9, v7;
	v14 =	vld.idx.msk [tilespmem:v14+s25+$0x0], $0xffff  }
0xca: {  	v30 =	vor.u32 v21, v15;
	v58 =	vadd.s32 v2, v12;
	v24 =	vor.u32 v13, v7;
	v12 =	vld.idx.msk [tilespmem:v17+s25+$0x0], $0xffff  }
0xcb: {  	v31 =	vor.u32 v23, v15;
	v25 =	vor.u32 v21, v7;
	v17 =	vor.u32 v23, v7;
	v8 =	vld.idx.msk [tilespmem:v8+s25+$0x0], $0xffff  }
0xcc: {  	v21 =	vor.u32 v28, v58;
	v20 =	vor.u32 v20, v58;
	v10 =	vld.idx.msk [tilespmem:v10+s25+$0x0], $0xffff;
	[tilespmem:s9+$0x130] =	vst v4  }
0xcd: {  	v16 =	vor.u32 v16, v58;
	v18 =	vor.u32 v18, v58;
	[tilespmem:s9+$0x30] =	vst v11;
	v11 =	vld.idx.msk [tilespmem:v22+s25+$0x0], $0xffff  }
0xce: {  	v9 =	vor.u32 v9, v15;
	v13 =	vor.u32 v13, v15;
	[tilespmem:s9+$0x1B0] =	vst v5;
	v19 =	vld.idx.msk [tilespmem:v19+s25+$0x0], $0xffff  }
0xcf: {  	v23 =	vor.u32 $0x3, v6;
	v4 =	vor.u32 $0xB, v6;
	v5 =	vor.u32 $0x7, v6;
	[tilespmem:s9+$0xB0] =	vst v14;
	v14 =	vld.idx.msk [tilespmem:v24+s25+$0x0], $0xffff  }
0xd0: {  	s29 =	simm.s32 $0xE200;
	v22 =	vor.u32 $0xF, v6;
	v6 =	vor.u32 v23, v7;
	v59 =	vor.u32 v4, v7;
	v60 =	vld.idx.msk [tilespmem:v17+s25+$0x0], $0xffff  }
0xd1: {  	v37 =	vor.u32 v5, v7;
	v4 =	vor.u32 v4, v15;
	[tilespmem:s29+$0x180] =	vst v8;
	v8 =	vld.idx.msk [tilespmem:v25+s25+$0x0], $0xffff  }
0xd2: {  	v24 =	vor.u32 v5, v15;
	v5 =	vor.u32 v22, v7;
	[tilespmem:s29+$0x0] =	vst v12;
	v7 =	vor.u32 $0xD, v28;
	v12 =	vld.idx.msk [tilespmem:v16+s25+$0x0], $0xffff  }
0xd3: {  	v22 =	vor.u32 v22, v15;
	[tilespmem:s29+$0x80] =	vst v10;
	v25 =	vor.u32 v7, v58;
	v16 =	vld.idx.msk [tilespmem:v21+s25+$0x0], $0xffff  }
0xd4: {  	v21 =	vor.u32 v23, v15;
	v15 =	vor.u32 v7, v29;
	[tilespmem:s29+$0x100] =	vst v11;
	v7 =	vld.idx.msk [tilespmem:v18+s25+$0x0], $0xffff  }
0xd5: {  	v10 =	vor.u32 $0x1, v28;
	[tilespmem:s9+$0x140] =	vst v19;
	v39 =	vld.idx.msk [tilespmem:v20+s25+$0x0], $0xffff  }
0xd6: {  	v17 =	vor.u32 $0x9, v28;
	v23 =	vor.u32 $0x5, v28;
	v61 =	vor.u32 v10, v29;
	[tilespmem:s9+$0x1C0] =	vst v14;
	v9 =	vld.idx.msk [tilespmem:v9+s25+$0x0], $0xffff  }
0xd7: {  	v42 =	vor.u32 $0xB, v28;
	v62 =	vor.u32 v17, v29;
	v38 =	vor.u32 v23, v29;
	[tilespmem:s9+$0x40] =	vst v60;
	v41 =	vld.idx.msk [tilespmem:v13+s25+$0x0], $0xffff  }
0xd8: {  	v26 =	vor.u32 v17, v58;
	v11 =	vor.u32 $0xA, v28;
	v19 =	vor.u32 v10, v58;
	v33 =	vld.idx.msk [tilespmem:v31+s25+$0x0], $0xffff;
	[tilespmem:s9+$0xC0] =	vst v8  }
0xd9: {  	v10 =	vor.u32 $0xE, v28;
	v18 =	vor.u32 v23, v58;
	v23 =	vor.u32 v11, v29;
	[tilespmem:s29+$0x190] =	vst v12;
	v30 =	vld.idx.msk [tilespmem:v30+s25+$0x0], $0xffff  }
0xda: {  	v63 =	vor.u32 $0x3, v28;
	v17 =	vor.u32 v10, v29;
	v14 =	vor.u32 v10, v58;
	[tilespmem:s29+$0x10] =	vst v16;
	v40 =	vld.idx.msk [tilespmem:v15+s25+$0x0], $0xffff  }
0xdb: {  	v13 =	vor.u32 v42, v29;
	v8 =	vor.u32 v11, v58;
	v12 =	vor.u32 $0x6, v28;
	[tilespmem:s29+$0x90] =	vst v7;
	v34 =	vld.idx.msk [tilespmem:v61+s25+$0x0], $0xffff  }
0xdc: {  	v15 =	vor.u32 $0x2, v28;
	v20 =	vor.u32 v12, v29;
	v11 =	vor.u32 v12, v58;
	v36 =	vld.idx.msk [tilespmem:v38+s25+$0x0], $0xffff;
	[tilespmem:s9+$0x150] =	vst v9  }
0xdd: {  	[tilespmem:s29+$0x110] =	vst v39;
	v16 =	vor.u32 v15, v29;
	v9 =	vor.u32 $0x7, v28;
	v15 =	vor.u32 v15, v58;
	v31 =	vld.idx.msk [tilespmem:v59+s25+$0x0], $0xffff  }
0xde: {  	v10 =	vor.u32 $0xF, v28;
	v28 =	vor.u32 v42, v58;
	v35 =	vld.idx.msk [tilespmem:v62+s25+$0x0], $0xffff;
	[tilespmem:s9+$0x1D0] =	vst v41;
	v12 =	vor.u32 v9, v29  }
0xdf: {  	v7 =	vor.u32 v9, v58;
	v9 =	vor.u32 v63, v58;
	[tilespmem:s9+$0xD0] =	vst v30;
	v30 =	vor.u32 v10, v29  }
0xe0: {  	s23 =	simm.s32 $0xE200;
	s16 =	sadd.s32 s28, s15;
	s12 =	simm.s32 $0x4;
	v27 =	vadd.s32 $0x10, v27;
	v29 =	vor.u32 v63, v29;
	v10 =	vor.u32 v10, v58;
	[tilespmem:s29+$0x1A0] =	vst v40;
	v32 =	vld.idx.msk [tilespmem:v37+s25+$0x0], $0xffff  }
.LBB2_5:
0xe1: {  	v37 =	vshll.u32 v27, $0x3;
	s12 =	sadd.s32 $0x4, s12;
	[tilespmem:s9+$0x50] =	vst v33;
	v33 =	vld.idx.msk [tilespmem:v5+s25+$0x0], $0xffff;
	v5 =	vmov v30  }
0xe2: {  	v30 =	vand.u32 $0x70, v27;
	v37 =	vand.u32 $0xFFFFFC00, v37;
	p2 =	slt.u32 s12, $0x7C;
	v38 =	vld.idx.msk [tilespmem:v6+s25+$0x0], $0xffff;
	[tilespmem:s9+$0x160] =	vst v31;
	v6 =	vmov v29  }
0xe3: {  	v31 =	vor.u32 $0x8, v30;
	v39 =	vor.u32 $0xC, v30;
	v29 =	vadd.s32 v1, v37;
	[tilespmem:s29+$0x20] =	vst v34;
	v34 =	vld.idx.msk [tilespmem:v4+s25+$0x0], $0xffff;
	v4 =	vmovc v28  }
0xe4: {  	v40 =	vor.u32 $0x4, v30;
	v28 =	vor.u32 v30, v29;
	v41 =	vor.u32 v31, v29;
	[tilespmem:s29+$0x120] =	vst v35;
	v35 =	vld.idx.msk [tilespmem:v25+s25+$0x0], $0xffff  }
0xe5: {  	v42 =	vor.u32 v40, v29;
	v43 =	vor.u32 v39, v29;
	v25 =	vor.u32 $0xD, v30;
	v44 =	vld.idx.msk [tilespmem:v26+s25+$0x0], $0xffff;
	[tilespmem:s9+$0xE0] =	vst v32  }
0xe6: {  	v32 =	vadd.s32 v2, v37;
	v26 =	vor.u32 $0x1, v30;
	v37 =	vor.u32 v25, v29;
	[tilespmem:s29+$0xA0] =	vst v36;
	v24 =	vld.idx.msk [tilespmem:v24+s25+$0x0], $0xffff  }
0xe7: {  	v45 =	vor.u32 $0x9, v30;
	v36 =	vor.u32 v30, v32;
	v39 =	vor.u32 v39, v32;
	v46 =	vld.idx.msk [tilespmem:v19+s25+$0x0], $0xffff;
	[tilespmem:s9+$0x1E0] =	vst v33  }
0xe8: {  	v31 =	vor.u32 v31, v32;
	v33 =	vor.u32 v40, v32;
	v40 =	vor.u32 $0x5, v30;
	[tilespmem:s9+$0x60] =	vst v38;
	v22 =	vld.idx.msk [tilespmem:v22+s25+$0x0], $0xffff  }
0xe9: {  	v48 =	vor.u32 $0xA, v30;
	v47 =	vor.u32 v45, v29;
	v38 =	vor.u32 v26, v29;
	v21 =	vld.idx.msk [tilespmem:v21+s25+$0x0], $0xffff;
	[tilespmem:s9+$0x170] =	vst v34  }
0xea: {  	v25 =	vor.u32 v25, v32;
	v49 =	vor.u32 v40, v29;
	v34 =	vor.u32 $0xE, v30;
	v50 =	vld.idx.msk [tilespmem:v18+s25+$0x0], $0xffff;
	[tilespmem:s29+$0x1B0] =	vst v35  }
0xeb: {  	v19 =	vor.u32 v26, v32;
	v26 =	vor.u32 v45, v32;
	v35 =	vor.u32 $0x6, v30;
	v43 =	vld.idx.msk [tilespmem:v43+s25+$0x0], $0xffff;
	[tilespmem:s29+$0x130] =	vst v44  }
0xec: {  	v18 =	vor.u32 v40, v32;
	v40 =	vor.u32 v48, v29;
	v44 =	vld.idx.msk [tilespmem:v28+s25+$0x0], $0xffff;
	v28 =	vor.u32 $0x2, v30;
	[tilespmem:s9+$0xF0] =	vst v24  }
0xed: {  	v45 =	vor.u32 $0xB, v30;
	v24 =	vld.idx.msk [tilespmem:v42+s25+$0x0], $0xffff;
	v42 =	vor.u32 v48, v32;
	v48 =	vor.u32 v34, v29;
	[tilespmem:s29+$0x30] =	vst v46  }
0xee: {  	v51 =	vor.u32 $0x7, v30;
	v46 =	vor.u32 v35, v29;
	v35 =	vor.u32 v35, v32;
	s29 =	sadd.s32 $0x200, s29;
	v52 =	vld.idx.msk [tilespmem:v23+s25+$0x0], $0xffff;
	[tilespmem:s9+$0x1F0] =	vst v22  }
0xef: {  	v53 =	vor.u32 $0xF, v30;
	v34 =	vor.u32 v34, v32;
	v22 =	vor.u32 v28, v29;
	v41 =	vld.idx.msk [tilespmem:v41+s25+$0x0], $0xffff;
	[tilespmem:s9+$0x70] =	vst v21;
	s9 =	smov.u32 s23;
	s23 =	smov.u32 s29  }
0xf0: {  	v55 =	vor.u32 v45, v29;
	v54 =	vor.u32 v28, v32;
	v21 =	vor.u32 $0x3, v30;
	[tilespmem:s9+$0xB0] =	vst v50;
	v50 =	vld.idx.msk [tilespmem:v17+s25+$0x0], $0xffff  }
0xf1: {  	v56 =	vor.u32 v51, v29;
	v28 =	vor.u32 v45, v32;
	v23 =	vmov v40;
	[tilespmem:s29+$0x180] =	vst v43;
	v43 =	vld.idx.msk [tilespmem:v20+s25+$0x0], $0xffff  }
0xf2: {  	v40 =	vor.u32 v51, v32;
	v30 =	vor.u32 v53, v29;
	v17 =	vmov v48;
	[tilespmem:s29+$0x0] =	vst v44;
	v39 =	vld.idx.msk [tilespmem:v39+s25+$0x0], $0xffff  }
0xf3: {  	v29 =	vor.u32 v21, v29;
	v20 =	vmov v46;
	v44 =	vor.u32 v53, v32;
	v36 =	vld.idx.msk [tilespmem:v36+s25+$0x0], $0xffff;
	[tilespmem:s29+$0x80] =	vst v24  }
0xf4: {  	v32 =	vor.u32 v21, v32;
	v24 =	vmovc v7;
	v7 =	vmov v40;
	v45 =	vld.idx.msk [tilespmem:v16+s25+$0x0], $0xffff;
	[tilespmem:s9+$0x140] =	vst v52;
	v16 =	vmov v22  }
0xf5: {  	v21 =	vmovc v9;
	v9 =	vmovc v32;
	v22 =	vmov v10;
	v10 =	vmov v44;
	[tilespmem:s29+$0x100] =	vst v41;
	v40 =	vld.idx.msk [tilespmem:v8+s25+$0x0], $0xffff;
	v8 =	vmov v42  }
0xf6: {  	v31 =	vld.idx.msk [tilespmem:v31+s25+$0x0], $0xffff;
	[tilespmem:s9+$0x1C0] =	vst v50  }
0xf7: {  	v32 =	vld.idx.msk [tilespmem:v33+s25+$0x0], $0xffff;
	[tilespmem:s9+$0xC0] =	vst v43  }
0xf8: {  	[tilespmem:s29+$0x190] =	vst v39;
	v39 =	vld.idx.msk [tilespmem:v11+s25+$0x0], $0xffff;
	v11 =	vmov v35  }
0xf9: {  	[tilespmem:s29+$0x10] =	vst v36;
	v36 =	vld.idx.msk [tilespmem:v37+s25+$0x0], $0xffff  }
0xfa: {  	[tilespmem:s9+$0x40] =	vst v45;
	v37 =	vld.idx.msk [tilespmem:v14+s25+$0x0], $0xffff;
	v14 =	vmov v34  }
0xfb: {  	v33 =	vld.idx.msk [tilespmem:v15+s25+$0x0], $0xffff;
	[tilespmem:s9+$0x150] =	vst v40;
	v15 =	vmov v54  }
.Ltmp3:
0xfc: {  	[tilespmem:s29+$0x110] =	vst v31;
	v31 =	vld.idx.msk [tilespmem:v13+s25+$0x0], $0xffff;
	v13 =	vmov v55;
	(pc) =	sbr.rel @p2 .LBB2_5-.Ltmp3, $4  }
0xfd: {  	v34 =	vld.idx.msk [tilespmem:v38+s25+$0x0], $0xffff;
	[tilespmem:s29+$0x90] =	vst v32  }
0xfe: {  	v35 =	vld.idx.msk [tilespmem:v47+s25+$0x0], $0xffff;
	[tilespmem:s9+$0xD0] =	vst v39  }
0xff: {  	[tilespmem:s29+$0x1A0] =	vst v36;
	v32 =	vld.idx.msk [tilespmem:v12+s25+$0x0], $0xffff;
	v12 =	vmov v56  }
0x100: {  	v27 =	vadd.s32 $0x10, v27;
	v36 =	vld.idx.msk [tilespmem:v49+s25+$0x0], $0xffff;
	[tilespmem:s9+$0x1D0] =	vst v37  }
0x101: {  	_ =	sdelay $0x3  }
0x102: {  	v25 =	vld.idx.msk [tilespmem:v25+s25+$0x0], $0xffff;
	[tilespmem:s29+$0x20] =	vst v34  }
0x103: {  	[tilespmem:s29+$0x120] =	vst v35;
	v19 =	vld.idx.msk [tilespmem:v19+s25+$0x0], $0xffff  }
0x104: {  	v26 =	vld.idx.msk [tilespmem:v26+s25+$0x0], $0xffff;
	[tilespmem:s29+$0xA0] =	vst v36  }
0x105: {  	v18 =	vld.idx.msk [tilespmem:v18+s25+$0x0], $0xffff  }
0x106: {  	[tilespmem:s9+$0x50] =	vst v33  }
0x107: {  	v5 =	vld.idx.msk [tilespmem:v5+s25+$0x0], $0xffff;
	[tilespmem:s29+$0x1B0] =	vst v25  }
0x108: {  	v17 =	vld.idx.msk [tilespmem:v17+s25+$0x0], $0xffff;
	[tilespmem:s29+$0x30] =	vst v19  }
0x109: {  	[tilespmem:s29+$0x130] =	vst v26;
	v16 =	vld.idx.msk [tilespmem:v16+s25+$0x0], $0xffff  }
0x10a: {  	v23 =	vld.idx.msk [tilespmem:v23+s25+$0x0], $0xffff;
	[tilespmem:s23+$0xB0] =	vst v18  }
0x10b: {  	[tilespmem:s9+$0x160] =	vst v31;
	v18 =	vld.idx.msk [tilespmem:v20+s25+$0x0], $0xffff  }
0x10c: {  	[tilespmem:s9+$0x1E0] =	vst v5  }
0x10d: {  	v4 =	vld.idx.msk [tilespmem:v4+s25+$0x0], $0xffff;
	[tilespmem:s23+$0x1C0] =	vst v17  }
0x10e: {  	v14 =	vld.idx.msk [tilespmem:v14+s25+$0x0], $0xffff;
	[tilespmem:s23+$0x40] =	vst v16  }
0x10f: {  	[tilespmem:s23+$0x140] =	vst v23;
	v5 =	vld.idx.msk [tilespmem:v15+s25+$0x0], $0xffff  }
0x110: {  	v8 =	vld.idx.msk [tilespmem:v8+s25+$0x0], $0xffff;
	[tilespmem:s23+$0xC0] =	vst v18  }
0x111: {  	[tilespmem:s9+$0xE0] =	vst v32;
	v11 =	vld.idx.msk [tilespmem:v11+s25+$0x0], $0xffff  }
0x112: {  	v6 =	vld.idx.msk [tilespmem:v6+s25+$0x0], $0xffff;
	[tilespmem:s9+$0x170] =	vst v4  }
0x113: {  	v61 =	vld.idx.msk [tilespmem:v24+s25+$0x0], $0xffff;
	[tilespmem:s23+$0x1D0] =	vst v14  }
0x114: {  	[tilespmem:s23+$0x50] =	vst v5;
	v5 =	vld.idx.msk [tilespmem:v30+s25+$0x0], $0xffff  }
0x115: {  	[tilespmem:s23+$0x150] =	vst v8;
	v4 =	vld.idx.msk [tilespmem:v29+s25+$0x0], $0xffff  }
0x116: {  	v8 =	vld.idx.msk [tilespmem:v13+s25+$0x0], $0xffff;
	[tilespmem:s23+$0xD0] =	vst v11  }
0x117: {  	[tilespmem:s9+$0x60] =	vst v6;
	v11 =	vld.idx.msk [tilespmem:v12+s25+$0x0], $0xffff  }
0x118: {  	v62 =	vld.idx.msk [tilespmem:v22+s25+$0x0], $0xffff;
	[tilespmem:s9+$0xF0] =	vst v61  }
0x119: {  	v63 =	vld.idx.msk [tilespmem:v21+s25+$0x0], $0xffff;
	[tilespmem:s23+$0x1E0] =	vst v5  }
0x11a: {  	[tilespmem:s23+$0x60] =	vst v4;
	v4 =	vld.idx.msk [tilespmem:v10+s25+$0x0], $0xffff  }
0x11b: {  	[tilespmem:s23+$0x160] =	vst v8;
	v5 =	vld.idx.msk [tilespmem:v9+s25+$0x0], $0xffff  }
0x11c: {  	v8 =	vld.idx.msk [tilespmem:v28+s25+$0x0], $0xffff;
	[tilespmem:s23+$0xE0] =	vst v11  }
0x11d: {  	[tilespmem:s9+$0x1F0] =	vst v62;
	v7 =	vld.idx.msk [tilespmem:v7+s25+$0x0], $0xffff  }
0x11e: {  	[tilespmem:s9+$0x70] =	vst v63  }
0x11f: {  	[tilespmem:s23+$0x1F0] =	vst v4  }
0x120: {  	s29 =	sshll.u32 s16, $0xB;
	[tilespmem:s23+$0x70] =	vst v5  }
0x121: {  	s9 =	sand.u32 $0x1FFFF800, s29;
	[tilespmem:s23+$0x170] =	vst v8  }
0x122: {  	s9 =	sadd.s32 s6, s9;
	[tilespmem:s23+$0xF0] =	vst v7  }
0x123: {  	[hbm4b:s9+s4] =	stream.linear.scatter [tilespmem:s0], [sflag:$0x4], $0x4000, $0x38;
	[tilespmem:$0x14000] =	vst v63  }
0x124: {  	s9 =	sadd.s32 $0x3, s28  }
0x125: {  	p2 =	sge.u32 s9, s7  }
0x126: {  	s9 =	sadd.s32 @!p2 s5, s9  }
0x127: {  	s9 =	sshll.u32 @!p2 s9, $0x9  }
0x128: {  	s9 =	sand.u32 @!p2 $0x1FFFFE00, s9  }
0x129: {  	s12 =	simm.s32 @!p2 $0x0;
	s16 =	simm.s32 @!p2 $0x5000;
	s9 =	sadd.s32 @!p2 s1, s9  }
0x12a: {  	[tilespmem:s16], [sflag:$0x2] =	stream.linear.gather @!p2 [hbm4b:s9+s12], $0x1000, $0x38;
	[tilespmem:$0x14000] =	vst v63  }
0x12b: {  	s23 =	simm.s32 @!p2 $0x6400;
	s16 =	sadd.s32 @!p2 $0xF4280, s9  }
0x12c: {  	[tilespmem:s23], [sflag:$0x2] =	stream.linear.gather @!p2 [hbm4b:s16+s12], $0x1000, $0x38;
	[tilespmem:$0x14000] =	vst v63  }
0x12d: {  	s16 =	sadd.s32 @!p2 $0x1E8500, s9;
	s23 =	simm.s32 @!p2 $0x7800  }
0x12e: {  	[tilespmem:s23], [sflag:$0x2] =	stream.linear.gather @!p2 [hbm4b:s16+s12], $0x1000, $0x38;
	[tilespmem:$0x14000] =	vst v63  }
0x12f: {  	s26 =	sadd.s32 $0x1, s26;
	s9 =	sadd.s32 @!p2 $0x2DC780, s9;
	s16 =	simm.s32 @!p2 $0x8C00  }
0x130: {  	[tilespmem:s16], [sflag:$0x2] =	stream.linear.gather @!p2 [hbm4b:s9+s12], $0x1000, $0x38;
	[tilespmem:$0x14000] =	vst v63  }
0x131: {  	p2 =	sne.s32 s26, s11  }
.Ltmp4:
0x132: {  	_ = 	snop;
	(pc) =	sbr.rel @p2 .LBB2_2-.Ltmp4, $1  }
0x133: {  	_ =	sdelay $0x3  }
.Ltmp5:
0x134: {  	(pc) =	sbr.rel @p0 .LBB2_11-.Ltmp5, $2  }
0x135: {  	_ =	sdelay $0x2  }
0x136: {  	s9 =	simm.s32 $0x3  }
0x137: {  	v4 =	vimm.s32 $0x0  }
0x138: {  	v5 =	vshll.u32 v4, $0x3  }
0x139: {  	v6 =	vand.u32 $0x70, v4;
	v5 =	vand.u32 $0xFFFFFC00, v5  }
0x13a: {  	_ =	swait.ge [sflag:s10], $0x4000;
	v8 =	vor.u32 $0xC, v6;
	v7 =	vadd.s32 v1, v5  }
0x13b: {  	[sflag:s10] =	ssyncset.done $0x0;
	v9 =	vor.u32 $0x8, v6;
	v10 =	vor.u32 v8, v7  }
0x13c: {  	s9 =	simm.s32 $0x3;
	[sflag:s10] =	ssyncadd.s32 $0xFFFFC000;
	v11 =	vor.u32 v9, v7  }
0x13d: {  	v13 =	vor.u32 $0x4, v6;
	_ =	swait.ge [sflag:s9], $0x4000;
	v12 =	vor.u32 v6, v7  }
0x13e: {  	[sflag:s9] =	ssyncset.done $0x0;
	v14 =	vor.u32 v13, v7  }
0x13f: {  	[sflag:s9] =	ssyncadd.s32 $0xFFFFC000  }
0x140: {  	v15 =	vadd.s32 v2, v5;
	v5 =	vld.idx.msk [tilespmem:v10+s4+$0x0], $0xffff  }
0x141: {  	v8 =	vor.u32 v8, v15;
	v10 =	vld.idx.msk [tilespmem:v11+s4+$0x0], $0xffff  }
0x142: {  	v9 =	vor.u32 v9, v15;
	v11 =	vld.idx.msk [tilespmem:v12+s4+$0x0], $0xffff  }
0x143: {  	v12 =	vor.u32 v6, v15;
	v14 =	vld.idx.msk [tilespmem:v14+s4+$0x0], $0xffff  }
0x144: {  	v13 =	vor.u32 v13, v15;
	s9 =	simm.s32 $0xA100  }
0x145: {  	[tilespmem:s9+$0x80] =	vst v5  }
0x146: {  	v5 =	vor.u32 $0xD, v6;
	[tilespmem:s9+$0x0] =	vst v10;
	v8 =	vld.idx.msk [tilespmem:v8+s4+$0x0], $0xffff  }
0x147: {  	v16 =	vor.u32 $0x9, v6;
	[tilespmem:s9+$0xFFFFFF00] =	vst v11;
	v10 =	vor.u32 v5, v7;
	v9 =	vld.idx.msk [tilespmem:v9+s4+$0x0], $0xffff  }
0x148: {  	v17 =	vor.u32 v16, v7;
	v11 =	vor.u32 $0x1, v6;
	[tilespmem:s9+$0xFFFFFF80] =	vst v14;
	v12 =	vld.idx.msk [tilespmem:v12+s4+$0x0], $0xffff  }
0x149: {  	v14 =	vor.u32 $0x5, v6;
	v18 =	vor.u32 v11, v7;
	v13 =	vld.idx.msk [tilespmem:v13+s4+$0x0], $0xffff  }
0x14a: {  	v19 =	vor.u32 v14, v7  }
0x14b: {  	[tilespmem:s9+$0x90] =	vst v8  }
0x14c: {  	[tilespmem:s9+$0x10] =	vst v9;
	v8 =	vld.idx.msk [tilespmem:v10+s4+$0x0], $0xffff  }
0x14d: {  	v27 =	vadd.s32 $0x10, v4;
	v5 =	vor.u32 v5, v15;
	[tilespmem:s9+$0xFFFFFF10] =	vst v12;
	v9 =	vld.idx.msk [tilespmem:v17+s4+$0x0], $0xffff  }
0x14e: {  	v4 =	vor.u32 v16, v15;
	[tilespmem:s9+$0xFFFFFF90] =	vst v13;
	v12 =	vshll.u32 v27, $0x3;
	v10 =	vld.idx.msk [tilespmem:v18+s4+$0x0], $0xffff  }
0x14f: {  	v11 =	vor.u32 v11, v15;
	v13 =	vld.idx.msk [tilespmem:v19+s4+$0x0], $0xffff;
	v12 =	vand.u32 $0xFFFFFC00, v12  }
0x150: {  	v28 =	vand.u32 $0x70, v27;
	v14 =	vor.u32 v14, v15;
	v29 =	vadd.s32 v1, v12  }
0x151: {  	v16 =	vor.u32 $0xC, v28;
	v17 =	vor.u32 v28, v29;
	[tilespmem:s9+$0xA0] =	vst v8  }
0x152: {  	v18 =	vor.u32 $0x4, v28;
	v8 =	vor.u32 v16, v29;
	[tilespmem:s9+$0x20] =	vst v9;
	v5 =	vld.idx.msk [tilespmem:v5+s4+$0x0], $0xffff  }
0x153: {  	v20 =	vor.u32 $0x8, v28;
	[tilespmem:s9+$0xFFFFFF20] =	vst v10;
	v10 =	vor.u32 v18, v29;
	v4 =	vld.idx.msk [tilespmem:v4+s4+$0x0], $0xffff  }
0x154: {  	v21 =	vor.u32 $0x6, v6;
	v22 =	vor.u32 v20, v29;
	v9 =	vor.u32 $0xA, v6;
	[tilespmem:s9+$0xFFFFFFA0] =	vst v13;
	v11 =	vld.idx.msk [tilespmem:v11+s4+$0x0], $0xffff  }
0x155: {  	v23 =	vor.u32 $0x2, v6;
	v13 =	vor.u32 $0xE, v6;
	v19 =	vor.u32 v9, v7;
	v14 =	vld.idx.msk [tilespmem:v14+s4+$0x0], $0xffff  }
0x156: {  	v25 =	vor.u32 v21, v7;
	v36 =	vadd.s32 v2, v12;
	v24 =	vor.u32 v13, v7;
	v12 =	vld.idx.msk [tilespmem:v17+s4+$0x0], $0xffff  }
0x157: {  	v30 =	vor.u32 v21, v15;
	v31 =	vor.u32 v23, v15;
	v17 =	vor.u32 v23, v7;
	v8 =	vld.idx.msk [tilespmem:v8+s4+$0x0], $0xffff  }
0x158: {  	v21 =	vor.u32 v28, v36;
	v20 =	vor.u32 v20, v36;
	v10 =	vld.idx.msk [tilespmem:v10+s4+$0x0], $0xffff;
	[tilespmem:s9+$0x30] =	vst v4  }
0x159: {  	v16 =	vor.u32 v16, v36;
	v18 =	vor.u32 v18, v36;
	[tilespmem:s9+$0xFFFFFF30] =	vst v11;
	v11 =	vld.idx.msk [tilespmem:v22+s4+$0x0], $0xffff  }
0x15a: {  	v9 =	vor.u32 v9, v15;
	v13 =	vor.u32 v13, v15;
	[tilespmem:s9+$0xB0] =	vst v5;
	v19 =	vld.idx.msk [tilespmem:v19+s4+$0x0], $0xffff  }
0x15b: {  	v23 =	vor.u32 $0x3, v6;
	v4 =	vor.u32 $0xB, v6;
	v5 =	vor.u32 $0x7, v6;
	[tilespmem:s9+$0xFFFFFFB0] =	vst v14;
	v14 =	vld.idx.msk [tilespmem:v24+s4+$0x0], $0xffff  }
0x15c: {  	s26 =	simm.s32 $0xA300;
	v22 =	vor.u32 $0xF, v6;
	v6 =	vor.u32 v23, v7;
	v32 =	vor.u32 v4, v7;
	v33 =	vld.idx.msk [tilespmem:v17+s4+$0x0], $0xffff  }
0x15d: {  	v37 =	vor.u32 v5, v7;
	v4 =	vor.u32 v4, v15;
	[tilespmem:s26+$0x80] =	vst v8;
	v8 =	vld.idx.msk [tilespmem:v25+s4+$0x0], $0xffff  }
0x15e: {  	v24 =	vor.u32 v5, v15;
	v5 =	vor.u32 v22, v7;
	[tilespmem:s26+$0xFFFFFF00] =	vst v12;
	v7 =	vor.u32 $0xD, v28;
	v12 =	vld.idx.msk [tilespmem:v16+s4+$0x0], $0xffff  }
0x15f: {  	v22 =	vor.u32 v22, v15;
	[tilespmem:s26+$0xFFFFFF80] =	vst v10;
	v25 =	vor.u32 v7, v36;
	v16 =	vld.idx.msk [tilespmem:v21+s4+$0x0], $0xffff  }
0x160: {  	v21 =	vor.u32 v23, v15;
	v15 =	vor.u32 v7, v29;
	[tilespmem:s26+$0x0] =	vst v11;
	v7 =	vld.idx.msk [tilespmem:v18+s4+$0x0], $0xffff  }
0x161: {  	v42 =	vor.u32 $0xB, v28;
	v10 =	vor.u32 $0x1, v28;
	[tilespmem:s9+$0x40] =	vst v19;
	v39 =	vld.idx.msk [tilespmem:v20+s4+$0x0], $0xffff  }
0x162: {  	v63 =	vor.u32 $0x3, v28;
	v17 =	vor.u32 $0x9, v28;
	v34 =	vor.u32 v10, v29;
	[tilespmem:s9+$0xC0] =	vst v14;
	v9 =	vld.idx.msk [tilespmem:v9+s4+$0x0], $0xffff  }
0x163: {  	v35 =	vor.u32 v17, v29;
	v26 =	vor.u32 v17, v36;
	v23 =	vor.u32 $0x5, v28;
	[tilespmem:s9+$0xFFFFFF40] =	vst v33;
	v41 =	vld.idx.msk [tilespmem:v13+s4+$0x0], $0xffff  }
0x164: {  	v11 =	vor.u32 $0xA, v28;
	v38 =	vor.u32 v23, v29;
	v19 =	vor.u32 v10, v36;
	v33 =	vld.idx.msk [tilespmem:v31+s4+$0x0], $0xffff;
	[tilespmem:s9+$0xFFFFFFC0] =	vst v8  }
0x165: {  	v10 =	vor.u32 $0xE, v28;
	v18 =	vor.u32 v23, v36;
	v23 =	vor.u32 v11, v29;
	[tilespmem:s26+$0x90] =	vst v12;
	v30 =	vld.idx.msk [tilespmem:v30+s4+$0x0], $0xffff  }
0x166: {  	v17 =	vor.u32 v10, v29;
	v14 =	vor.u32 v10, v36;
	v12 =	vor.u32 $0x6, v28;
	[tilespmem:s26+$0xFFFFFF10] =	vst v16;
	v40 =	vld.idx.msk [tilespmem:v15+s4+$0x0], $0xffff  }
0x167: {  	v8 =	vor.u32 v11, v36;
	v15 =	vor.u32 $0x2, v28;
	v20 =	vor.u32 v12, v29;
	[tilespmem:s26+$0x10] =	vst v39;
	v34 =	vld.idx.msk [tilespmem:v34+s4+$0x0], $0xffff  }
0x168: {  	v10 =	vor.u32 $0xF, v28;
	v11 =	vor.u32 v12, v36;
	v16 =	vor.u32 v15, v29;
	[tilespmem:s9+$0x50] =	vst v9;
	v35 =	vld.idx.msk [tilespmem:v35+s4+$0x0], $0xffff  }
0x169: {  	[tilespmem:s26+$0xFFFFFF90] =	vst v7;
	v9 =	vor.u32 $0x7, v28;
	v15 =	vor.u32 v15, v36;
	v28 =	vor.u32 v42, v36;
	v31 =	vld.idx.msk [tilespmem:v32+s4+$0x0], $0xffff  }
0x16a: {  	[tilespmem:s9+$0xD0] =	vst v41;
	v12 =	vor.u32 v9, v29;
	v7 =	vor.u32 v9, v36;
	v9 =	vor.u32 v63, v36  }
0x16b: {  	[tilespmem:s9+$0xFFFFFFD0] =	vst v30;
	v30 =	vor.u32 v10, v29;
	v10 =	vor.u32 v10, v36;
	v36 =	vld.idx.msk [tilespmem:v38+s4+$0x0], $0xffff  }
0x16c: {  	s12 =	simm.s32 $0x4;
	s16 =	simm.s32 $0xA300;
	v27 =	vadd.s32 $0x10, v27;
	v13 =	vor.u32 v42, v29;
	v29 =	vor.u32 v63, v29;
	[tilespmem:s26+$0xA0] =	vst v40;
	v32 =	vld.idx.msk [tilespmem:v37+s4+$0x0], $0xffff  }
.LBB2_9:
0x16d: {  	v37 =	vshll.u32 v27, $0x3;
	s12 =	sadd.s32 $0x4, s12;
	[tilespmem:s9+$0xFFFFFF50] =	vst v33;
	v33 =	vld.idx.msk [tilespmem:v5+s4+$0x0], $0xffff;
	v5 =	vmov v30  }
0x16e: {  	v30 =	vand.u32 $0x70, v27;
	v37 =	vand.u32 $0xFFFFFC00, v37;
	p2 =	slt.u32 s12, $0x7C;
	v38 =	vld.idx.msk [tilespmem:v6+s4+$0x0], $0xffff;
	[tilespmem:s9+$0x60] =	vst v31;
	v6 =	vmov v29  }
0x16f: {  	v31 =	vor.u32 $0x8, v30;
	v39 =	vor.u32 $0xC, v30;
	v29 =	vadd.s32 v1, v37;
	[tilespmem:s26+$0xFFFFFF20] =	vst v34;
	v34 =	vld.idx.msk [tilespmem:v4+s4+$0x0], $0xffff;
	v4 =	vmovc v28  }
0x170: {  	v40 =	vor.u32 $0x4, v30;
	v28 =	vor.u32 v30, v29;
	v41 =	vor.u32 v31, v29;
	[tilespmem:s26+$0x20] =	vst v35;
	v35 =	vld.idx.msk [tilespmem:v25+s4+$0x0], $0xffff  }
0x171: {  	v42 =	vor.u32 v40, v29;
	v43 =	vor.u32 v39, v29;
	v25 =	vor.u32 $0xD, v30;
	v44 =	vld.idx.msk [tilespmem:v26+s4+$0x0], $0xffff;
	[tilespmem:s9+$0xFFFFFFE0] =	vst v32  }
0x172: {  	v32 =	vadd.s32 v2, v37;
	v26 =	vor.u32 $0x1, v30;
	v37 =	vor.u32 v25, v29;
	[tilespmem:s26+$0xFFFFFFA0] =	vst v36;
	v24 =	vld.idx.msk [tilespmem:v24+s4+$0x0], $0xffff  }
0x173: {  	v45 =	vor.u32 $0x9, v30;
	v36 =	vor.u32 v30, v32;
	v39 =	vor.u32 v39, v32;
	v46 =	vld.idx.msk [tilespmem:v19+s4+$0x0], $0xffff;
	[tilespmem:s9+$0xE0] =	vst v33  }
0x174: {  	v31 =	vor.u32 v31, v32;
	v33 =	vor.u32 v40, v32;
	v40 =	vor.u32 $0x5, v30;
	[tilespmem:s9+$0xFFFFFF60] =	vst v38;
	v22 =	vld.idx.msk [tilespmem:v22+s4+$0x0], $0xffff  }
0x175: {  	v48 =	vor.u32 $0xA, v30;
	v47 =	vor.u32 v45, v29;
	v38 =	vor.u32 v26, v29;
	v21 =	vld.idx.msk [tilespmem:v21+s4+$0x0], $0xffff;
	[tilespmem:s9+$0x70] =	vst v34  }
0x176: {  	v25 =	vor.u32 v25, v32;
	v49 =	vor.u32 v40, v29;
	v34 =	vor.u32 $0xE, v30;
	v50 =	vld.idx.msk [tilespmem:v18+s4+$0x0], $0xffff;
	[tilespmem:s26+$0xB0] =	vst v35  }
0x177: {  	v19 =	vor.u32 v26, v32;
	v26 =	vor.u32 v45, v32;
	v35 =	vor.u32 $0x6, v30;
	v43 =	vld.idx.msk [tilespmem:v43+s4+$0x0], $0xffff;
	[tilespmem:s26+$0x30] =	vst v44  }
0x178: {  	v18 =	vor.u32 v40, v32;
	v40 =	vor.u32 v48, v29;
	v44 =	vld.idx.msk [tilespmem:v28+s4+$0x0], $0xffff;
	v28 =	vor.u32 $0x2, v30;
	[tilespmem:s9+$0xFFFFFFF0] =	vst v24  }
0x179: {  	v45 =	vor.u32 $0xB, v30;
	v24 =	vld.idx.msk [tilespmem:v42+s4+$0x0], $0xffff;
	v42 =	vor.u32 v48, v32;
	v48 =	vor.u32 v34, v29;
	[tilespmem:s26+$0xFFFFFF30] =	vst v46  }
0x17a: {  	v51 =	vor.u32 $0x7, v30;
	v46 =	vor.u32 v35, v29;
	v35 =	vor.u32 v35, v32;
	s26 =	sadd.s32 $0x200, s26;
	v52 =	vld.idx.msk [tilespmem:v23+s4+$0x0], $0xffff;
	[tilespmem:s9+$0xF0] =	vst v22  }
0x17b: {  	v53 =	vor.u32 $0xF, v30;
	v34 =	vor.u32 v34, v32;
	v22 =	vor.u32 v28, v29;
	v41 =	vld.idx.msk [tilespmem:v41+s4+$0x0], $0xffff;
	[tilespmem:s9+$0xFFFFFF70] =	vst v21;
	s9 =	smov.u32 s16;
	s16 =	smov.u32 s26  }
0x17c: {  	v55 =	vor.u32 v45, v29;
	v54 =	vor.u32 v28, v32;
	v21 =	vor.u32 $0x3, v30;
	[tilespmem:s9+$0xFFFFFFB0] =	vst v50;
	v50 =	vld.idx.msk [tilespmem:v17+s4+$0x0], $0xffff  }
0x17d: {  	v56 =	vor.u32 v51, v29;
	v28 =	vor.u32 v45, v32;
	v23 =	vmov v40;
	[tilespmem:s26+$0x80] =	vst v43;
	v43 =	vld.idx.msk [tilespmem:v20+s4+$0x0], $0xffff  }
0x17e: {  	v40 =	vor.u32 v51, v32;
	v30 =	vor.u32 v53, v29;
	v17 =	vmov v48;
	[tilespmem:s26+$0xFFFFFF00] =	vst v44;
	v39 =	vld.idx.msk [tilespmem:v39+s4+$0x0], $0xffff  }
0x17f: {  	v29 =	vor.u32 v21, v29;
	v20 =	vmov v46;
	v44 =	vor.u32 v53, v32;
	v36 =	vld.idx.msk [tilespmem:v36+s4+$0x0], $0xffff;
	[tilespmem:s26+$0xFFFFFF80] =	vst v24  }
0x180: {  	v32 =	vor.u32 v21, v32;
	v24 =	vmovc v7;
	v7 =	vmov v40;
	v45 =	vld.idx.msk [tilespmem:v16+s4+$0x0], $0xffff;
	[tilespmem:s9+$0x40] =	vst v52;
	v16 =	vmov v22  }
0x181: {  	v21 =	vmovc v9;
	v9 =	vmovc v32;
	v22 =	vmov v10;
	v10 =	vmov v44;
	[tilespmem:s26+$0x0] =	vst v41;
	v40 =	vld.idx.msk [tilespmem:v8+s4+$0x0], $0xffff;
	v8 =	vmov v42  }
0x182: {  	v31 =	vld.idx.msk [tilespmem:v31+s4+$0x0], $0xffff;
	[tilespmem:s9+$0xC0] =	vst v50  }
0x183: {  	v32 =	vld.idx.msk [tilespmem:v33+s4+$0x0], $0xffff;
	[tilespmem:s9+$0xFFFFFFC0] =	vst v43  }
0x184: {  	[tilespmem:s26+$0x90] =	vst v39;
	v39 =	vld.idx.msk [tilespmem:v11+s4+$0x0], $0xffff;
	v11 =	vmov v35  }
0x185: {  	[tilespmem:s26+$0xFFFFFF10] =	vst v36;
	v36 =	vld.idx.msk [tilespmem:v37+s4+$0x0], $0xffff  }
0x186: {  	[tilespmem:s9+$0xFFFFFF40] =	vst v45;
	v37 =	vld.idx.msk [tilespmem:v14+s4+$0x0], $0xffff;
	v14 =	vmov v34  }
0x187: {  	v33 =	vld.idx.msk [tilespmem:v15+s4+$0x0], $0xffff;
	[tilespmem:s9+$0x50] =	vst v40;
	v15 =	vmov v54  }
.Ltmp6:
0x188: {  	[tilespmem:s26+$0x10] =	vst v31;
	v31 =	vld.idx.msk [tilespmem:v13+s4+$0x0], $0xffff;
	v13 =	vmov v55;
	(pc) =	sbr.rel @p2 .LBB2_9-.Ltmp6, $4  }
0x189: {  	v34 =	vld.idx.msk [tilespmem:v38+s4+$0x0], $0xffff;
	[tilespmem:s26+$0xFFFFFF90] =	vst v32  }
0x18a: {  	v35 =	vld.idx.msk [tilespmem:v47+s4+$0x0], $0xffff;
	[tilespmem:s9+$0xFFFFFFD0] =	vst v39  }
0x18b: {  	[tilespmem:s26+$0xA0] =	vst v36;
	v32 =	vld.idx.msk [tilespmem:v12+s4+$0x0], $0xffff;
	v12 =	vmov v56  }
0x18c: {  	v27 =	vadd.s32 $0x10, v27;
	v36 =	vld.idx.msk [tilespmem:v49+s4+$0x0], $0xffff;
	[tilespmem:s9+$0xD0] =	vst v37  }
0x18d: {  	_ =	sdelay $0x3  }
0x18e: {  	v25 =	vld.idx.msk [tilespmem:v25+s4+$0x0], $0xffff;
	[tilespmem:s26+$0xFFFFFF20] =	vst v34  }
0x18f: {  	[tilespmem:s26+$0x20] =	vst v35;
	v19 =	vld.idx.msk [tilespmem:v19+s4+$0x0], $0xffff  }
0x190: {  	v26 =	vld.idx.msk [tilespmem:v26+s4+$0x0], $0xffff;
	[tilespmem:s26+$0xFFFFFFA0] =	vst v36  }
0x191: {  	v18 =	vld.idx.msk [tilespmem:v18+s4+$0x0], $0xffff  }
0x192: {  	[tilespmem:s9+$0xFFFFFF50] =	vst v33  }
0x193: {  	v5 =	vld.idx.msk [tilespmem:v5+s4+$0x0], $0xffff;
	[tilespmem:s26+$0xB0] =	vst v25  }
0x194: {  	v17 =	vld.idx.msk [tilespmem:v17+s4+$0x0], $0xffff;
	[tilespmem:s26+$0xFFFFFF30] =	vst v19  }
0x195: {  	[tilespmem:s26+$0x30] =	vst v26;
	v16 =	vld.idx.msk [tilespmem:v16+s4+$0x0], $0xffff  }
0x196: {  	v23 =	vld.idx.msk [tilespmem:v23+s4+$0x0], $0xffff;
	[tilespmem:s16+$0xFFFFFFB0] =	vst v18  }
0x197: {  	[tilespmem:s9+$0x60] =	vst v31;
	v18 =	vld.idx.msk [tilespmem:v20+s4+$0x0], $0xffff  }
0x198: {  	[tilespmem:s9+$0xE0] =	vst v5  }
0x199: {  	v4 =	vld.idx.msk [tilespmem:v4+s4+$0x0], $0xffff;
	[tilespmem:s16+$0xC0] =	vst v17  }
0x19a: {  	v14 =	vld.idx.msk [tilespmem:v14+s4+$0x0], $0xffff;
	[tilespmem:s16+$0xFFFFFF40] =	vst v16  }
0x19b: {  	[tilespmem:s16+$0x40] =	vst v23;
	v5 =	vld.idx.msk [tilespmem:v15+s4+$0x0], $0xffff  }
0x19c: {  	v8 =	vld.idx.msk [tilespmem:v8+s4+$0x0], $0xffff;
	[tilespmem:s16+$0xFFFFFFC0] =	vst v18  }
0x19d: {  	[tilespmem:s9+$0xFFFFFFE0] =	vst v32;
	v11 =	vld.idx.msk [tilespmem:v11+s4+$0x0], $0xffff  }
0x19e: {  	v6 =	vld.idx.msk [tilespmem:v6+s4+$0x0], $0xffff;
	[tilespmem:s9+$0x70] =	vst v4  }
0x19f: {  	v61 =	vld.idx.msk [tilespmem:v24+s4+$0x0], $0xffff;
	[tilespmem:s16+$0xD0] =	vst v14  }
0x1a0: {  	[tilespmem:s16+$0xFFFFFF50] =	vst v5;
	v5 =	vld.idx.msk [tilespmem:v30+s4+$0x0], $0xffff  }
0x1a1: {  	[tilespmem:s16+$0x50] =	vst v8;
	v4 =	vld.idx.msk [tilespmem:v29+s4+$0x0], $0xffff  }
0x1a2: {  	v8 =	vld.idx.msk [tilespmem:v13+s4+$0x0], $0xffff;
	[tilespmem:s16+$0xFFFFFFD0] =	vst v11  }
0x1a3: {  	[tilespmem:s9+$0xFFFFFF60] =	vst v6;
	v11 =	vld.idx.msk [tilespmem:v12+s4+$0x0], $0xffff  }
0x1a4: {  	v62 =	vld.idx.msk [tilespmem:v22+s4+$0x0], $0xffff;
	[tilespmem:s9+$0xFFFFFFF0] =	vst v61  }
0x1a5: {  	v63 =	vld.idx.msk [tilespmem:v21+s4+$0x0], $0xffff;
	[tilespmem:s16+$0xE0] =	vst v5  }
0x1a6: {  	[tilespmem:s16+$0xFFFFFF60] =	vst v4;
	v4 =	vld.idx.msk [tilespmem:v10+s4+$0x0], $0xffff  }
0x1a7: {  	[tilespmem:s16+$0x60] =	vst v8;
	v5 =	vld.idx.msk [tilespmem:v9+s4+$0x0], $0xffff  }
0x1a8: {  	v8 =	vld.idx.msk [tilespmem:v28+s4+$0x0], $0xffff;
	[tilespmem:s16+$0xFFFFFFE0] =	vst v11  }
0x1a9: {  	[tilespmem:s9+$0xF0] =	vst v62;
	v7 =	vld.idx.msk [tilespmem:v7+s4+$0x0], $0xffff  }
0x1aa: {  	[tilespmem:s9+$0xFFFFFF70] =	vst v63  }
0x1ab: {  	[tilespmem:s16+$0xF0] =	vst v4  }
0x1ac: {  	[tilespmem:s16+$0xFFFFFF70] =	vst v5  }
0x1ad: {  	[tilespmem:s16+$0x70] =	vst v8  }
0x1ae: {  	[tilespmem:s16+$0xFFFFFFF0] =	vst v7  }
0x1af: {  	s9 =	rddreg [dreg:$0x6]  }
0x1b0: {  	[hbm4b:s9+s4] =	stream.linear.scatter [tilespmem:s30], [sflag:$0x5], $0x4000, $0x38;
	[tilespmem:$0x14000] =	vst v63  }
0x1b1: {  	s9 =	simm.s32 $0x5  }
.LBB2_11:
0x1b2: {  	_ =	swait.ge [sflag:s9], $0x4000  }
.Ltmp7:
0x1b3: {  	[sflag:s9] =	ssyncset.done $0x0;
	(pc) =	sbr.rel @p1 .LBB2_15-.Ltmp7, $4  }
0x1b4: {  	[sflag:s9] =	ssyncadd.s32 $0xFFFFC000  }
0x1b5: {  	_ =	swait.ge [sflag:s2], $0x4000  }
0x1b6: {  	[sflag:s2] =	ssyncset.done $0x0  }
0x1b7: {  	[sflag:s2] =	ssyncadd.s32 $0xFFFFC000  }
0x1b8: {  	s9 =	simm.s32 $0x0  }
0x1b9: {  	s12 =	simm.s32 $0x0;
	s16 =	rddreg [dreg:$0x1];
	v4 =	vor.u32 s9, v0  }
0x1ba: {  	[tilespmem:s3], [sflag:$0x5] =	stream.linear.gather [hbm4b:s16+s12], $0x2000, $0x38;
	[tilespmem:$0x14000] =	vst v63  }
0x1bb: {  	_ =	swait.ge [sflag:s22], $0x2000  }
0x1bc: {  	[sflag:s22] =	ssyncset.done $0x0  }
0x1bd: {  	[sflag:s22] =	ssyncadd.s32 $0xFFFFE000  }
0x1be: {  	v4 =	vld.idx.msk [tilespmem:v4+s3+$0x0], $0xffff  }
0x1bf: {  	v5 =	vor.u32 s9, v3;
	_ =	sdelay $0x2  }
0x1c0: {  	s9 =	simm.s32 $0xA040  }
0x1c1: {  	[tilespmem:s9+$0xFFFFFFC0] =	vst v4  }
0x1c2: {  	s26 =	simm.s32 $0x80;
	v4 =	vld.idx.msk [tilespmem:v5+s3+$0x0], $0xffff  }
0x1c3: {  	v5 =	vor.u32 s26, v0;
	_ =	sdelay $0x3  }
0x1c4: {  	[tilespmem:s9+$0xFFFFFFD0] =	vst v4  }
0x1c5: {  	v4 =	vld.idx.msk [tilespmem:v5+s3+$0x0], $0xffff  }
0x1c6: {  	v5 =	vor.u32 s26, v3;
	_ =	sdelay $0x3  }
0x1c7: {  	[tilespmem:s9+$0xFFFFFFE0] =	vst v4  }
0x1c8: {  	s28 =	simm.s32 $0x100;
	v4 =	vld.idx.msk [tilespmem:v5+s3+$0x0], $0xffff  }
0x1c9: {  	v5 =	vor.u32 s28, v0;
	_ =	sdelay $0x3  }
0x1ca: {  	[tilespmem:s9+$0xFFFFFFF0] =	vst v4  }
0x1cb: {  	v4 =	vld.idx.msk [tilespmem:v5+s3+$0x0], $0xffff  }
0x1cc: {  	v5 =	vor.u32 s28, v3;
	_ =	sdelay $0x3  }
0x1cd: {  	[tilespmem:s9+$0x0] =	vst v4  }
0x1ce: {  	s29 =	simm.s32 $0x180;
	v4 =	vld.idx.msk [tilespmem:v5+s3+$0x0], $0xffff  }
0x1cf: {  	v5 =	vor.u32 s29, v0;
	_ =	sdelay $0x3  }
0x1d0: {  	[tilespmem:s9+$0x10] =	vst v4  }
0x1d1: {  	v4 =	vld.idx.msk [tilespmem:v5+s3+$0x0], $0xffff  }
0x1d2: {  	v5 =	vor.u32 s29, v3;
	_ =	sdelay $0x3  }
0x1d3: {  	[tilespmem:s9+$0x20] =	vst v4  }
0x1d4: {  	s12 =	simm.s32 $0x200;
	s16 =	simm.s32 $0x8;
	v4 =	vld.idx.msk [tilespmem:v5+s3+$0x0], $0xffff  }
.LBB2_13:
0x1d5: {  	p2 =	sne.s32 s16, $0x3C;
	v5 =	vor.u32 s12, v0;
	_ =	sdelay $0x3  }
0x1d6: {  	[tilespmem:s9+$0x30] =	vst v4  }
0x1d7: {  	v4 =	vld.idx.msk [tilespmem:v5+s3+$0x0], $0xffff;
	_ =	sdelay $0x1  }
0x1d8: {  	v5 =	vor.u32 s12, v3;
	_ =	sdelay $0x2  }
0x1d9: {  	s9 =	sadd.s32 $0x80, s9  }
0x1da: {  	[tilespmem:s9+$0xFFFFFFC0] =	vst v4  }
0x1db: {  	v4 =	vld.idx.msk [tilespmem:v5+s3+$0x0], $0xffff  }
0x1dc: {  	s23 =	sadd.s32 $0x80, s12  }
0x1dd: {  	v5 =	vor.u32 s23, v0;
	_ =	sdelay $0x3  }
0x1de: {  	[tilespmem:s9+$0xFFFFFFD0] =	vst v4  }
0x1df: {  	v4 =	vld.idx.msk [tilespmem:v5+s3+$0x0], $0xffff;
	_ =	sdelay $0x1  }
0x1e0: {  	v5 =	vor.u32 s23, v3;
	_ =	sdelay $0x3  }
0x1e1: {  	[tilespmem:s9+$0xFFFFFFE0] =	vst v4  }
0x1e2: {  	v4 =	vld.idx.msk [tilespmem:v5+s3+$0x0], $0xffff  }
0x1e3: {  	s23 =	sadd.s32 $0x100, s12  }
0x1e4: {  	v5 =	vor.u32 s23, v0;
	_ =	sdelay $0x3  }
0x1e5: {  	[tilespmem:s9+$0xFFFFFFF0] =	vst v4  }
0x1e6: {  	v4 =	vld.idx.msk [tilespmem:v5+s3+$0x0], $0xffff;
	_ =	sdelay $0x1  }
0x1e7: {  	v5 =	vor.u32 s23, v3;
	_ =	sdelay $0x3  }
0x1e8: {  	[tilespmem:s9+$0x0] =	vst v4  }
0x1e9: {  	v4 =	vld.idx.msk [tilespmem:v5+s3+$0x0], $0xffff  }
0x1ea: {  	s12 =	sadd.s32 $0x180, s12  }
0x1eb: {  	v5 =	vor.u32 s12, v0;
	_ =	sdelay $0x3  }
0x1ec: {  	[tilespmem:s9+$0x10] =	vst v4  }
0x1ed: {  	v4 =	vld.idx.msk [tilespmem:v5+s3+$0x0], $0xffff;
	_ =	sdelay $0x1  }
0x1ee: {  	v5 =	vor.u32 s12, v3;
	_ =	sdelay $0x1  }
.Ltmp8:
0x1ef: {  	(pc) =	sbr.rel @p2 .LBB2_13-.Ltmp8, $4  }
0x1f0: {  	_ = 	snop  }
0x1f1: {  	[tilespmem:s9+$0x20] =	vst v4  }
0x1f2: {  	v4 =	vld.idx.msk [tilespmem:v5+s3+$0x0], $0xffff  }
0x1f3: {  	s12 =	sshll.u32 s16, $0x7;
	s16 =	sadd.s32 $0x4, s16  }
0x1f4: {  	v5 =	vor.u32 s12, v0;
	_ =	sdelay $0x3  }
0x1f5: {  	[tilespmem:s9+$0x30] =	vst v4  }
0x1f6: {  	v4 =	vld.idx.msk [tilespmem:v5+s3+$0x0], $0xffff  }
0x1f7: {  	v5 =	vor.u32 s12, v3;
	_ =	sdelay $0x2  }
0x1f8: {  	s23 =	sadd.s32 $0x80, s9  }
0x1f9: {  	[tilespmem:s23+$0xFFFFFFC0] =	vst v4  }
0x1fa: {  	s16 =	sadd.s32 $0x80, s12;
	v4 =	vld.idx.msk [tilespmem:v5+s3+$0x0], $0xffff  }
0x1fb: {  	v5 =	vor.u32 s16, v0;
	_ =	sdelay $0x3  }
0x1fc: {  	[tilespmem:s23+$0xFFFFFFD0] =	vst v4  }
0x1fd: {  	v4 =	vld.idx.msk [tilespmem:v5+s3+$0x0], $0xffff  }
0x1fe: {  	v5 =	vor.u32 s16, v3;
	_ =	sdelay $0x3  }
0x1ff: {  	[tilespmem:s23+$0xFFFFFFE0] =	vst v4  }
0x200: {  	s26 =	sadd.s32 $0x100, s12;
	v4 =	vld.idx.msk [tilespmem:v5+s3+$0x0], $0xffff  }
0x201: {  	v5 =	vor.u32 s26, v0;
	_ =	sdelay $0x3  }
0x202: {  	[tilespmem:s23+$0xFFFFFFF0] =	vst v4  }
0x203: {  	v4 =	vld.idx.msk [tilespmem:v5+s3+$0x0], $0xffff  }
0x204: {  	v5 =	vor.u32 s26, v3;
	_ =	sdelay $0x3  }
0x205: {  	[tilespmem:s23+$0x0] =	vst v4  }
0x206: {  	s28 =	sadd.s32 $0x180, s12;
	v4 =	vld.idx.msk [tilespmem:v5+s3+$0x0], $0xffff  }
0x207: {  	v5 =	vor.u32 s28, v0;
	_ =	sdelay $0x3  }
0x208: {  	[tilespmem:s23+$0x10] =	vst v4  }
0x209: {  	v4 =	vld.idx.msk [tilespmem:v5+s3+$0x0], $0xffff  }
0x20a: {  	v5 =	vor.u32 s28, v3;
	_ =	sdelay $0x3  }
0x20b: {  	[tilespmem:s23+$0x20] =	vst v4  }
0x20c: {  	v4 =	vld.idx.msk [tilespmem:v5+s3+$0x0], $0xffff;
	_ =	sdelay $0x4  }
.Ltmp9:
0x20d: {  	s29 =	rddreg [dreg:$0x4];
	[tilespmem:s23+$0x30] =	vst v4;
	(pc) =	sbr.rel .LBB2_15-.Ltmp9, $4  }
0x20e: {  	[hbm4b:s29+s4] =	stream.linear.scatter [tilespmem:s30], [sflag:$0x5], $0x800, $0x38;
	[tilespmem:$0x14000] =	vst v63  }
0x20f: {  	_ =	swait.ge [sflag:s22], $0x800  }
0x210: {  	[sflag:s22] =	ssyncset.done $0x0  }
0x211: {  	[sflag:s22] =	ssyncadd.s32 $0xFFFFF800  }
.LBB2_16:
0x212: {  	_ =	sfence.sel $0x180000  }
0x213: {  	[bflag:$0x0] =	sbarrier.arrive $0xFFFF  }
0x214: {  	_ =	strace $0x90000047  }
0x215: {  	s0 =	stileid.u32;
	[bflag:$0x2] =	sbarrier.arrive $0xFFFF  }
0x216: {  	p0 =	sne.s32 s0, $0x0;
	s0 =	rddreg [dreg:$0x3]  }
0x217: {  	s0 =	sadd.s32 @!p0 $0x100000, s0  }
0x218: {  	[sflag:s0] =	ssyncadd.tile.s32 @!p0 $0x1;
	_ =	shalt  }
.Lfunc_end2:
_tile_overlayer_lowered:
.L_overlay_start_2:
0x219: {  	(tag) =	ssettag $0x2  }
0x21a: {  	s0 =	rddreg [dreg:$0x0];
	s2 =	stileid.u32  }
0x21b: {  	s1 =	rddreg [dreg:$0x1];
	p0 =	sne.s32 s2, $0x0  }
0x21c: {  	s3 =	rddreg [dreg:$0x2];
	[bflag:$0x3] =	sbarrier.arrive $0xFFFF;
	s2 =	simm.s32 @!p0 $0x1C05  }
0x21d: {  	[timem:s3], [sflag:s2] =	dma.local @!p0 [hbm:s0], s1  }
0x21e: {  	s0 =	simm.s32 @!p0 $0x5  }
0x21f: {  	_ =	swait.ge @!p0 [sflag:s0], s1  }
0x220: {  	s1 =	ssub.s32 @!p0 $0x0, s1;
	[sflag:s0] =	ssyncset.done @!p0 $0x0  }
0x221: {  	[sflag:s0] =	ssyncadd.s32 @!p0 s1  }
0x222: {  	[bflag:$0x3] =	sbarrier.arrive $0xFFFF  }
0x223: {  	_ =	shalt  }

// kernel: kernel.7.cloned.1.call-start
scs
__scs_entry_jumppad:
0x0: {  	(pc) =	sbr.rel $0x88, $3  }
0x1: {  	(tag) =	ssettag $0x0;
	lr =	simm.s32 $0x1  }
0x2: {  	[smem:$0x3F9F] =	sst lr;
	_ =	strace $0xD0000000  }
0x3: {  	_ = 	snop  }
0x4: {  	_ = 	snop  }
0x5: {  	_ = 	snop  }
0x6: {  	_ = 	snop  }
0x7: {  	_ = 	snop  }
__scs_overlays_trampoline_lowered:
0x8: {  	[smem:$0x3FAE] =	sst s0  }
0x9: {  	[smem:$0x3FAF] =	sst s1  }
0xa: {  	[smem:$0x3FB0] =	sst s2  }
0xb: {  	[smem:$0x3FB1] =	sst s3  }
0xc: {  	[smem:$0x3FB2] =	sst s4  }
0xd: {  	[smem:$0x3FB3] =	sst s5  }
0xe: {  	[smem:$0x3FB4] =	sst s6  }
0xf: {  	[smem:$0x3FB5] =	sst s7  }
0x10: {  	[smem:$0x3FB6] =	sst s8  }
0x11: {  	[smem:$0x3FB7] =	sst s9;
	s0 =	simm.s32 @!p0 $0x0  }
0x12: {  	s1 =	sld [smem:$0x3F9D];
	s0 =	simm.s32 @p0 $0x1  }
0x13: {  	[smem:$0x3FB8] =	sst s0;
	s0 =	simm.s32 @!p1 $0x0  }
0x14: {  	s2 =	sld [smem:$0x3F9C];
	s0 =	simm.s32 @p1 $0x1  }
0x15: {  	[smem:$0x3FB9] =	sst s0;
	s0 =	simm.s32 @!p2 $0x0  }
0x16: {  	s3 =	sld [smem:$0x3FDB];
	s0 =	simm.s32 @p2 $0x1  }
0x17: {  	s4 =	simm.s32 $0x1BF5;
	[smem:$0x3FBB] =	sst s0  }
0x18: {  	s0 =	sld [smem:$0x3F9E];
	_ =	swait.ge [sflag:s4], $0x0  }
0x19: {  	s7 =	sld [smem:$0x3F9F]  }
0x1a: {  	s8 =	sadd.s32 $0xFFFFE003, lr  }
0x1b: {  	s9 =	sadd.s32 $0xFFFFFEF7, lr;
	s5 =	simm.s32 $0xFFFFFFFF;
	p2 =	slt.u32 s8, $0xFFFFF086  }
0x1c: {  	p1 =	slt.u32 s9, $0xF7A;
	s5 =	simm.s32 @!p2 $0x0  }
0x1d: {  	s5 =	simm.s32 @p1 $0x1;
	p0 =	seq.s32 s7, s2  }
0x1e: {  	s7 =	smul.u32 @!p0 $0xF7A, s2;
	p2 =	seq.s32 @!p0 s5, $0x0  }
0x1f: {  	s9 =	smul.u32 $0xF7A, s1;
	s8 =	simm.s32 @!p0 $0x1BF5;
	p2 =	por !p2, p0  }
0x20: {  	[sflag:s8] =	ssyncset.s32 @!p0 $0xFFFFF086;
	s6 =	sadd.s32 @!p0 s3, s7;
	s7 =	simm.s32 @!p0 $0x108  }
0x21: {  	s3 =	sadd.s32 s3, s9;
	s6 =	sadd.s32 @!p0 $0x88, s6;
	s7 =	simm.s32 @p2 $0x1082  }
0x22: {  	[simem:s7], [sflag:s8] =	dma.local @!p0 [hbm:s6], $0xF7A  }
0x23: {  	s9 =	sor.u32 $0xD0000000, s2;
	s6 =	simm.s32 $0x108;
	_ =	swait.ge @!p0 [sflag:s8], $0x0  }
0x24: {  	s3 =	sadd.s32 $0x88, s3;
	s6 =	simm.s32 @!p1 $0x1082;
	[sflag:s4] =	ssyncset.s32 $0xFFFFF086  }
0x25: {  	[simem:s6], [sflag:s4] =	dma.local [hbm:s3], $0xF7A  }
0x26: {  	[smem:$0x3F9F] =	sst s1;
	(tag) =	ssettag s2;
	_ =	strace s9  }
0x27: {  	s1 =	sld [smem:$0x3FAF]  }
0x28: {  	s2 =	sld [smem:$0x3FB0]  }
0x29: {  	s4 =	sld [smem:$0x3FB2]  }
0x2a: {  	p0 =	seq.s32 s5, $0x0;
	s5 =	sld [smem:$0x3FB3]  }
0x2b: {  	s6 =	sld [smem:$0x3FB4]  }
0x2c: {  	s7 =	sld [smem:$0x3FB5]  }
0x2d: {  	s3 =	simm.s32 $0x108;
	s8 =	sld [smem:$0x3FB6]  }
0x2e: {  	s3 =	simm.s32 @!p0 $0x1082;
	s9 =	sld [smem:$0x3FB7]  }
0x2f: {  	lr =	sadd.s32 s0, s3;
	s0 =	sld [smem:$0x3FAE]  }
0x30: {  	s3 =	sld [smem:$0x3FB1]  }
0x31: {  	[smem:$0x3FBA] =	sst s10  }
0x32: {  	s10 =	sld [smem:$0x3FB8];
	_ =	sdelay $0x3  }
0x33: {  	p0 =	seq.s32 s10, $0x1;
	s10 =	sld [smem:$0x3FBA];
	_ =	sdelay $0x3  }
0x34: {  	[smem:$0x3FBA] =	sst s10  }
0x35: {  	s10 =	sld [smem:$0x3FB9];
	_ =	sdelay $0x3  }
0x36: {  	p1 =	seq.s32 s10, $0x1;
	s10 =	sld [smem:$0x3FBA];
	_ =	sdelay $0x3  }
0x37: {  	[smem:$0x3FBA] =	sst s10  }
0x38: {  	s10 =	sld [smem:$0x3FBB]  }
0x39: {  	_ = 	snop;
	(pc) =	sbr.ind lr, $3  }
0x3a: {  	_ = 	snop  }
0x3b: {  	_ = 	snop  }
0x3c: {  	p2 =	seq.s32 s10, $0x1;
	s10 =	sld [smem:$0x3FBA]  }
0x3d: {  	_ =	shalt  }
0x3e: {  	_ =	shalt  }
0x3f: {  	_ =	shalt  }
0x40: {  	_ =	shalt  }
0x41: {  	_ =	shalt  }
0x42: {  	_ =	shalt  }
0x43: {  	_ =	shalt  }
0x44: {  	_ =	shalt  }
0x45: {  	_ =	shalt  }
0x46: {  	_ =	shalt  }
0x47: {  	_ =	shalt  }
0x48: {  	_ =	shalt  }
0x49: {  	_ =	shalt  }
0x4a: {  	_ =	shalt  }
0x4b: {  	_ =	shalt  }
0x4c: {  	_ =	shalt  }
0x4d: {  	_ =	shalt  }
0x4e: {  	_ =	shalt  }
0x4f: {  	_ =	shalt  }
0x50: {  	_ =	shalt  }
0x51: {  	_ =	shalt  }
0x52: {  	_ =	shalt  }
0x53: {  	_ =	shalt  }
0x54: {  	_ =	shalt  }
0x55: {  	_ =	shalt  }
0x56: {  	_ =	shalt  }
0x57: {  	_ =	shalt  }
0x58: {  	_ =	shalt  }
0x59: {  	_ =	shalt  }
0x5a: {  	_ =	shalt  }
0x5b: {  	_ =	shalt  }
0x5c: {  	_ =	shalt  }
0x5d: {  	_ =	shalt  }
0x5e: {  	_ =	shalt  }
0x5f: {  	_ =	shalt  }
0x60: {  	_ =	shalt  }
0x61: {  	_ =	shalt  }
0x62: {  	_ =	shalt  }
0x63: {  	_ =	shalt  }
0x64: {  	_ =	shalt  }
0x65: {  	_ =	shalt  }
0x66: {  	_ =	shalt  }
0x67: {  	_ =	shalt  }
0x68: {  	_ =	shalt  }
0x69: {  	_ =	shalt  }
0x6a: {  	_ =	shalt  }
0x6b: {  	_ =	shalt  }
0x6c: {  	_ =	shalt  }
0x6d: {  	_ =	shalt  }
0x6e: {  	_ =	shalt  }
0x6f: {  	_ =	shalt  }
0x70: {  	_ =	shalt  }
0x71: {  	_ =	shalt  }
0x72: {  	_ =	shalt  }
0x73: {  	_ =	shalt  }
0x74: {  	_ =	shalt  }
0x75: {  	_ =	shalt  }
0x76: {  	_ =	shalt  }
0x77: {  	_ =	shalt  }
0x78: {  	_ =	shalt  }
0x79: {  	_ =	shalt  }
0x7a: {  	_ =	shalt  }
0x7b: {  	_ =	shalt  }
0x7c: {  	_ =	shalt  }
0x7d: {  	_ =	shalt  }
0x7e: {  	_ =	shalt  }
0x7f: {  	_ =	shalt  }
0x80: {  	_ =	shalt  }
0x81: {  	_ =	shalt  }
0x82: {  	_ =	shalt  }
0x83: {  	_ =	shalt  }
0x84: {  	_ =	shalt  }
0x85: {  	_ =	shalt  }
0x86: {  	_ =	shalt  }
0x87: {  	_ =	shalt  }
.Lfunc_end0:
.L_simem_size_0:
called_computation.1_lowered:
.L_overlay_start_0:
0x88: {  	s2 =	sld [smem:$0x3FD9]  }
0x89: {  	s3 =	sld [smem:$0x3FFE];
	_ =	sdelay $0x1  }
0x8a: {  	s1 =	srdreg.scid  }
0x8b: {  	s0 =	sand.u32 $0x1, s1  }
0x8c: {  	s17 =	sshll.u32 s0, $0xA;
	s2 =	sadd.s32 s3, s2  }
0x8d: {  	s2 =	sadd.s32 s2, s17  }
0x8e: {  	[smem:$0x3FC6] =	sst s2  }
0x8f: {  	_ = 	snop  }
0x90: {  	s2 =	sld [smem:$0x3FD0];
	(tm) =	ssettm $0x1  }
0x91: {  	s18 =	sld [smem:$0x3FFB];
	_ =	sdelay $0x3  }
0x92: {  	_ =	strace s18  }
0x93: {  	s3 =	sld [smem:$0x3FFC];
	_ =	sdelay $0x3  }
0x94: {  	_ =	strace s3  }
0x95: {  	s3 =	sld [smem:$0x3FFD];
	_ =	sdelay $0x3  }
0x96: {  	_ =	strace s3  }
0x97: {  	_ =	strace $0x8FFFFFFF  }
0x98: {  	s19 =	sld [smem:$0x3FDB];
	_ =	sdelay $0x1  }
0x99: {  	s4 =	simm.s32 $_scs_section_size  }
0x9a: {  	s5 =	simm.s32 $_size__tile_overlayer_lowered;
	s6 =	simm.s32 $_tile_overlayer_lowered  }
0x9b: {  	s22 =	simm.s32 $0x1BFF;
	s21 =	sshll.u32 s6, $0x1;
	s3 =	sadd.s32 s4, s19  }
0x9c: {  	s7 =	simm.s32 $0x0;
	s20 =	sshll.u32 s5, $0x1;
	s5 =	sadd.s32 s21, s3  }
0x9d: {  	[timem:s7], [sflag:s22] =	dma.local [hbm:s5], s20  }
0x9e: {  	_ =	swait.ge [sflag:s22], s20  }
0x9f: {  	s4 =	ssub.s32 $0x0, s20;
	[sflag:s22] =	ssyncset.done $0x0  }
0xa0: {  	[sflag:s22] =	ssyncadd.s32 s4;
	_ =	sdelay $0x1  }
0xa1: {  	s23 =	simm.s32 $0x1B8B  }
0xa2: {  	_ =	swait.ge [sflag:s23], $0x1  }
0xa3: {  	[sflag:s23] =	ssyncset.done $0x0  }
0xa4: {  	s25 =	simm.s32 $0x1B8E;
	s24 =	sld [smem:$0x3FFE];
	[sflag:s23] =	ssyncadd.s32 $0xFFFFFFFF  }
0xa5: {  	s26 =	simm.s32 $execute0_lowered;
	[smem:$0x3FD2] =	sst s25  }
0xa6: {  	s5 =	sshll.u32 s26, $0x1;
	_ =	strace $0x80000049;
	[dreg:$0x1] =	wrdreg $0xFFFFFFFF  }
0xa7: {  	s28 =	simm.s32 $_size_execute0_lowered;
	s3 =	sadd.s32 s3, s5;
	[dreg:$0x0] =	wrdreg $0x0  }
0xa8: {  	s5 =	sshll.u32 s28, $0x1;
	[dreg:$0x2] =	wrdreg s3  }
0xa9: {  	[dreg:$0x3] =	wrdreg s5  }
0xaa: {  	[dreg:$0x4] =	wrdreg $0xC0  }
0xab: {  	_ =	task [dreg:s7], $0x5FFFF  }
0xac: {  	[dreg:$0x1] =	wrdreg $0xFFFFFFFF  }
0xad: {  	[dreg:$0x0] =	wrdreg $0x60  }
0xae: {  	[dreg:$0x2] =	wrdreg s24  }
0xaf: {  	[dreg:$0x3] =	wrdreg s2  }
0xb0: {  	[dreg:$0x4] =	wrdreg $0x9  }
0xb1: {  	_ =	task.clear_ibuf [dreg:s7], $0x5FFFF;
	_ =	strace $0x90000049  }
0xb2: {  	s29 =	simm.s32 $0x9;
	_ =	strace $0x8000004B  }
0xb3: {  	_ =	swait.ge [sflag:s29], $0x1  }
0xb4: {  	[sflag:s29] =	ssyncadd.s32 $0xFFFFFFFF  }
0xb5: {  	_ =	strace $0x9000004B  }
0xb6: {  	_ =	sfence  }
0xb7: {  	s30 =	sld [smem:$0x0];
	_ =	sdelay $0x2  }
0xb8: {  	s31 =	sshll.u32 s1, $0xD;
	s1 =	sshrl.u32 s1, $0x2  }
0xb9: {  	s3 =	sand.u32 $0x4000, s31;
	s1 =	sadd.s32 s1, s30  }
0xba: {  	s0 =	sor.u32 s3, s0;
	s1 =	sshll.u32 s1, $0x11  }
0xbb: {  	s0 =	sor.u32 s1, s0  }
0xbc: {  	s0 =	sadd.s32 $0x8F2B, s0  }
0xbd: {  	[sflag:s0] =	ssyncadd.remote.s32 $0x1  }
0xbe: {  	_ =	sfence.sel $0xFFFF  }
0xbf: {  	[dreg:$0x0] =	wrdreg $0xFFFFFFFF;
	(pc) =	sbr.abs _section_cstart, $3  }
0xc0: {  	[dreg:$0x1] =	wrdreg $0xFFFFFFFF  }
0xc1: {  	_ =	task.clear_ibuf [dreg:s7], $0x2FFFF;
	_ =	strace $0x9FFFFFFF  }
0xc2: {  	(tm) =	ssettm $0x7FFFFFFF  }
0xc3: {  	_ =	shalt  }
tec
execute0_lowered:
.L_overlay_start_1:
0x0: {  	(tag) =	ssettag $0x1  }
0x1: {  	s5 =	rddreg [dreg:$0x0];
	s1 =	srdreg.scid  }
0x2: {  	s0 =	stileid.u32;
	s2 =	rddreg [dreg:$0x1]  }
0x3: {  	s3 =	simm.s32 $0x0;
	s9 =	simm.s32 $0x80;
	s10 =	simm.s32 $0x6400  }
0x4: {  	s11 =	simm.s32 $0x7400;
	s12 =	simm.s32 $0x1;
	s13 =	simm.s32 $0x8400  }
0x5: {  	s14 =	simm.s32 $0x8800;
	s15 =	simm.s32 $0x8C00;
	s16 =	simm.s32 $0x9000  }
0x6: {  	s17 =	simm.s32 $0x2;
	s18 =	simm.s32 $0x9400;
	s19 =	simm.s32 $0x9800  }
0x7: {  	s20 =	simm.s32 $0x9C00;
	s21 =	simm.s32 $0xA000;
	s22 =	simm.s32 $0x3  }
0x8: {  	v0 =	vlaneseq.u32;
	s23 =	simm.s32 $0x4;
	s4 =	sand.u32 $0x1, s1;
	s6 =	sshll.u32 s0, $0x1  }
.Ltmp0:
0x9: {  	s24 =	simm.s32 $0x0;
	v0 =	vmul.u32 $0x20, v0;
	s6 =	sor.u32 s4, s6;
	(pc) =	sbr.rel .LBB2_1-.Ltmp0, $4  }
0xa: {  	[smem:$0x7FF] =	sst s3;
	s8 =	ssub.s32 $0x2, s4;
	s7 =	smul.u32 $0xC80, s6  }
0xb: {  	_ =	strace $0x8000004A;
	s4 =	sadd.s32 $0xA00, s5;
	s31 =	sshrl.u32 s8, $0x1;
	v1 =	vor.u32 $0x200, v0  }
0xc: {  	s6 =	smul.u32 $0xC8, s6;
	v2 =	vor.u32 $0x400, v0;
	v3 =	vor.u32 $0x600, v0;
	v4 =	vor.u32 $0x800, v0;
	s5 =	sadd.s32 s7, s5;
	s7 =	ssub.s32 s8, s31  }
0xd: {  	v5 =	vor.u32 $0xA00, v0;
	v6 =	vor.u32 $0xC00, v0;
	v7 =	vor.u32 $0xE00, v0;
	s8 =	simm.s32 $0x5;
	s5 =	sadd.s32 $0x3D1400, s5;
	s7 =	smax.u32 s7, $0x1  }
.LBB2_8:
0xe: {  	_ =	swait.ge [sflag:s22], $0x400  }
0xf: {  	[sflag:s22] =	ssyncset.done $0x0  }
0x10: {  	[sflag:s22] =	ssyncadd.s32 $0xFFFFFC00  }
0x11: {  	_ =	swait.ge [sflag:s22], $0x400  }
0x12: {  	[sflag:s22] =	ssyncset.done $0x0  }
0x13: {  	[sflag:s22] =	ssyncadd.s32 $0xFFFFFC00  }
0x14: {  	_ =	swait.ge [sflag:s22], $0x400  }
0x15: {  	[sflag:s22] =	ssyncset.done $0x0  }
0x16: {  	[sflag:s22] =	ssyncadd.s32 $0xFFFFFC00  }
0x17: {  	_ =	swait.ge [sflag:s22], $0x400  }
0x18: {  	[sflag:s22] =	ssyncset.done $0x0  }
0x19: {  	[sflag:s22] =	ssyncadd.s32 $0xFFFFFC00  }
0x1a: {  	_ =	swait.ge [sflag:s23], $0x400  }
0x1b: {  	[sflag:s23] =	ssyncset.done $0x0  }
0x1c: {  	[sflag:s23] =	ssyncadd.s32 $0xFFFFFC00  }
0x1d: {  	_ =	swait.ge [sflag:s23], $0x400  }
0x1e: {  	[sflag:s23] =	ssyncset.done $0x0  }
0x1f: {  	s24 =	sadd.s32 $0x1, s24;
	[sflag:s23] =	ssyncadd.s32 $0xFFFFFC00  }
0x20: {  	p0 =	sne.s32 s24, s7;
	_ =	swait.ge [sflag:s23], $0x400  }
.Ltmp1:
0x21: {  	[sflag:s23] =	ssyncset.done $0x0;
	(pc) =	sbr.rel @!p0 .LBB2_9-.Ltmp1, $4  }
0x22: {  	[sflag:s23] =	ssyncadd.s32 $0xFFFFFC00  }
0x23: {  	_ =	swait.ge [sflag:s23], $0x400  }
0x24: {  	[sflag:s23] =	ssyncset.done $0x0  }
0x25: {  	[sflag:s23] =	ssyncadd.s32 $0xFFFFFC00  }
.LBB2_1:
0x26: {  	[tilespmem:s3], [sflag:$0x5] =	stream.linear.gather [hbm4b:s5+s3], $0x6400, $0x38;
	[tilespmem:$0xA400] =	vst v63  }
0x27: {  	_ =	swait.ge [sflag:s8], $0x6400  }
0x28: {  	[sflag:s8] =	ssyncset.done $0x0  }
0x29: {  	[sflag:s8] =	ssyncadd.s32 $0xFFFF9C00  }
0x2a: {  	[tilespmem:s10], [sflag:$0x1] =	stream.indirect.gather [hbm4b:s4+s9], $0x20, s3, s9, $0xb8;
	[tilespmem:$0xA400] =	vst v63  }
0x2b: {  	s25 =	simm.s32 $0x0  }
0x2c: {  	[tilespmem:s11], [sflag:$0x2] =	stream.indirect.gather [hbm4b:s4+s9], $0x20, s9, s9, $0xb8;
	[tilespmem:$0xA400] =	vst v63  }
.LBB2_2:
0x2d: {  	_ =	swait.ge [sflag:s12], $0x1000  }
0x2e: {  	p0 =	seq.s32 s25, $0x0;
	[sflag:s12] =	ssyncset.done $0x0  }
0x2f: {  	s26 =	simm.s32 @!p0 $0x3;
	[sflag:s12] =	ssyncadd.s32 $0xFFFFF000  }
0x30: {  	_ =	swait.ge @!p0 [sflag:s26], $0x400  }
0x31: {  	[sflag:s26] =	ssyncset.done @!p0 $0x0  }
0x32: {  	[sflag:s26] =	ssyncadd.s32 @!p0 $0xFFFFFC00  }
0x33: {  	_ =	swait.ge @!p0 [sflag:s26], $0x400  }
0x34: {  	v8 =	vimm.s32 $0x0;
	[sflag:s26] =	ssyncset.done @!p0 $0x0  }
0x35: {  	v9 =	vand.u32 $0xFFFFFFF8, v8;
	v10 =	vand.u32 $0x4, v8;
	[sflag:s26] =	ssyncadd.s32 @!p0 $0xFFFFFC00  }
0x36: {  	v11 =	vadd.s32 v0, v9;
	v12 =	vor.u32 $0x1, v10;
	_ =	swait.ge @!p0 [sflag:s26], $0x400  }
0x37: {  	v14 =	vor.u32 $0x2, v10;
	v13 =	vor.u32 v12, v11;
	[sflag:s26] =	ssyncset.done @!p0 $0x0  }
0x38: {  	v15 =	vor.u32 v14, v11;
	[sflag:s26] =	ssyncadd.s32 @!p0 $0xFFFFFC00  }
0x39: {  	v16 =	vor.u32 v10, v11;
	_ =	swait.ge @!p0 [sflag:s26], $0x400  }
0x3a: {  	[sflag:s26] =	ssyncset.done @!p0 $0x0  }
0x3b: {  	[sflag:s26] =	ssyncadd.s32 @!p0 $0xFFFFFC00  }
0x3c: {  	v19 =	vor.u32 $0x3, v10;
	v13 =	vld.idx.msk [tilespmem:v13+s10+$0x0], $0xffff  }
0x3d: {  	v17 =	vadd.s32 v1, v9;
	v11 =	vor.u32 v19, v11;
	v15 =	vld.idx.msk [tilespmem:v15+s10+$0x0], $0xffff  }
0x3e: {  	v18 =	vor.u32 v12, v17;
	v16 =	vld.idx.msk [tilespmem:v16+s10+$0x0], $0xffff  }
0x3f: {  	v20 =	vor.u32 v14, v17  }
0x40: {  	s28 =	simm.s32 $0x8500;
	v21 =	vor.u32 v10, v17  }
0x41: {  	[tilespmem:s28+$0xFFFFFF80] =	vst v13  }
0x42: {  	v11 =	vld.idx.msk [tilespmem:v11+s10+$0x0], $0xffff;
	[tilespmem:s28+$0x0] =	vst v15  }
0x43: {  	v13 =	vadd.s32 v2, v9;
	[tilespmem:s28+$0xFFFFFF00] =	vst v16;
	v16 =	vor.u32 v19, v17;
	v18 =	vld.idx.msk [tilespmem:v18+s10+$0x0], $0xffff  }
0x44: {  	v15 =	vor.u32 v12, v13;
	v20 =	vld.idx.msk [tilespmem:v20+s10+$0x0], $0xffff  }
0x45: {  	v22 =	vor.u32 v14, v13;
	v17 =	vld.idx.msk [tilespmem:v21+s10+$0x0], $0xffff  }
0x46: {  	v21 =	vor.u32 v10, v13  }
0x47: {  	[tilespmem:s28+$0x80] =	vst v11  }
0x48: {  	v16 =	vld.idx.msk [tilespmem:v16+s10+$0x0], $0xffff;
	[tilespmem:s28+$0xFFFFFF90] =	vst v18  }
0x49: {  	v13 =	vor.u32 v19, v13;
	v18 =	vadd.s32 v3, v9;
	[tilespmem:s28+$0x10] =	vst v20;
	v15 =	vld.idx.msk [tilespmem:v15+s10+$0x0], $0xffff  }
0x4a: {  	[tilespmem:s28+$0xFFFFFF10] =	vst v17;
	v20 =	vor.u32 v12, v18;
	v11 =	vld.idx.msk [tilespmem:v22+s10+$0x0], $0xffff  }
0x4b: {  	v22 =	vor.u32 v14, v18;
	v17 =	vld.idx.msk [tilespmem:v21+s10+$0x0], $0xffff  }
0x4c: {  	v21 =	vor.u32 v10, v18  }
0x4d: {  	[tilespmem:s28+$0x90] =	vst v16  }
0x4e: {  	v13 =	vld.idx.msk [tilespmem:v13+s10+$0x0], $0xffff;
	[tilespmem:s28+$0xFFFFFFA0] =	vst v15  }
0x4f: {  	v24 =	vadd.s32 $0x4, v8;
	v8 =	vor.u32 v19, v18;
	v15 =	vadd.s32 v4, v9;
	[tilespmem:s28+$0x20] =	vst v11;
	v20 =	vld.idx.msk [tilespmem:v20+s10+$0x0], $0xffff  }
0x50: {  	[tilespmem:s28+$0xFFFFFF20] =	vst v17;
	v11 =	vor.u32 v12, v15;
	v22 =	vld.idx.msk [tilespmem:v22+s10+$0x0], $0xffff  }
0x51: {  	v26 =	vand.u32 $0xFFFFFFF8, v24;
	v27 =	vand.u32 $0x4, v24;
	v16 =	vor.u32 v14, v15;
	v17 =	vld.idx.msk [tilespmem:v21+s10+$0x0], $0xffff  }
0x52: {  	v28 =	vor.u32 $0x1, v27;
	v18 =	vor.u32 v10, v15;
	v21 =	vadd.s32 v0, v26  }
0x53: {  	v33 =	vor.u32 $0x2, v27;
	v23 =	vor.u32 v28, v21;
	[tilespmem:s28+$0xA0] =	vst v13  }
0x54: {  	v35 =	vor.u32 $0x3, v27;
	v8 =	vld.idx.msk [tilespmem:v8+s10+$0x0], $0xffff;
	[tilespmem:s28+$0xFFFFFFB0] =	vst v20;
	v20 =	vor.u32 v33, v21  }
0x55: {  	[tilespmem:s28+$0x30] =	vst v22;
	v22 =	vor.u32 v35, v21;
	v11 =	vld.idx.msk [tilespmem:v11+s10+$0x0], $0xffff  }
0x56: {  	v21 =	vor.u32 v27, v21;
	[tilespmem:s28+$0xFFFFFF30] =	vst v17;
	v16 =	vld.idx.msk [tilespmem:v16+s10+$0x0], $0xffff  }
0x57: {  	v15 =	vor.u32 v19, v15;
	v13 =	vadd.s32 v5, v9;
	v18 =	vld.idx.msk [tilespmem:v18+s10+$0x0], $0xffff  }
0x58: {  	v17 =	vor.u32 v12, v13;
	v23 =	vld.idx.msk [tilespmem:v23+s10+$0x0], $0xffff  }
0x59: {  	v29 =	vadd.s32 v1, v26;
	v25 =	vor.u32 v10, v13;
	[tilespmem:s28+$0xB0] =	vst v8;
	v20 =	vld.idx.msk [tilespmem:v20+s10+$0x0], $0xffff  }
0x5a: {  	v31 =	vor.u32 v28, v29;
	v22 =	vld.idx.msk [tilespmem:v22+s10+$0x0], $0xffff;
	[tilespmem:s28+$0xFFFFFFC0] =	vst v11  }
0x5b: {  	v37 =	vadd.s32 v7, v9;
	v30 =	vor.u32 v14, v13;
	v21 =	vld.idx.msk [tilespmem:v21+s10+$0x0], $0xffff;
	[tilespmem:s28+$0x40] =	vst v16  }
0x5c: {  	s29 =	simm.s32 $0x8700;
	v32 =	vor.u32 v33, v29;
	v36 =	vor.u32 v27, v29;
	v15 =	vld.idx.msk [tilespmem:v15+s10+$0x0], $0xffff;
	[tilespmem:s28+$0xFFFFFF40] =	vst v18  }
0x5d: {  	v13 =	vor.u32 v19, v13;
	v11 =	vadd.s32 v6, v9;
	[tilespmem:s29+$0xFFFFFF80] =	vst v23;
	v17 =	vld.idx.msk [tilespmem:v17+s10+$0x0], $0xffff  }
0x5e: {  	v16 =	vor.u32 v10, v11;
	v34 =	vor.u32 v12, v11;
	v23 =	vld.idx.msk [tilespmem:v25+s10+$0x0], $0xffff;
	[tilespmem:s29+$0x0] =	vst v20  }
0x5f: {  	v18 =	vor.u32 v14, v11;
	v38 =	vor.u32 v19, v11;
	v11 =	vld.idx.msk [tilespmem:v31+s10+$0x0], $0xffff;
	[tilespmem:s29+$0x80] =	vst v22  }
0x60: {  	v62 =	vadd.s32 v4, v26;
	v42 =	vadd.s32 v5, v26;
	v30 =	vld.idx.msk [tilespmem:v30+s10+$0x0], $0xffff;
	[tilespmem:s29+$0xFFFFFF00] =	vst v21  }
0x61: {  	v9 =	vor.u32 v14, v37;
	v14 =	vadd.s32 v2, v26;
	[tilespmem:s28+$0xC0] =	vst v15;
	v20 =	vld.idx.msk [tilespmem:v32+s10+$0x0], $0xffff  }
0x62: {  	v8 =	vor.u32 v10, v37;
	v22 =	vor.u32 v28, v14;
	v31 =	vld.idx.msk [tilespmem:v36+s10+$0x0], $0xffff;
	[tilespmem:s28+$0xFFFFFFD0] =	vst v17  }
0x63: {  	v10 =	vor.u32 v19, v37;
	v19 =	vor.u32 v33, v14;
	v15 =	vld.idx.msk [tilespmem:v13+s10+$0x0], $0xffff;
	[tilespmem:s28+$0xFFFFFF50] =	vst v23  }
0x64: {  	v12 =	vor.u32 v12, v37;
	v17 =	vor.u32 v35, v29;
	[tilespmem:s29+$0xFFFFFF90] =	vst v11;
	v60 =	vld.idx.msk [tilespmem:v34+s10+$0x0], $0xffff  }
0x65: {  	v25 =	vor.u32 v28, v62;
	v29 =	vor.u32 v27, v14;
	[tilespmem:s28+$0x50] =	vst v30;
	v16 =	vld.idx.msk [tilespmem:v16+s10+$0x0], $0xffff  }
0x66: {  	v61 =	vor.u32 v35, v14;
	v14 =	vadd.s32 v3, v26;
	v45 =	vld.idx.msk [tilespmem:v18+s10+$0x0], $0xffff;
	[tilespmem:s29+$0x10] =	vst v20  }
0x67: {  	v63 =	vor.u32 v28, v14;
	v39 =	vor.u32 v33, v14;
	v41 =	vld.idx.msk [tilespmem:v22+s10+$0x0], $0xffff;
	[tilespmem:s29+$0xFFFFFF10] =	vst v31  }
0x68: {  	v40 =	vor.u32 v27, v14;
	v21 =	vor.u32 v35, v14;
	[tilespmem:s28+$0xD0] =	vst v15;
	v14 =	vld.idx.msk [tilespmem:v19+s10+$0x0], $0xffff  }
0x69: {  	v13 =	vor.u32 v33, v42;
	v23 =	vor.u32 v33, v62;
	v43 =	vld.idx.msk [tilespmem:v17+s10+$0x0], $0xffff;
	[tilespmem:s28+$0xFFFFFFE0] =	vst v60  }
0x6a: {  	v11 =	vor.u32 v27, v42;
	v22 =	vor.u32 v27, v62;
	v44 =	vld.idx.msk [tilespmem:v29+s10+$0x0], $0xffff;
	[tilespmem:s28+$0xFFFFFF60] =	vst v16  }
0x6b: {  	v20 =	vor.u32 v35, v62;
	v15 =	vadd.s32 v6, v26;
	v29 =	vld.idx.msk [tilespmem:v38+s10+$0x0], $0xffff;
	[tilespmem:s28+$0x60] =	vst v45  }
0x6c: {  	v26 =	vadd.s32 v7, v26;
	v19 =	vor.u32 v28, v42;
	v30 =	vld.idx.msk [tilespmem:v12+s10+$0x0], $0xffff;
	[tilespmem:s29+$0xFFFFFFA0] =	vst v41  }
0x6d: {  	v17 =	vor.u32 v35, v42;
	v18 =	vor.u32 v28, v15;
	v32 =	vld.idx.msk [tilespmem:v63+s10+$0x0], $0xffff;
	[tilespmem:s29+$0x20] =	vst v14  }
0x6e: {  	v16 =	vor.u32 v33, v15;
	v12 =	vor.u32 v27, v15;
	[tilespmem:s29+$0x90] =	vst v43;
	v31 =	vld.idx.msk [tilespmem:v39+s10+$0x0], $0xffff  }
0x6f: {  	v24 =	vadd.s32 $0x4, v24;
	v15 =	vor.u32 v35, v15;
	v27 =	vor.u32 v27, v26;
	[tilespmem:s29+$0xFFFFFF20] =	vst v44;
	v34 =	vld.idx.msk [tilespmem:v61+s10+$0x0], $0xffff  }
0x70: {  	s30 =	simm.s32 $0x4;
	s26 =	sshll.u32 s25, $0x1;
	v14 =	vor.u32 v28, v26;
	v28 =	vor.u32 v33, v26;
	v26 =	vor.u32 v35, v26;
	v33 =	vld.idx.msk [tilespmem:v40+s10+$0x0], $0xffff  }
.LBB2_3:
0x71: {  	v35 =	vand.u32 $0xFFFFFFF8, v24;
	v36 =	vand.u32 $0x4, v24;
	s30 =	sadd.s32 $0x4, s30;
	[tilespmem:s28+$0xFFFFFFF0] =	vst v30;
	v30 =	vld.idx.msk [tilespmem:v9+s10+$0x0], $0xffff;
	v9 =	vmov v28  }
0x72: {  	v28 =	vadd.s32 v0, v35;
	v37 =	vor.u32 $0x1, v36;
	v38 =	vor.u32 $0x3, v36;
	p1 =	slt.u32 s30, $0x1C;
	v39 =	vld.idx.msk [tilespmem:v8+s10+$0x0], $0xffff;
	[tilespmem:s28+$0xE0] =	vst v29;
	v8 =	vmovc v27  }
0x73: {  	v29 =	vor.u32 $0x2, v36;
	v27 =	vor.u32 v37, v28;
	v40 =	vor.u32 v38, v28;
	[tilespmem:s29+$0xFFFFFFB0] =	vst v32;
	v32 =	vld.idx.msk [tilespmem:v10+s10+$0x0], $0xffff  }
0x74: {  	v41 =	vor.u32 v36, v28;
	v28 =	vor.u32 v29, v28;
	v10 =	vmov v26;
	v25 =	vld.idx.msk [tilespmem:v25+s10+$0x0], $0xffff;
	[tilespmem:s29+$0x30] =	vst v31  }
0x75: {  	v26 =	vadd.s32 v1, v35;
	v31 =	vadd.s32 v2, v35;
	v23 =	vld.idx.msk [tilespmem:v23+s10+$0x0], $0xffff;
	[tilespmem:s29+$0xA0] =	vst v34  }
0x76: {  	v42 =	vor.u32 v29, v26;
	v34 =	vor.u32 v37, v26;
	[tilespmem:s29+$0xFFFFFF30] =	vst v33;
	v33 =	vld.idx.msk [tilespmem:v21+s10+$0x0], $0xffff  }
0x77: {  	v43 =	vor.u32 v36, v26;
	v44 =	vor.u32 v38, v26;
	v22 =	vld.idx.msk [tilespmem:v22+s10+$0x0], $0xffff;
	[tilespmem:s28+$0x70] =	vst v30  }
0x78: {  	v45 =	vor.u32 v29, v31;
	v30 =	vor.u32 v37, v31;
	v26 =	vld.idx.msk [tilespmem:v27+s10+$0x0], $0xffff;
	[tilespmem:s28+$0xFFFFFF70] =	vst v39  }
0x79: {  	v46 =	vor.u32 v38, v31;
	v39 =	vor.u32 v36, v31;
	v27 =	vld.idx.msk [tilespmem:v28+s10+$0x0], $0xffff;
	[tilespmem:s28+$0xF0] =	vst v32;
	s28 =	smov.u32 s29  }
0x7a: {  	v21 =	vadd.s32 v3, v35;
	v28 =	vadd.s32 v4, v35;
	v31 =	vld.idx.msk [tilespmem:v40+s10+$0x0], $0xffff;
	[tilespmem:s29+$0xFFFFFFC0] =	vst v25  }
0x7b: {  	v40 =	vor.u32 v37, v21;
	v32 =	vld.idx.msk [tilespmem:v41+s10+$0x0], $0xffff;
	v41 =	vor.u32 v29, v21;
	[tilespmem:s29+$0x40] =	vst v23  }
0x7c: {  	v47 =	vor.u32 v36, v21;
	v21 =	vor.u32 v38, v21;
	v48 =	vld.idx.msk [tilespmem:v19+s10+$0x0], $0xffff;
	[tilespmem:s29+$0xB0] =	vst v33  }
0x7d: {  	v25 =	vor.u32 v37, v28;
	v23 =	vor.u32 v29, v28;
	s29 =	sadd.s32 $0x200, s29;
	[tilespmem:s28+$0xFFFFFF40] =	vst v22;
	v33 =	vld.idx.msk [tilespmem:v20+s10+$0x0], $0xffff  }
0x7e: {  	v49 =	vadd.s32 v5, v35;
	v22 =	vor.u32 v36, v28;
	[tilespmem:s29+$0xFFFFFF80] =	vst v26;
	v26 =	vld.idx.msk [tilespmem:v11+s10+$0x0], $0xffff  }
0x7f: {  	v19 =	vor.u32 v37, v49;
	v11 =	vor.u32 v36, v49;
	v34 =	vld.idx.msk [tilespmem:v34+s10+$0x0], $0xffff;
	[tilespmem:s29+$0x0] =	vst v27  }
0x80: {  	v20 =	vor.u32 v38, v28;
	v27 =	vor.u32 v29, v49;
	v42 =	vld.idx.msk [tilespmem:v42+s10+$0x0], $0xffff;
	[tilespmem:s29+$0x80] =	vst v31  }
0x81: {  	v28 =	vadd.s32 v6, v35;
	v31 =	vor.u32 v38, v49;
	[tilespmem:s29+$0xFFFFFF00] =	vst v32;
	v32 =	vld.idx.msk [tilespmem:v13+s10+$0x0], $0xffff;
	v13 =	vmov v27  }
0x82: {  	v49 =	vor.u32 v37, v28;
	v27 =	vor.u32 v36, v28;
	v43 =	vld.idx.msk [tilespmem:v43+s10+$0x0], $0xffff;
	[tilespmem:s28+$0xFFFFFFD0] =	vst v48  }
0x83: {  	v50 =	vor.u32 v38, v28;
	v48 =	vor.u32 v29, v28;
	v51 =	vld.idx.msk [tilespmem:v18+s10+$0x0], $0xffff;
	[tilespmem:s28+$0xC0] =	vst v33;
	v18 =	vmov v49  }
0x84: {  	v33 =	vadd.s32 v7, v35;
	[tilespmem:s28+$0xFFFFFF50] =	vst v26;
	v35 =	vld.idx.msk [tilespmem:v17+s10+$0x0], $0xffff;
	v17 =	vmov v31  }
0x85: {  	v31 =	vor.u32 v37, v33;
	v28 =	vor.u32 v29, v33;
	[tilespmem:s29+$0xFFFFFF90] =	vst v34;
	v29 =	vld.idx.msk [tilespmem:v12+s10+$0x0], $0xffff;
	v12 =	vmov v27  }
0x86: {  	v26 =	vor.u32 v38, v33;
	v27 =	vor.u32 v36, v33;
	v34 =	vld.idx.msk [tilespmem:v30+s10+$0x0], $0xffff;
	[tilespmem:s29+$0x10] =	vst v42  }
0x87: {  	v33 =	vld.idx.msk [tilespmem:v45+s10+$0x0], $0xffff;
	[tilespmem:s28+$0x50] =	vst v32  }
0x88: {  	[tilespmem:s29+$0xFFFFFF10] =	vst v43;
	v36 =	vld.idx.msk [tilespmem:v44+s10+$0x0], $0xffff  }
0x89: {  	v37 =	vld.idx.msk [tilespmem:v39+s10+$0x0], $0xffff;
	[tilespmem:s28+$0xFFFFFFE0] =	vst v51  }
0x8a: {  	v38 =	vld.idx.msk [tilespmem:v16+s10+$0x0], $0xffff;
	[tilespmem:s28+$0xD0] =	vst v35;
	v16 =	vmov v48  }
0x8b: {  	[tilespmem:s28+$0xFFFFFF60] =	vst v29;
	v30 =	vld.idx.msk [tilespmem:v14+s10+$0x0], $0xffff;
	v14 =	vmov v31  }
.Ltmp2:
0x8c: {  	[tilespmem:s29+$0xFFFFFFA0] =	vst v34;
	v29 =	vld.idx.msk [tilespmem:v15+s10+$0x0], $0xffff;
	v15 =	vmov v50;
	(pc) =	sbr.rel @p1 .LBB2_3-.Ltmp2, $4  }
0x8d: {  	v32 =	vld.idx.msk [tilespmem:v40+s10+$0x0], $0xffff;
	[tilespmem:s29+$0x20] =	vst v33  }
0x8e: {  	v31 =	vld.idx.msk [tilespmem:v41+s10+$0x0], $0xffff;
	[tilespmem:s29+$0x90] =	vst v36  }
0x8f: {  	[tilespmem:s29+$0xFFFFFF20] =	vst v37;
	v34 =	vld.idx.msk [tilespmem:v46+s10+$0x0], $0xffff  }
0x90: {  	v24 =	vadd.s32 $0x4, v24;
	v33 =	vld.idx.msk [tilespmem:v47+s10+$0x0], $0xffff;
	[tilespmem:s28+$0x60] =	vst v38  }
0x91: {  	_ =	sdelay $0x2  }
0x92: {  	[tilespmem:s29+$0xA0] =	vst v34  }
0x93: {  	v21 =	vld.idx.msk [tilespmem:v21+s10+$0x0], $0xffff;
	_ =	sdelay $0x1  }
0x94: {  	[tilespmem:s29+$0xFFFFFFB0] =	vst v32  }
0x95: {  	v24 =	vld.idx.msk [tilespmem:v25+s10+$0x0], $0xffff;
	[tilespmem:s29+$0x30] =	vst v31  }
0x96: {  	v23 =	vld.idx.msk [tilespmem:v23+s10+$0x0], $0xffff;
	[tilespmem:s29+$0xFFFFFF30] =	vst v33  }
0x97: {  	v22 =	vld.idx.msk [tilespmem:v22+s10+$0x0], $0xffff;
	[tilespmem:s29+$0xB0] =	vst v21  }
0x98: {  	v20 =	vld.idx.msk [tilespmem:v20+s10+$0x0], $0xffff;
	_ =	sdelay $0x1  }
0x99: {  	[tilespmem:s29+$0xFFFFFFC0] =	vst v24  }
0x9a: {  	[tilespmem:s29+$0x40] =	vst v23;
	v19 =	vld.idx.msk [tilespmem:v19+s10+$0x0], $0xffff  }
0x9b: {  	v13 =	vld.idx.msk [tilespmem:v13+s10+$0x0], $0xffff;
	[tilespmem:s29+$0xFFFFFF40] =	vst v22  }
0x9c: {  	v11 =	vld.idx.msk [tilespmem:v11+s10+$0x0], $0xffff;
	[tilespmem:s29+$0xC0] =	vst v20  }
0x9d: {  	v17 =	vld.idx.msk [tilespmem:v17+s10+$0x0], $0xffff  }
0x9e: {  	[tilespmem:s28+$0xFFFFFFF0] =	vst v30  }
0x9f: {  	v9 =	vld.idx.msk [tilespmem:v9+s10+$0x0], $0xffff;
	[tilespmem:s29+$0xFFFFFFD0] =	vst v19  }
0xa0: {  	v18 =	vld.idx.msk [tilespmem:v18+s10+$0x0], $0xffff;
	[tilespmem:s29+$0x50] =	vst v13  }
0xa1: {  	[tilespmem:s29+$0xFFFFFF50] =	vst v11;
	v11 =	vld.idx.msk [tilespmem:v16+s10+$0x0], $0xffff  }
0xa2: {  	v12 =	vld.idx.msk [tilespmem:v12+s10+$0x0], $0xffff;
	[tilespmem:s29+$0xD0] =	vst v17  }
0xa3: {  	[tilespmem:s28+$0xE0] =	vst v29;
	v13 =	vld.idx.msk [tilespmem:v15+s10+$0x0], $0xffff  }
0xa4: {  	v8 =	vld.idx.msk [tilespmem:v8+s10+$0x0], $0xffff;
	[tilespmem:s28+$0x70] =	vst v9  }
0xa5: {  	v9 =	vld.idx.msk [tilespmem:v10+s10+$0x0], $0xffff;
	[tilespmem:s29+$0xFFFFFFE0] =	vst v18  }
0xa6: {  	v10 =	vld.idx.msk [tilespmem:v14+s10+$0x0], $0xffff;
	[tilespmem:s29+$0x60] =	vst v11  }
0xa7: {  	s30 =	sadd.s32 s6, s26;
	[tilespmem:s29+$0xFFFFFF60] =	vst v12;
	v11 =	vld.idx.msk [tilespmem:v28+s10+$0x0], $0xffff  }
0xa8: {  	s31 =	sshrl.u32 s30, $0x5;
	v12 =	vld.idx.msk [tilespmem:v27+s10+$0x0], $0xffff;
	[tilespmem:s29+$0xE0] =	vst v13  }
0xa9: {  	s30 =	sshll.u32 s30, $0x3;
	s1 =	sshll.u32 s31, $0x8;
	[tilespmem:s28+$0xFFFFFF70] =	vst v8;
	v8 =	vld.idx.msk [tilespmem:v26+s10+$0x0], $0xffff  }
0xaa: {  	s1 =	ssub.s32 s30, s1;
	[tilespmem:s28+$0xF0] =	vst v9;
	s28 =	sshll.u32 s31, $0xA  }
0xab: {  	s1 =	sadd.s32 s28, s1;
	[tilespmem:s29+$0xFFFFFFF0] =	vst v10  }
0xac: {  	s1 =	sshll.u32 s1, $0x4;
	[tilespmem:s29+$0x70] =	vst v11  }
0xad: {  	s28 =	sand.u32 $0x1FFFFF80, s1;
	[tilespmem:s29+$0xFFFFFF70] =	vst v12  }
0xae: {  	s28 =	sadd.s32 s2, s28;
	[tilespmem:s29+$0xF0] =	vst v8  }
0xaf: {  	[hbm4b:s28+s3] =	stream.linear.scatter [tilespmem:s13], [sflag:$0x3], $0x400, $0x38;
	[tilespmem:$0xA400] =	vst v63  }
0xb0: {  	s28 =	sadd.s32 $0x1000, s1  }
0xb1: {  	s28 =	sand.u32 $0x1FFFFF80, s28  }
0xb2: {  	s28 =	sadd.s32 s2, s28  }
0xb3: {  	[hbm4b:s28+s3] =	stream.linear.scatter [tilespmem:s14], [sflag:$0x3], $0x400, $0x38;
	[tilespmem:$0xA400] =	vst v63  }
0xb4: {  	s28 =	sadd.s32 $0x2000, s1  }
0xb5: {  	s1 =	sadd.s32 $0x3000, s1;
	s28 =	sand.u32 $0x1FFFFF80, s28  }
0xb6: {  	s1 =	sand.u32 $0x1FFFFF80, s1;
	s28 =	sadd.s32 s2, s28  }
0xb7: {  	[hbm4b:s28+s3] =	stream.linear.scatter [tilespmem:s15], [sflag:$0x3], $0x400, $0x38;
	[tilespmem:$0xA400] =	vst v63  }
0xb8: {  	p1 =	seq.s32 s25, $0x63;
	s1 =	sadd.s32 s2, s1  }
0xb9: {  	[hbm4b:s1+s3] =	stream.linear.scatter [tilespmem:s16], [sflag:$0x3], $0x400, $0x38;
	[tilespmem:$0xA400] =	vst v63  }
0xba: {  	s1 =	sshll.u32 @!p1 s25, $0x8  }
0xbb: {  	s1 =	sand.u32 @!p1 $0x3FFFFF00, s1  }
0xbc: {  	s29 =	simm.s32 @!p1 $0x6400;
	s28 =	simm.s32 @!p1 $0x80;
	s1 =	sadd.s32 @!p1 $0x100, s1  }
0xbd: {  	[tilespmem:s29], [sflag:$0x1] =	stream.indirect.gather @!p1 [hbm4b:s4+s28], $0x20, s1, s28, $0xb8;
	[tilespmem:$0xA400] =	vst v63  }
0xbe: {  	_ =	swait.ge [sflag:s17], $0x1000  }
0xbf: {  	[sflag:s17] =	ssyncset.done $0x0  }
0xc0: {  	s1 =	simm.s32 @!p0 $0x4;
	[sflag:s17] =	ssyncadd.s32 $0xFFFFF000  }
0xc1: {  	_ =	swait.ge @!p0 [sflag:s1], $0x400  }
0xc2: {  	[sflag:s1] =	ssyncset.done @!p0 $0x0  }
0xc3: {  	[sflag:s1] =	ssyncadd.s32 @!p0 $0xFFFFFC00  }
0xc4: {  	_ =	swait.ge @!p0 [sflag:s1], $0x400  }
0xc5: {  	v8 =	vimm.s32 $0x0;
	[sflag:s1] =	ssyncset.done @!p0 $0x0  }
0xc6: {  	v9 =	vand.u32 $0xFFFFFFF8, v8;
	v10 =	vand.u32 $0x4, v8;
	[sflag:s1] =	ssyncadd.s32 @!p0 $0xFFFFFC00  }
0xc7: {  	v11 =	vadd.s32 v0, v9;
	v12 =	vor.u32 $0x1, v10;
	_ =	swait.ge @!p0 [sflag:s1], $0x400  }
0xc8: {  	v14 =	vor.u32 $0x2, v10;
	v13 =	vor.u32 v12, v11;
	[sflag:s1] =	ssyncset.done @!p0 $0x0  }
0xc9: {  	v15 =	vor.u32 v14, v11;
	[sflag:s1] =	ssyncadd.s32 @!p0 $0xFFFFFC00  }
0xca: {  	v16 =	vor.u32 v10, v11;
	_ =	swait.ge @!p0 [sflag:s1], $0x400  }
0xcb: {  	[sflag:s1] =	ssyncset.done @!p0 $0x0  }
0xcc: {  	[sflag:s1] =	ssyncadd.s32 @!p0 $0xFFFFFC00  }
0xcd: {  	v19 =	vor.u32 $0x3, v10;
	v13 =	vld.idx.msk [tilespmem:v13+s11+$0x0], $0xffff  }
0xce: {  	v17 =	vadd.s32 v1, v9;
	v11 =	vor.u32 v19, v11;
	v15 =	vld.idx.msk [tilespmem:v15+s11+$0x0], $0xffff  }
0xcf: {  	v18 =	vor.u32 v12, v17;
	v16 =	vld.idx.msk [tilespmem:v16+s11+$0x0], $0xffff  }
0xd0: {  	v20 =	vor.u32 v14, v17  }
0xd1: {  	v21 =	vor.u32 v10, v17;
	s28 =	simm.s32 $0x95F0  }
0xd2: {  	[tilespmem:s28+$0xFFFFFE90] =	vst v13  }
0xd3: {  	v11 =	vld.idx.msk [tilespmem:v11+s11+$0x0], $0xffff;
	[tilespmem:s28+$0xFFFFFF10] =	vst v15  }
0xd4: {  	v13 =	vadd.s32 v2, v9;
	[tilespmem:s28+$0xFFFFFE10] =	vst v16;
	v16 =	vor.u32 v19, v17;
	v18 =	vld.idx.msk [tilespmem:v18+s11+$0x0], $0xffff  }
0xd5: {  	v15 =	vor.u32 v12, v13;
	v20 =	vld.idx.msk [tilespmem:v20+s11+$0x0], $0xffff  }
0xd6: {  	v22 =	vor.u32 v14, v13;
	v17 =	vld.idx.msk [tilespmem:v21+s11+$0x0], $0xffff  }
0xd7: {  	v21 =	vor.u32 v10, v13  }
0xd8: {  	[tilespmem:s28+$0xFFFFFF90] =	vst v11  }
0xd9: {  	v16 =	vld.idx.msk [tilespmem:v16+s11+$0x0], $0xffff;
	[tilespmem:s28+$0xFFFFFEA0] =	vst v18  }
0xda: {  	v13 =	vor.u32 v19, v13;
	v18 =	vadd.s32 v3, v9;
	[tilespmem:s28+$0xFFFFFF20] =	vst v20;
	v15 =	vld.idx.msk [tilespmem:v15+s11+$0x0], $0xffff  }
0xdb: {  	[tilespmem:s28+$0xFFFFFE20] =	vst v17;
	v20 =	vor.u32 v12, v18;
	v11 =	vld.idx.msk [tilespmem:v22+s11+$0x0], $0xffff  }
0xdc: {  	v22 =	vor.u32 v14, v18;
	v17 =	vld.idx.msk [tilespmem:v21+s11+$0x0], $0xffff  }
0xdd: {  	v21 =	vor.u32 v10, v18  }
0xde: {  	[tilespmem:s28+$0xFFFFFFA0] =	vst v16  }
0xdf: {  	v13 =	vld.idx.msk [tilespmem:v13+s11+$0x0], $0xffff;
	[tilespmem:s28+$0xFFFFFEB0] =	vst v15  }
0xe0: {  	v24 =	vadd.s32 $0x4, v8;
	v8 =	vor.u32 v19, v18;
	v15 =	vadd.s32 v4, v9;
	[tilespmem:s28+$0xFFFFFF30] =	vst v11;
	v20 =	vld.idx.msk [tilespmem:v20+s11+$0x0], $0xffff  }
0xe1: {  	[tilespmem:s28+$0xFFFFFE30] =	vst v17;
	v11 =	vor.u32 v12, v15;
	v22 =	vld.idx.msk [tilespmem:v22+s11+$0x0], $0xffff  }
0xe2: {  	v26 =	vand.u32 $0xFFFFFFF8, v24;
	v27 =	vand.u32 $0x4, v24;
	v16 =	vor.u32 v14, v15;
	v17 =	vld.idx.msk [tilespmem:v21+s11+$0x0], $0xffff  }
0xe3: {  	v28 =	vor.u32 $0x1, v27;
	v18 =	vor.u32 v10, v15;
	v21 =	vadd.s32 v0, v26  }
0xe4: {  	v57 =	vor.u32 $0x2, v27;
	v23 =	vor.u32 v28, v21;
	[tilespmem:s28+$0xFFFFFFB0] =	vst v13  }
0xe5: {  	v35 =	vor.u32 $0x3, v27;
	v8 =	vld.idx.msk [tilespmem:v8+s11+$0x0], $0xffff;
	[tilespmem:s28+$0xFFFFFEC0] =	vst v20;
	v20 =	vor.u32 v57, v21  }
0xe6: {  	[tilespmem:s28+$0xFFFFFF40] =	vst v22;
	v22 =	vor.u32 v35, v21;
	v11 =	vld.idx.msk [tilespmem:v11+s11+$0x0], $0xffff  }
0xe7: {  	v21 =	vor.u32 v27, v21;
	[tilespmem:s28+$0xFFFFFE40] =	vst v17;
	v16 =	vld.idx.msk [tilespmem:v16+s11+$0x0], $0xffff  }
0xe8: {  	v15 =	vor.u32 v19, v15;
	v13 =	vadd.s32 v5, v9;
	v18 =	vld.idx.msk [tilespmem:v18+s11+$0x0], $0xffff  }
0xe9: {  	v17 =	vor.u32 v12, v13;
	v23 =	vld.idx.msk [tilespmem:v23+s11+$0x0], $0xffff  }
0xea: {  	v29 =	vadd.s32 v1, v26;
	v25 =	vor.u32 v10, v13;
	[tilespmem:s28+$0xFFFFFFC0] =	vst v8;
	v20 =	vld.idx.msk [tilespmem:v20+s11+$0x0], $0xffff  }
0xeb: {  	v31 =	vor.u32 v28, v29;
	v22 =	vld.idx.msk [tilespmem:v22+s11+$0x0], $0xffff;
	[tilespmem:s28+$0xFFFFFED0] =	vst v11  }
0xec: {  	v37 =	vadd.s32 v7, v9;
	v30 =	vor.u32 v14, v13;
	v21 =	vld.idx.msk [tilespmem:v21+s11+$0x0], $0xffff;
	[tilespmem:s28+$0xFFFFFF50] =	vst v16  }
0xed: {  	v58 =	vor.u32 v57, v29;
	v36 =	vor.u32 v27, v29;
	s29 =	simm.s32 $0x97F0;
	v15 =	vld.idx.msk [tilespmem:v15+s11+$0x0], $0xffff;
	[tilespmem:s28+$0xFFFFFE50] =	vst v18  }
0xee: {  	v13 =	vor.u32 v19, v13;
	v11 =	vadd.s32 v6, v9;
	[tilespmem:s29+$0xFFFFFE90] =	vst v23;
	v17 =	vld.idx.msk [tilespmem:v17+s11+$0x0], $0xffff  }
0xef: {  	v16 =	vor.u32 v10, v11;
	v59 =	vor.u32 v12, v11;
	v23 =	vld.idx.msk [tilespmem:v25+s11+$0x0], $0xffff;
	[tilespmem:s29+$0xFFFFFF10] =	vst v20  }
0xf0: {  	v18 =	vor.u32 v14, v11;
	v38 =	vor.u32 v19, v11;
	v11 =	vld.idx.msk [tilespmem:v31+s11+$0x0], $0xffff;
	[tilespmem:s29+$0xFFFFFF90] =	vst v22  }
0xf1: {  	v62 =	vadd.s32 v4, v26;
	v42 =	vadd.s32 v5, v26;
	v30 =	vld.idx.msk [tilespmem:v30+s11+$0x0], $0xffff;
	[tilespmem:s29+$0xFFFFFE10] =	vst v21  }
0xf2: {  	v9 =	vor.u32 v14, v37;
	v14 =	vadd.s32 v2, v26;
	[tilespmem:s28+$0xFFFFFFD0] =	vst v15;
	v20 =	vld.idx.msk [tilespmem:v58+s11+$0x0], $0xffff  }
0xf3: {  	v8 =	vor.u32 v10, v37;
	v22 =	vor.u32 v28, v14;
	v31 =	vld.idx.msk [tilespmem:v36+s11+$0x0], $0xffff;
	[tilespmem:s28+$0xFFFFFEE0] =	vst v17  }
0xf4: {  	v10 =	vor.u32 v19, v37;
	v19 =	vor.u32 v57, v14;
	v15 =	vld.idx.msk [tilespmem:v13+s11+$0x0], $0xffff;
	[tilespmem:s28+$0xFFFFFE60] =	vst v23  }
0xf5: {  	v12 =	vor.u32 v12, v37;
	v17 =	vor.u32 v35, v29;
	[tilespmem:s29+$0xFFFFFEA0] =	vst v11;
	v60 =	vld.idx.msk [tilespmem:v59+s11+$0x0], $0xffff  }
0xf6: {  	v25 =	vor.u32 v28, v62;
	v29 =	vor.u32 v27, v14;
	[tilespmem:s28+$0xFFFFFF60] =	vst v30;
	v16 =	vld.idx.msk [tilespmem:v16+s11+$0x0], $0xffff  }
0xf7: {  	v61 =	vor.u32 v35, v14;
	v14 =	vadd.s32 v3, v26;
	v45 =	vld.idx.msk [tilespmem:v18+s11+$0x0], $0xffff;
	[tilespmem:s29+$0xFFFFFF20] =	vst v20  }
0xf8: {  	v63 =	vor.u32 v28, v14;
	v39 =	vor.u32 v57, v14;
	v41 =	vld.idx.msk [tilespmem:v22+s11+$0x0], $0xffff;
	[tilespmem:s29+$0xFFFFFE20] =	vst v31  }
0xf9: {  	v40 =	vor.u32 v27, v14;
	v21 =	vor.u32 v35, v14;
	[tilespmem:s28+$0xFFFFFFE0] =	vst v15;
	v14 =	vld.idx.msk [tilespmem:v19+s11+$0x0], $0xffff  }
0xfa: {  	v13 =	vor.u32 v57, v42;
	v23 =	vor.u32 v57, v62;
	v43 =	vld.idx.msk [tilespmem:v17+s11+$0x0], $0xffff;
	[tilespmem:s28+$0xFFFFFEF0] =	vst v60  }
0xfb: {  	v11 =	vor.u32 v27, v42;
	v22 =	vor.u32 v27, v62;
	v44 =	vld.idx.msk [tilespmem:v29+s11+$0x0], $0xffff;
	[tilespmem:s28+$0xFFFFFE70] =	vst v16  }
0xfc: {  	v20 =	vor.u32 v35, v62;
	v15 =	vadd.s32 v6, v26;
	v29 =	vld.idx.msk [tilespmem:v38+s11+$0x0], $0xffff;
	[tilespmem:s28+$0xFFFFFF70] =	vst v45  }
0xfd: {  	v26 =	vadd.s32 v7, v26;
	v19 =	vor.u32 v28, v42;
	v30 =	vld.idx.msk [tilespmem:v12+s11+$0x0], $0xffff;
	[tilespmem:s29+$0xFFFFFEB0] =	vst v41  }
0xfe: {  	v17 =	vor.u32 v35, v42;
	v18 =	vor.u32 v28, v15;
	v32 =	vld.idx.msk [tilespmem:v63+s11+$0x0], $0xffff;
	[tilespmem:s29+$0xFFFFFF30] =	vst v14  }
0xff: {  	v16 =	vor.u32 v57, v15;
	v12 =	vor.u32 v27, v15;
	[tilespmem:s29+$0xFFFFFFA0] =	vst v43;
	v31 =	vld.idx.msk [tilespmem:v39+s11+$0x0], $0xffff  }
0x100: {  	v24 =	vadd.s32 $0x4, v24;
	v15 =	vor.u32 v35, v15;
	v27 =	vor.u32 v27, v26;
	[tilespmem:s29+$0xFFFFFE30] =	vst v44;
	v34 =	vld.idx.msk [tilespmem:v61+s11+$0x0], $0xffff  }
0x101: {  	s26 =	sor.u32 $0x1, s26;
	s30 =	simm.s32 $0x4;
	v14 =	vor.u32 v28, v26;
	v28 =	vor.u32 v57, v26;
	v26 =	vor.u32 v35, v26;
	v33 =	vld.idx.msk [tilespmem:v40+s11+$0x0], $0xffff  }
.LBB2_5:
0x102: {  	v35 =	vand.u32 $0xFFFFFFF8, v24;
	v36 =	vand.u32 $0x4, v24;
	s30 =	sadd.s32 $0x4, s30;
	[tilespmem:s28+$0xFFFFFF00] =	vst v30;
	v30 =	vld.idx.msk [tilespmem:v9+s11+$0x0], $0xffff;
	v9 =	vmov v28  }
0x103: {  	v28 =	vadd.s32 v0, v35;
	v37 =	vor.u32 $0x1, v36;
	v38 =	vor.u32 $0x3, v36;
	p0 =	slt.u32 s30, $0x1C;
	v39 =	vld.idx.msk [tilespmem:v8+s11+$0x0], $0xffff;
	[tilespmem:s28+$0xFFFFFFF0] =	vst v29;
	v8 =	vmovc v27  }
0x104: {  	v29 =	vor.u32 $0x2, v36;
	v27 =	vor.u32 v37, v28;
	v40 =	vor.u32 v38, v28;
	[tilespmem:s29+$0xFFFFFEC0] =	vst v32;
	v32 =	vld.idx.msk [tilespmem:v10+s11+$0x0], $0xffff  }
0x105: {  	v41 =	vor.u32 v36, v28;
	v28 =	vor.u32 v29, v28;
	v10 =	vmov v26;
	v25 =	vld.idx.msk [tilespmem:v25+s11+$0x0], $0xffff;
	[tilespmem:s29+$0xFFFFFF40] =	vst v31  }
0x106: {  	v26 =	vadd.s32 v1, v35;
	v31 =	vadd.s32 v2, v35;
	v23 =	vld.idx.msk [tilespmem:v23+s11+$0x0], $0xffff;
	[tilespmem:s29+$0xFFFFFFB0] =	vst v34  }
0x107: {  	v42 =	vor.u32 v29, v26;
	v34 =	vor.u32 v37, v26;
	[tilespmem:s29+$0xFFFFFE40] =	vst v33;
	v33 =	vld.idx.msk [tilespmem:v21+s11+$0x0], $0xffff  }
0x108: {  	v43 =	vor.u32 v36, v26;
	v44 =	vor.u32 v38, v26;
	v22 =	vld.idx.msk [tilespmem:v22+s11+$0x0], $0xffff;
	[tilespmem:s28+$0xFFFFFF80] =	vst v30  }
0x109: {  	v45 =	vor.u32 v29, v31;
	v30 =	vor.u32 v37, v31;
	v26 =	vld.idx.msk [tilespmem:v27+s11+$0x0], $0xffff;
	[tilespmem:s28+$0xFFFFFE80] =	vst v39  }
0x10a: {  	v46 =	vor.u32 v38, v31;
	v39 =	vor.u32 v36, v31;
	v27 =	vld.idx.msk [tilespmem:v28+s11+$0x0], $0xffff;
	[tilespmem:s28+$0x0] =	vst v32;
	s28 =	smov.u32 s29  }
0x10b: {  	v21 =	vadd.s32 v3, v35;
	v28 =	vadd.s32 v4, v35;
	v31 =	vld.idx.msk [tilespmem:v40+s11+$0x0], $0xffff;
	[tilespmem:s29+$0xFFFFFED0] =	vst v25  }
0x10c: {  	v40 =	vor.u32 v37, v21;
	v32 =	vld.idx.msk [tilespmem:v41+s11+$0x0], $0xffff;
	v41 =	vor.u32 v29, v21;
	[tilespmem:s29+$0xFFFFFF50] =	vst v23  }
0x10d: {  	v47 =	vor.u32 v36, v21;
	v21 =	vor.u32 v38, v21;
	v48 =	vld.idx.msk [tilespmem:v19+s11+$0x0], $0xffff;
	[tilespmem:s29+$0xFFFFFFC0] =	vst v33  }
0x10e: {  	v25 =	vor.u32 v37, v28;
	v23 =	vor.u32 v29, v28;
	s29 =	sadd.s32 $0x200, s29;
	[tilespmem:s28+$0xFFFFFE50] =	vst v22;
	v33 =	vld.idx.msk [tilespmem:v20+s11+$0x0], $0xffff  }
0x10f: {  	v49 =	vadd.s32 v5, v35;
	v22 =	vor.u32 v36, v28;
	[tilespmem:s29+$0xFFFFFE90] =	vst v26;
	v26 =	vld.idx.msk [tilespmem:v11+s11+$0x0], $0xffff  }
0x110: {  	v19 =	vor.u32 v37, v49;
	v11 =	vor.u32 v36, v49;
	v34 =	vld.idx.msk [tilespmem:v34+s11+$0x0], $0xffff;
	[tilespmem:s29+$0xFFFFFF10] =	vst v27  }
0x111: {  	v20 =	vor.u32 v38, v28;
	v27 =	vor.u32 v29, v49;
	v42 =	vld.idx.msk [tilespmem:v42+s11+$0x0], $0xffff;
	[tilespmem:s29+$0xFFFFFF90] =	vst v31  }
0x112: {  	v28 =	vadd.s32 v6, v35;
	v31 =	vor.u32 v38, v49;
	[tilespmem:s29+$0xFFFFFE10] =	vst v32;
	v32 =	vld.idx.msk [tilespmem:v13+s11+$0x0], $0xffff;
	v13 =	vmov v27  }
0x113: {  	v49 =	vor.u32 v37, v28;
	v27 =	vor.u32 v36, v28;
	v43 =	vld.idx.msk [tilespmem:v43+s11+$0x0], $0xffff;
	[tilespmem:s28+$0xFFFFFEE0] =	vst v48  }
0x114: {  	v50 =	vor.u32 v38, v28;
	v48 =	vor.u32 v29, v28;
	v51 =	vld.idx.msk [tilespmem:v18+s11+$0x0], $0xffff;
	[tilespmem:s28+$0xFFFFFFD0] =	vst v33;
	v18 =	vmov v49  }
0x115: {  	v33 =	vadd.s32 v7, v35;
	[tilespmem:s28+$0xFFFFFE60] =	vst v26;
	v35 =	vld.idx.msk [tilespmem:v17+s11+$0x0], $0xffff;
	v17 =	vmov v31  }
0x116: {  	v31 =	vor.u32 v37, v33;
	v28 =	vor.u32 v29, v33;
	[tilespmem:s29+$0xFFFFFEA0] =	vst v34;
	v29 =	vld.idx.msk [tilespmem:v12+s11+$0x0], $0xffff;
	v12 =	vmov v27  }
0x117: {  	v26 =	vor.u32 v38, v33;
	v27 =	vor.u32 v36, v33;
	v34 =	vld.idx.msk [tilespmem:v30+s11+$0x0], $0xffff;
	[tilespmem:s29+$0xFFFFFF20] =	vst v42  }
0x118: {  	v33 =	vld.idx.msk [tilespmem:v45+s11+$0x0], $0xffff;
	[tilespmem:s28+$0xFFFFFF60] =	vst v32  }
0x119: {  	[tilespmem:s29+$0xFFFFFE20] =	vst v43;
	v36 =	vld.idx.msk [tilespmem:v44+s11+$0x0], $0xffff  }
0x11a: {  	v37 =	vld.idx.msk [tilespmem:v39+s11+$0x0], $0xffff;
	[tilespmem:s28+$0xFFFFFEF0] =	vst v51  }
0x11b: {  	v38 =	vld.idx.msk [tilespmem:v16+s11+$0x0], $0xffff;
	[tilespmem:s28+$0xFFFFFFE0] =	vst v35;
	v16 =	vmov v48  }
0x11c: {  	[tilespmem:s28+$0xFFFFFE70] =	vst v29;
	v30 =	vld.idx.msk [tilespmem:v14+s11+$0x0], $0xffff;
	v14 =	vmov v31  }
.Ltmp3:
0x11d: {  	[tilespmem:s29+$0xFFFFFEB0] =	vst v34;
	v29 =	vld.idx.msk [tilespmem:v15+s11+$0x0], $0xffff;
	v15 =	vmov v50;
	(pc) =	sbr.rel @p0 .LBB2_5-.Ltmp3, $4  }
0x11e: {  	v32 =	vld.idx.msk [tilespmem:v40+s11+$0x0], $0xffff;
	[tilespmem:s29+$0xFFFFFF30] =	vst v33  }
0x11f: {  	v31 =	vld.idx.msk [tilespmem:v41+s11+$0x0], $0xffff;
	[tilespmem:s29+$0xFFFFFFA0] =	vst v36  }
0x120: {  	[tilespmem:s29+$0xFFFFFE30] =	vst v37;
	v34 =	vld.idx.msk [tilespmem:v46+s11+$0x0], $0xffff  }
0x121: {  	v24 =	vadd.s32 $0x4, v24;
	v33 =	vld.idx.msk [tilespmem:v47+s11+$0x0], $0xffff;
	[tilespmem:s28+$0xFFFFFF70] =	vst v38  }
0x122: {  	_ =	sdelay $0x2  }
0x123: {  	[tilespmem:s29+$0xFFFFFFB0] =	vst v34  }
0x124: {  	v21 =	vld.idx.msk [tilespmem:v21+s11+$0x0], $0xffff;
	_ =	sdelay $0x1  }
0x125: {  	[tilespmem:s29+$0xFFFFFEC0] =	vst v32  }
0x126: {  	v24 =	vld.idx.msk [tilespmem:v25+s11+$0x0], $0xffff;
	[tilespmem:s29+$0xFFFFFF40] =	vst v31  }
0x127: {  	v23 =	vld.idx.msk [tilespmem:v23+s11+$0x0], $0xffff;
	[tilespmem:s29+$0xFFFFFE40] =	vst v33  }
0x128: {  	v22 =	vld.idx.msk [tilespmem:v22+s11+$0x0], $0xffff;
	[tilespmem:s29+$0xFFFFFFC0] =	vst v21  }
0x129: {  	v20 =	vld.idx.msk [tilespmem:v20+s11+$0x0], $0xffff;
	_ =	sdelay $0x1  }
0x12a: {  	[tilespmem:s29+$0xFFFFFED0] =	vst v24  }
0x12b: {  	[tilespmem:s29+$0xFFFFFF50] =	vst v23;
	v19 =	vld.idx.msk [tilespmem:v19+s11+$0x0], $0xffff  }
0x12c: {  	v13 =	vld.idx.msk [tilespmem:v13+s11+$0x0], $0xffff;
	[tilespmem:s29+$0xFFFFFE50] =	vst v22  }
0x12d: {  	v11 =	vld.idx.msk [tilespmem:v11+s11+$0x0], $0xffff;
	[tilespmem:s29+$0xFFFFFFD0] =	vst v20  }
0x12e: {  	v17 =	vld.idx.msk [tilespmem:v17+s11+$0x0], $0xffff  }
0x12f: {  	[tilespmem:s28+$0xFFFFFF00] =	vst v30  }
0x130: {  	v9 =	vld.idx.msk [tilespmem:v9+s11+$0x0], $0xffff;
	[tilespmem:s29+$0xFFFFFEE0] =	vst v19  }
0x131: {  	v18 =	vld.idx.msk [tilespmem:v18+s11+$0x0], $0xffff;
	[tilespmem:s29+$0xFFFFFF60] =	vst v13  }
0x132: {  	v60 =	vld.idx.msk [tilespmem:v16+s11+$0x0], $0xffff;
	[tilespmem:s29+$0xFFFFFE60] =	vst v11  }
0x133: {  	v12 =	vld.idx.msk [tilespmem:v12+s11+$0x0], $0xffff;
	[tilespmem:s29+$0xFFFFFFE0] =	vst v17  }
0x134: {  	[tilespmem:s28+$0xFFFFFFF0] =	vst v29;
	v61 =	vld.idx.msk [tilespmem:v15+s11+$0x0], $0xffff  }
0x135: {  	v8 =	vld.idx.msk [tilespmem:v8+s11+$0x0], $0xffff;
	[tilespmem:s28+$0xFFFFFF80] =	vst v9  }
0x136: {  	v62 =	vld.idx.msk [tilespmem:v10+s11+$0x0], $0xffff;
	[tilespmem:s29+$0xFFFFFEF0] =	vst v18  }
0x137: {  	v63 =	vld.idx.msk [tilespmem:v14+s11+$0x0], $0xffff;
	[tilespmem:s29+$0xFFFFFF70] =	vst v60  }
0x138: {  	s1 =	sadd.s32 s6, s26;
	v11 =	vld.idx.msk [tilespmem:v28+s11+$0x0], $0xffff;
	[tilespmem:s29+$0xFFFFFE70] =	vst v12  }
0x139: {  	s26 =	sshrl.u32 s1, $0x5;
	v12 =	vld.idx.msk [tilespmem:v27+s11+$0x0], $0xffff;
	[tilespmem:s29+$0xFFFFFFF0] =	vst v61  }
0x13a: {  	s1 =	sshll.u32 s1, $0x3;
	s30 =	sshll.u32 s26, $0x8;
	[tilespmem:s28+$0xFFFFFE80] =	vst v8;
	v8 =	vld.idx.msk [tilespmem:v26+s11+$0x0], $0xffff  }
0x13b: {  	s26 =	sshll.u32 s26, $0xA;
	s1 =	ssub.s32 s1, s30;
	[tilespmem:s28+$0x0] =	vst v62  }
0x13c: {  	s1 =	sadd.s32 s26, s1;
	[tilespmem:s29+$0xFFFFFF00] =	vst v63  }
0x13d: {  	s1 =	sshll.u32 s1, $0x4;
	[tilespmem:s29+$0xFFFFFF80] =	vst v11  }
0x13e: {  	s28 =	sand.u32 $0x1FFFFF80, s1;
	[tilespmem:s29+$0xFFFFFE80] =	vst v12  }
0x13f: {  	s30 =	sadd.s32 $0x1000, s1;
	s26 =	sadd.s32 s2, s28;
	[tilespmem:s29+$0x0] =	vst v8  }
0x140: {  	[hbm4b:s26+s3] =	stream.linear.scatter [tilespmem:s18], [sflag:$0x4], $0x400, $0x38;
	[tilespmem:$0xA400] =	vst v63  }
0x141: {  	s26 =	sand.u32 $0x1FFFFF80, s30  }
0x142: {  	s31 =	sadd.s32 $0x2000, s1;
	s26 =	sadd.s32 s2, s26  }
0x143: {  	[hbm4b:s26+s3] =	stream.linear.scatter [tilespmem:s19], [sflag:$0x4], $0x400, $0x38;
	[tilespmem:$0xA400] =	vst v63  }
.Ltmp4:
0x144: {  	s1 =	sadd.s32 $0x3000, s1;
	s26 =	sand.u32 $0x1FFFFF80, s31;
	(pc) =	sbr.rel @p1 .LBB2_8-.Ltmp4, $4  }
0x145: {  	s1 =	sand.u32 $0x1FFFFF80, s1;
	s26 =	sadd.s32 s2, s26  }
0x146: {  	[hbm4b:s26+s3] =	stream.linear.scatter [tilespmem:s20], [sflag:$0x4], $0x400, $0x38;
	[tilespmem:$0xA400] =	vst v63  }
0x147: {  	s1 =	sadd.s32 s2, s1  }
0x148: {  	[hbm4b:s1+s3] =	stream.linear.scatter [tilespmem:s21], [sflag:$0x4], $0x400, $0x38;
	[tilespmem:$0xA400] =	vst v63  }
.Ltmp5:
0x149: {  	(pc) =	sbr.rel .LBB2_2-.Ltmp5, $4  }
0x14a: {  	s1 =	sshll.u32 s25, $0x8  }
0x14b: {  	s1 =	sand.u32 $0x3FFFFF00, s1  }
0x14c: {  	s25 =	sadd.s32 $0x1, s25;
	s1 =	sadd.s32 $0x180, s1  }
0x14d: {  	[tilespmem:s11], [sflag:$0x2] =	stream.indirect.gather [hbm4b:s4+s9], $0x20, s1, s9, $0xb8;
	[tilespmem:$0xA400] =	vst v63  }
.LBB2_9:
0x14e: {  	_ =	sfence.sel $0x180000  }
0x14f: {  	[bflag:$0x0] =	sbarrier.arrive $0xFFFF  }
0x150: {  	_ =	strace $0x9000004A  }
0x151: {  	[bflag:$0x2] =	sbarrier.arrive $0xFFFF  }
0x152: {  	p0 =	sne.s32 s0, $0x0;
	s0 =	rddreg [dreg:$0x2]  }
0x153: {  	s0 =	sadd.s32 @!p0 $0x100000, s0  }
0x154: {  	[sflag:s0] =	ssyncadd.tile.s32 @!p0 $0x1;
	_ =	shalt  }
.Lfunc_end2:
_tile_overlayer_lowered:
.L_overlay_start_2:
0x155: {  	(tag) =	ssettag $0x2  }
0x156: {  	s0 =	rddreg [dreg:$0x0];
	s2 =	stileid.u32  }
0x157: {  	s1 =	rddreg [dreg:$0x1];
	p0 =	sne.s32 s2, $0x0  }
0x158: {  	s3 =	rddreg [dreg:$0x2];
	[bflag:$0x3] =	sbarrier.arrive $0xFFFF;
	s2 =	simm.s32 @!p0 $0x1C05  }
0x159: {  	[timem:s3], [sflag:s2] =	dma.local @!p0 [hbm:s0], s1  }
0x15a: {  	s0 =	simm.s32 @!p0 $0x5  }
0x15b: {  	_ =	swait.ge @!p0 [sflag:s0], s1  }
0x15c: {  	s1 =	ssub.s32 @!p0 $0x0, s1;
	[sflag:s0] =	ssyncset.done @!p0 $0x0  }
0x15d: {  	[sflag:s0] =	ssyncadd.s32 @!p0 s1  }
0x15e: {  	[bflag:$0x3] =	sbarrier.arrive $0xFFFF  }
0x15f: {  	_ =	shalt  }

</sc_bundles>
